<compile_context>
chip_gen: v7x
topology: tpu7x:2x2x1
jax: 0.10.2.dev20260603
libtpu: 0.0.44.dev20260713+nightly
codegen_flags: <defaults>
</compile_context>

<pallas_src>
import functools

import numpy as np
import jax
import jax.numpy as jnp
from jax import lax
from jax.experimental import pallas as pl
from jax.experimental.pallas import tpu as pltpu
from jax.experimental.pallas import tpu_sc as plsc

_B, _NC, _NA, _M = 8, 80, 3, 20
_GRIDS = (80, 40, 20)
_NE = _NA * _B * _M
_NL = 3
_NCHUNK = _NE // 16
_NROWS = tuple(_B * _NA * g * g for g in _GRIDS)
_BAL = (4.0, 1.0, 0.4)
_HYP_BOX, _HYP_OBJ, _HYP_CLS = 0.05, 1.0, 0.5

_ANCH_FLAT = np.zeros(32, np.float32)
_ANCH_FLAT[:18] = np.array([
    [[1.25, 1.625], [2.0, 3.75], [4.125, 2.875]],
    [[1.875, 3.8125], [3.875, 2.8125], [3.6875, 7.4375]],
    [[3.625, 2.8125], [4.875, 6.1875], [11.65625, 10.1875]],
], dtype=np.float32).reshape(-1)


def _sc_body(p0, p1, p2, tgt, anch, rows_out, meta_out,
             tgt_v, anch_v, rows_v, meta_v, sem):
    wid = lax.axis_index("s") * 2 + lax.axis_index("c")

    @pl.when(wid < _NCHUNK)
    def _work():
        pltpu.sync_copy(tgt, tgt_v)
        pltpu.sync_copy(anch, anch_v)
        def _splat(c):
            return jnp.full((16,), c, jnp.int32)

        e = wid * 16 + lax.iota(jnp.int32, 16)
        a = lax.div(e, _splat(_B * _M))
        j = lax.rem(e, _splat(_B * _M))
        b = lax.div(j, _splat(_M))
        i5 = j * 5
        cls = plsc.load_gather(tgt_v, [i5])
        cx0 = plsc.load_gather(tgt_v, [i5 + 1])
        cy0 = plsc.load_gather(tgt_v, [i5 + 2])
        w0 = plsc.load_gather(tgt_v, [i5 + 3])
        h0 = plsc.load_gather(tgt_v, [i5 + 4])
        for l in range(_NL):
            g = _GRIDS[l]
            p = (p0, p1, p2)[l]
            gf = jnp.float32(g)
            cx = cx0 * gf
            cy = cy0 * gf
            gw = w0 * gf
            gh = h0 * gf
            gi = cx.astype(jnp.int32)
            gj = cy.astype(jnp.int32)
            aw = plsc.load_gather(anch_v, [l * 6 + a * 2])
            ah = plsc.load_gather(anch_v, [l * 6 + a * 2 + 1])
            rw = gw / aw
            rh = gh / ah
            rmax = jnp.maximum(jnp.maximum(rw, 1.0 / rw),
                               jnp.maximum(rh, 1.0 / rh))
            maskf = jnp.where(rmax < 4.0, 1.0, 0.0)
            flat = ((b * _NA + a) * g + gj) * g + gi
            copies = [
                pltpu.async_copy(p.at[flat[k]], rows_v.at[k, pl.ds(0, 85)], sem)
                for k in range(16)
            ]
            for cp in copies:
                cp.wait()
            off = l * _NE + wid * 16
            pltpu.sync_copy(rows_v, rows_out.at[pl.ds(off, 16)])
            meta_v[pl.ds(0, 16)] = flat.astype(jnp.float32)
            meta_v[pl.ds(16, 16)] = maskf
            meta_v[pl.ds(32, 16)] = cx - gi.astype(jnp.float32)
            meta_v[pl.ds(48, 16)] = cy - gj.astype(jnp.float32)
            meta_v[pl.ds(64, 16)] = gw
            meta_v[pl.ds(80, 16)] = gh
            meta_v[pl.ds(96, 16)] = cls
            pltpu.sync_copy(meta_v, meta_out.at[l, wid])


def _sc_call(p0r, p1r, p2r, tflat, anch):
    fn = functools.partial(
        pl.kernel,
        mesh=plsc.VectorSubcoreMesh(core_axis_name="c", subcore_axis_name="s"),
        compiler_params=pltpu.CompilerParams(needs_layout_passes=False),
        out_type=[
            jax.ShapeDtypeStruct((_NL * _NE, 128), jnp.float32),
            jax.ShapeDtypeStruct((_NL, _NCHUNK, 128), jnp.float32),
        ],
        scratch_types=[
            pltpu.VMEM((_B * _M * 5,), jnp.float32),
            pltpu.VMEM((32,), jnp.float32),
            pltpu.VMEM((16, 128), jnp.float32),
            pltpu.VMEM((128,), jnp.float32),
            pltpu.SemaphoreType.DMA,
        ],
    )(_sc_body)
    return fn(p0r, p1r, p2r, tflat, anch)


def _softplus(x):
    return jnp.maximum(x, 0.0) + jnp.log(1.0 + jnp.exp(-jnp.abs(x)))


def _dense_body(p, out, acc):
    i = pl.program_id(0)

    @pl.when(i == 0)
    def _init():
        acc[0] = 0.0

    blk = p[...]
    sp = _softplus(blk)
    col = lax.broadcasted_iota(jnp.int32, blk.shape, 1)
    acc[0] = acc[0] + jnp.sum(jnp.where(col == 4, sp, 0.0))

    @pl.when(i == pl.num_programs(0) - 1)
    def _out():
        out[...] = acc[0].reshape(1, 1)


def _dense_call(pr, rpb):
    nb = pr.shape[0] // rpb
    return pl.pallas_call(
        _dense_body,
        grid=(nb,),
        in_specs=[pl.BlockSpec((rpb, 85), lambda i: (i, 0))],
        out_specs=pl.BlockSpec((1, 1), lambda i: (0, 0)),
        out_shape=jax.ShapeDtypeStruct((1, 1), jnp.float32),
        scratch_shapes=[pltpu.SMEM((1,), jnp.float32)],
    )(pr)


def _sparse_body(rows, flatc, flatr, maskc, maskr,
                 tbx, tby, tbw, tbh, tcls, s0, s1, s2, out):
    r = rows[...]
    maskfc = maskc[...]
    px = 1.0 / (1.0 + jnp.exp(-r[:, 0:1]))
    py = 1.0 / (1.0 + jnp.exp(-r[:, 1:2]))
    pw = 1.0 / (1.0 + jnp.exp(-r[:, 2:3]))
    ph = 1.0 / (1.0 + jnp.exp(-r[:, 3:4]))
    ps4 = r[:, 4:5]
    bx, by, bw, bh = tbx[...], tby[...], tbw[...], tbh[...]
    p1x, p1y = px - pw * 0.5, py - ph * 0.5
    p2x, p2y = px + pw * 0.5, py + ph * 0.5
    t1x, t1y = bx - bw * 0.5, by - bh * 0.5
    t2x, t2y = bx + bw * 0.5, by + bh * 0.5
    iw = jnp.maximum(jnp.minimum(p2x, t2x) - jnp.maximum(p1x, t1x), 0.0)
    ih = jnp.maximum(jnp.minimum(p2y, t2y) - jnp.maximum(p1y, t1y), 0.0)
    inter = iw * ih
    area_p = (p2x - p1x) * (p2y - p1y)
    area_t = (t2x - t1x) * (t2y - t1y)
    union = area_p + area_t - inter
    carea = ((jnp.maximum(p2x, t2x) - jnp.minimum(p1x, t1x)) *
             (jnp.maximum(p2y, t2y) - jnp.minimum(p1y, t1y)))
    giou = inter / union - (carea - union) / carea

    pc = r[:, 5:85]
    cls_i = tcls[...].astype(jnp.int32)
    lane = lax.broadcasted_iota(jnp.int32, (_NL * _NE, _NC), 1)
    onehot = jnp.where(lane == cls_i, 1.0, 0.0)
    elt = jnp.maximum(pc, 0.0) - pc * onehot + jnp.log(1.0 + jnp.exp(-jnp.abs(pc)))
    eltsum = jnp.sum(elt, axis=1, keepdims=True)

    fr_all = flatr[...]
    mr_all = maskr[...]
    fc_all = flatc[...]
    dense = (s0[0, 0], s1[0, 0], s2[0, 0])
    lbox = jnp.float32(0.0)
    lcls = jnp.float32(0.0)
    lobj = jnp.float32(0.0)
    lt2d = (lax.broadcasted_iota(jnp.int32, (_NE, _NE), 0) <
            lax.broadcasted_iota(jnp.int32, (_NE, _NE), 1))
    for l in range(_NL):
        a0, a1 = l * _NE, (l + 1) * _NE
        m_l = maskfc[a0:a1]
        g_l = giou[a0:a1]
        cnt = jnp.sum(m_l)
        den = jnp.maximum(cnt, 1.0)
        pos = cnt > 0.0
        lbox = lbox + jnp.where(pos, jnp.sum(m_l * (1.0 - g_l)) / den, 0.0)
        lcls = lcls + jnp.where(
            pos, jnp.sum(m_l * eltsum[a0:a1]) / (den * _NC), 0.0)
        eq = fc_all[a0:a1] == fr_all[:, a0:a1]
        ow = jnp.any(jnp.logical_and(jnp.logical_and(eq, lt2d),
                                     mr_all[:, a0:a1] > 0.0),
                     axis=1, keepdims=True)
        keep = jnp.where(jnp.logical_and(m_l > 0.0, jnp.logical_not(ow)),
                         1.0, 0.0)
        corr = jnp.sum(keep * ps4[a0:a1] * jnp.maximum(g_l, 0.0))
        lobj = lobj + (dense[l] - corr) / _NROWS[l] * _BAL[l]
    total = _HYP_BOX * lbox + _HYP_OBJ * lobj + _HYP_CLS * lcls
    out[...] = total.reshape(1, 1)


def _sparse_call(rows, flat, maskv, tbx, tby, tbw, tbh, tcls, s0, s1, s2):
    n_rows = _NL * _NE
    full = lambda shape: pl.BlockSpec(shape, lambda i: (0, 0))
    col = full((n_rows, 1))
    return pl.pallas_call(
        _sparse_body,
        grid=(1,),
        in_specs=[
            full((n_rows, 128)),
            col, full((1, n_rows)),
            col, full((1, n_rows)),
            col, col, col, col, col,
            full((1, 1)), full((1, 1)), full((1, 1)),
        ],
        out_specs=pl.BlockSpec((1, 1), lambda i: (0, 0)),
        out_shape=jax.ShapeDtypeStruct((1, 1), jnp.float32),
    )(rows,
      flat.reshape(n_rows, 1), flat.reshape(1, n_rows),
      maskv.reshape(n_rows, 1), maskv.reshape(1, n_rows),
      tbx.reshape(n_rows, 1), tby.reshape(n_rows, 1),
      tbw.reshape(n_rows, 1), tbh.reshape(n_rows, 1),
      tcls.reshape(n_rows, 1), s0, s1, s2)


def kernel(p0, p1, p2, targets):
    p0r = p0.reshape(_NROWS[0], 85)
    p1r = p1.reshape(_NROWS[1], 85)
    p2r = p2.reshape(_NROWS[2], 85)
    tflat = targets.reshape(_B * _M * 5)
    anch = jnp.asarray(_ANCH_FLAT)
    rows, meta = _sc_call(p0r, p1r, p2r, tflat, anch)
    m = (meta[:, :, :112].reshape(_NL, _NCHUNK, 7, 16)
         .transpose(2, 0, 1, 3).reshape(7, _NL * _NE))
    s0 = _dense_call(p0r, 4800)
    s1 = _dense_call(p1r, 4800)
    s2 = _dense_call(p2r, 4800)
    loss = _sparse_call(rows, m[0], m[1], m[2], m[3], m[4], m[5], m[6],
                        s0, s1, s2)
    return loss[0, 0]

# --- scband reference (transcript-rebuilt; emitter-appended) ---
"""Pipeline reference for scband-yolov5-loss-34909494182017 (READ-ONLY COPY).

The authoritative reference and input builder live on the scoring server;
editing this copy changes nothing except your own understanding.
"""

import jax, jax.numpy as jnp
import numpy as np

B = 8
NC = 80
NA = 3
M = 20
GRIDS = [(80, 80), (40, 40), (20, 20)]
ANCHORS = np.array([
    [[1.25, 1.625], [2.0, 3.75], [4.125, 2.875]],
    [[1.875, 3.8125], [3.875, 2.8125], [3.6875, 7.4375]],
    [[3.625, 2.8125], [4.875, 6.1875], [11.65625, 10.1875]],
], dtype=np.float32)
HYP = {'box': 0.05, 'obj': 1.0, 'cls': 0.5}
BALANCE = [4.0, 1.0, 0.4]


def setup_inputs(seed: int = 0):
    key = jax.random.key(seed)
    ks = jax.random.split(key, 6)
    p0 = jax.random.normal(ks[0], (B, NA, 80, 80, 5 + NC), dtype=jnp.float32)
    p1 = jax.random.normal(ks[1], (B, NA, 40, 40, 5 + NC), dtype=jnp.float32)
    p2 = jax.random.normal(ks[2], (B, NA, 20, 20, 5 + NC), dtype=jnp.float32)
    cls = jax.random.randint(ks[3], (B, M, 1), 0, NC).astype(jnp.float32)
    cxy = jax.random.uniform(ks[4], (B, M, 2), minval=0.05, maxval=0.95, dtype=jnp.float32)
    wh = jax.random.uniform(ks[5], (B, M, 2), minval=0.02, maxval=0.5, dtype=jnp.float32)
    targets = jnp.concatenate([cls, cxy, wh], axis=-1)
    return {"p0": p0, "p1": p1, "p2": p2, "targets": targets}


def bce_logits(x, t):
    # BCEWithLogitsLoss, mean reduction, pos_weight=1
    return jnp.mean(jnp.maximum(x, 0.0) - x * t + jnp.log1p(jnp.exp(-jnp.abs(x))))


def bbox_giou(pbox, tbox):
    # pbox, tbox: (n,4) in (cx,cy,w,h); elementwise GIoU (== generalized_box_iou(...).diagonal())
    p1 = pbox[:, :2] - pbox[:, 2:] / 2
    p2 = pbox[:, :2] + pbox[:, 2:] / 2
    t1 = tbox[:, :2] - tbox[:, 2:] / 2
    t2 = tbox[:, :2] + tbox[:, 2:] / 2
    lt = jnp.maximum(p1, t1)
    rb = jnp.minimum(p2, t2)
    wh = jnp.maximum(rb - lt, 0.0)
    inter = wh[:, 0] * wh[:, 1]
    area_p = (p2[:, 0] - p1[:, 0]) * (p2[:, 1] - p1[:, 1])
    area_t = (t2[:, 0] - t1[:, 0]) * (t2[:, 1] - t1[:, 1])
    union = area_p + area_t - inter
    iou = inter / union
    clt = jnp.minimum(p1, t1)
    crb = jnp.maximum(p2, t2)
    carea = (crb[:, 0] - clt[:, 0]) * (crb[:, 1] - clt[:, 1])
    return iou - (carea - union) / carea


def build_targets(targets):
    Bn, Mn, _ = targets.shape
    img = jnp.broadcast_to(jnp.arange(Bn, dtype=jnp.float32)[:, None, None], (Bn, Mn, 1))
    tf = jnp.concatenate([img, targets], axis=-1).reshape(-1, 6)
    n0 = tf.shape[0]
    anchors = jnp.asarray(ANCHORS)
    tcls, tbox, indices = [], [], []
    for i in range(len(GRIDS)):
        H, W = GRIDS[i]
        anchors_i = anchors[i]
        gain = jnp.array([1.0, 1.0, H, W, H, W, 1.0], dtype=jnp.float32)
        t = jnp.tile(tf[None, :, :], (NA, 1, 1)).reshape(-1, 6)
        a = jnp.repeat(jnp.arange(NA), n0).astype(jnp.float32)
        tt = jnp.concatenate([t, a[:, None]], axis=1) * gain[None, :]
        r = tt[:, 4:6] / anchors_i[tt[:, 6].astype(jnp.int32)]
        r = jnp.maximum(r, 1.0 / r).max(axis=1)
        mask = r < 4.0
        b = tt[:, 0].astype(jnp.int32)
        c = tt[:, 1].astype(jnp.int32)
        gxy = tt[:, 2:4]
        gwh = tt[:, 4:6]
        gij = gxy.astype(jnp.int32)
        gi = gij[:, 0]
        gj = gij[:, 1]
        indices.append((b, tt[:, 6].astype(jnp.int32), gj, gi, mask))
        tbox.append(jnp.concatenate([gxy - gij.astype(jnp.float32), gwh], axis=1))
        tcls.append(c)
    return tcls, tbox, indices


def compute_loss(preds, tcls, tbox, indices):
    lbox = jnp.float32(0.0)
    lobj = jnp.float32(0.0)
    lcls = jnp.float32(0.0)
    for i, pi in enumerate(preds):
        b, a, gj, gi, mask = indices[i]
        maskf = mask.astype(pi.dtype)
        count = jnp.sum(maskf)
        denom = jnp.maximum(count, 1.0)
        tobj = jnp.zeros(pi.shape[:-1], dtype=pi.dtype)
        ps = pi[b, a, gj, gi]
        pxy = jax.nn.sigmoid(ps[:, 0:2])
        pwh = jax.nn.sigmoid(ps[:, 2:4])
        pbox = jnp.concatenate([pxy, pwh], axis=1)
        giou = bbox_giou(pbox, tbox[i])
        lbox = lbox + jnp.where(count > 0, jnp.sum(maskf * (1.0 - giou)) / denom, 0.0)
        b_s = jnp.where(mask, b, pi.shape[0])
        tobj = tobj.at[b_s, a, gj, gi].set(
            jnp.maximum(jax.lax.stop_gradient(giou), 0.0), mode='drop')
        if NC > 1:
            pred_cls = ps[:, 5:]
            n = int(b.shape[0])
            tmat = jnp.zeros_like(pred_cls).at[jnp.arange(n), tcls[i]].set(1.0)
            elt = (jnp.maximum(pred_cls, 0.0) - pred_cls * tmat
                   + jnp.log1p(jnp.exp(-jnp.abs(pred_cls))))
            lcls = lcls + jnp.where(
                count > 0,
                jnp.sum(maskf[:, None] * elt) / (denom * pred_cls.shape[1]),
                0.0)
        lobj = lobj + bce_logits(pi[..., 4], tobj) * BALANCE[i]
    return lbox * HYP['box'] + lobj * HYP['obj'] + lcls * HYP['cls']


def reference(p0, p1, p2, targets):
    tcls, tbox, indices = build_targets(targets)
    return compute_loss([p0, p1, p2], tcls, tbox, indices)

if __name__ == "__main__":
    import jax
    _d = setup_inputs()
    print(jax.jit(kernel)(*tuple(_d.values())))

</pallas_src>

<mosaic_0001>
#map = affine_map<(d0, d1) -> (0, 0)>
#map1 = affine_map<(d0, d1) -> (0)>
#map2 = affine_map<(d0, d1) -> (0, 0, 0)>
module attributes {stable_mosaic.version = 14 : i64} {
  func.func @_sc_body(%arg0: i32, %arg1: i32, %arg2: memref<153600x85xf32, #tpu.memory_space<hbm>>, %arg3: memref<38400x85xf32, #tpu.memory_space<hbm>>, %arg4: memref<9600x85xf32, #tpu.memory_space<hbm>>, %arg5: memref<800xf32, #tpu.memory_space<hbm>>, %arg6: memref<32xf32, #tpu.memory_space<hbm>>, %arg7: memref<1440x128xf32, #tpu.memory_space<hbm>>, %arg8: memref<3x30x128xf32, #tpu.memory_space<hbm>>, %arg9: memref<800xf32, #tpu.memory_space<vmem>>, %arg10: memref<32xf32, #tpu.memory_space<vmem>>, %arg11: memref<16x128xf32, #tpu.memory_space<vmem>>, %arg12: memref<128xf32, #tpu.memory_space<vmem>>, %arg13: memref<!tpu.dma_semaphore, #tpu.memory_space<semaphore_mem>>) attributes {dimension_semantics = [#tpu.dimension_semantics<core_parallel>, #tpu.dimension_semantics<subcore_parallel>], iteration_bounds = array<i64: 2, 16>, scalar_prefetch = 0 : i64, scratch_operands = 5 : i64, tpu.core_type = #tpu.core_type<sc_vector_subcore>, window_params = [{transform_indices = #map}, {transform_indices = #map}, {transform_indices = #map}, {transform_indices = #map1}, {transform_indices = #map1}, {transform_indices = #map}, {transform_indices = #map2}]} {
    %mul3A = arith.constant 2 : i32
    %mul3A_0 = arith.muli %arg1, %mul3A : i32
    %add3A = arith.addi %mul3A_0, %arg0 : i32
    %lt3A = arith.constant 30 : i32
    %lt3A_1 = arith.cmpi slt, %add3A, %lt3A : i32
    %convert_element_type3A = arith.extui %lt3A_1 : i1 to i32
    %cond3A = arith.constant 0 : i32
    %cond3A_2 = arith.cmpi ne, %convert_element_type3A, %cond3A : i32
    scf.if %cond3A_2 {
      "tpu.region"() ({
        %run_scoped3A_1624 = tpu.sem_alloc : memref<!tpu.dma_semaphore, #tpu.memory_space<semaphore_mem>>
        tpu.enqueue_dma source(%arg5 : memref<800xf32, #tpu.memory_space<hbm>>) target(%arg9 : memref<800xf32, #tpu.memory_space<vmem>>) target_semaphore(%run_scoped3A_1624 : memref<!tpu.dma_semaphore, #tpu.memory_space<semaphore_mem>>)
        tpu.wait_dma2 semaphore(%run_scoped3A_1624 : memref<!tpu.dma_semaphore, #tpu.memory_space<semaphore_mem>>) src(%arg5 : memref<800xf32, #tpu.memory_space<hbm>>) dst(%arg9 : memref<800xf32, #tpu.memory_space<vmem>>)
        tpu.yield
      }) : () -> ()
      "tpu.region"() ({
        %run_scoped3A_1624 = tpu.sem_alloc : memref<!tpu.dma_semaphore, #tpu.memory_space<semaphore_mem>>
        tpu.enqueue_dma source(%arg6 : memref<32xf32, #tpu.memory_space<hbm>>) target(%arg10 : memref<32xf32, #tpu.memory_space<vmem>>) target_semaphore(%run_scoped3A_1624 : memref<!tpu.dma_semaphore, #tpu.memory_space<semaphore_mem>>)
        tpu.wait_dma2 semaphore(%run_scoped3A_1624 : memref<!tpu.dma_semaphore, #tpu.memory_space<semaphore_mem>>) src(%arg6 : memref<32xf32, #tpu.memory_space<hbm>>) dst(%arg10 : memref<32xf32, #tpu.memory_space<vmem>>)
        tpu.yield
      }) : () -> ()
      %mul3A_3 = arith.constant 16 : i32
      %mul3A_4 = arith.muli %add3A, %mul3A_3 : i32
      %iota3A = tpu.iota {dimensions = array<i32: 0>} : vector<16xi32>
      %add3A_5 = vector.broadcast %mul3A_4 : i32 to vector<16xi32>
      %add3A_6 = arith.addi %add3A_5, %iota3A : vector<16xi32>
      %broadcast_in_dim3A = arith.constant 160 : i32
      %broadcast_in_dim3A_7 = vector.broadcast %broadcast_in_dim3A : i32 to vector<16xi32>
      %div3A = arith.divsi %add3A_6, %broadcast_in_dim3A_7 : vector<16xi32>
      %broadcast_in_dim3A_8 = arith.constant 160 : i32
      %broadcast_in_dim3A_9 = vector.broadcast %broadcast_in_dim3A_8 : i32 to vector<16xi32>
      %rem3A = arith.remsi %add3A_6, %broadcast_in_dim3A_9 : vector<16xi32>
      %broadcast_in_dim3A_10 = arith.constant 20 : i32
      %broadcast_in_dim3A_11 = vector.broadcast %broadcast_in_dim3A_10 : i32 to vector<16xi32>
      %div3A_12 = arith.divsi %rem3A, %broadcast_in_dim3A_11 : vector<16xi32>
      %mul3A_13 = arith.constant 5 : i32
      %mul3A_14 = vector.broadcast %mul3A_13 : i32 to vector<16xi32>
      %mul3A_15 = arith.muli %rem3A, %mul3A_14 : vector<16xi32>
      %gather3A = tpu.vector_load_idx %arg9[%mul3A_15] : memref<800xf32, #tpu.memory_space<vmem>>[vector<16xi32>], vector<16xf32>,
      %add3A_16 = arith.constant 1 : i32
      %add3A_17 = vector.broadcast %add3A_16 : i32 to vector<16xi32>
      %add3A_18 = arith.addi %mul3A_15, %add3A_17 : vector<16xi32>
      %gather3A_19 = tpu.vector_load_idx %arg9[%add3A_18] : memref<800xf32, #tpu.memory_space<vmem>>[vector<16xi32>], vector<16xf32>,
      %add3A_20 = arith.constant 2 : i32
      %add3A_21 = vector.broadcast %add3A_20 : i32 to vector<16xi32>
      %add3A_22 = arith.addi %mul3A_15, %add3A_21 : vector<16xi32>
      %gather3A_23 = tpu.vector_load_idx %arg9[%add3A_22] : memref<800xf32, #tpu.memory_space<vmem>>[vector<16xi32>], vector<16xf32>,
      %add3A_24 = arith.constant 3 : i32
      %add3A_25 = vector.broadcast %add3A_24 : i32 to vector<16xi32>
      %add3A_26 = arith.addi %mul3A_15, %add3A_25 : vector<16xi32>
      %gather3A_27 = tpu.vector_load_idx %arg9[%add3A_26] : memref<800xf32, #tpu.memory_space<vmem>>[vector<16xi32>], vector<16xf32>,
      %add3A_28 = arith.constant 4 : i32
      %add3A_29 = vector.broadcast %add3A_28 : i32 to vector<16xi32>
      %add3A_30 = arith.addi %mul3A_15, %add3A_29 : vector<16xi32>
      %gather3A_31 = tpu.vector_load_idx %arg9[%add3A_30] : memref<800xf32, #tpu.memory_space<vmem>>[vector<16xi32>], vector<16xf32>,
      %mul3A_32 = arith.constant 8.000000e+01 : f32
      %mul3A_33 = vector.broadcast %mul3A_32 : f32 to vector<16xf32>
      %mul3A_34 = arith.mulf %gather3A_19, %mul3A_33 : vector<16xf32>
      %mul3A_35 = arith.constant 8.000000e+01 : f32
      %mul3A_36 = vector.broadcast %mul3A_35 : f32 to vector<16xf32>
      %mul3A_37 = arith.mulf %gather3A_23, %mul3A_36 : vector<16xf32>
      %mul3A_38 = arith.constant 8.000000e+01 : f32
      %mul3A_39 = vector.broadcast %mul3A_38 : f32 to vector<16xf32>
      %mul3A_40 = arith.mulf %gather3A_27, %mul3A_39 : vector<16xf32>
      %mul3A_41 = arith.constant 8.000000e+01 : f32
      %mul3A_42 = vector.broadcast %mul3A_41 : f32 to vector<16xf32>
      %mul3A_43 = arith.mulf %gather3A_31, %mul3A_42 : vector<16xf32>
      %convert_element_type3A_44 = arith.fptosi %mul3A_34 : vector<16xf32> to vector<16xi32>
      %convert_element_type3A_45 = arith.fptosi %mul3A_37 : vector<16xf32> to vector<16xi32>
      %mul3A_46 = arith.constant 2 : i32
      %mul3A_47 = vector.broadcast %mul3A_46 : i32 to vector<16xi32>
      %mul3A_48 = arith.muli %div3A, %mul3A_47 : vector<16xi32>
      %add3A_49 = arith.constant 0 : i32
      %add3A_50 = vector.broadcast %add3A_49 : i32 to vector<16xi32>
      %add3A_51 = arith.addi %add3A_50, %mul3A_48 : vector<16xi32>
      %gather3A_52 = tpu.vector_load_idx %arg10[%add3A_51] : memref<32xf32, #tpu.memory_space<vmem>>[vector<16xi32>], vector<16xf32>,
      %mul3A_53 = arith.constant 2 : i32
      %mul3A_54 = vector.broadcast %mul3A_53 : i32 to vector<16xi32>
      %mul3A_55 = arith.muli %div3A, %mul3A_54 : vector<16xi32>
      %add3A_56 = arith.constant 0 : i32
      %add3A_57 = vector.broadcast %add3A_56 : i32 to vector<16xi32>
      %add3A_58 = arith.addi %add3A_57, %mul3A_55 : vector<16xi32>
      %add3A_59 = arith.constant 1 : i32
      %add3A_60 = vector.broadcast %add3A_59 : i32 to vector<16xi32>
      %add3A_61 = arith.addi %add3A_58, %add3A_60 : vector<16xi32>
      %gather3A_62 = tpu.vector_load_idx %arg10[%add3A_61] : memref<32xf32, #tpu.memory_space<vmem>>[vector<16xi32>], vector<16xf32>,
      %div3A_63 = arith.divf %mul3A_40, %gather3A_52 : vector<16xf32>
      %div3A_64 = arith.divf %mul3A_43, %gather3A_62 : vector<16xf32>
      %div3A_65 = arith.constant 1.000000e+00 : f32
      %div3A_66 = vector.broadcast %div3A_65 : f32 to vector<16xf32>
      %div3A_67 = arith.divf %div3A_66, %div3A_63 : vector<16xf32>
      %max3A = arith.maximumf %div3A_63, %div3A_67 : vector<16xf32>
      %div3A_68 = arith.constant 1.000000e+00 : f32
      %div3A_69 = vector.broadcast %div3A_68 : f32 to vector<16xf32>
      %div3A_70 = arith.divf %div3A_69, %div3A_64 : vector<16xf32>
      %max3A_71 = arith.maximumf %div3A_64, %div3A_70 : vector<16xf32>
      %max3A_72 = arith.maximumf %max3A, %max3A_71 : vector<16xf32>
      %lt3A_73 = arith.constant 4.000000e+00 : f32
      %lt3A_74 = vector.broadcast %lt3A_73 : f32 to vector<16xf32>
      %lt3A_75 = arith.cmpf olt, %max3A_72, %lt3A_74 : vector<16xf32>
      %jit3A = arith.constant 1.000000e+00 : f32
      %jit3A_76 = arith.constant 0.000000e+00 : f32
      %broadcast_in_dim3A_77 = vector.broadcast %jit3A : f32 to vector<16xf32>
      %broadcast_in_dim3A_78 = vector.broadcast %jit3A_76 : f32 to vector<16xf32>
      %select_n3A = arith.select %lt3A_75, %broadcast_in_dim3A_77, %broadcast_in_dim3A_78 : vector<16xi1>, vector<16xf32>
      %mul3A_79 = arith.constant 3 : i32
      %mul3A_80 = vector.broadcast %mul3A_79 : i32 to vector<16xi32>
      %mul3A_81 = arith.muli %div3A_12, %mul3A_80 : vector<16xi32>
      %add3A_82 = arith.addi %mul3A_81, %div3A : vector<16xi32>
      %mul3A_83 = arith.constant 80 : i32
      %mul3A_84 = vector.broadcast %mul3A_83 : i32 to vector<16xi32>
      %mul3A_85 = arith.muli %add3A_82, %mul3A_84 : vector<16xi32>
      %add3A_86 = arith.addi %mul3A_85, %convert_element_type3A_45 : vector<16xi32>
      %mul3A_87 = arith.constant 80 : i32
      %mul3A_88 = vector.broadcast %mul3A_87 : i32 to vector<16xi32>
      %mul3A_89 = arith.muli %add3A_86, %mul3A_88 : vector<16xi32>
      %add3A_90 = arith.addi %mul3A_89, %convert_element_type3A_44 : vector<16xi32>
      %slice3A = vector.extract_strided_slice %add3A_90 {offsets = [0], sizes = [1], strides = [1]} : vector<16xi32> to vector<1xi32>
      %squeeze3A = vector.extract %slice3A[0] : i32 from vector<1xi32>
      %dma_start3A = arith.constant 0 : i32
      %dma_start3A_91 = arith.constant 0 : i32
      %dma_start3A_92 = tpu.memref_slice %arg11[%dma_start3A, %dma_start3A_91] : memref<16x128xf32, #tpu.memory_space<vmem>> -> memref<1x85xf32, #tpu.memory_space<vmem>>
      %dma_start3A_93 = tpu.memref_squeeze %dma_start3A_92 : memref<1x85xf32, #tpu.memory_space<vmem>> -> memref<85xf32, #tpu.memory_space<vmem>>
      %dma_start3A_94 = arith.constant 0 : i32
      %dma_start3A_95 = tpu.memref_slice %arg2[%squeeze3A, %dma_start3A_94] : memref<153600x85xf32, #tpu.memory_space<hbm>> -> memref<1x85xf32, #tpu.memory_space<hbm>>
      %dma_start3A_96 = tpu.memref_squeeze %dma_start3A_95 : memref<1x85xf32, #tpu.memory_space<hbm>> -> memref<85xf32, #tpu.memory_space<hbm>>
      %dma_start3A_97 = arith.constant 0 : i32
      %dma_start3A_98 = tpu.memref_slice %arg11[%dma_start3A, %dma_start3A_97] : memref<16x128xf32, #tpu.memory_space<vmem>> -> memref<1x85xf32, #tpu.memory_space<vmem>>
      %dma_start3A_99 = tpu.memref_squeeze %dma_start3A_98 : memref<1x85xf32, #tpu.memory_space<vmem>> -> memref<85xf32, #tpu.memory_space<vmem>>
      %dma_start3A_100 = arith.constant 0 : i32
      %dma_start3A_101 = tpu.memref_slice %arg2[%squeeze3A, %dma_start3A_100] : memref<153600x85xf32, #tpu.memory_space<hbm>> -> memref<1x85xf32, #tpu.memory_space<hbm>>
      %dma_start3A_102 = tpu.memref_squeeze %dma_start3A_101 : memref<1x85xf32, #tpu.memory_space<hbm>> -> memref<85xf32, #tpu.memory_space<hbm>>
      tpu.enqueue_dma source(%dma_start3A_102 : memref<85xf32, #tpu.memory_space<hbm>>) target(%dma_start3A_99 : memref<85xf32, #tpu.memory_space<vmem>>) target_semaphore(%arg13 : memref<!tpu.dma_semaphore, #tpu.memory_space<semaphore_mem>>)
      %slice3A_103 = vector.extract_strided_slice %add3A_90 {offsets = [1], sizes = [1], strides = [1]} : vector<16xi32> to vector<1xi32>
      %squeeze3A_104 = vector.extract %slice3A_103[0] : i32 from vector<1xi32>
      %dma_start3A_105 = arith.constant 1 : i32
      %dma_start3A_106 = arith.constant 0 : i32
      %dma_start3A_107 = tpu.memref_slice %arg11[%dma_start3A_105, %dma_start3A_106] : memref<16x128xf32, #tpu.memory_space<vmem>> -> memref<1x85xf32, #tpu.memory_space<vmem>>
      %dma_start3A_108 = tpu.memref_squeeze %dma_start3A_107 : memref<1x85xf32, #tpu.memory_space<vmem>> -> memref<85xf32, #tpu.memory_space<vmem>>
      %dma_start3A_109 = arith.constant 0 : i32
      %dma_start3A_110 = tpu.memref_slice %arg2[%squeeze3A_104, %dma_start3A_109] : memref<153600x85xf32, #tpu.memory_space<hbm>> -> memref<1x85xf32, #tpu.memory_space<hbm>>
      %dma_start3A_111 = tpu.memref_squeeze %dma_start3A_110 : memref<1x85xf32, #tpu.memory_space<hbm>> -> memref<85xf32, #tpu.memory_space<hbm>>
      %dma_start3A_112 = arith.constant 0 : i32
      %dma_start3A_113 = tpu.memref_slice %arg11[%dma_start3A_105, %dma_start3A_112] : memref<16x128xf32, #tpu.memory_space<vmem>> -> memref<1x85xf32, #tpu.memory_space<vmem>>
      %dma_start3A_114 = tpu.memref_squeeze %dma_start3A_113 : memref<1x85xf32, #tpu.memory_space<vmem>> -> memref<85xf32, #tpu.memory_space<vmem>>
      %dma_start3A_115 = arith.constant 0 : i32
      %dma_start3A_116 = tpu.memref_slice %arg2[%squeeze3A_104, %dma_start3A_115] : memref<153600x85xf32, #tpu.memory_space<hbm>> -> memref<1x85xf32, #tpu.memory_space<hbm>>
      %dma_start3A_117 = tpu.memref_squeeze %dma_start3A_116 : memref<1x85xf32, #tpu.memory_space<hbm>> -> memref<85xf32, #tpu.memory_space<hbm>>
      tpu.enqueue_dma source(%dma_start3A_117 : memref<85xf32, #tpu.memory_space<hbm>>) target(%dma_start3A_114 : memref<85xf32, #tpu.memory_space<vmem>>) target_semaphore(%arg13 : memref<!tpu.dma_semaphore, #tpu.memory_space<semaphore_mem>>)
      %slice3A_118 = vector.extract_strided_slice %add3A_90 {offsets = [2], sizes = [1], strides = [1]} : vector<16xi32> to vector<1xi32>
      %squeeze3A_119 = vector.extract %slice3A_118[0] : i32 from vector<1xi32>
      %dma_start3A_120 = arith.constant 2 : i32
      %dma_start3A_121 = arith.constant 0 : i32
      %dma_start3A_122 = tpu.memref_slice %arg11[%dma_start3A_120, %dma_start3A_121] : memref<16x128xf32, #tpu.memory_space<vmem>> -> memref<1x85xf32, #tpu.memory_space<vmem>>
      %dma_start3A_123 = tpu.memref_squeeze %dma_start3A_122 : memref<1x85xf32, #tpu.memory_space<vmem>> -> memref<85xf32, #tpu.memory_space<vmem>>
      %dma_start3A_124 = arith.constant 0 : i32
      %dma_start3A_125 = tpu.memref_slice %arg2[%squeeze3A_119, %dma_start3A_124] : memref<153600x85xf32, #tpu.memory_space<hbm>> -> memref<1x85xf32, #tpu.memory_space<hbm>>
      %dma_start3A_126 = tpu.memref_squeeze %dma_start3A_125 : memref<1x85xf32, #tpu.memory_space<hbm>> -> memref<85xf32, #tpu.memory_space<hbm>>
      %dma_start3A_127 = arith.constant 0 : i32
      %dma_start3A_128 = tpu.memref_slice %arg11[%dma_start3A_120, %dma_start3A_127] : memref<16x128xf32, #tpu.memory_space<vmem>> -> memref<1x85xf32, #tpu.memory_space<vmem>>
      %dma_start3A_129 = tpu.memref_squeeze %dma_start3A_128 : memref<1x85xf32, #tpu.memory_space<vmem>> -> memref<85xf32, #tpu.memory_space<vmem>>
      %dma_start3A_130 = arith.constant 0 : i32
      %dma_start3A_131 = tpu.memref_slice %arg2[%squeeze3A_119, %dma_start3A_130] : memref<153600x85xf32, #tpu.memory_space<hbm>> -> memref<1x85xf32, #tpu.memory_space<hbm>>
      %dma_start3A_132 = tpu.memref_squeeze %dma_start3A_131 : memref<1x85xf32, #tpu.memory_space<hbm>> -> memref<85xf32, #tpu.memory_space<hbm>>
      tpu.enqueue_dma source(%dma_start3A_132 : memref<85xf32, #tpu.memory_space<hbm>>) target(%dma_start3A_129 : memref<85xf32, #tpu.memory_space<vmem>>) target_semaphore(%arg13 : memref<!tpu.dma_semaphore, #tpu.memory_space<semaphore_mem>>)
      %slice3A_133 = vector.extract_strided_slice %add3A_90 {offsets = [3], sizes = [1], strides = [1]} : vector<16xi32> to vector<1xi32>
      %squeeze3A_134 = vector.extract %slice3A_133[0] : i32 from vector<1xi32>
      %dma_start3A_135 = arith.constant 3 : i32
      %dma_start3A_136 = arith.constant 0 : i32
      %dma_start3A_137 = tpu.memref_slice %arg11[%dma_start3A_135, %dma_start3A_136] : memref<16x128xf32, #tpu.memory_space<vmem>> -> memref<1x85xf32, #tpu.memory_space<vmem>>
      %dma_start3A_138 = tpu.memref_squeeze %dma_start3A_137 : memref<1x85xf32, #tpu.memory_space<vmem>> -> memref<85xf32, #tpu.memory_space<vmem>>
      %dma_start3A_139 = arith.constant 0 : i32
      %dma_start3A_140 = tpu.memref_slice %arg2[%squeeze3A_134, %dma_start3A_139] : memref<153600x85xf32, #tpu.memory_space<hbm>> -> memref<1x85xf32, #tpu.memory_space<hbm>>
      %dma_start3A_141 = tpu.memref_squeeze %dma_start3A_140 : memref<1x85xf32, #tpu.memory_space<hbm>> -> memref<85xf32, #tpu.memory_space<hbm>>
      %dma_start3A_142 = arith.constant 0 : i32
      %dma_start3A_143 = tpu.memref_slice %arg11[%dma_start3A_135, %dma_start3A_142] : memref<16x128xf32, #tpu.memory_space<vmem>> -> memref<1x85xf32, #tpu.memory_space<vmem>>
      %dma_start3A_144 = tpu.memref_squeeze %dma_start3A_143 : memref<1x85xf32, #tpu.memory_space<vmem>> -> memref<85xf32, #tpu.memory_space<vmem>>
      %dma_start3A_145 = arith.constant 0 : i32
      %dma_start3A_146 = tpu.memref_slice %arg2[%squeeze3A_134, %dma_start3A_145] : memref<153600x85xf32, #tpu.memory_space<hbm>> -> memref<1x85xf32, #tpu.memory_space<hbm>>
      %dma_start3A_147 = tpu.memref_squeeze %dma_start3A_146 : memref<1x85xf32, #tpu.memory_space<hbm>> -> memref<85xf32, #tpu.memory_space<hbm>>
      tpu.enqueue_dma source(%dma_start3A_147 : memref<85xf32, #tpu.memory_space<hbm>>) target(%dma_start3A_144 : memref<85xf32, #tpu.memory_space<vmem>>) target_semaphore(%arg13 : memref<!tpu.dma_semaphore, #tpu.memory_space<semaphore_mem>>)
      %slice3A_148 = vector.extract_strided_slice %add3A_90 {offsets = [4], sizes = [1], strides = [1]} : vector<16xi32> to vector<1xi32>
      %squeeze3A_149 = vector.extract %slice3A_148[0] : i32 from vector<1xi32>
      %dma_start3A_150 = arith.constant 4 : i32
      %dma_start3A_151 = arith.constant 0 : i32
      %dma_start3A_152 = tpu.memref_slice %arg11[%dma_start3A_150, %dma_start3A_151] : memref<16x128xf32, #tpu.memory_space<vmem>> -> memref<1x85xf32, #tpu.memory_space<vmem>>
      %dma_start3A_153 = tpu.memref_squeeze %dma_start3A_152 : memref<1x85xf32, #tpu.memory_space<vmem>> -> memref<85xf32, #tpu.memory_space<vmem>>
      %dma_start3A_154 = arith.constant 0 : i32
      %dma_start3A_155 = tpu.memref_slice %arg2[%squeeze3A_149, %dma_start3A_154] : memref<153600x85xf32, #tpu.memory_space<hbm>> -> memref<1x85xf32, #tpu.memory_space<hbm>>
      %dma_start3A_156 = tpu.memref_squeeze %dma_start3A_155 : memref<1x85xf32, #tpu.memory_space<hbm>> -> memref<85xf32, #tpu.memory_space<hbm>>
      %dma_start3A_157 = arith.constant 0 : i32
      %dma_start3A_158 = tpu.memref_slice %arg11[%dma_start3A_150, %dma_start3A_157] : memref<16x128xf32, #tpu.memory_space<vmem>> -> memref<1x85xf32, #tpu.memory_space<vmem>>
      %dma_start3A_159 = tpu.memref_squeeze %dma_start3A_158 : memref<1x85xf32, #tpu.memory_space<vmem>> -> memref<85xf32, #tpu.memory_space<vmem>>
      %dma_start3A_160 = arith.constant 0 : i32
      %dma_start3A_161 = tpu.memref_slice %arg2[%squeeze3A_149, %dma_start3A_160] : memref<153600x85xf32, #tpu.memory_space<hbm>> -> memref<1x85xf32, #tpu.memory_space<hbm>>
      %dma_start3A_162 = tpu.memref_squeeze %dma_start3A_161 : memref<1x85xf32, #tpu.memory_space<hbm>> -> memref<85xf32, #tpu.memory_space<hbm>>
      tpu.enqueue_dma source(%dma_start3A_162 : memref<85xf32, #tpu.memory_space<hbm>>) target(%dma_start3A_159 : memref<85xf32, #tpu.memory_space<vmem>>) target_semaphore(%arg13 : memref<!tpu.dma_semaphore, #tpu.memory_space<semaphore_mem>>)
      %slice3A_163 = vector.extract_strided_slice %add3A_90 {offsets = [5], sizes = [1], strides = [1]} : vector<16xi32> to vector<1xi32>
      %squeeze3A_164 = vector.extract %slice3A_163[0] : i32 from vector<1xi32>
      %dma_start3A_165 = arith.constant 5 : i32
      %dma_start3A_166 = arith.constant 0 : i32
      %dma_start3A_167 = tpu.memref_slice %arg11[%dma_start3A_165, %dma_start3A_166] : memref<16x128xf32, #tpu.memory_space<vmem>> -> memref<1x85xf32, #tpu.memory_space<vmem>>
      %dma_start3A_168 = tpu.memref_squeeze %dma_start3A_167 : memref<1x85xf32, #tpu.memory_space<vmem>> -> memref<85xf32, #tpu.memory_space<vmem>>
      %dma_start3A_169 = arith.constant 0 : i32
      %dma_start3A_170 = tpu.memref_slice %arg2[%squeeze3A_164, %dma_start3A_169] : memref<153600x85xf32, #tpu.memory_space<hbm>> -> memref<1x85xf32, #tpu.memory_space<hbm>>
      %dma_start3A_171 = tpu.memref_squeeze %dma_start3A_170 : memref<1x85xf32, #tpu.memory_space<hbm>> -> memref<85xf32, #tpu.memory_space<hbm>>
      %dma_start3A_172 = arith.constant 0 : i32
      %dma_start3A_173 = tpu.memref_slice %arg11[%dma_start3A_165, %dma_start3A_172] : memref<16x128xf32, #tpu.memory_space<vmem>> -> memref<1x85xf32, #tpu.memory_space<vmem>>
      %dma_start3A_174 = tpu.memref_squeeze %dma_start3A_173 : memref<1x85xf32, #tpu.memory_space<vmem>> -> memref<85xf32, #tpu.memory_space<vmem>>
      %dma_start3A_175 = arith.constant 0 : i32
      %dma_start3A_176 = tpu.memref_slice %arg2[%squeeze3A_164, %dma_start3A_175] : memref<153600x85xf32, #tpu.memory_space<hbm>> -> memref<1x85xf32, #tpu.memory_space<hbm>>
      %dma_start3A_177 = tpu.memref_squeeze %dma_start3A_176 : memref<1x85xf32, #tpu.memory_space<hbm>> -> memref<85xf32, #tpu.memory_space<hbm>>
      tpu.enqueue_dma source(%dma_start3A_177 : memref<85xf32, #tpu.memory_space<hbm>>) target(%dma_start3A_174 : memref<85xf32, #tpu.memory_space<vmem>>) target_semaphore(%arg13 : memref<!tpu.dma_semaphore, #tpu.memory_space<semaphore_mem>>)
      %slice3A_178 = vector.extract_strided_slice %add3A_90 {offsets = [6], sizes = [1], strides = [1]} : vector<16xi32> to vector<1xi32>
      %squeeze3A_179 = vector.extract %slice3A_178[0] : i32 from vector<1xi32>
      %dma_start3A_180 = arith.constant 6 : i32
      %dma_start3A_181 = arith.constant 0 : i32
      %dma_start3A_182 = tpu.memref_slice %arg11[%dma_start3A_180, %dma_start3A_181] : memref<16x128xf32, #tpu.memory_space<vmem>> -> memref<1x85xf32, #tpu.memory_space<vmem>>
      %dma_start3A_183 = tpu.memref_squeeze %dma_start3A_182 : memref<1x85xf32, #tpu.memory_space<vmem>> -> memref<85xf32, #tpu.memory_space<vmem>>
      %dma_start3A_184 = arith.constant 0 : i32
      %dma_start3A_185 = tpu.memref_slice %arg2[%squeeze3A_179, %dma_start3A_184] : memref<153600x85xf32, #tpu.memory_space<hbm>> -> memref<1x85xf32, #tpu.memory_space<hbm>>
      %dma_start3A_186 = tpu.memref_squeeze %dma_start3A_185 : memref<1x85xf32, #tpu.memory_space<hbm>> -> memref<85xf32, #tpu.memory_space<hbm>>
      %dma_start3A_187 = arith.constant 0 : i32
      %dma_start3A_188 = tpu.memref_slice %arg11[%dma_start3A_180, %dma_start3A_187] : memref<16x128xf32, #tpu.memory_space<vmem>> -> memref<1x85xf32, #tpu.memory_space<vmem>>
      %dma_start3A_189 = tpu.memref_squeeze %dma_start3A_188 : memref<1x85xf32, #tpu.memory_space<vmem>> -> memref<85xf32, #tpu.memory_space<vmem>>
      %dma_start3A_190 = arith.constant 0 : i32
      %dma_start3A_191 = tpu.memref_slice %arg2[%squeeze3A_179, %dma_start3A_190] : memref<153600x85xf32, #tpu.memory_space<hbm>> -> memref<1x85xf32, #tpu.memory_space<hbm>>
      %dma_start3A_192 = tpu.memref_squeeze %dma_start3A_191 : memref<1x85xf32, #tpu.memory_space<hbm>> -> memref<85xf32, #tpu.memory_space<hbm>>
      tpu.enqueue_dma source(%dma_start3A_192 : memref<85xf32, #tpu.memory_space<hbm>>) target(%dma_start3A_189 : memref<85xf32, #tpu.memory_space<vmem>>) target_semaphore(%arg13 : memref<!tpu.dma_semaphore, #tpu.memory_space<semaphore_mem>>)
      %slice3A_193 = vector.extract_strided_slice %add3A_90 {offsets = [7], sizes = [1], strides = [1]} : vector<16xi32> to vector<1xi32>
      %squeeze3A_194 = vector.extract %slice3A_193[0] : i32 from vector<1xi32>
      %dma_start3A_195 = arith.constant 7 : i32
      %dma_start3A_196 = arith.constant 0 : i32
      %dma_start3A_197 = tpu.memref_slice %arg11[%dma_start3A_195, %dma_start3A_196] : memref<16x128xf32, #tpu.memory_space<vmem>> -> memref<1x85xf32, #tpu.memory_space<vmem>>
      %dma_start3A_198 = tpu.memref_squeeze %dma_start3A_197 : memref<1x85xf32, #tpu.memory_space<vmem>> -> memref<85xf32, #tpu.memory_space<vmem>>
      %dma_start3A_199 = arith.constant 0 : i32
      %dma_start3A_200 = tpu.memref_slice %arg2[%squeeze3A_194, %dma_start3A_199] : memref<153600x85xf32, #tpu.memory_space<hbm>> -> memref<1x85xf32, #tpu.memory_space<hbm>>
      %dma_start3A_201 = tpu.memref_squeeze %dma_start3A_200 : memref<1x85xf32, #tpu.memory_space<hbm>> -> memref<85xf32, #tpu.memory_space<hbm>>
      %dma_start3A_202 = arith.constant 0 : i32
      %dma_start3A_203 = tpu.memref_slice %arg11[%dma_start3A_195, %dma_start3A_202] : memref<16x128xf32, #tpu.memory_space<vmem>> -> memref<1x85xf32, #tpu.memory_space<vmem>>
      %dma_start3A_204 = tpu.memref_squeeze %dma_start3A_203 : memref<1x85xf32, #tpu.memory_space<vmem>> -> memref<85xf32, #tpu.memory_space<vmem>>
      %dma_start3A_205 = arith.constant 0 : i32
      %dma_start3A_206 = tpu.memref_slice %arg2[%squeeze3A_194, %dma_start3A_205] : memref<153600x85xf32, #tpu.memory_space<hbm>> -> memref<1x85xf32, #tpu.memory_space<hbm>>
      %dma_start3A_207 = tpu.memref_squeeze %dma_start3A_206 : memref<1x85xf32, #tpu.memory_space<hbm>> -> memref<85xf32, #tpu.memory_space<hbm>>
      tpu.enqueue_dma source(%dma_start3A_207 : memref<85xf32, #tpu.memory_space<hbm>>) target(%dma_start3A_204 : memref<85xf32, #tpu.memory_space<vmem>>) target_semaphore(%arg13 : memref<!tpu.dma_semaphore, #tpu.memory_space<semaphore_mem>>)
      %slice3A_208 = vector.extract_strided_slice %add3A_90 {offsets = [8], sizes = [1], strides = [1]} : vector<16xi32> to vector<1xi32>
      %squeeze3A_209 = vector.extract %slice3A_208[0] : i32 from vector<1xi32>
      %dma_start3A_210 = arith.constant 8 : i32
      %dma_start3A_211 = arith.constant 0 : i32
      %dma_start3A_212 = tpu.memref_slice %arg11[%dma_start3A_210, %dma_start3A_211] : memref<16x128xf32, #tpu.memory_space<vmem>> -> memref<1x85xf32, #tpu.memory_space<vmem>>
      %dma_start3A_213 = tpu.memref_squeeze %dma_start3A_212 : memref<1x85xf32, #tpu.memory_space<vmem>> -> memref<85xf32, #tpu.memory_space<vmem>>
      %dma_start3A_214 = arith.constant 0 : i32
      %dma_start3A_215 = tpu.memref_slice %arg2[%squeeze3A_209, %dma_start3A_214] : memref<153600x85xf32, #tpu.memory_space<hbm>> -> memref<1x85xf32, #tpu.memory_space<hbm>>
      %dma_start3A_216 = tpu.memref_squeeze %dma_start3A_215 : memref<1x85xf32, #tpu.memory_space<hbm>> -> memref<85xf32, #tpu.memory_space<hbm>>
      %dma_start3A_217 = arith.constant 0 : i32
      %dma_start3A_218 = tpu.memref_slice %arg11[%dma_start3A_210, %dma_start3A_217] : memref<16x128xf32, #tpu.memory_space<vmem>> -> memref<1x85xf32, #tpu.memory_space<vmem>>
      %dma_start3A_219 = tpu.memref_squeeze %dma_start3A_218 : memref<1x85xf32, #tpu.memory_space<vmem>> -> memref<85xf32, #tpu.memory_space<vmem>>
      %dma_start3A_220 = arith.constant 0 : i32
      %dma_start3A_221 = tpu.memref_slice %arg2[%squeeze3A_209, %dma_start3A_220] : memref<153600x85xf32, #tpu.memory_space<hbm>> -> memref<1x85xf32, #tpu.memory_space<hbm>>
      %dma_start3A_222 = tpu.memref_squeeze %dma_start3A_221 : memref<1x85xf32, #tpu.memory_space<hbm>> -> memref<85xf32, #tpu.memory_space<hbm>>
      tpu.enqueue_dma source(%dma_start3A_222 : memref<85xf32, #tpu.memory_space<hbm>>) target(%dma_start3A_219 : memref<85xf32, #tpu.memory_space<vmem>>) target_semaphore(%arg13 : memref<!tpu.dma_semaphore, #tpu.memory_space<semaphore_mem>>)
      %slice3A_223 = vector.extract_strided_slice %add3A_90 {offsets = [9], sizes = [1], strides = [1]} : vector<16xi32> to vector<1xi32>
      %squeeze3A_224 = vector.extract %slice3A_223[0] : i32 from vector<1xi32>
      %dma_start3A_225 = arith.constant 9 : i32
      %dma_start3A_226 = arith.constant 0 : i32
      %dma_start3A_227 = tpu.memref_slice %arg11[%dma_start3A_225, %dma_start3A_226] : memref<16x128xf32, #tpu.memory_space<vmem>> -> memref<1x85xf32, #tpu.memory_space<vmem>>
      %dma_start3A_228 = tpu.memref_squeeze %dma_start3A_227 : memref<1x85xf32, #tpu.memory_space<vmem>> -> memref<85xf32, #tpu.memory_space<vmem>>
      %dma_start3A_229 = arith.constant 0 : i32
      %dma_start3A_230 = tpu.memref_slice %arg2[%squeeze3A_224, %dma_start3A_229] : memref<153600x85xf32, #tpu.memory_space<hbm>> -> memref<1x85xf32, #tpu.memory_space<hbm>>
      %dma_start3A_231 = tpu.memref_squeeze %dma_start3A_230 : memref<1x85xf32, #tpu.memory_space<hbm>> -> memref<85xf32, #tpu.memory_space<hbm>>
      %dma_start3A_232 = arith.constant 0 : i32
      %dma_start3A_233 = tpu.memref_slice %arg11[%dma_start3A_225, %dma_start3A_232] : memref<16x128xf32, #tpu.memory_space<vmem>> -> memref<1x85xf32, #tpu.memory_space<vmem>>
      %dma_start3A_234 = tpu.memref_squeeze %dma_start3A_233 : memref<1x85xf32, #tpu.memory_space<vmem>> -> memref<85xf32, #tpu.memory_space<vmem>>
      %dma_start3A_235 = arith.constant 0 : i32
      %dma_start3A_236 = tpu.memref_slice %arg2[%squeeze3A_224, %dma_start3A_235] : memref<153600x85xf32, #tpu.memory_space<hbm>> -> memref<1x85xf32, #tpu.memory_space<hbm>>
      %dma_start3A_237 = tpu.memref_squeeze %dma_start3A_236 : memref<1x85xf32, #tpu.memory_space<hbm>> -> memref<85xf32, #tpu.memory_space<hbm>>
      tpu.enqueue_dma source(%dma_start3A_237 : memref<85xf32, #tpu.memory_space<hbm>>) target(%dma_start3A_234 : memref<85xf32, #tpu.memory_space<vmem>>) target_semaphore(%arg13 : memref<!tpu.dma_semaphore, #tpu.memory_space<semaphore_mem>>)
      %slice3A_238 = vector.extract_strided_slice %add3A_90 {offsets = [10], sizes = [1], strides = [1]} : vector<16xi32> to vector<1xi32>
      %squeeze3A_239 = vector.extract %slice3A_238[0] : i32 from vector<1xi32>
      %dma_start3A_240 = arith.constant 10 : i32
      %dma_start3A_241 = arith.constant 0 : i32
      %dma_start3A_242 = tpu.memref_slice %arg11[%dma_start3A_240, %dma_start3A_241] : memref<16x128xf32, #tpu.memory_space<vmem>> -> memref<1x85xf32, #tpu.memory_space<vmem>>
      %dma_start3A_243 = tpu.memref_squeeze %dma_start3A_242 : memref<1x85xf32, #tpu.memory_space<vmem>> -> memref<85xf32, #tpu.memory_space<vmem>>
      %dma_start3A_244 = arith.constant 0 : i32
      %dma_start3A_245 = tpu.memref_slice %arg2[%squeeze3A_239, %dma_start3A_244] : memref<153600x85xf32, #tpu.memory_space<hbm>> -> memref<1x85xf32, #tpu.memory_space<hbm>>
      %dma_start3A_246 = tpu.memref_squeeze %dma_start3A_245 : memref<1x85xf32, #tpu.memory_space<hbm>> -> memref<85xf32, #tpu.memory_space<hbm>>
      %dma_start3A_247 = arith.constant 0 : i32
      %dma_start3A_248 = tpu.memref_slice %arg11[%dma_start3A_240, %dma_start3A_247] : memref<16x128xf32, #tpu.memory_space<vmem>> -> memref<1x85xf32, #tpu.memory_space<vmem>>
      %dma_start3A_249 = tpu.memref_squeeze %dma_start3A_248 : memref<1x85xf32, #tpu.memory_space<vmem>> -> memref<85xf32, #tpu.memory_space<vmem>>
      %dma_start3A_250 = arith.constant 0 : i32
      %dma_start3A_251 = tpu.memref_slice %arg2[%squeeze3A_239, %dma_start3A_250] : memref<153600x85xf32, #tpu.memory_space<hbm>> -> memref<1x85xf32, #tpu.memory_space<hbm>>
      %dma_start3A_252 = tpu.memref_squeeze %dma_start3A_251 : memref<1x85xf32, #tpu.memory_space<hbm>> -> memref<85xf32, #tpu.memory_space<hbm>>
      tpu.enqueue_dma source(%dma_start3A_252 : memref<85xf32, #tpu.memory_space<hbm>>) target(%dma_start3A_249 : memref<85xf32, #tpu.memory_space<vmem>>) target_semaphore(%arg13 : memref<!tpu.dma_semaphore, #tpu.memory_space<semaphore_mem>>)
      %slice3A_253 = vector.extract_strided_slice %add3A_90 {offsets = [11], sizes = [1], strides = [1]} : vector<16xi32> to vector<1xi32>
      %squeeze3A_254 = vector.extract %slice3A_253[0] : i32 from vector<1xi32>
      %dma_start3A_255 = arith.constant 11 : i32
      %dma_start3A_256 = arith.constant 0 : i32
      %dma_start3A_257 = tpu.memref_slice %arg11[%dma_start3A_255, %dma_start3A_256] : memref<16x128xf32, #tpu.memory_space<vmem>> -> memref<1x85xf32, #tpu.memory_space<vmem>>
      %dma_start3A_258 = tpu.memref_squeeze %dma_start3A_257 : memref<1x85xf32, #tpu.memory_space<vmem>> -> memref<85xf32, #tpu.memory_space<vmem>>
      %dma_start3A_259 = arith.constant 0 : i32
      %dma_start3A_260 = tpu.memref_slice %arg2[%squeeze3A_254, %dma_start3A_259] : memref<153600x85xf32, #tpu.memory_space<hbm>> -> memref<1x85xf32, #tpu.memory_space<hbm>>
      %dma_start3A_261 = tpu.memref_squeeze %dma_start3A_260 : memref<1x85xf32, #tpu.memory_space<hbm>> -> memref<85xf32, #tpu.memory_space<hbm>>
      %dma_start3A_262 = arith.constant 0 : i32
      %dma_start3A_263 = tpu.memref_slice %arg11[%dma_start3A_255, %dma_start3A_262] : memref<16x128xf32, #tpu.memory_space<vmem>> -> memref<1x85xf32, #tpu.memory_space<vmem>>
      %dma_start3A_264 = tpu.memref_squeeze %dma_start3A_263 : memref<1x85xf32, #tpu.memory_space<vmem>> -> memref<85xf32, #tpu.memory_space<vmem>>
      %dma_start3A_265 = arith.constant 0 : i32
      %dma_start3A_266 = tpu.memref_slice %arg2[%squeeze3A_254, %dma_start3A_265] : memref<153600x85xf32, #tpu.memory_space<hbm>> -> memref<1x85xf32, #tpu.memory_space<hbm>>
      %dma_start3A_267 = tpu.memref_squeeze %dma_start3A_266 : memref<1x85xf32, #tpu.memory_space<hbm>> -> memref<85xf32, #tpu.memory_space<hbm>>
      tpu.enqueue_dma source(%dma_start3A_267 : memref<85xf32, #tpu.memory_space<hbm>>) target(%dma_start3A_264 : memref<85xf32, #tpu.memory_space<vmem>>) target_semaphore(%arg13 : memref<!tpu.dma_semaphore, #tpu.memory_space<semaphore_mem>>)
      %slice3A_268 = vector.extract_strided_slice %add3A_90 {offsets = [12], sizes = [1], strides = [1]} : vector<16xi32> to vector<1xi32>
      %squeeze3A_269 = vector.extract %slice3A_268[0] : i32 from vector<1xi32>
      %dma_start3A_270 = arith.constant 12 : i32
      %dma_start3A_271 = arith.constant 0 : i32
      %dma_start3A_272 = tpu.memref_slice %arg11[%dma_start3A_270, %dma_start3A_271] : memref<16x128xf32, #tpu.memory_space<vmem>> -> memref<1x85xf32, #tpu.memory_space<vmem>>
      %dma_start3A_273 = tpu.memref_squeeze %dma_start3A_272 : memref<1x85xf32, #tpu.memory_space<vmem>> -> memref<85xf32, #tpu.memory_space<vmem>>
      %dma_start3A_274 = arith.constant 0 : i32
      %dma_start3A_275 = tpu.memref_slice %arg2[%squeeze3A_269, %dma_start3A_274] : memref<153600x85xf32, #tpu.memory_space<hbm>> -> memref<1x85xf32, #tpu.memory_space<hbm>>
      %dma_start3A_276 = tpu.memref_squeeze %dma_start3A_275 : memref<1x85xf32, #tpu.memory_space<hbm>> -> memref<85xf32, #tpu.memory_space<hbm>>
      %dma_start3A_277 = arith.constant 0 : i32
      %dma_start3A_278 = tpu.memref_slice %arg11[%dma_start3A_270, %dma_start3A_277] : memref<16x128xf32, #tpu.memory_space<vmem>> -> memref<1x85xf32, #tpu.memory_space<vmem>>
      %dma_start3A_279 = tpu.memref_squeeze %dma_start3A_278 : memref<1x85xf32, #tpu.memory_space<vmem>> -> memref<85xf32, #tpu.memory_space<vmem>>
      %dma_start3A_280 = arith.constant 0 : i32
      %dma_start3A_281 = tpu.memref_slice %arg2[%squeeze3A_269, %dma_start3A_280] : memref<153600x85xf32, #tpu.memory_space<hbm>> -> memref<1x85xf32, #tpu.memory_space<hbm>>
      %dma_start3A_282 = tpu.memref_squeeze %dma_start3A_281 : memref<1x85xf32, #tpu.memory_space<hbm>> -> memref<85xf32, #tpu.memory_space<hbm>>
      tpu.enqueue_dma source(%dma_start3A_282 : memref<85xf32, #tpu.memory_space<hbm>>) target(%dma_start3A_279 : memref<85xf32, #tpu.memory_space<vmem>>) target_semaphore(%arg13 : memref<!tpu.dma_semaphore, #tpu.memory_space<semaphore_mem>>)
      %slice3A_283 = vector.extract_strided_slice %add3A_90 {offsets = [13], sizes = [1], strides = [1]} : vector<16xi32> to vector<1xi32>
      %squeeze3A_284 = vector.extract %slice3A_283[0] : i32 from vector<1xi32>
      %dma_start3A_285 = arith.constant 13 : i32
      %dma_start3A_286 = arith.constant 0 : i32
      %dma_start3A_287 = tpu.memref_slice %arg11[%dma_start3A_285, %dma_start3A_286] : memref<16x128xf32, #tpu.memory_space<vmem>> -> memref<1x85xf32, #tpu.memory_space<vmem>>
      %dma_start3A_288 = tpu.memref_squeeze %dma_start3A_287 : memref<1x85xf32, #tpu.memory_space<vmem>> -> memref<85xf32, #tpu.memory_space<vmem>>
      %dma_start3A_289 = arith.constant 0 : i32
      %dma_start3A_290 = tpu.memref_slice %arg2[%squeeze3A_284, %dma_start3A_289] : memref<153600x85xf32, #tpu.memory_space<hbm>> -> memref<1x85xf32, #tpu.memory_space<hbm>>
      %dma_start3A_291 = tpu.memref_squeeze %dma_start3A_290 : memref<1x85xf32, #tpu.memory_space<hbm>> -> memref<85xf32, #tpu.memory_space<hbm>>
      %dma_start3A_292 = arith.constant 0 : i32
      %dma_start3A_293 = tpu.memref_slice %arg11[%dma_start3A_285, %dma_start3A_292] : memref<16x128xf32, #tpu.memory_space<vmem>> -> memref<1x85xf32, #tpu.memory_space<vmem>>
      %dma_start3A_294 = tpu.memref_squeeze %dma_start3A_293 : memref<1x85xf32, #tpu.memory_space<vmem>> -> memref<85xf32, #tpu.memory_space<vmem>>
      %dma_start3A_295 = arith.constant 0 : i32
      %dma_start3A_296 = tpu.memref_slice %arg2[%squeeze3A_284, %dma_start3A_295] : memref<153600x85xf32, #tpu.memory_space<hbm>> -> memref<1x85xf32, #tpu.memory_space<hbm>>
      %dma_start3A_297 = tpu.memref_squeeze %dma_start3A_296 : memref<1x85xf32, #tpu.memory_space<hbm>> -> memref<85xf32, #tpu.memory_space<hbm>>
      tpu.enqueue_dma source(%dma_start3A_297 : memref<85xf32, #tpu.memory_space<hbm>>) target(%dma_start3A_294 : memref<85xf32, #tpu.memory_space<vmem>>) target_semaphore(%arg13 : memref<!tpu.dma_semaphore, #tpu.memory_space<semaphore_mem>>)
      %slice3A_298 = vector.extract_strided_slice %add3A_90 {offsets = [14], sizes = [1], strides = [1]} : vector<16xi32> to vector<1xi32>
      %squeeze3A_299 = vector.extract %slice3A_298[0] : i32 from vector<1xi32>
      %dma_start3A_300 = arith.constant 14 : i32
      %dma_start3A_301 = arith.constant 0 : i32
      %dma_start3A_302 = tpu.memref_slice %arg11[%dma_start3A_300, %dma_start3A_301] : memref<16x128xf32, #tpu.memory_space<vmem>> -> memref<1x85xf32, #tpu.memory_space<vmem>>
      %dma_start3A_303 = tpu.memref_squeeze %dma_start3A_302 : memref<1x85xf32, #tpu.memory_space<vmem>> -> memref<85xf32, #tpu.memory_space<vmem>>
      %dma_start3A_304 = arith.constant 0 : i32
      %dma_start3A_305 = tpu.memref_slice %arg2[%squeeze3A_299, %dma_start3A_304] : memref<153600x85xf32, #tpu.memory_space<hbm>> -> memref<1x85xf32, #tpu.memory_space<hbm>>
      %dma_start3A_306 = tpu.memref_squeeze %dma_start3A_305 : memref<1x85xf32, #tpu.memory_space<hbm>> -> memref<85xf32, #tpu.memory_space<hbm>>
      %dma_start3A_307 = arith.constant 0 : i32
      %dma_start3A_308 = tpu.memref_slice %arg11[%dma_start3A_300, %dma_start3A_307] : memref<16x128xf32, #tpu.memory_space<vmem>> -> memref<1x85xf32, #tpu.memory_space<vmem>>
      %dma_start3A_309 = tpu.memref_squeeze %dma_start3A_308 : memref<1x85xf32, #tpu.memory_space<vmem>> -> memref<85xf32, #tpu.memory_space<vmem>>
      %dma_start3A_310 = arith.constant 0 : i32
      %dma_start3A_311 = tpu.memref_slice %arg2[%squeeze3A_299, %dma_start3A_310] : memref<153600x85xf32, #tpu.memory_space<hbm>> -> memref<1x85xf32, #tpu.memory_space<hbm>>
      %dma_start3A_312 = tpu.memref_squeeze %dma_start3A_311 : memref<1x85xf32, #tpu.memory_space<hbm>> -> memref<85xf32, #tpu.memory_space<hbm>>
      tpu.enqueue_dma source(%dma_start3A_312 : memref<85xf32, #tpu.memory_space<hbm>>) target(%dma_start3A_309 : memref<85xf32, #tpu.memory_space<vmem>>) target_semaphore(%arg13 : memref<!tpu.dma_semaphore, #tpu.memory_space<semaphore_mem>>)
      %slice3A_313 = vector.extract_strided_slice %add3A_90 {offsets = [15], sizes = [1], strides = [1]} : vector<16xi32> to vector<1xi32>
      %squeeze3A_314 = vector.extract %slice3A_313[0] : i32 from vector<1xi32>
      %dma_start3A_315 = arith.constant 15 : i32
      %dma_start3A_316 = arith.constant 0 : i32
      %dma_start3A_317 = tpu.memref_slice %arg11[%dma_start3A_315, %dma_start3A_316] : memref<16x128xf32, #tpu.memory_space<vmem>> -> memref<1x85xf32, #tpu.memory_space<vmem>>
      %dma_start3A_318 = tpu.memref_squeeze %dma_start3A_317 : memref<1x85xf32, #tpu.memory_space<vmem>> -> memref<85xf32, #tpu.memory_space<vmem>>
      %dma_start3A_319 = arith.constant 0 : i32
      %dma_start3A_320 = tpu.memref_slice %arg2[%squeeze3A_314, %dma_start3A_319] : memref<153600x85xf32, #tpu.memory_space<hbm>> -> memref<1x85xf32, #tpu.memory_space<hbm>>
      %dma_start3A_321 = tpu.memref_squeeze %dma_start3A_320 : memref<1x85xf32, #tpu.memory_space<hbm>> -> memref<85xf32, #tpu.memory_space<hbm>>
      %dma_start3A_322 = arith.constant 0 : i32
      %dma_start3A_323 = tpu.memref_slice %arg11[%dma_start3A_315, %dma_start3A_322] : memref<16x128xf32, #tpu.memory_space<vmem>> -> memref<1x85xf32, #tpu.memory_space<vmem>>
      %dma_start3A_324 = tpu.memref_squeeze %dma_start3A_323 : memref<1x85xf32, #tpu.memory_space<vmem>> -> memref<85xf32, #tpu.memory_space<vmem>>
      %dma_start3A_325 = arith.constant 0 : i32
      %dma_start3A_326 = tpu.memref_slice %arg2[%squeeze3A_314, %dma_start3A_325] : memref<153600x85xf32, #tpu.memory_space<hbm>> -> memref<1x85xf32, #tpu.memory_space<hbm>>
      %dma_start3A_327 = tpu.memref_squeeze %dma_start3A_326 : memref<1x85xf32, #tpu.memory_space<hbm>> -> memref<85xf32, #tpu.memory_space<hbm>>
      tpu.enqueue_dma source(%dma_start3A_327 : memref<85xf32, #tpu.memory_space<hbm>>) target(%dma_start3A_324 : memref<85xf32, #tpu.memory_space<vmem>>) target_semaphore(%arg13 : memref<!tpu.dma_semaphore, #tpu.memory_space<semaphore_mem>>)
      %dma_wait3A = arith.constant 0 : i32
      %dma_wait3A_328 = arith.constant 0 : i32
      %dma_wait3A_329 = tpu.memref_slice %arg11[%dma_wait3A, %dma_wait3A_328] : memref<16x128xf32, #tpu.memory_space<vmem>> -> memref<1x85xf32, #tpu.memory_space<vmem>>
      %dma_wait3A_330 = tpu.memref_squeeze %dma_wait3A_329 : memref<1x85xf32, #tpu.memory_space<vmem>> -> memref<85xf32, #tpu.memory_space<vmem>>
      %dma_wait3A_331 = arith.constant 0 : i32
      %dma_wait3A_332 = tpu.memref_slice %arg2[%squeeze3A, %dma_wait3A_331] : memref<153600x85xf32, #tpu.memory_space<hbm>> -> memref<1x85xf32, #tpu.memory_space<hbm>>
      %dma_wait3A_333 = tpu.memref_squeeze %dma_wait3A_332 : memref<1x85xf32, #tpu.memory_space<hbm>> -> memref<85xf32, #tpu.memory_space<hbm>>
      %dma_wait3A_334 = arith.constant 0 : i32
      %dma_wait3A_335 = tpu.memref_slice %arg11[%dma_wait3A, %dma_wait3A_334] : memref<16x128xf32, #tpu.memory_space<vmem>> -> memref<1x85xf32, #tpu.memory_space<vmem>>
      %dma_wait3A_336 = tpu.memref_squeeze %dma_wait3A_335 : memref<1x85xf32, #tpu.memory_space<vmem>> -> memref<85xf32, #tpu.memory_space<vmem>>
      %dma_wait3A_337 = arith.constant 0 : i32
      %dma_wait3A_338 = tpu.memref_slice %arg2[%squeeze3A, %dma_wait3A_337] : memref<153600x85xf32, #tpu.memory_space<hbm>> -> memref<1x85xf32, #tpu.memory_space<hbm>>
      %dma_wait3A_339 = tpu.memref_squeeze %dma_wait3A_338 : memref<1x85xf32, #tpu.memory_space<hbm>> -> memref<85xf32, #tpu.memory_space<hbm>>
      tpu.wait_dma2 semaphore(%arg13 : memref<!tpu.dma_semaphore, #tpu.memory_space<semaphore_mem>>) src(%dma_wait3A_339 : memref<85xf32, #tpu.memory_space<hbm>>) dst(%dma_wait3A_336 : memref<85xf32, #tpu.memory_space<vmem>>)
      %dma_wait3A_340 = arith.constant 1 : i32
      %dma_wait3A_341 = arith.constant 0 : i32
      %dma_wait3A_342 = tpu.memref_slice %arg11[%dma_wait3A_340, %dma_wait3A_341] : memref<16x128xf32, #tpu.memory_space<vmem>> -> memref<1x85xf32, #tpu.memory_space<vmem>>
      %dma_wait3A_343 = tpu.memref_squeeze %dma_wait3A_342 : memref<1x85xf32, #tpu.memory_space<vmem>> -> memref<85xf32, #tpu.memory_space<vmem>>
      %dma_wait3A_344 = arith.constant 0 : i32
      %dma_wait3A_345 = tpu.memref_slice %arg2[%squeeze3A_104, %dma_wait3A_344] : memref<153600x85xf32, #tpu.memory_space<hbm>> -> memref<1x85xf32, #tpu.memory_space<hbm>>
      %dma_wait3A_346 = tpu.memref_squeeze %dma_wait3A_345 : memref<1x85xf32, #tpu.memory_space<hbm>> -> memref<85xf32, #tpu.memory_space<hbm>>
      %dma_wait3A_347 = arith.constant 0 : i32
      %dma_wait3A_348 = tpu.memref_slice %arg11[%dma_wait3A_340, %dma_wait3A_347] : memref<16x128xf32, #tpu.memory_space<vmem>> -> memref<1x85xf32, #tpu.memory_space<vmem>>
      %dma_wait3A_349 = tpu.memref_squeeze %dma_wait3A_348 : memref<1x85xf32, #tpu.memory_space<vmem>> -> memref<85xf32, #tpu.memory_space<vmem>>
      %dma_wait3A_350 = arith.constant 0 : i32
      %dma_wait3A_351 = tpu.memref_slice %arg2[%squeeze3A_104, %dma_wait3A_350] : memref<153600x85xf32, #tpu.memory_space<hbm>> -> memref<1x85xf32, #tpu.memory_space<hbm>>
      %dma_wait3A_352 = tpu.memref_squeeze %dma_wait3A_351 : memref<1x85xf32, #tpu.memory_space<hbm>> -> memref<85xf32, #tpu.memory_space<hbm>>
      tpu.wait_dma2 semaphore(%arg13 : memref<!tpu.dma_semaphore, #tpu.memory_space<semaphore_mem>>) src(%dma_wait3A_352 : memref<85xf32, #tpu.memory_space<hbm>>) dst(%dma_wait3A_349 : memref<85xf32, #tpu.memory_space<vmem>>)
      %dma_wait3A_353 = arith.constant 2 : i32
      %dma_wait3A_354 = arith.constant 0 : i32
      %dma_wait3A_355 = tpu.memref_slice %arg11[%dma_wait3A_353, %dma_wait3A_354] : memref<16x128xf32, #tpu.memory_space<vmem>> -> memref<1x85xf32, #tpu.memory_space<vmem>>
      %dma_wait3A_356 = tpu.memref_squeeze %dma_wait3A_355 : memref<1x85xf32, #tpu.memory_space<vmem>> -> memref<85xf32, #tpu.memory_space<vmem>>
      %dma_wait3A_357 = arith.constant 0 : i32
      %dma_wait3A_358 = tpu.memref_slice %arg2[%squeeze3A_119, %dma_wait3A_357] : memref<153600x85xf32, #tpu.memory_space<hbm>> -> memref<1x85xf32, #tpu.memory_space<hbm>>
      %dma_wait3A_359 = tpu.memref_squeeze %dma_wait3A_358 : memref<1x85xf32, #tpu.memory_space<hbm>> -> memref<85xf32, #tpu.memory_space<hbm>>
      %dma_wait3A_360 = arith.constant 0 : i32
      %dma_wait3A_361 = tpu.memref_slice %arg11[%dma_wait3A_353, %dma_wait3A_360] : memref<16x128xf32, #tpu.memory_space<vmem>> -> memref<1x85xf32, #tpu.memory_space<vmem>>
      %dma_wait3A_362 = tpu.memref_squeeze %dma_wait3A_361 : memref<1x85xf32, #tpu.memory_space<vmem>> -> memref<85xf32, #tpu.memory_space<vmem>>
      %dma_wait3A_363 = arith.constant 0 : i32
      %dma_wait3A_364 = tpu.memref_slice %arg2[%squeeze3A_119, %dma_wait3A_363] : memref<153600x85xf32, #tpu.memory_space<hbm>> -> memref<1x85xf32, #tpu.memory_space<hbm>>
      %dma_wait3A_365 = tpu.memref_squeeze %dma_wait3A_364 : memref<1x85xf32, #tpu.memory_space<hbm>> -> memref<85xf32, #tpu.memory_space<hbm>>
      tpu.wait_dma2 semaphore(%arg13 : memref<!tpu.dma_semaphore, #tpu.memory_space<semaphore_mem>>) src(%dma_wait3A_365 : memref<85xf32, #tpu.memory_space<hbm>>) dst(%dma_wait3A_362 : memref<85xf32, #tpu.memory_space<vmem>>)
      %dma_wait3A_366 = arith.constant 3 : i32
      %dma_wait3A_367 = arith.constant 0 : i32
      %dma_wait3A_368 = tpu.memref_slice %arg11[%dma_wait3A_366, %dma_wait3A_367] : memref<16x128xf32, #tpu.memory_space<vmem>> -> memref<1x85xf32, #tpu.memory_space<vmem>>
      %dma_wait3A_369 = tpu.memref_squeeze %dma_wait3A_368 : memref<1x85xf32, #tpu.memory_space<vmem>> -> memref<85xf32, #tpu.memory_space<vmem>>
      %dma_wait3A_370 = arith.constant 0 : i32
      %dma_wait3A_371 = tpu.memref_slice %arg2[%squeeze3A_134, %dma_wait3A_370] : memref<153600x85xf32, #tpu.memory_space<hbm>> -> memref<1x85xf32, #tpu.memory_space<hbm>>
      %dma_wait3A_372 = tpu.memref_squeeze %dma_wait3A_371 : memref<1x85xf32, #tpu.memory_space<hbm>> -> memref<85xf32, #tpu.memory_space<hbm>>
      %dma_wait3A_373 = arith.constant 0 : i32
      %dma_wait3A_374 = tpu.memref_slice %arg11[%dma_wait3A_366, %dma_wait3A_373] : memref<16x128xf32, #tpu.memory_space<vmem>> -> memref<1x85xf32, #tpu.memory_space<vmem>>
      %dma_wait3A_375 = tpu.memref_squeeze %dma_wait3A_374 : memref<1x85xf32, #tpu.memory_space<vmem>> -> memref<85xf32, #tpu.memory_space<vmem>>
      %dma_wait3A_376 = arith.constant 0 : i32
      %dma_wait3A_377 = tpu.memref_slice %arg2[%squeeze3A_134, %dma_wait3A_376] : memref<153600x85xf32, #tpu.memory_space<hbm>> -> memref<1x85xf32, #tpu.memory_space<hbm>>
      %dma_wait3A_378 = tpu.memref_squeeze %dma_wait3A_377 : memref<1x85xf32, #tpu.memory_space<hbm>> -> memref<85xf32, #tpu.memory_space<hbm>>
      tpu.wait_dma2 semaphore(%arg13 : memref<!tpu.dma_semaphore, #tpu.memory_space<semaphore_mem>>) src(%dma_wait3A_378 : memref<85xf32, #tpu.memory_space<hbm>>) dst(%dma_wait3A_375 : memref<85xf32, #tpu.memory_space<vmem>>)
      %dma_wait3A_379 = arith.constant 4 : i32
      %dma_wait3A_380 = arith.constant 0 : i32
      %dma_wait3A_381 = tpu.memref_slice %arg11[%dma_wait3A_379, %dma_wait3A_380] : memref<16x128xf32, #tpu.memory_space<vmem>> -> memref<1x85xf32, #tpu.memory_space<vmem>>
      %dma_wait3A_382 = tpu.memref_squeeze %dma_wait3A_381 : memref<1x85xf32, #tpu.memory_space<vmem>> -> memref<85xf32, #tpu.memory_space<vmem>>
      %dma_wait3A_383 = arith.constant 0 : i32
      %dma_wait3A_384 = tpu.memref_slice %arg2[%squeeze3A_149, %dma_wait3A_383] : memref<153600x85xf32, #tpu.memory_space<hbm>> -> memref<1x85xf32, #tpu.memory_space<hbm>>
      %dma_wait3A_385 = tpu.memref_squeeze %dma_wait3A_384 : memref<1x85xf32, #tpu.memory_space<hbm>> -> memref<85xf32, #tpu.memory_space<hbm>>
      %dma_wait3A_386 = arith.constant 0 : i32
      %dma_wait3A_387 = tpu.memref_slice %arg11[%dma_wait3A_379, %dma_wait3A_386] : memref<16x128xf32, #tpu.memory_space<vmem>> -> memref<1x85xf32, #tpu.memory_space<vmem>>
      %dma_wait3A_388 = tpu.memref_squeeze %dma_wait3A_387 : memref<1x85xf32, #tpu.memory_space<vmem>> -> memref<85xf32, #tpu.memory_space<vmem>>
      %dma_wait3A_389 = arith.constant 0 : i32
      %dma_wait3A_390 = tpu.memref_slice %arg2[%squeeze3A_149, %dma_wait3A_389] : memref<153600x85xf32, #tpu.memory_space<hbm>> -> memref<1x85xf32, #tpu.memory_space<hbm>>
      %dma_wait3A_391 = tpu.memref_squeeze %dma_wait3A_390 : memref<1x85xf32, #tpu.memory_space<hbm>> -> memref<85xf32, #tpu.memory_space<hbm>>
      tpu.wait_dma2 semaphore(%arg13 : memref<!tpu.dma_semaphore, #tpu.memory_space<semaphore_mem>>) src(%dma_wait3A_391 : memref<85xf32, #tpu.memory_space<hbm>>) dst(%dma_wait3A_388 : memref<85xf32, #tpu.memory_space<vmem>>)
      %dma_wait3A_392 = arith.constant 5 : i32
      %dma_wait3A_393 = arith.constant 0 : i32
      %dma_wait3A_394 = tpu.memref_slice %arg11[%dma_wait3A_392, %dma_wait3A_393] : memref<16x128xf32, #tpu.memory_space<vmem>> -> memref<1x85xf32, #tpu.memory_space<vmem>>
      %dma_wait3A_395 = tpu.memref_squeeze %dma_wait3A_394 : memref<1x85xf32, #tpu.memory_space<vmem>> -> memref<85xf32, #tpu.memory_space<vmem>>
      %dma_wait3A_396 = arith.constant 0 : i32
      %dma_wait3A_397 = tpu.memref_slice %arg2[%squeeze3A_164, %dma_wait3A_396] : memref<153600x85xf32, #tpu.memory_space<hbm>> -> memref<1x85xf32, #tpu.memory_space<hbm>>
      %dma_wait3A_398 = tpu.memref_squeeze %dma_wait3A_397 : memref<1x85xf32, #tpu.memory_space<hbm>> -> memref<85xf32, #tpu.memory_space<hbm>>
      %dma_wait3A_399 = arith.constant 0 : i32
      %dma_wait3A_400 = tpu.memref_slice %arg11[%dma_wait3A_392, %dma_wait3A_399] : memref<16x128xf32, #tpu.memory_space<vmem>> -> memref<1x85xf32, #tpu.memory_space<vmem>>
      %dma_wait3A_401 = tpu.memref_squeeze %dma_wait3A_400 : memref<1x85xf32, #tpu.memory_space<vmem>> -> memref<85xf32, #tpu.memory_space<vmem>>
      %dma_wait3A_402 = arith.constant 0 : i32
      %dma_wait3A_403 = tpu.memref_slice %arg2[%squeeze3A_164, %dma_wait3A_402] : memref<153600x85xf32, #tpu.memory_space<hbm>> -> memref<1x85xf32, #tpu.memory_space<hbm>>
      %dma_wait3A_404 = tpu.memref_squeeze %dma_wait3A_403 : memref<1x85xf32, #tpu.memory_space<hbm>> -> memref<85xf32, #tpu.memory_space<hbm>>
      tpu.wait_dma2 semaphore(%arg13 : memref<!tpu.dma_semaphore, #tpu.memory_space<semaphore_mem>>) src(%dma_wait3A_404 : memref<85xf32, #tpu.memory_space<hbm>>) dst(%dma_wait3A_401 : memref<85xf32, #tpu.memory_space<vmem>>)
      %dma_wait3A_405 = arith.constant 6 : i32
      %dma_wait3A_406 = arith.constant 0 : i32
      %dma_wait3A_407 = tpu.memref_slice %arg11[%dma_wait3A_405, %dma_wait3A_406] : memref<16x128xf32, #tpu.memory_space<vmem>> -> memref<1x85xf32, #tpu.memory_space<vmem>>
      %dma_wait3A_408 = tpu.memref_squeeze %dma_wait3A_407 : memref<1x85xf32, #tpu.memory_space<vmem>> -> memref<85xf32, #tpu.memory_space<vmem>>
      %dma_wait3A_409 = arith.constant 0 : i32
      %dma_wait3A_410 = tpu.memref_slice %arg2[%squeeze3A_179, %dma_wait3A_409] : memref<153600x85xf32, #tpu.memory_space<hbm>> -> memref<1x85xf32, #tpu.memory_space<hbm>>
      %dma_wait3A_411 = tpu.memref_squeeze %dma_wait3A_410 : memref<1x85xf32, #tpu.memory_space<hbm>> -> memref<85xf32, #tpu.memory_space<hbm>>
      %dma_wait3A_412 = arith.constant 0 : i32
      %dma_wait3A_413 = tpu.memref_slice %arg11[%dma_wait3A_405, %dma_wait3A_412] : memref<16x128xf32, #tpu.memory_space<vmem>> -> memref<1x85xf32, #tpu.memory_space<vmem>>
      %dma_wait3A_414 = tpu.memref_squeeze %dma_wait3A_413 : memref<1x85xf32, #tpu.memory_space<vmem>> -> memref<85xf32, #tpu.memory_space<vmem>>
      %dma_wait3A_415 = arith.constant 0 : i32
      %dma_wait3A_416 = tpu.memref_slice %arg2[%squeeze3A_179, %dma_wait3A_415] : memref<153600x85xf32, #tpu.memory_space<hbm>> -> memref<1x85xf32, #tpu.memory_space<hbm>>
      %dma_wait3A_417 = tpu.memref_squeeze %dma_wait3A_416 : memref<1x85xf32, #tpu.memory_space<hbm>> -> memref<85xf32, #tpu.memory_space<hbm>>
      tpu.wait_dma2 semaphore(%arg13 : memref<!tpu.dma_semaphore, #tpu.memory_space<semaphore_mem>>) src(%dma_wait3A_417 : memref<85xf32, #tpu.memory_space<hbm>>) dst(%dma_wait3A_414 : memref<85xf32, #tpu.memory_space<vmem>>)
      %dma_wait3A_418 = arith.constant 7 : i32
      %dma_wait3A_419 = arith.constant 0 : i32
      %dma_wait3A_420 = tpu.memref_slice %arg11[%dma_wait3A_418, %dma_wait3A_419] : memref<16x128xf32, #tpu.memory_space<vmem>> -> memref<1x85xf32, #tpu.memory_space<vmem>>
      %dma_wait3A_421 = tpu.memref_squeeze %dma_wait3A_420 : memref<1x85xf32, #tpu.memory_space<vmem>> -> memref<85xf32, #tpu.memory_space<vmem>>
      %dma_wait3A_422 = arith.constant 0 : i32
      %dma_wait3A_423 = tpu.memref_slice %arg2[%squeeze3A_194, %dma_wait3A_422] : memref<153600x85xf32, #tpu.memory_space<hbm>> -> memref<1x85xf32, #tpu.memory_space<hbm>>
      %dma_wait3A_424 = tpu.memref_squeeze %dma_wait3A_423 : memref<1x85xf32, #tpu.memory_space<hbm>> -> memref<85xf32, #tpu.memory_space<hbm>>
      %dma_wait3A_425 = arith.constant 0 : i32
      %dma_wait3A_426 = tpu.memref_slice %arg11[%dma_wait3A_418, %dma_wait3A_425] : memref<16x128xf32, #tpu.memory_space<vmem>> -> memref<1x85xf32, #tpu.memory_space<vmem>>
      %dma_wait3A_427 = tpu.memref_squeeze %dma_wait3A_426 : memref<1x85xf32, #tpu.memory_space<vmem>> -> memref<85xf32, #tpu.memory_space<vmem>>
      %dma_wait3A_428 = arith.constant 0 : i32
      %dma_wait3A_429 = tpu.memref_slice %arg2[%squeeze3A_194, %dma_wait3A_428] : memref<153600x85xf32, #tpu.memory_space<hbm>> -> memref<1x85xf32, #tpu.memory_space<hbm>>
      %dma_wait3A_430 = tpu.memref_squeeze %dma_wait3A_429 : memref<1x85xf32, #tpu.memory_space<hbm>> -> memref<85xf32, #tpu.memory_space<hbm>>
      tpu.wait_dma2 semaphore(%arg13 : memref<!tpu.dma_semaphore, #tpu.memory_space<semaphore_mem>>) src(%dma_wait3A_430 : memref<85xf32, #tpu.memory_space<hbm>>) dst(%dma_wait3A_427 : memref<85xf32, #tpu.memory_space<vmem>>)
      %dma_wait3A_431 = arith.constant 8 : i32
      %dma_wait3A_432 = arith.constant 0 : i32
      %dma_wait3A_433 = tpu.memref_slice %arg11[%dma_wait3A_431, %dma_wait3A_432] : memref<16x128xf32, #tpu.memory_space<vmem>> -> memref<1x85xf32, #tpu.memory_space<vmem>>
      %dma_wait3A_434 = tpu.memref_squeeze %dma_wait3A_433 : memref<1x85xf32, #tpu.memory_space<vmem>> -> memref<85xf32, #tpu.memory_space<vmem>>
      %dma_wait3A_435 = arith.constant 0 : i32
      %dma_wait3A_436 = tpu.memref_slice %arg2[%squeeze3A_209, %dma_wait3A_435] : memref<153600x85xf32, #tpu.memory_space<hbm>> -> memref<1x85xf32, #tpu.memory_space<hbm>>
      %dma_wait3A_437 = tpu.memref_squeeze %dma_wait3A_436 : memref<1x85xf32, #tpu.memory_space<hbm>> -> memref<85xf32, #tpu.memory_space<hbm>>
      %dma_wait3A_438 = arith.constant 0 : i32
      %dma_wait3A_439 = tpu.memref_slice %arg11[%dma_wait3A_431, %dma_wait3A_438] : memref<16x128xf32, #tpu.memory_space<vmem>> -> memref<1x85xf32, #tpu.memory_space<vmem>>
      %dma_wait3A_440 = tpu.memref_squeeze %dma_wait3A_439 : memref<1x85xf32, #tpu.memory_space<vmem>> -> memref<85xf32, #tpu.memory_space<vmem>>
      %dma_wait3A_441 = arith.constant 0 : i32
      %dma_wait3A_442 = tpu.memref_slice %arg2[%squeeze3A_209, %dma_wait3A_441] : memref<153600x85xf32, #tpu.memory_space<hbm>> -> memref<1x85xf32, #tpu.memory_space<hbm>>
      %dma_wait3A_443 = tpu.memref_squeeze %dma_wait3A_442 : memref<1x85xf32, #tpu.memory_space<hbm>> -> memref<85xf32, #tpu.memory_space<hbm>>
      tpu.wait_dma2 semaphore(%arg13 : memref<!tpu.dma_semaphore, #tpu.memory_space<semaphore_mem>>) src(%dma_wait3A_443 : memref<85xf32, #tpu.memory_space<hbm>>) dst(%dma_wait3A_440 : memref<85xf32, #tpu.memory_space<vmem>>)
      %dma_wait3A_444 = arith.constant 9 : i32
      %dma_wait3A_445 = arith.constant 0 : i32
      %dma_wait3A_446 = tpu.memref_slice %arg11[%dma_wait3A_444, %dma_wait3A_445] : memref<16x128xf32, #tpu.memory_space<vmem>> -> memref<1x85xf32, #tpu.memory_space<vmem>>
      %dma_wait3A_447 = tpu.memref_squeeze %dma_wait3A_446 : memref<1x85xf32, #tpu.memory_space<vmem>> -> memref<85xf32, #tpu.memory_space<vmem>>
      %dma_wait3A_448 = arith.constant 0 : i32
      %dma_wait3A_449 = tpu.memref_slice %arg2[%squeeze3A_224, %dma_wait3A_448] : memref<153600x85xf32, #tpu.memory_space<hbm>> -> memref<1x85xf32, #tpu.memory_space<hbm>>
      %dma_wait3A_450 = tpu.memref_squeeze %dma_wait3A_449 : memref<1x85xf32, #tpu.memory_space<hbm>> -> memref<85xf32, #tpu.memory_space<hbm>>
      %dma_wait3A_451 = arith.constant 0 : i32
      %dma_wait3A_452 = tpu.memref_slice %arg11[%dma_wait3A_444, %dma_wait3A_451] : memref<16x128xf32, #tpu.memory_space<vmem>> -> memref<1x85xf32, #tpu.memory_space<vmem>>
      %dma_wait3A_453 = tpu.memref_squeeze %dma_wait3A_452 : memref<1x85xf32, #tpu.memory_space<vmem>> -> memref<85xf32, #tpu.memory_space<vmem>>
      %dma_wait3A_454 = arith.constant 0 : i32
      %dma_wait3A_455 = tpu.memref_slice %arg2[%squeeze3A_224, %dma_wait3A_454] : memref<153600x85xf32, #tpu.memory_space<hbm>> -> memref<1x85xf32, #tpu.memory_space<hbm>>
      %dma_wait3A_456 = tpu.memref_squeeze %dma_wait3A_455 : memref<1x85xf32, #tpu.memory_space<hbm>> -> memref<85xf32, #tpu.memory_space<hbm>>
      tpu.wait_dma2 semaphore(%arg13 : memref<!tpu.dma_semaphore, #tpu.memory_space<semaphore_mem>>) src(%dma_wait3A_456 : memref<85xf32, #tpu.memory_space<hbm>>) dst(%dma_wait3A_453 : memref<85xf32, #tpu.memory_space<vmem>>)
      %dma_wait3A_457 = arith.constant 10 : i32
      %dma_wait3A_458 = arith.constant 0 : i32
      %dma_wait3A_459 = tpu.memref_slice %arg11[%dma_wait3A_457, %dma_wait3A_458] : memref<16x128xf32, #tpu.memory_space<vmem>> -> memref<1x85xf32, #tpu.memory_space<vmem>>
      %dma_wait3A_460 = tpu.memref_squeeze %dma_wait3A_459 : memref<1x85xf32, #tpu.memory_space<vmem>> -> memref<85xf32, #tpu.memory_space<vmem>>
      %dma_wait3A_461 = arith.constant 0 : i32
      %dma_wait3A_462 = tpu.memref_slice %arg2[%squeeze3A_239, %dma_wait3A_461] : memref<153600x85xf32, #tpu.memory_space<hbm>> -> memref<1x85xf32, #tpu.memory_space<hbm>>
      %dma_wait3A_463 = tpu.memref_squeeze %dma_wait3A_462 : memref<1x85xf32, #tpu.memory_space<hbm>> -> memref<85xf32, #tpu.memory_space<hbm>>
      %dma_wait3A_464 = arith.constant 0 : i32
      %dma_wait3A_465 = tpu.memref_slice %arg11[%dma_wait3A_457, %dma_wait3A_464] : memref<16x128xf32, #tpu.memory_space<vmem>> -> memref<1x85xf32, #tpu.memory_space<vmem>>
      %dma_wait3A_466 = tpu.memref_squeeze %dma_wait3A_465 : memref<1x85xf32, #tpu.memory_space<vmem>> -> memref<85xf32, #tpu.memory_space<vmem>>
      %dma_wait3A_467 = arith.constant 0 : i32
      %dma_wait3A_468 = tpu.memref_slice %arg2[%squeeze3A_239, %dma_wait3A_467] : memref<153600x85xf32, #tpu.memory_space<hbm>> -> memref<1x85xf32, #tpu.memory_space<hbm>>
      %dma_wait3A_469 = tpu.memref_squeeze %dma_wait3A_468 : memref<1x85xf32, #tpu.memory_space<hbm>> -> memref<85xf32, #tpu.memory_space<hbm>>
      tpu.wait_dma2 semaphore(%arg13 : memref<!tpu.dma_semaphore, #tpu.memory_space<semaphore_mem>>) src(%dma_wait3A_469 : memref<85xf32, #tpu.memory_space<hbm>>) dst(%dma_wait3A_466 : memref<85xf32, #tpu.memory_space<vmem>>)
      %dma_wait3A_470 = arith.constant 11 : i32
      %dma_wait3A_471 = arith.constant 0 : i32
      %dma_wait3A_472 = tpu.memref_slice %arg11[%dma_wait3A_470, %dma_wait3A_471] : memref<16x128xf32, #tpu.memory_space<vmem>> -> memref<1x85xf32, #tpu.memory_space<vmem>>
      %dma_wait3A_473 = tpu.memref_squeeze %dma_wait3A_472 : memref<1x85xf32, #tpu.memory_space<vmem>> -> memref<85xf32, #tpu.memory_space<vmem>>
      %dma_wait3A_474 = arith.constant 0 : i32
      %dma_wait3A_475 = tpu.memref_slice %arg2[%squeeze3A_254, %dma_wait3A_474] : memref<153600x85xf32, #tpu.memory_space<hbm>> -> memref<1x85xf32, #tpu.memory_space<hbm>>
      %dma_wait3A_476 = tpu.memref_squeeze %dma_wait3A_475 : memref<1x85xf32, #tpu.memory_space<hbm>> -> memref<85xf32, #tpu.memory_space<hbm>>
      %dma_wait3A_477 = arith.constant 0 : i32
      %dma_wait3A_478 = tpu.memref_slice %arg11[%dma_wait3A_470, %dma_wait3A_477] : memref<16x128xf32, #tpu.memory_space<vmem>> -> memref<1x85xf32, #tpu.memory_space<vmem>>
      %dma_wait3A_479 = tpu.memref_squeeze %dma_wait3A_478 : memref<1x85xf32, #tpu.memory_space<vmem>> -> memref<85xf32, #tpu.memory_space<vmem>>
      %dma_wait3A_480 = arith.constant 0 : i32
      %dma_wait3A_481 = tpu.memref_slice %arg2[%squeeze3A_254, %dma_wait3A_480] : memref<153600x85xf32, #tpu.memory_space<hbm>> -> memref<1x85xf32, #tpu.memory_space<hbm>>
      %dma_wait3A_482 = tpu.memref_squeeze %dma_wait3A_481 : memref<1x85xf32, #tpu.memory_space<hbm>> -> memref<85xf32, #tpu.memory_space<hbm>>
      tpu.wait_dma2 semaphore(%arg13 : memref<!tpu.dma_semaphore, #tpu.memory_space<semaphore_mem>>) src(%dma_wait3A_482 : memref<85xf32, #tpu.memory_space<hbm>>) dst(%dma_wait3A_479 : memref<85xf32, #tpu.memory_space<vmem>>)
      %dma_wait3A_483 = arith.constant 12 : i32
      %dma_wait3A_484 = arith.constant 0 : i32
      %dma_wait3A_485 = tpu.memref_slice %arg11[%dma_wait3A_483, %dma_wait3A_484] : memref<16x128xf32, #tpu.memory_space<vmem>> -> memref<1x85xf32, #tpu.memory_space<vmem>>
      %dma_wait3A_486 = tpu.memref_squeeze %dma_wait3A_485 : memref<1x85xf32, #tpu.memory_space<vmem>> -> memref<85xf32, #tpu.memory_space<vmem>>
      %dma_wait3A_487 = arith.constant 0 : i32
      %dma_wait3A_488 = tpu.memref_slice %arg2[%squeeze3A_269, %dma_wait3A_487] : memref<153600x85xf32, #tpu.memory_space<hbm>> -> memref<1x85xf32, #tpu.memory_space<hbm>>
      %dma_wait3A_489 = tpu.memref_squeeze %dma_wait3A_488 : memref<1x85xf32, #tpu.memory_space<hbm>> -> memref<85xf32, #tpu.memory_space<hbm>>
      %dma_wait3A_490 = arith.constant 0 : i32
      %dma_wait3A_491 = tpu.memref_slice %arg11[%dma_wait3A_483, %dma_wait3A_490] : memref<16x128xf32, #tpu.memory_space<vmem>> -> memref<1x85xf32, #tpu.memory_space<vmem>>
      %dma_wait3A_492 = tpu.memref_squeeze %dma_wait3A_491 : memref<1x85xf32, #tpu.memory_space<vmem>> -> memref<85xf32, #tpu.memory_space<vmem>>
      %dma_wait3A_493 = arith.constant 0 : i32
      %dma_wait3A_494 = tpu.memref_slice %arg2[%squeeze3A_269, %dma_wait3A_493] : memref<153600x85xf32, #tpu.memory_space<hbm>> -> memref<1x85xf32, #tpu.memory_space<hbm>>
      %dma_wait3A_495 = tpu.memref_squeeze %dma_wait3A_494 : memref<1x85xf32, #tpu.memory_space<hbm>> -> memref<85xf32, #tpu.memory_space<hbm>>
      tpu.wait_dma2 semaphore(%arg13 : memref<!tpu.dma_semaphore, #tpu.memory_space<semaphore_mem>>) src(%dma_wait3A_495 : memref<85xf32, #tpu.memory_space<hbm>>) dst(%dma_wait3A_492 : memref<85xf32, #tpu.memory_space<vmem>>)
      %dma_wait3A_496 = arith.constant 13 : i32
      %dma_wait3A_497 = arith.constant 0 : i32
      %dma_wait3A_498 = tpu.memref_slice %arg11[%dma_wait3A_496, %dma_wait3A_497] : memref<16x128xf32, #tpu.memory_space<vmem>> -> memref<1x85xf32, #tpu.memory_space<vmem>>
      %dma_wait3A_499 = tpu.memref_squeeze %dma_wait3A_498 : memref<1x85xf32, #tpu.memory_space<vmem>> -> memref<85xf32, #tpu.memory_space<vmem>>
      %dma_wait3A_500 = arith.constant 0 : i32
      %dma_wait3A_501 = tpu.memref_slice %arg2[%squeeze3A_284, %dma_wait3A_500] : memref<153600x85xf32, #tpu.memory_space<hbm>> -> memref<1x85xf32, #tpu.memory_space<hbm>>
      %dma_wait3A_502 = tpu.memref_squeeze %dma_wait3A_501 : memref<1x85xf32, #tpu.memory_space<hbm>> -> memref<85xf32, #tpu.memory_space<hbm>>
      %dma_wait3A_503 = arith.constant 0 : i32
      %dma_wait3A_504 = tpu.memref_slice %arg11[%dma_wait3A_496, %dma_wait3A_503] : memref<16x128xf32, #tpu.memory_space<vmem>> -> memref<1x85xf32, #tpu.memory_space<vmem>>
      %dma_wait3A_505 = tpu.memref_squeeze %dma_wait3A_504 : memref<1x85xf32, #tpu.memory_space<vmem>> -> memref<85xf32, #tpu.memory_space<vmem>>
      %dma_wait3A_506 = arith.constant 0 : i32
      %dma_wait3A_507 = tpu.memref_slice %arg2[%squeeze3A_284, %dma_wait3A_506] : memref<153600x85xf32, #tpu.memory_space<hbm>> -> memref<1x85xf32, #tpu.memory_space<hbm>>
      %dma_wait3A_508 = tpu.memref_squeeze %dma_wait3A_507 : memref<1x85xf32, #tpu.memory_space<hbm>> -> memref<85xf32, #tpu.memory_space<hbm>>
      tpu.wait_dma2 semaphore(%arg13 : memref<!tpu.dma_semaphore, #tpu.memory_space<semaphore_mem>>) src(%dma_wait3A_508 : memref<85xf32, #tpu.memory_space<hbm>>) dst(%dma_wait3A_505 : memref<85xf32, #tpu.memory_space<vmem>>)
      %dma_wait3A_509 = arith.constant 14 : i32
      %dma_wait3A_510 = arith.constant 0 : i32
      %dma_wait3A_511 = tpu.memref_slice %arg11[%dma_wait3A_509, %dma_wait3A_510] : memref<16x128xf32, #tpu.memory_space<vmem>> -> memref<1x85xf32, #tpu.memory_space<vmem>>
      %dma_wait3A_512 = tpu.memref_squeeze %dma_wait3A_511 : memref<1x85xf32, #tpu.memory_space<vmem>> -> memref<85xf32, #tpu.memory_space<vmem>>
      %dma_wait3A_513 = arith.constant 0 : i32
      %dma_wait3A_514 = tpu.memref_slice %arg2[%squeeze3A_299, %dma_wait3A_513] : memref<153600x85xf32, #tpu.memory_space<hbm>> -> memref<1x85xf32, #tpu.memory_space<hbm>>
      %dma_wait3A_515 = tpu.memref_squeeze %dma_wait3A_514 : memref<1x85xf32, #tpu.memory_space<hbm>> -> memref<85xf32, #tpu.memory_space<hbm>>
      %dma_wait3A_516 = arith.constant 0 : i32
      %dma_wait3A_517 = tpu.memref_slice %arg11[%dma_wait3A_509, %dma_wait3A_516] : memref<16x128xf32, #tpu.memory_space<vmem>> -> memref<1x85xf32, #tpu.memory_space<vmem>>
      %dma_wait3A_518 = tpu.memref_squeeze %dma_wait3A_517 : memref<1x85xf32, #tpu.memory_space<vmem>> -> memref<85xf32, #tpu.memory_space<vmem>>
      %dma_wait3A_519 = arith.constant 0 : i32
      %dma_wait3A_520 = tpu.memref_slice %arg2[%squeeze3A_299, %dma_wait3A_519] : memref<153600x85xf32, #tpu.memory_space<hbm>> -> memref<1x85xf32, #tpu.memory_space<hbm>>
      %dma_wait3A_521 = tpu.memref_squeeze %dma_wait3A_520 : memref<1x85xf32, #tpu.memory_space<hbm>> -> memref<85xf32, #tpu.memory_space<hbm>>
      tpu.wait_dma2 semaphore(%arg13 : memref<!tpu.dma_semaphore, #tpu.memory_space<semaphore_mem>>) src(%dma_wait3A_521 : memref<85xf32, #tpu.memory_space<hbm>>) dst(%dma_wait3A_518 : memref<85xf32, #tpu.memory_space<vmem>>)
      %dma_wait3A_522 = arith.constant 15 : i32
      %dma_wait3A_523 = arith.constant 0 : i32
      %dma_wait3A_524 = tpu.memref_slice %arg11[%dma_wait3A_522, %dma_wait3A_523] : memref<16x128xf32, #tpu.memory_space<vmem>> -> memref<1x85xf32, #tpu.memory_space<vmem>>
      %dma_wait3A_525 = tpu.memref_squeeze %dma_wait3A_524 : memref<1x85xf32, #tpu.memory_space<vmem>> -> memref<85xf32, #tpu.memory_space<vmem>>
      %dma_wait3A_526 = arith.constant 0 : i32
      %dma_wait3A_527 = tpu.memref_slice %arg2[%squeeze3A_314, %dma_wait3A_526] : memref<153600x85xf32, #tpu.memory_space<hbm>> -> memref<1x85xf32, #tpu.memory_space<hbm>>
      %dma_wait3A_528 = tpu.memref_squeeze %dma_wait3A_527 : memref<1x85xf32, #tpu.memory_space<hbm>> -> memref<85xf32, #tpu.memory_space<hbm>>
      %dma_wait3A_529 = arith.constant 0 : i32
      %dma_wait3A_530 = tpu.memref_slice %arg11[%dma_wait3A_522, %dma_wait3A_529] : memref<16x128xf32, #tpu.memory_space<vmem>> -> memref<1x85xf32, #tpu.memory_space<vmem>>
      %dma_wait3A_531 = tpu.memref_squeeze %dma_wait3A_530 : memref<1x85xf32, #tpu.memory_space<vmem>> -> memref<85xf32, #tpu.memory_space<vmem>>
      %dma_wait3A_532 = arith.constant 0 : i32
      %dma_wait3A_533 = tpu.memref_slice %arg2[%squeeze3A_314, %dma_wait3A_532] : memref<153600x85xf32, #tpu.memory_space<hbm>> -> memref<1x85xf32, #tpu.memory_space<hbm>>
      %dma_wait3A_534 = tpu.memref_squeeze %dma_wait3A_533 : memref<1x85xf32, #tpu.memory_space<hbm>> -> memref<85xf32, #tpu.memory_space<hbm>>
      tpu.wait_dma2 semaphore(%arg13 : memref<!tpu.dma_semaphore, #tpu.memory_space<semaphore_mem>>) src(%dma_wait3A_534 : memref<85xf32, #tpu.memory_space<hbm>>) dst(%dma_wait3A_531 : memref<85xf32, #tpu.memory_space<vmem>>)
      %mul3A_535 = arith.constant 16 : i32
      %mul3A_536 = arith.muli %add3A, %mul3A_535 : i32
      %add3A_537 = arith.constant 0 : i32
      %add3A_538 = arith.addi %add3A_537, %mul3A_536 : i32
      "tpu.region"() ({
        %run_scoped3A_1624 = tpu.sem_alloc : memref<!tpu.dma_semaphore, #tpu.memory_space<semaphore_mem>>
        %dma_start3A_1625 = arith.constant 0 : i32
        %dma_start3A_1626 = tpu.memref_slice %arg7[%add3A_538, %dma_start3A_1625] : memref<1440x128xf32, #tpu.memory_space<hbm>> -> memref<16x128xf32, #tpu.memory_space<hbm>>
        %dma_start3A_1627 = arith.constant 0 : i32
        %dma_start3A_1628 = tpu.memref_slice %arg7[%add3A_538, %dma_start3A_1627] : memref<1440x128xf32, #tpu.memory_space<hbm>> -> memref<16x128xf32, #tpu.memory_space<hbm>>
        tpu.enqueue_dma source(%arg11 : memref<16x128xf32, #tpu.memory_space<vmem>>) target(%dma_start3A_1628 : memref<16x128xf32, #tpu.memory_space<hbm>>) target_semaphore(%run_scoped3A_1624 : memref<!tpu.dma_semaphore, #tpu.memory_space<semaphore_mem>>)
        %dma_wait3A_1629 = arith.constant 0 : i32
        %dma_wait3A_1630 = tpu.memref_slice %arg7[%add3A_538, %dma_wait3A_1629] : memref<1440x128xf32, #tpu.memory_space<hbm>> -> memref<16x128xf32, #tpu.memory_space<hbm>>
        %dma_wait3A_1631 = arith.constant 0 : i32
        %dma_wait3A_1632 = tpu.memref_slice %arg7[%add3A_538, %dma_wait3A_1631] : memref<1440x128xf32, #tpu.memory_space<hbm>> -> memref<16x128xf32, #tpu.memory_space<hbm>>
        tpu.wait_dma2 semaphore(%run_scoped3A_1624 : memref<!tpu.dma_semaphore, #tpu.memory_space<semaphore_mem>>) src(%arg11 : memref<16x128xf32, #tpu.memory_space<vmem>>) dst(%dma_wait3A_1632 : memref<16x128xf32, #tpu.memory_space<hbm>>)
        tpu.yield
      }) : () -> ()
      %convert_element_type3A_539 = arith.sitofp %add3A_90 : vector<16xi32> to vector<16xf32>
      %swap3A = arith.constant 0 : index
      %swap3A_540 = tpu.vector_load %arg12[%swap3A] {strides = array<i32>} : memref<128xf32, #tpu.memory_space<vmem>>, vector<16xf32>,
      tpu.vector_store %arg12[%swap3A], %convert_element_type3A_539 {strides = array<i32>} : memref<128xf32, #tpu.memory_space<vmem>>, vector<16xf32>,
      %swap3A_541 = arith.constant 16 : index
      %swap3A_542 = tpu.vector_load %arg12[%swap3A_541] {strides = array<i32>} : memref<128xf32, #tpu.memory_space<vmem>>, vector<16xf32>,
      tpu.vector_store %arg12[%swap3A_541], %select_n3A {strides = array<i32>} : memref<128xf32, #tpu.memory_space<vmem>>, vector<16xf32>,
      %convert_element_type3A_543 = arith.sitofp %convert_element_type3A_44 : vector<16xi32> to vector<16xf32>
      %sub3A = arith.subf %mul3A_34, %convert_element_type3A_543 : vector<16xf32>
      %swap3A_544 = arith.constant 32 : index
      %swap3A_545 = tpu.vector_load %arg12[%swap3A_544] {strides = array<i32>} : memref<128xf32, #tpu.memory_space<vmem>>, vector<16xf32>,
      tpu.vector_store %arg12[%swap3A_544], %sub3A {strides = array<i32>} : memref<128xf32, #tpu.memory_space<vmem>>, vector<16xf32>,
      %convert_element_type3A_546 = arith.sitofp %convert_element_type3A_45 : vector<16xi32> to vector<16xf32>
      %sub3A_547 = arith.subf %mul3A_37, %convert_element_type3A_546 : vector<16xf32>
      %swap3A_548 = arith.constant 48 : index
      %swap3A_549 = tpu.vector_load %arg12[%swap3A_548] {strides = array<i32>} : memref<128xf32, #tpu.memory_space<vmem>>, vector<16xf32>,
      tpu.vector_store %arg12[%swap3A_548], %sub3A_547 {strides = array<i32>} : memref<128xf32, #tpu.memory_space<vmem>>, vector<16xf32>,
      %swap3A_550 = arith.constant 64 : index
      %swap3A_551 = tpu.vector_load %arg12[%swap3A_550] {strides = array<i32>} : memref<128xf32, #tpu.memory_space<vmem>>, vector<16xf32>,
      tpu.vector_store %arg12[%swap3A_550], %mul3A_40 {strides = array<i32>} : memref<128xf32, #tpu.memory_space<vmem>>, vector<16xf32>,
      %swap3A_552 = arith.constant 80 : index
      %swap3A_553 = tpu.vector_load %arg12[%swap3A_552] {strides = array<i32>} : memref<128xf32, #tpu.memory_space<vmem>>, vector<16xf32>,
      tpu.vector_store %arg12[%swap3A_552], %mul3A_43 {strides = array<i32>} : memref<128xf32, #tpu.memory_space<vmem>>, vector<16xf32>,
      %swap3A_554 = arith.constant 96 : index
      %swap3A_555 = tpu.vector_load %arg12[%swap3A_554] {strides = array<i32>} : memref<128xf32, #tpu.memory_space<vmem>>, vector<16xf32>,
      tpu.vector_store %arg12[%swap3A_554], %gather3A {strides = array<i32>} : memref<128xf32, #tpu.memory_space<vmem>>, vector<16xf32>,
      %run_scoped3A = arith.constant 0 : i32
      "tpu.region"() ({
        %run_scoped3A_1624 = tpu.sem_alloc : memref<!tpu.dma_semaphore, #tpu.memory_space<semaphore_mem>>
        %dma_start3A_1625 = arith.constant 0 : i32
        %dma_start3A_1626 = tpu.memref_slice %arg8[%run_scoped3A, %add3A, %dma_start3A_1625] : memref<3x30x128xf32, #tpu.memory_space<hbm>> -> memref<1x1x128xf32, #tpu.memory_space<hbm>>
        %dma_start3A_1627 = tpu.memref_squeeze %dma_start3A_1626 : memref<1x1x128xf32, #tpu.memory_space<hbm>> -> memref<128xf32, #tpu.memory_space<hbm>>
        %dma_start3A_1628 = arith.constant 0 : i32
        %dma_start3A_1629 = tpu.memref_slice %arg8[%run_scoped3A, %add3A, %dma_start3A_1628] : memref<3x30x128xf32, #tpu.memory_space<hbm>> -> memref<1x1x128xf32, #tpu.memory_space<hbm>>
        %dma_start3A_1630 = tpu.memref_squeeze %dma_start3A_1629 : memref<1x1x128xf32, #tpu.memory_space<hbm>> -> memref<128xf32, #tpu.memory_space<hbm>>
        tpu.enqueue_dma source(%arg12 : memref<128xf32, #tpu.memory_space<vmem>>) target(%dma_start3A_1630 : memref<128xf32, #tpu.memory_space<hbm>>) target_semaphore(%run_scoped3A_1624 : memref<!tpu.dma_semaphore, #tpu.memory_space<semaphore_mem>>)
        %dma_wait3A_1631 = arith.constant 0 : i32
        %dma_wait3A_1632 = tpu.memref_slice %arg8[%run_scoped3A, %add3A, %dma_wait3A_1631] : memref<3x30x128xf32, #tpu.memory_space<hbm>> -> memref<1x1x128xf32, #tpu.memory_space<hbm>>
        %dma_wait3A_1633 = tpu.memref_squeeze %dma_wait3A_1632 : memref<1x1x128xf32, #tpu.memory_space<hbm>> -> memref<128xf32, #tpu.memory_space<hbm>>
        %dma_wait3A_1634 = arith.constant 0 : i32
        %dma_wait3A_1635 = tpu.memref_slice %arg8[%run_scoped3A, %add3A, %dma_wait3A_1634] : memref<3x30x128xf32, #tpu.memory_space<hbm>> -> memref<1x1x128xf32, #tpu.memory_space<hbm>>
        %dma_wait3A_1636 = tpu.memref_squeeze %dma_wait3A_1635 : memref<1x1x128xf32, #tpu.memory_space<hbm>> -> memref<128xf32, #tpu.memory_space<hbm>>
        tpu.wait_dma2 semaphore(%run_scoped3A_1624 : memref<!tpu.dma_semaphore, #tpu.memory_space<semaphore_mem>>) src(%arg12 : memref<128xf32, #tpu.memory_space<vmem>>) dst(%dma_wait3A_1636 : memref<128xf32, #tpu.memory_space<hbm>>)
        tpu.yield
      }) : () -> ()
      %mul3A_556 = arith.constant 4.000000e+01 : f32
      %mul3A_557 = vector.broadcast %mul3A_556 : f32 to vector<16xf32>
      %mul3A_558 = arith.mulf %gather3A_19, %mul3A_557 : vector<16xf32>
      %mul3A_559 = arith.constant 4.000000e+01 : f32
      %mul3A_560 = vector.broadcast %mul3A_559 : f32 to vector<16xf32>
      %mul3A_561 = arith.mulf %gather3A_23, %mul3A_560 : vector<16xf32>
      %mul3A_562 = arith.constant 4.000000e+01 : f32
      %mul3A_563 = vector.broadcast %mul3A_562 : f32 to vector<16xf32>
      %mul3A_564 = arith.mulf %gather3A_27, %mul3A_563 : vector<16xf32>
      %mul3A_565 = arith.constant 4.000000e+01 : f32
      %mul3A_566 = vector.broadcast %mul3A_565 : f32 to vector<16xf32>
      %mul3A_567 = arith.mulf %gather3A_31, %mul3A_566 : vector<16xf32>
      %convert_element_type3A_568 = arith.fptosi %mul3A_558 : vector<16xf32> to vector<16xi32>
      %convert_element_type3A_569 = arith.fptosi %mul3A_561 : vector<16xf32> to vector<16xi32>
      %mul3A_570 = arith.constant 2 : i32
      %mul3A_571 = vector.broadcast %mul3A_570 : i32 to vector<16xi32>
      %mul3A_572 = arith.muli %div3A, %mul3A_571 : vector<16xi32>
      %add3A_573 = arith.constant 6 : i32
      %add3A_574 = vector.broadcast %add3A_573 : i32 to vector<16xi32>
      %add3A_575 = arith.addi %add3A_574, %mul3A_572 : vector<16xi32>
      %gather3A_576 = tpu.vector_load_idx %arg10[%add3A_575] : memref<32xf32, #tpu.memory_space<vmem>>[vector<16xi32>], vector<16xf32>,
      %mul3A_577 = arith.constant 2 : i32
      %mul3A_578 = vector.broadcast %mul3A_577 : i32 to vector<16xi32>
      %mul3A_579 = arith.muli %div3A, %mul3A_578 : vector<16xi32>
      %add3A_580 = arith.constant 6 : i32
      %add3A_581 = vector.broadcast %add3A_580 : i32 to vector<16xi32>
      %add3A_582 = arith.addi %add3A_581, %mul3A_579 : vector<16xi32>
      %add3A_583 = arith.constant 1 : i32
      %add3A_584 = vector.broadcast %add3A_583 : i32 to vector<16xi32>
      %add3A_585 = arith.addi %add3A_582, %add3A_584 : vector<16xi32>
      %gather3A_586 = tpu.vector_load_idx %arg10[%add3A_585] : memref<32xf32, #tpu.memory_space<vmem>>[vector<16xi32>], vector<16xf32>,
      %div3A_587 = arith.divf %mul3A_564, %gather3A_576 : vector<16xf32>
      %div3A_588 = arith.divf %mul3A_567, %gather3A_586 : vector<16xf32>
      %div3A_589 = arith.constant 1.000000e+00 : f32
      %div3A_590 = vector.broadcast %div3A_589 : f32 to vector<16xf32>
      %div3A_591 = arith.divf %div3A_590, %div3A_587 : vector<16xf32>
      %max3A_592 = arith.maximumf %div3A_587, %div3A_591 : vector<16xf32>
      %div3A_593 = arith.constant 1.000000e+00 : f32
      %div3A_594 = vector.broadcast %div3A_593 : f32 to vector<16xf32>
      %div3A_595 = arith.divf %div3A_594, %div3A_588 : vector<16xf32>
      %max3A_596 = arith.maximumf %div3A_588, %div3A_595 : vector<16xf32>
      %max3A_597 = arith.maximumf %max3A_592, %max3A_596 : vector<16xf32>
      %lt3A_598 = arith.constant 4.000000e+00 : f32
      %lt3A_599 = vector.broadcast %lt3A_598 : f32 to vector<16xf32>
      %lt3A_600 = arith.cmpf olt, %max3A_597, %lt3A_599 : vector<16xf32>
      %jit3A_601 = arith.constant 1.000000e+00 : f32
      %jit3A_602 = arith.constant 0.000000e+00 : f32
      %broadcast_in_dim3A_603 = vector.broadcast %jit3A_601 : f32 to vector<16xf32>
      %broadcast_in_dim3A_604 = vector.broadcast %jit3A_602 : f32 to vector<16xf32>
      %select_n3A_605 = arith.select %lt3A_600, %broadcast_in_dim3A_603, %broadcast_in_dim3A_604 : vector<16xi1>, vector<16xf32>
      %mul3A_606 = arith.constant 3 : i32
      %mul3A_607 = vector.broadcast %mul3A_606 : i32 to vector<16xi32>
      %mul3A_608 = arith.muli %div3A_12, %mul3A_607 : vector<16xi32>
      %add3A_609 = arith.addi %mul3A_608, %div3A : vector<16xi32>
      %mul3A_610 = arith.constant 40 : i32
      %mul3A_611 = vector.broadcast %mul3A_610 : i32 to vector<16xi32>
      %mul3A_612 = arith.muli %add3A_609, %mul3A_611 : vector<16xi32>
      %add3A_613 = arith.addi %mul3A_612, %convert_element_type3A_569 : vector<16xi32>
      %mul3A_614 = arith.constant 40 : i32
      %mul3A_615 = vector.broadcast %mul3A_614 : i32 to vector<16xi32>
      %mul3A_616 = arith.muli %add3A_613, %mul3A_615 : vector<16xi32>
      %add3A_617 = arith.addi %mul3A_616, %convert_element_type3A_568 : vector<16xi32>
      %slice3A_618 = vector.extract_strided_slice %add3A_617 {offsets = [0], sizes = [1], strides = [1]} : vector<16xi32> to vector<1xi32>
      %squeeze3A_619 = vector.extract %slice3A_618[0] : i32 from vector<1xi32>
      %dma_start3A_620 = arith.constant 0 : i32
      %dma_start3A_621 = arith.constant 0 : i32
      %dma_start3A_622 = tpu.memref_slice %arg11[%dma_start3A_620, %dma_start3A_621] : memref<16x128xf32, #tpu.memory_space<vmem>> -> memref<1x85xf32, #tpu.memory_space<vmem>>
      %dma_start3A_623 = tpu.memref_squeeze %dma_start3A_622 : memref<1x85xf32, #tpu.memory_space<vmem>> -> memref<85xf32, #tpu.memory_space<vmem>>
      %dma_start3A_624 = arith.constant 0 : i32
      %dma_start3A_625 = tpu.memref_slice %arg3[%squeeze3A_619, %dma_start3A_624] : memref<38400x85xf32, #tpu.memory_space<hbm>> -> memref<1x85xf32, #tpu.memory_space<hbm>>
      %dma_start3A_626 = tpu.memref_squeeze %dma_start3A_625 : memref<1x85xf32, #tpu.memory_space<hbm>> -> memref<85xf32, #tpu.memory_space<hbm>>
      %dma_start3A_627 = arith.constant 0 : i32
      %dma_start3A_628 = tpu.memref_slice %arg11[%dma_start3A_620, %dma_start3A_627] : memref<16x128xf32, #tpu.memory_space<vmem>> -> memref<1x85xf32, #tpu.memory_space<vmem>>
      %dma_start3A_629 = tpu.memref_squeeze %dma_start3A_628 : memref<1x85xf32, #tpu.memory_space<vmem>> -> memref<85xf32, #tpu.memory_space<vmem>>
      %dma_start3A_630 = arith.constant 0 : i32
      %dma_start3A_631 = tpu.memref_slice %arg3[%squeeze3A_619, %dma_start3A_630] : memref<38400x85xf32, #tpu.memory_space<hbm>> -> memref<1x85xf32, #tpu.memory_space<hbm>>
      %dma_start3A_632 = tpu.memref_squeeze %dma_start3A_631 : memref<1x85xf32, #tpu.memory_space<hbm>> -> memref<85xf32, #tpu.memory_space<hbm>>
      tpu.enqueue_dma source(%dma_start3A_632 : memref<85xf32, #tpu.memory_space<hbm>>) target(%dma_start3A_629 : memref<85xf32, #tpu.memory_space<vmem>>) target_semaphore(%arg13 : memref<!tpu.dma_semaphore, #tpu.memory_space<semaphore_mem>>)
      %slice3A_633 = vector.extract_strided_slice %add3A_617 {offsets = [1], sizes = [1], strides = [1]} : vector<16xi32> to vector<1xi32>
      %squeeze3A_634 = vector.extract %slice3A_633[0] : i32 from vector<1xi32>
      %dma_start3A_635 = arith.constant 1 : i32
      %dma_start3A_636 = arith.constant 0 : i32
      %dma_start3A_637 = tpu.memref_slice %arg11[%dma_start3A_635, %dma_start3A_636] : memref<16x128xf32, #tpu.memory_space<vmem>> -> memref<1x85xf32, #tpu.memory_space<vmem>>
      %dma_start3A_638 = tpu.memref_squeeze %dma_start3A_637 : memref<1x85xf32, #tpu.memory_space<vmem>> -> memref<85xf32, #tpu.memory_space<vmem>>
      %dma_start3A_639 = arith.constant 0 : i32
      %dma_start3A_640 = tpu.memref_slice %arg3[%squeeze3A_634, %dma_start3A_639] : memref<38400x85xf32, #tpu.memory_space<hbm>> -> memref<1x85xf32, #tpu.memory_space<hbm>>
      %dma_start3A_641 = tpu.memref_squeeze %dma_start3A_640 : memref<1x85xf32, #tpu.memory_space<hbm>> -> memref<85xf32, #tpu.memory_space<hbm>>
      %dma_start3A_642 = arith.constant 0 : i32
      %dma_start3A_643 = tpu.memref_slice %arg11[%dma_start3A_635, %dma_start3A_642] : memref<16x128xf32, #tpu.memory_space<vmem>> -> memref<1x85xf32, #tpu.memory_space<vmem>>
      %dma_start3A_644 = tpu.memref_squeeze %dma_start3A_643 : memref<1x85xf32, #tpu.memory_space<vmem>> -> memref<85xf32, #tpu.memory_space<vmem>>
      %dma_start3A_645 = arith.constant 0 : i32
      %dma_start3A_646 = tpu.memref_slice %arg3[%squeeze3A_634, %dma_start3A_645] : memref<38400x85xf32, #tpu.memory_space<hbm>> -> memref<1x85xf32, #tpu.memory_space<hbm>>
      %dma_start3A_647 = tpu.memref_squeeze %dma_start3A_646 : memref<1x85xf32, #tpu.memory_space<hbm>> -> memref<85xf32, #tpu.memory_space<hbm>>
      tpu.enqueue_dma source(%dma_start3A_647 : memref<85xf32, #tpu.memory_space<hbm>>) target(%dma_start3A_644 : memref<85xf32, #tpu.memory_space<vmem>>) target_semaphore(%arg13 : memref<!tpu.dma_semaphore, #tpu.memory_space<semaphore_mem>>)
      %slice3A_648 = vector.extract_strided_slice %add3A_617 {offsets = [2], sizes = [1], strides = [1]} : vector<16xi32> to vector<1xi32>
      %squeeze3A_649 = vector.extract %slice3A_648[0] : i32 from vector<1xi32>
      %dma_start3A_650 = arith.constant 2 : i32
      %dma_start3A_651 = arith.constant 0 : i32
      %dma_start3A_652 = tpu.memref_slice %arg11[%dma_start3A_650, %dma_start3A_651] : memref<16x128xf32, #tpu.memory_space<vmem>> -> memref<1x85xf32, #tpu.memory_space<vmem>>
      %dma_start3A_653 = tpu.memref_squeeze %dma_start3A_652 : memref<1x85xf32, #tpu.memory_space<vmem>> -> memref<85xf32, #tpu.memory_space<vmem>>
      %dma_start3A_654 = arith.constant 0 : i32
      %dma_start3A_655 = tpu.memref_slice %arg3[%squeeze3A_649, %dma_start3A_654] : memref<38400x85xf32, #tpu.memory_space<hbm>> -> memref<1x85xf32, #tpu.memory_space<hbm>>
      %dma_start3A_656 = tpu.memref_squeeze %dma_start3A_655 : memref<1x85xf32, #tpu.memory_space<hbm>> -> memref<85xf32, #tpu.memory_space<hbm>>
      %dma_start3A_657 = arith.constant 0 : i32
      %dma_start3A_658 = tpu.memref_slice %arg11[%dma_start3A_650, %dma_start3A_657] : memref<16x128xf32, #tpu.memory_space<vmem>> -> memref<1x85xf32, #tpu.memory_space<vmem>>
      %dma_start3A_659 = tpu.memref_squeeze %dma_start3A_658 : memref<1x85xf32, #tpu.memory_space<vmem>> -> memref<85xf32, #tpu.memory_space<vmem>>
      %dma_start3A_660 = arith.constant 0 : i32
      %dma_start3A_661 = tpu.memref_slice %arg3[%squeeze3A_649, %dma_start3A_660] : memref<38400x85xf32, #tpu.memory_space<hbm>> -> memref<1x85xf32, #tpu.memory_space<hbm>>
      %dma_start3A_662 = tpu.memref_squeeze %dma_start3A_661 : memref<1x85xf32, #tpu.memory_space<hbm>> -> memref<85xf32, #tpu.memory_space<hbm>>
      tpu.enqueue_dma source(%dma_start3A_662 : memref<85xf32, #tpu.memory_space<hbm>>) target(%dma_start3A_659 : memref<85xf32, #tpu.memory_space<vmem>>) target_semaphore(%arg13 : memref<!tpu.dma_semaphore, #tpu.memory_space<semaphore_mem>>)
      %slice3A_663 = vector.extract_strided_slice %add3A_617 {offsets = [3], sizes = [1], strides = [1]} : vector<16xi32> to vector<1xi32>
      %squeeze3A_664 = vector.extract %slice3A_663[0] : i32 from vector<1xi32>
      %dma_start3A_665 = arith.constant 3 : i32
      %dma_start3A_666 = arith.constant 0 : i32
      %dma_start3A_667 = tpu.memref_slice %arg11[%dma_start3A_665, %dma_start3A_666] : memref<16x128xf32, #tpu.memory_space<vmem>> -> memref<1x85xf32, #tpu.memory_space<vmem>>
      %dma_start3A_668 = tpu.memref_squeeze %dma_start3A_667 : memref<1x85xf32, #tpu.memory_space<vmem>> -> memref<85xf32, #tpu.memory_space<vmem>>
      %dma_start3A_669 = arith.constant 0 : i32
      %dma_start3A_670 = tpu.memref_slice %arg3[%squeeze3A_664, %dma_start3A_669] : memref<38400x85xf32, #tpu.memory_space<hbm>> -> memref<1x85xf32, #tpu.memory_space<hbm>>
      %dma_start3A_671 = tpu.memref_squeeze %dma_start3A_670 : memref<1x85xf32, #tpu.memory_space<hbm>> -> memref<85xf32, #tpu.memory_space<hbm>>
      %dma_start3A_672 = arith.constant 0 : i32
      %dma_start3A_673 = tpu.memref_slice %arg11[%dma_start3A_665, %dma_start3A_672] : memref<16x128xf32, #tpu.memory_space<vmem>> -> memref<1x85xf32, #tpu.memory_space<vmem>>
      %dma_start3A_674 = tpu.memref_squeeze %dma_start3A_673 : memref<1x85xf32, #tpu.memory_space<vmem>> -> memref<85xf32, #tpu.memory_space<vmem>>
      %dma_start3A_675 = arith.constant 0 : i32
      %dma_start3A_676 = tpu.memref_slice %arg3[%squeeze3A_664, %dma_start3A_675] : memref<38400x85xf32, #tpu.memory_space<hbm>> -> memref<1x85xf32, #tpu.memory_space<hbm>>
      %dma_start3A_677 = tpu.memref_squeeze %dma_start3A_676 : memref<1x85xf32, #tpu.memory_space<hbm>> -> memref<85xf32, #tpu.memory_space<hbm>>
      tpu.enqueue_dma source(%dma_start3A_677 : memref<85xf32, #tpu.memory_space<hbm>>) target(%dma_start3A_674 : memref<85xf32, #tpu.memory_space<vmem>>) target_semaphore(%arg13 : memref<!tpu.dma_semaphore, #tpu.memory_space<semaphore_mem>>)
      %slice3A_678 = vector.extract_strided_slice %add3A_617 {offsets = [4], sizes = [1], strides = [1]} : vector<16xi32> to vector<1xi32>
      %squeeze3A_679 = vector.extract %slice3A_678[0] : i32 from vector<1xi32>
      %dma_start3A_680 = arith.constant 4 : i32
      %dma_start3A_681 = arith.constant 0 : i32
      %dma_start3A_682 = tpu.memref_slice %arg11[%dma_start3A_680, %dma_start3A_681] : memref<16x128xf32, #tpu.memory_space<vmem>> -> memref<1x85xf32, #tpu.memory_space<vmem>>
      %dma_start3A_683 = tpu.memref_squeeze %dma_start3A_682 : memref<1x85xf32, #tpu.memory_space<vmem>> -> memref<85xf32, #tpu.memory_space<vmem>>
      %dma_start3A_684 = arith.constant 0 : i32
      %dma_start3A_685 = tpu.memref_slice %arg3[%squeeze3A_679, %dma_start3A_684] : memref<38400x85xf32, #tpu.memory_space<hbm>> -> memref<1x85xf32, #tpu.memory_space<hbm>>
      %dma_start3A_686 = tpu.memref_squeeze %dma_start3A_685 : memref<1x85xf32, #tpu.memory_space<hbm>> -> memref<85xf32, #tpu.memory_space<hbm>>
      %dma_start3A_687 = arith.constant 0 : i32
      %dma_start3A_688 = tpu.memref_slice %arg11[%dma_start3A_680, %dma_start3A_687] : memref<16x128xf32, #tpu.memory_space<vmem>> -> memref<1x85xf32, #tpu.memory_space<vmem>>
      %dma_start3A_689 = tpu.memref_squeeze %dma_start3A_688 : memref<1x85xf32, #tpu.memory_space<vmem>> -> memref<85xf32, #tpu.memory_space<vmem>>
      %dma_start3A_690 = arith.constant 0 : i32
      %dma_start3A_691 = tpu.memref_slice %arg3[%squeeze3A_679, %dma_start3A_690] : memref<38400x85xf32, #tpu.memory_space<hbm>> -> memref<1x85xf32, #tpu.memory_space<hbm>>
      %dma_start3A_692 = tpu.memref_squeeze %dma_start3A_691 : memref<1x85xf32, #tpu.memory_space<hbm>> -> memref<85xf32, #tpu.memory_space<hbm>>
      tpu.enqueue_dma source(%dma_start3A_692 : memref<85xf32, #tpu.memory_space<hbm>>) target(%dma_start3A_689 : memref<85xf32, #tpu.memory_space<vmem>>) target_semaphore(%arg13 : memref<!tpu.dma_semaphore, #tpu.memory_space<semaphore_mem>>)
      %slice3A_693 = vector.extract_strided_slice %add3A_617 {offsets = [5], sizes = [1], strides = [1]} : vector<16xi32> to vector<1xi32>
      %squeeze3A_694 = vector.extract %slice3A_693[0] : i32 from vector<1xi32>
      %dma_start3A_695 = arith.constant 5 : i32
      %dma_start3A_696 = arith.constant 0 : i32
      %dma_start3A_697 = tpu.memref_slice %arg11[%dma_start3A_695, %dma_start3A_696] : memref<16x128xf32, #tpu.memory_space<vmem>> -> memref<1x85xf32, #tpu.memory_space<vmem>>
      %dma_start3A_698 = tpu.memref_squeeze %dma_start3A_697 : memref<1x85xf32, #tpu.memory_space<vmem>> -> memref<85xf32, #tpu.memory_space<vmem>>
      %dma_start3A_699 = arith.constant 0 : i32
      %dma_start3A_700 = tpu.memref_slice %arg3[%squeeze3A_694, %dma_start3A_699] : memref<38400x85xf32, #tpu.memory_space<hbm>> -> memref<1x85xf32, #tpu.memory_space<hbm>>
      %dma_start3A_701 = tpu.memref_squeeze %dma_start3A_700 : memref<1x85xf32, #tpu.memory_space<hbm>> -> memref<85xf32, #tpu.memory_space<hbm>>
      %dma_start3A_702 = arith.constant 0 : i32
      %dma_start3A_703 = tpu.memref_slice %arg11[%dma_start3A_695, %dma_start3A_702] : memref<16x128xf32, #tpu.memory_space<vmem>> -> memref<1x85xf32, #tpu.memory_space<vmem>>
      %dma_start3A_704 = tpu.memref_squeeze %dma_start3A_703 : memref<1x85xf32, #tpu.memory_space<vmem>> -> memref<85xf32, #tpu.memory_space<vmem>>
      %dma_start3A_705 = arith.constant 0 : i32
      %dma_start3A_706 = tpu.memref_slice %arg3[%squeeze3A_694, %dma_start3A_705] : memref<38400x85xf32, #tpu.memory_space<hbm>> -> memref<1x85xf32, #tpu.memory_space<hbm>>
      %dma_start3A_707 = tpu.memref_squeeze %dma_start3A_706 : memref<1x85xf32, #tpu.memory_space<hbm>> -> memref<85xf32, #tpu.memory_space<hbm>>
      tpu.enqueue_dma source(%dma_start3A_707 : memref<85xf32, #tpu.memory_space<hbm>>) target(%dma_start3A_704 : memref<85xf32, #tpu.memory_space<vmem>>) target_semaphore(%arg13 : memref<!tpu.dma_semaphore, #tpu.memory_space<semaphore_mem>>)
      %slice3A_708 = vector.extract_strided_slice %add3A_617 {offsets = [6], sizes = [1], strides = [1]} : vector<16xi32> to vector<1xi32>
      %squeeze3A_709 = vector.extract %slice3A_708[0] : i32 from vector<1xi32>
      %dma_start3A_710 = arith.constant 6 : i32
      %dma_start3A_711 = arith.constant 0 : i32
      %dma_start3A_712 = tpu.memref_slice %arg11[%dma_start3A_710, %dma_start3A_711] : memref<16x128xf32, #tpu.memory_space<vmem>> -> memref<1x85xf32, #tpu.memory_space<vmem>>
      %dma_start3A_713 = tpu.memref_squeeze %dma_start3A_712 : memref<1x85xf32, #tpu.memory_space<vmem>> -> memref<85xf32, #tpu.memory_space<vmem>>
      %dma_start3A_714 = arith.constant 0 : i32
      %dma_start3A_715 = tpu.memref_slice %arg3[%squeeze3A_709, %dma_start3A_714] : memref<38400x85xf32, #tpu.memory_space<hbm>> -> memref<1x85xf32, #tpu.memory_space<hbm>>
      %dma_start3A_716 = tpu.memref_squeeze %dma_start3A_715 : memref<1x85xf32, #tpu.memory_space<hbm>> -> memref<85xf32, #tpu.memory_space<hbm>>
      %dma_start3A_717 = arith.constant 0 : i32
      %dma_start3A_718 = tpu.memref_slice %arg11[%dma_start3A_710, %dma_start3A_717] : memref<16x128xf32, #tpu.memory_space<vmem>> -> memref<1x85xf32, #tpu.memory_space<vmem>>
      %dma_start3A_719 = tpu.memref_squeeze %dma_start3A_718 : memref<1x85xf32, #tpu.memory_space<vmem>> -> memref<85xf32, #tpu.memory_space<vmem>>
      %dma_start3A_720 = arith.constant 0 : i32
      %dma_start3A_721 = tpu.memref_slice %arg3[%squeeze3A_709, %dma_start3A_720] : memref<38400x85xf32, #tpu.memory_space<hbm>> -> memref<1x85xf32, #tpu.memory_space<hbm>>
      %dma_start3A_722 = tpu.memref_squeeze %dma_start3A_721 : memref<1x85xf32, #tpu.memory_space<hbm>> -> memref<85xf32, #tpu.memory_space<hbm>>
      tpu.enqueue_dma source(%dma_start3A_722 : memref<85xf32, #tpu.memory_space<hbm>>) target(%dma_start3A_719 : memref<85xf32, #tpu.memory_space<vmem>>) target_semaphore(%arg13 : memref<!tpu.dma_semaphore, #tpu.memory_space<semaphore_mem>>)
      %slice3A_723 = vector.extract_strided_slice %add3A_617 {offsets = [7], sizes = [1], strides = [1]} : vector<16xi32> to vector<1xi32>
      %squeeze3A_724 = vector.extract %slice3A_723[0] : i32 from vector<1xi32>
      %dma_start3A_725 = arith.constant 7 : i32
      %dma_start3A_726 = arith.constant 0 : i32
      %dma_start3A_727 = tpu.memref_slice %arg11[%dma_start3A_725, %dma_start3A_726] : memref<16x128xf32, #tpu.memory_space<vmem>> -> memref<1x85xf32, #tpu.memory_space<vmem>>
      %dma_start3A_728 = tpu.memref_squeeze %dma_start3A_727 : memref<1x85xf32, #tpu.memory_space<vmem>> -> memref<85xf32, #tpu.memory_space<vmem>>
      %dma_start3A_729 = arith.constant 0 : i32
      %dma_start3A_730 = tpu.memref_slice %arg3[%squeeze3A_724, %dma_start3A_729] : memref<38400x85xf32, #tpu.memory_space<hbm>> -> memref<1x85xf32, #tpu.memory_space<hbm>>
      %dma_start3A_731 = tpu.memref_squeeze %dma_start3A_730 : memref<1x85xf32, #tpu.memory_space<hbm>> -> memref<85xf32, #tpu.memory_space<hbm>>
      %dma_start3A_732 = arith.constant 0 : i32
      %dma_start3A_733 = tpu.memref_slice %arg11[%dma_start3A_725, %dma_start3A_732] : memref<16x128xf32, #tpu.memory_space<vmem>> -> memref<1x85xf32, #tpu.memory_space<vmem>>
      %dma_start3A_734 = tpu.memref_squeeze %dma_start3A_733 : memref<1x85xf32, #tpu.memory_space<vmem>> -> memref<85xf32, #tpu.memory_space<vmem>>
      %dma_start3A_735 = arith.constant 0 : i32
      %dma_start3A_736 = tpu.memref_slice %arg3[%squeeze3A_724, %dma_start3A_735] : memref<38400x85xf32, #tpu.memory_space<hbm>> -> memref<1x85xf32, #tpu.memory_space<hbm>>
      %dma_start3A_737 = tpu.memref_squeeze %dma_start3A_736 : memref<1x85xf32, #tpu.memory_space<hbm>> -> memref<85xf32, #tpu.memory_space<hbm>>
      tpu.enqueue_dma source(%dma_start3A_737 : memref<85xf32, #tpu.memory_space<hbm>>) target(%dma_start3A_734 : memref<85xf32, #tpu.memory_space<vmem>>) target_semaphore(%arg13 : memref<!tpu.dma_semaphore, #tpu.memory_space<semaphore_mem>>)
      %slice3A_738 = vector.extract_strided_slice %add3A_617 {offsets = [8], sizes = [1], strides = [1]} : vector<16xi32> to vector<1xi32>
      %squeeze3A_739 = vector.extract %slice3A_738[0] : i32 from vector<1xi32>
      %dma_start3A_740 = arith.constant 8 : i32
      %dma_start3A_741 = arith.constant 0 : i32
      %dma_start3A_742 = tpu.memref_slice %arg11[%dma_start3A_740, %dma_start3A_741] : memref<16x128xf32, #tpu.memory_space<vmem>> -> memref<1x85xf32, #tpu.memory_space<vmem>>
      %dma_start3A_743 = tpu.memref_squeeze %dma_start3A_742 : memref<1x85xf32, #tpu.memory_space<vmem>> -> memref<85xf32, #tpu.memory_space<vmem>>
      %dma_start3A_744 = arith.constant 0 : i32
      %dma_start3A_745 = tpu.memref_slice %arg3[%squeeze3A_739, %dma_start3A_744] : memref<38400x85xf32, #tpu.memory_space<hbm>> -> memref<1x85xf32, #tpu.memory_space<hbm>>
      %dma_start3A_746 = tpu.memref_squeeze %dma_start3A_745 : memref<1x85xf32, #tpu.memory_space<hbm>> -> memref<85xf32, #tpu.memory_space<hbm>>
      %dma_start3A_747 = arith.constant 0 : i32
      %dma_start3A_748 = tpu.memref_slice %arg11[%dma_start3A_740, %dma_start3A_747] : memref<16x128xf32, #tpu.memory_space<vmem>> -> memref<1x85xf32, #tpu.memory_space<vmem>>
      %dma_start3A_749 = tpu.memref_squeeze %dma_start3A_748 : memref<1x85xf32, #tpu.memory_space<vmem>> -> memref<85xf32, #tpu.memory_space<vmem>>
      %dma_start3A_750 = arith.constant 0 : i32
      %dma_start3A_751 = tpu.memref_slice %arg3[%squeeze3A_739, %dma_start3A_750] : memref<38400x85xf32, #tpu.memory_space<hbm>> -> memref<1x85xf32, #tpu.memory_space<hbm>>
      %dma_start3A_752 = tpu.memref_squeeze %dma_start3A_751 : memref<1x85xf32, #tpu.memory_space<hbm>> -> memref<85xf32, #tpu.memory_space<hbm>>
      tpu.enqueue_dma source(%dma_start3A_752 : memref<85xf32, #tpu.memory_space<hbm>>) target(%dma_start3A_749 : memref<85xf32, #tpu.memory_space<vmem>>) target_semaphore(%arg13 : memref<!tpu.dma_semaphore, #tpu.memory_space<semaphore_mem>>)
      %slice3A_753 = vector.extract_strided_slice %add3A_617 {offsets = [9], sizes = [1], strides = [1]} : vector<16xi32> to vector<1xi32>
      %squeeze3A_754 = vector.extract %slice3A_753[0] : i32 from vector<1xi32>
      %dma_start3A_755 = arith.constant 9 : i32
      %dma_start3A_756 = arith.constant 0 : i32
      %dma_start3A_757 = tpu.memref_slice %arg11[%dma_start3A_755, %dma_start3A_756] : memref<16x128xf32, #tpu.memory_space<vmem>> -> memref<1x85xf32, #tpu.memory_space<vmem>>
      %dma_start3A_758 = tpu.memref_squeeze %dma_start3A_757 : memref<1x85xf32, #tpu.memory_space<vmem>> -> memref<85xf32, #tpu.memory_space<vmem>>
      %dma_start3A_759 = arith.constant 0 : i32
      %dma_start3A_760 = tpu.memref_slice %arg3[%squeeze3A_754, %dma_start3A_759] : memref<38400x85xf32, #tpu.memory_space<hbm>> -> memref<1x85xf32, #tpu.memory_space<hbm>>
      %dma_start3A_761 = tpu.memref_squeeze %dma_start3A_760 : memref<1x85xf32, #tpu.memory_space<hbm>> -> memref<85xf32, #tpu.memory_space<hbm>>
      %dma_start3A_762 = arith.constant 0 : i32
      %dma_start3A_763 = tpu.memref_slice %arg11[%dma_start3A_755, %dma_start3A_762] : memref<16x128xf32, #tpu.memory_space<vmem>> -> memref<1x85xf32, #tpu.memory_space<vmem>>
      %dma_start3A_764 = tpu.memref_squeeze %dma_start3A_763 : memref<1x85xf32, #tpu.memory_space<vmem>> -> memref<85xf32, #tpu.memory_space<vmem>>
      %dma_start3A_765 = arith.constant 0 : i32
      %dma_start3A_766 = tpu.memref_slice %arg3[%squeeze3A_754, %dma_start3A_765] : memref<38400x85xf32, #tpu.memory_space<hbm>> -> memref<1x85xf32, #tpu.memory_space<hbm>>
      %dma_start3A_767 = tpu.memref_squeeze %dma_start3A_766 : memref<1x85xf32, #tpu.memory_space<hbm>> -> memref<85xf32, #tpu.memory_space<hbm>>
      tpu.enqueue_dma source(%dma_start3A_767 : memref<85xf32, #tpu.memory_space<hbm>>) target(%dma_start3A_764 : memref<85xf32, #tpu.memory_space<vmem>>) target_semaphore(%arg13 : memref<!tpu.dma_semaphore, #tpu.memory_space<semaphore_mem>>)
      %slice3A_768 = vector.extract_strided_slice %add3A_617 {offsets = [10], sizes = [1], strides = [1]} : vector<16xi32> to vector<1xi32>
      %squeeze3A_769 = vector.extract %slice3A_768[0] : i32 from vector<1xi32>
      %dma_start3A_770 = arith.constant 10 : i32
      %dma_start3A_771 = arith.constant 0 : i32
      %dma_start3A_772 = tpu.memref_slice %arg11[%dma_start3A_770, %dma_start3A_771] : memref<16x128xf32, #tpu.memory_space<vmem>> -> memref<1x85xf32, #tpu.memory_space<vmem>>
      %dma_start3A_773 = tpu.memref_squeeze %dma_start3A_772 : memref<1x85xf32, #tpu.memory_space<vmem>> -> memref<85xf32, #tpu.memory_space<vmem>>
      %dma_start3A_774 = arith.constant 0 : i32
      %dma_start3A_775 = tpu.memref_slice %arg3[%squeeze3A_769, %dma_start3A_774] : memref<38400x85xf32, #tpu.memory_space<hbm>> -> memref<1x85xf32, #tpu.memory_space<hbm>>
      %dma_start3A_776 = tpu.memref_squeeze %dma_start3A_775 : memref<1x85xf32, #tpu.memory_space<hbm>> -> memref<85xf32, #tpu.memory_space<hbm>>
      %dma_start3A_777 = arith.constant 0 : i32
      %dma_start3A_778 = tpu.memref_slice %arg11[%dma_start3A_770, %dma_start3A_777] : memref<16x128xf32, #tpu.memory_space<vmem>> -> memref<1x85xf32, #tpu.memory_space<vmem>>
      %dma_start3A_779 = tpu.memref_squeeze %dma_start3A_778 : memref<1x85xf32, #tpu.memory_space<vmem>> -> memref<85xf32, #tpu.memory_space<vmem>>
      %dma_start3A_780 = arith.constant 0 : i32
      %dma_start3A_781 = tpu.memref_slice %arg3[%squeeze3A_769, %dma_start3A_780] : memref<38400x85xf32, #tpu.memory_space<hbm>> -> memref<1x85xf32, #tpu.memory_space<hbm>>
      %dma_start3A_782 = tpu.memref_squeeze %dma_start3A_781 : memref<1x85xf32, #tpu.memory_space<hbm>> -> memref<85xf32, #tpu.memory_space<hbm>>
      tpu.enqueue_dma source(%dma_start3A_782 : memref<85xf32, #tpu.memory_space<hbm>>) target(%dma_start3A_779 : memref<85xf32, #tpu.memory_space<vmem>>) target_semaphore(%arg13 : memref<!tpu.dma_semaphore, #tpu.memory_space<semaphore_mem>>)
      %slice3A_783 = vector.extract_strided_slice %add3A_617 {offsets = [11], sizes = [1], strides = [1]} : vector<16xi32> to vector<1xi32>
      %squeeze3A_784 = vector.extract %slice3A_783[0] : i32 from vector<1xi32>
      %dma_start3A_785 = arith.constant 11 : i32
      %dma_start3A_786 = arith.constant 0 : i32
      %dma_start3A_787 = tpu.memref_slice %arg11[%dma_start3A_785, %dma_start3A_786] : memref<16x128xf32, #tpu.memory_space<vmem>> -> memref<1x85xf32, #tpu.memory_space<vmem>>
      %dma_start3A_788 = tpu.memref_squeeze %dma_start3A_787 : memref<1x85xf32, #tpu.memory_space<vmem>> -> memref<85xf32, #tpu.memory_space<vmem>>
      %dma_start3A_789 = arith.constant 0 : i32
      %dma_start3A_790 = tpu.memref_slice %arg3[%squeeze3A_784, %dma_start3A_789] : memref<38400x85xf32, #tpu.memory_space<hbm>> -> memref<1x85xf32, #tpu.memory_space<hbm>>
      %dma_start3A_791 = tpu.memref_squeeze %dma_start3A_790 : memref<1x85xf32, #tpu.memory_space<hbm>> -> memref<85xf32, #tpu.memory_space<hbm>>
      %dma_start3A_792 = arith.constant 0 : i32
      %dma_start3A_793 = tpu.memref_slice %arg11[%dma_start3A_785, %dma_start3A_792] : memref<16x128xf32, #tpu.memory_space<vmem>> -> memref<1x85xf32, #tpu.memory_space<vmem>>
      %dma_start3A_794 = tpu.memref_squeeze %dma_start3A_793 : memref<1x85xf32, #tpu.memory_space<vmem>> -> memref<85xf32, #tpu.memory_space<vmem>>
      %dma_start3A_795 = arith.constant 0 : i32
      %dma_start3A_796 = tpu.memref_slice %arg3[%squeeze3A_784, %dma_start3A_795] : memref<38400x85xf32, #tpu.memory_space<hbm>> -> memref<1x85xf32, #tpu.memory_space<hbm>>
      %dma_start3A_797 = tpu.memref_squeeze %dma_start3A_796 : memref<1x85xf32, #tpu.memory_space<hbm>> -> memref<85xf32, #tpu.memory_space<hbm>>
      tpu.enqueue_dma source(%dma_start3A_797 : memref<85xf32, #tpu.memory_space<hbm>>) target(%dma_start3A_794 : memref<85xf32, #tpu.memory_space<vmem>>) target_semaphore(%arg13 : memref<!tpu.dma_semaphore, #tpu.memory_space<semaphore_mem>>)
      %slice3A_798 = vector.extract_strided_slice %add3A_617 {offsets = [12], sizes = [1], strides = [1]} : vector<16xi32> to vector<1xi32>
      %squeeze3A_799 = vector.extract %slice3A_798[0] : i32 from vector<1xi32>
      %dma_start3A_800 = arith.constant 12 : i32
      %dma_start3A_801 = arith.constant 0 : i32
      %dma_start3A_802 = tpu.memref_slice %arg11[%dma_start3A_800, %dma_start3A_801] : memref<16x128xf32, #tpu.memory_space<vmem>> -> memref<1x85xf32, #tpu.memory_space<vmem>>
      %dma_start3A_803 = tpu.memref_squeeze %dma_start3A_802 : memref<1x85xf32, #tpu.memory_space<vmem>> -> memref<85xf32, #tpu.memory_space<vmem>>
      %dma_start3A_804 = arith.constant 0 : i32
      %dma_start3A_805 = tpu.memref_slice %arg3[%squeeze3A_799, %dma_start3A_804] : memref<38400x85xf32, #tpu.memory_space<hbm>> -> memref<1x85xf32, #tpu.memory_space<hbm>>
      %dma_start3A_806 = tpu.memref_squeeze %dma_start3A_805 : memref<1x85xf32, #tpu.memory_space<hbm>> -> memref<85xf32, #tpu.memory_space<hbm>>
      %dma_start3A_807 = arith.constant 0 : i32
      %dma_start3A_808 = tpu.memref_slice %arg11[%dma_start3A_800, %dma_start3A_807] : memref<16x128xf32, #tpu.memory_space<vmem>> -> memref<1x85xf32, #tpu.memory_space<vmem>>
      %dma_start3A_809 = tpu.memref_squeeze %dma_start3A_808 : memref<1x85xf32, #tpu.memory_space<vmem>> -> memref<85xf32, #tpu.memory_space<vmem>>
      %dma_start3A_810 = arith.constant 0 : i32
      %dma_start3A_811 = tpu.memref_slice %arg3[%squeeze3A_799, %dma_start3A_810] : memref<38400x85xf32, #tpu.memory_space<hbm>> -> memref<1x85xf32, #tpu.memory_space<hbm>>
      %dma_start3A_812 = tpu.memref_squeeze %dma_start3A_811 : memref<1x85xf32, #tpu.memory_space<hbm>> -> memref<85xf32, #tpu.memory_space<hbm>>
      tpu.enqueue_dma source(%dma_start3A_812 : memref<85xf32, #tpu.memory_space<hbm>>) target(%dma_start3A_809 : memref<85xf32, #tpu.memory_space<vmem>>) target_semaphore(%arg13 : memref<!tpu.dma_semaphore, #tpu.memory_space<semaphore_mem>>)
      %slice3A_813 = vector.extract_strided_slice %add3A_617 {offsets = [13], sizes = [1], strides = [1]} : vector<16xi32> to vector<1xi32>
      %squeeze3A_814 = vector.extract %slice3A_813[0] : i32 from vector<1xi32>
      %dma_start3A_815 = arith.constant 13 : i32
      %dma_start3A_816 = arith.constant 0 : i32
      %dma_start3A_817 = tpu.memref_slice %arg11[%dma_start3A_815, %dma_start3A_816] : memref<16x128xf32, #tpu.memory_space<vmem>> -> memref<1x85xf32, #tpu.memory_space<vmem>>
      %dma_start3A_818 = tpu.memref_squeeze %dma_start3A_817 : memref<1x85xf32, #tpu.memory_space<vmem>> -> memref<85xf32, #tpu.memory_space<vmem>>
      %dma_start3A_819 = arith.constant 0 : i32
      %dma_start3A_820 = tpu.memref_slice %arg3[%squeeze3A_814, %dma_start3A_819] : memref<38400x85xf32, #tpu.memory_space<hbm>> -> memref<1x85xf32, #tpu.memory_space<hbm>>
      %dma_start3A_821 = tpu.memref_squeeze %dma_start3A_820 : memref<1x85xf32, #tpu.memory_space<hbm>> -> memref<85xf32, #tpu.memory_space<hbm>>
      %dma_start3A_822 = arith.constant 0 : i32
      %dma_start3A_823 = tpu.memref_slice %arg11[%dma_start3A_815, %dma_start3A_822] : memref<16x128xf32, #tpu.memory_space<vmem>> -> memref<1x85xf32, #tpu.memory_space<vmem>>
      %dma_start3A_824 = tpu.memref_squeeze %dma_start3A_823 : memref<1x85xf32, #tpu.memory_space<vmem>> -> memref<85xf32, #tpu.memory_space<vmem>>
      %dma_start3A_825 = arith.constant 0 : i32
      %dma_start3A_826 = tpu.memref_slice %arg3[%squeeze3A_814, %dma_start3A_825] : memref<38400x85xf32, #tpu.memory_space<hbm>> -> memref<1x85xf32, #tpu.memory_space<hbm>>
      %dma_start3A_827 = tpu.memref_squeeze %dma_start3A_826 : memref<1x85xf32, #tpu.memory_space<hbm>> -> memref<85xf32, #tpu.memory_space<hbm>>
      tpu.enqueue_dma source(%dma_start3A_827 : memref<85xf32, #tpu.memory_space<hbm>>) target(%dma_start3A_824 : memref<85xf32, #tpu.memory_space<vmem>>) target_semaphore(%arg13 : memref<!tpu.dma_semaphore, #tpu.memory_space<semaphore_mem>>)
      %slice3A_828 = vector.extract_strided_slice %add3A_617 {offsets = [14], sizes = [1], strides = [1]} : vector<16xi32> to vector<1xi32>
      %squeeze3A_829 = vector.extract %slice3A_828[0] : i32 from vector<1xi32>
      %dma_start3A_830 = arith.constant 14 : i32
      %dma_start3A_831 = arith.constant 0 : i32
      %dma_start3A_832 = tpu.memref_slice %arg11[%dma_start3A_830, %dma_start3A_831] : memref<16x128xf32, #tpu.memory_space<vmem>> -> memref<1x85xf32, #tpu.memory_space<vmem>>
      %dma_start3A_833 = tpu.memref_squeeze %dma_start3A_832 : memref<1x85xf32, #tpu.memory_space<vmem>> -> memref<85xf32, #tpu.memory_space<vmem>>
      %dma_start3A_834 = arith.constant 0 : i32
      %dma_start3A_835 = tpu.memref_slice %arg3[%squeeze3A_829, %dma_start3A_834] : memref<38400x85xf32, #tpu.memory_space<hbm>> -> memref<1x85xf32, #tpu.memory_space<hbm>>
      %dma_start3A_836 = tpu.memref_squeeze %dma_start3A_835 : memref<1x85xf32, #tpu.memory_space<hbm>> -> memref<85xf32, #tpu.memory_space<hbm>>
      %dma_start3A_837 = arith.constant 0 : i32
      %dma_start3A_838 = tpu.memref_slice %arg11[%dma_start3A_830, %dma_start3A_837] : memref<16x128xf32, #tpu.memory_space<vmem>> -> memref<1x85xf32, #tpu.memory_space<vmem>>
      %dma_start3A_839 = tpu.memref_squeeze %dma_start3A_838 : memref<1x85xf32, #tpu.memory_space<vmem>> -> memref<85xf32, #tpu.memory_space<vmem>>
      %dma_start3A_840 = arith.constant 0 : i32
      %dma_start3A_841 = tpu.memref_slice %arg3[%squeeze3A_829, %dma_start3A_840] : memref<38400x85xf32, #tpu.memory_space<hbm>> -> memref<1x85xf32, #tpu.memory_space<hbm>>
      %dma_start3A_842 = tpu.memref_squeeze %dma_start3A_841 : memref<1x85xf32, #tpu.memory_space<hbm>> -> memref<85xf32, #tpu.memory_space<hbm>>
      tpu.enqueue_dma source(%dma_start3A_842 : memref<85xf32, #tpu.memory_space<hbm>>) target(%dma_start3A_839 : memref<85xf32, #tpu.memory_space<vmem>>) target_semaphore(%arg13 : memref<!tpu.dma_semaphore, #tpu.memory_space<semaphore_mem>>)
      %slice3A_843 = vector.extract_strided_slice %add3A_617 {offsets = [15], sizes = [1], strides = [1]} : vector<16xi32> to vector<1xi32>
      %squeeze3A_844 = vector.extract %slice3A_843[0] : i32 from vector<1xi32>
      %dma_start3A_845 = arith.constant 15 : i32
      %dma_start3A_846 = arith.constant 0 : i32
      %dma_start3A_847 = tpu.memref_slice %arg11[%dma_start3A_845, %dma_start3A_846] : memref<16x128xf32, #tpu.memory_space<vmem>> -> memref<1x85xf32, #tpu.memory_space<vmem>>
      %dma_start3A_848 = tpu.memref_squeeze %dma_start3A_847 : memref<1x85xf32, #tpu.memory_space<vmem>> -> memref<85xf32, #tpu.memory_space<vmem>>
      %dma_start3A_849 = arith.constant 0 : i32
      %dma_start3A_850 = tpu.memref_slice %arg3[%squeeze3A_844, %dma_start3A_849] : memref<38400x85xf32, #tpu.memory_space<hbm>> -> memref<1x85xf32, #tpu.memory_space<hbm>>
      %dma_start3A_851 = tpu.memref_squeeze %dma_start3A_850 : memref<1x85xf32, #tpu.memory_space<hbm>> -> memref<85xf32, #tpu.memory_space<hbm>>
      %dma_start3A_852 = arith.constant 0 : i32
      %dma_start3A_853 = tpu.memref_slice %arg11[%dma_start3A_845, %dma_start3A_852] : memref<16x128xf32, #tpu.memory_space<vmem>> -> memref<1x85xf32, #tpu.memory_space<vmem>>
      %dma_start3A_854 = tpu.memref_squeeze %dma_start3A_853 : memref<1x85xf32, #tpu.memory_space<vmem>> -> memref<85xf32, #tpu.memory_space<vmem>>
      %dma_start3A_855 = arith.constant 0 : i32
      %dma_start3A_856 = tpu.memref_slice %arg3[%squeeze3A_844, %dma_start3A_855] : memref<38400x85xf32, #tpu.memory_space<hbm>> -> memref<1x85xf32, #tpu.memory_space<hbm>>
      %dma_start3A_857 = tpu.memref_squeeze %dma_start3A_856 : memref<1x85xf32, #tpu.memory_space<hbm>> -> memref<85xf32, #tpu.memory_space<hbm>>
      tpu.enqueue_dma source(%dma_start3A_857 : memref<85xf32, #tpu.memory_space<hbm>>) target(%dma_start3A_854 : memref<85xf32, #tpu.memory_space<vmem>>) target_semaphore(%arg13 : memref<!tpu.dma_semaphore, #tpu.memory_space<semaphore_mem>>)
      %dma_wait3A_858 = arith.constant 0 : i32
      %dma_wait3A_859 = arith.constant 0 : i32
      %dma_wait3A_860 = tpu.memref_slice %arg11[%dma_wait3A_858, %dma_wait3A_859] : memref<16x128xf32, #tpu.memory_space<vmem>> -> memref<1x85xf32, #tpu.memory_space<vmem>>
      %dma_wait3A_861 = tpu.memref_squeeze %dma_wait3A_860 : memref<1x85xf32, #tpu.memory_space<vmem>> -> memref<85xf32, #tpu.memory_space<vmem>>
      %dma_wait3A_862 = arith.constant 0 : i32
      %dma_wait3A_863 = tpu.memref_slice %arg3[%squeeze3A_619, %dma_wait3A_862] : memref<38400x85xf32, #tpu.memory_space<hbm>> -> memref<1x85xf32, #tpu.memory_space<hbm>>
      %dma_wait3A_864 = tpu.memref_squeeze %dma_wait3A_863 : memref<1x85xf32, #tpu.memory_space<hbm>> -> memref<85xf32, #tpu.memory_space<hbm>>
      %dma_wait3A_865 = arith.constant 0 : i32
      %dma_wait3A_866 = tpu.memref_slice %arg11[%dma_wait3A_858, %dma_wait3A_865] : memref<16x128xf32, #tpu.memory_space<vmem>> -> memref<1x85xf32, #tpu.memory_space<vmem>>
      %dma_wait3A_867 = tpu.memref_squeeze %dma_wait3A_866 : memref<1x85xf32, #tpu.memory_space<vmem>> -> memref<85xf32, #tpu.memory_space<vmem>>
      %dma_wait3A_868 = arith.constant 0 : i32
      %dma_wait3A_869 = tpu.memref_slice %arg3[%squeeze3A_619, %dma_wait3A_868] : memref<38400x85xf32, #tpu.memory_space<hbm>> -> memref<1x85xf32, #tpu.memory_space<hbm>>
      %dma_wait3A_870 = tpu.memref_squeeze %dma_wait3A_869 : memref<1x85xf32, #tpu.memory_space<hbm>> -> memref<85xf32, #tpu.memory_space<hbm>>
      tpu.wait_dma2 semaphore(%arg13 : memref<!tpu.dma_semaphore, #tpu.memory_space<semaphore_mem>>) src(%dma_wait3A_870 : memref<85xf32, #tpu.memory_space<hbm>>) dst(%dma_wait3A_867 : memref<85xf32, #tpu.memory_space<vmem>>)
      %dma_wait3A_871 = arith.constant 1 : i32
      %dma_wait3A_872 = arith.constant 0 : i32
      %dma_wait3A_873 = tpu.memref_slice %arg11[%dma_wait3A_871, %dma_wait3A_872] : memref<16x128xf32, #tpu.memory_space<vmem>> -> memref<1x85xf32, #tpu.memory_space<vmem>>
      %dma_wait3A_874 = tpu.memref_squeeze %dma_wait3A_873 : memref<1x85xf32, #tpu.memory_space<vmem>> -> memref<85xf32, #tpu.memory_space<vmem>>
      %dma_wait3A_875 = arith.constant 0 : i32
      %dma_wait3A_876 = tpu.memref_slice %arg3[%squeeze3A_634, %dma_wait3A_875] : memref<38400x85xf32, #tpu.memory_space<hbm>> -> memref<1x85xf32, #tpu.memory_space<hbm>>
      %dma_wait3A_877 = tpu.memref_squeeze %dma_wait3A_876 : memref<1x85xf32, #tpu.memory_space<hbm>> -> memref<85xf32, #tpu.memory_space<hbm>>
      %dma_wait3A_878 = arith.constant 0 : i32
      %dma_wait3A_879 = tpu.memref_slice %arg11[%dma_wait3A_871, %dma_wait3A_878] : memref<16x128xf32, #tpu.memory_space<vmem>> -> memref<1x85xf32, #tpu.memory_space<vmem>>
      %dma_wait3A_880 = tpu.memref_squeeze %dma_wait3A_879 : memref<1x85xf32, #tpu.memory_space<vmem>> -> memref<85xf32, #tpu.memory_space<vmem>>
      %dma_wait3A_881 = arith.constant 0 : i32
      %dma_wait3A_882 = tpu.memref_slice %arg3[%squeeze3A_634, %dma_wait3A_881] : memref<38400x85xf32, #tpu.memory_space<hbm>> -> memref<1x85xf32, #tpu.memory_space<hbm>>
      %dma_wait3A_883 = tpu.memref_squeeze %dma_wait3A_882 : memref<1x85xf32, #tpu.memory_space<hbm>> -> memref<85xf32, #tpu.memory_space<hbm>>
      tpu.wait_dma2 semaphore(%arg13 : memref<!tpu.dma_semaphore, #tpu.memory_space<semaphore_mem>>) src(%dma_wait3A_883 : memref<85xf32, #tpu.memory_space<hbm>>) dst(%dma_wait3A_880 : memref<85xf32, #tpu.memory_space<vmem>>)
      %dma_wait3A_884 = arith.constant 2 : i32
      %dma_wait3A_885 = arith.constant 0 : i32
      %dma_wait3A_886 = tpu.memref_slice %arg11[%dma_wait3A_884, %dma_wait3A_885] : memref<16x128xf32, #tpu.memory_space<vmem>> -> memref<1x85xf32, #tpu.memory_space<vmem>>
      %dma_wait3A_887 = tpu.memref_squeeze %dma_wait3A_886 : memref<1x85xf32, #tpu.memory_space<vmem>> -> memref<85xf32, #tpu.memory_space<vmem>>
      %dma_wait3A_888 = arith.constant 0 : i32
      %dma_wait3A_889 = tpu.memref_slice %arg3[%squeeze3A_649, %dma_wait3A_888] : memref<38400x85xf32, #tpu.memory_space<hbm>> -> memref<1x85xf32, #tpu.memory_space<hbm>>
      %dma_wait3A_890 = tpu.memref_squeeze %dma_wait3A_889 : memref<1x85xf32, #tpu.memory_space<hbm>> -> memref<85xf32, #tpu.memory_space<hbm>>
      %dma_wait3A_891 = arith.constant 0 : i32
      %dma_wait3A_892 = tpu.memref_slice %arg11[%dma_wait3A_884, %dma_wait3A_891] : memref<16x128xf32, #tpu.memory_space<vmem>> -> memref<1x85xf32, #tpu.memory_space<vmem>>
      %dma_wait3A_893 = tpu.memref_squeeze %dma_wait3A_892 : memref<1x85xf32, #tpu.memory_space<vmem>> -> memref<85xf32, #tpu.memory_space<vmem>>
      %dma_wait3A_894 = arith.constant 0 : i32
      %dma_wait3A_895 = tpu.memref_slice %arg3[%squeeze3A_649, %dma_wait3A_894] : memref<38400x85xf32, #tpu.memory_space<hbm>> -> memref<1x85xf32, #tpu.memory_space<hbm>>
      %dma_wait3A_896 = tpu.memref_squeeze %dma_wait3A_895 : memref<1x85xf32, #tpu.memory_space<hbm>> -> memref<85xf32, #tpu.memory_space<hbm>>
      tpu.wait_dma2 semaphore(%arg13 : memref<!tpu.dma_semaphore, #tpu.memory_space<semaphore_mem>>) src(%dma_wait3A_896 : memref<85xf32, #tpu.memory_space<hbm>>) dst(%dma_wait3A_893 : memref<85xf32, #tpu.memory_space<vmem>>)
      %dma_wait3A_897 = arith.constant 3 : i32
      %dma_wait3A_898 = arith.constant 0 : i32
      %dma_wait3A_899 = tpu.memref_slice %arg11[%dma_wait3A_897, %dma_wait3A_898] : memref<16x128xf32, #tpu.memory_space<vmem>> -> memref<1x85xf32, #tpu.memory_space<vmem>>
      %dma_wait3A_900 = tpu.memref_squeeze %dma_wait3A_899 : memref<1x85xf32, #tpu.memory_space<vmem>> -> memref<85xf32, #tpu.memory_space<vmem>>
      %dma_wait3A_901 = arith.constant 0 : i32
      %dma_wait3A_902 = tpu.memref_slice %arg3[%squeeze3A_664, %dma_wait3A_901] : memref<38400x85xf32, #tpu.memory_space<hbm>> -> memref<1x85xf32, #tpu.memory_space<hbm>>
      %dma_wait3A_903 = tpu.memref_squeeze %dma_wait3A_902 : memref<1x85xf32, #tpu.memory_space<hbm>> -> memref<85xf32, #tpu.memory_space<hbm>>
      %dma_wait3A_904 = arith.constant 0 : i32
      %dma_wait3A_905 = tpu.memref_slice %arg11[%dma_wait3A_897, %dma_wait3A_904] : memref<16x128xf32, #tpu.memory_space<vmem>> -> memref<1x85xf32, #tpu.memory_space<vmem>>
      %dma_wait3A_906 = tpu.memref_squeeze %dma_wait3A_905 : memref<1x85xf32, #tpu.memory_space<vmem>> -> memref<85xf32, #tpu.memory_space<vmem>>
      %dma_wait3A_907 = arith.constant 0 : i32
      %dma_wait3A_908 = tpu.memref_slice %arg3[%squeeze3A_664, %dma_wait3A_907] : memref<38400x85xf32, #tpu.memory_space<hbm>> -> memref<1x85xf32, #tpu.memory_space<hbm>>
      %dma_wait3A_909 = tpu.memref_squeeze %dma_wait3A_908 : memref<1x85xf32, #tpu.memory_space<hbm>> -> memref<85xf32, #tpu.memory_space<hbm>>
      tpu.wait_dma2 semaphore(%arg13 : memref<!tpu.dma_semaphore, #tpu.memory_space<semaphore_mem>>) src(%dma_wait3A_909 : memref<85xf32, #tpu.memory_space<hbm>>) dst(%dma_wait3A_906 : memref<85xf32, #tpu.memory_space<vmem>>)
      %dma_wait3A_910 = arith.constant 4 : i32
      %dma_wait3A_911 = arith.constant 0 : i32
      %dma_wait3A_912 = tpu.memref_slice %arg11[%dma_wait3A_910, %dma_wait3A_911] : memref<16x128xf32, #tpu.memory_space<vmem>> -> memref<1x85xf32, #tpu.memory_space<vmem>>
      %dma_wait3A_913 = tpu.memref_squeeze %dma_wait3A_912 : memref<1x85xf32, #tpu.memory_space<vmem>> -> memref<85xf32, #tpu.memory_space<vmem>>
      %dma_wait3A_914 = arith.constant 0 : i32
      %dma_wait3A_915 = tpu.memref_slice %arg3[%squeeze3A_679, %dma_wait3A_914] : memref<38400x85xf32, #tpu.memory_space<hbm>> -> memref<1x85xf32, #tpu.memory_space<hbm>>
      %dma_wait3A_916 = tpu.memref_squeeze %dma_wait3A_915 : memref<1x85xf32, #tpu.memory_space<hbm>> -> memref<85xf32, #tpu.memory_space<hbm>>
      %dma_wait3A_917 = arith.constant 0 : i32
      %dma_wait3A_918 = tpu.memref_slice %arg11[%dma_wait3A_910, %dma_wait3A_917] : memref<16x128xf32, #tpu.memory_space<vmem>> -> memref<1x85xf32, #tpu.memory_space<vmem>>
      %dma_wait3A_919 = tpu.memref_squeeze %dma_wait3A_918 : memref<1x85xf32, #tpu.memory_space<vmem>> -> memref<85xf32, #tpu.memory_space<vmem>>
      %dma_wait3A_920 = arith.constant 0 : i32
      %dma_wait3A_921 = tpu.memref_slice %arg3[%squeeze3A_679, %dma_wait3A_920] : memref<38400x85xf32, #tpu.memory_space<hbm>> -> memref<1x85xf32, #tpu.memory_space<hbm>>
      %dma_wait3A_922 = tpu.memref_squeeze %dma_wait3A_921 : memref<1x85xf32, #tpu.memory_space<hbm>> -> memref<85xf32, #tpu.memory_space<hbm>>
      tpu.wait_dma2 semaphore(%arg13 : memref<!tpu.dma_semaphore, #tpu.memory_space<semaphore_mem>>) src(%dma_wait3A_922 : memref<85xf32, #tpu.memory_space<hbm>>) dst(%dma_wait3A_919 : memref<85xf32, #tpu.memory_space<vmem>>)
      %dma_wait3A_923 = arith.constant 5 : i32
      %dma_wait3A_924 = arith.constant 0 : i32
      %dma_wait3A_925 = tpu.memref_slice %arg11[%dma_wait3A_923, %dma_wait3A_924] : memref<16x128xf32, #tpu.memory_space<vmem>> -> memref<1x85xf32, #tpu.memory_space<vmem>>
      %dma_wait3A_926 = tpu.memref_squeeze %dma_wait3A_925 : memref<1x85xf32, #tpu.memory_space<vmem>> -> memref<85xf32, #tpu.memory_space<vmem>>
      %dma_wait3A_927 = arith.constant 0 : i32
      %dma_wait3A_928 = tpu.memref_slice %arg3[%squeeze3A_694, %dma_wait3A_927] : memref<38400x85xf32, #tpu.memory_space<hbm>> -> memref<1x85xf32, #tpu.memory_space<hbm>>
      %dma_wait3A_929 = tpu.memref_squeeze %dma_wait3A_928 : memref<1x85xf32, #tpu.memory_space<hbm>> -> memref<85xf32, #tpu.memory_space<hbm>>
      %dma_wait3A_930 = arith.constant 0 : i32
      %dma_wait3A_931 = tpu.memref_slice %arg11[%dma_wait3A_923, %dma_wait3A_930] : memref<16x128xf32, #tpu.memory_space<vmem>> -> memref<1x85xf32, #tpu.memory_space<vmem>>
      %dma_wait3A_932 = tpu.memref_squeeze %dma_wait3A_931 : memref<1x85xf32, #tpu.memory_space<vmem>> -> memref<85xf32, #tpu.memory_space<vmem>>
      %dma_wait3A_933 = arith.constant 0 : i32
      %dma_wait3A_934 = tpu.memref_slice %arg3[%squeeze3A_694, %dma_wait3A_933] : memref<38400x85xf32, #tpu.memory_space<hbm>> -> memref<1x85xf32, #tpu.memory_space<hbm>>
      %dma_wait3A_935 = tpu.memref_squeeze %dma_wait3A_934 : memref<1x85xf32, #tpu.memory_space<hbm>> -> memref<85xf32, #tpu.memory_space<hbm>>
      tpu.wait_dma2 semaphore(%arg13 : memref<!tpu.dma_semaphore, #tpu.memory_space<semaphore_mem>>) src(%dma_wait3A_935 : memref<85xf32, #tpu.memory_space<hbm>>) dst(%dma_wait3A_932 : memref<85xf32, #tpu.memory_space<vmem>>)
      %dma_wait3A_936 = arith.constant 6 : i32
      %dma_wait3A_937 = arith.constant 0 : i32
      %dma_wait3A_938 = tpu.memref_slice %arg11[%dma_wait3A_936, %dma_wait3A_937] : memref<16x128xf32, #tpu.memory_space<vmem>> -> memref<1x85xf32, #tpu.memory_space<vmem>>
      %dma_wait3A_939 = tpu.memref_squeeze %dma_wait3A_938 : memref<1x85xf32, #tpu.memory_space<vmem>> -> memref<85xf32, #tpu.memory_space<vmem>>
      %dma_wait3A_940 = arith.constant 0 : i32
      %dma_wait3A_941 = tpu.memref_slice %arg3[%squeeze3A_709, %dma_wait3A_940] : memref<38400x85xf32, #tpu.memory_space<hbm>> -> memref<1x85xf32, #tpu.memory_space<hbm>>
      %dma_wait3A_942 = tpu.memref_squeeze %dma_wait3A_941 : memref<1x85xf32, #tpu.memory_space<hbm>> -> memref<85xf32, #tpu.memory_space<hbm>>
      %dma_wait3A_943 = arith.constant 0 : i32
      %dma_wait3A_944 = tpu.memref_slice %arg11[%dma_wait3A_936, %dma_wait3A_943] : memref<16x128xf32, #tpu.memory_space<vmem>> -> memref<1x85xf32, #tpu.memory_space<vmem>>
      %dma_wait3A_945 = tpu.memref_squeeze %dma_wait3A_944 : memref<1x85xf32, #tpu.memory_space<vmem>> -> memref<85xf32, #tpu.memory_space<vmem>>
      %dma_wait3A_946 = arith.constant 0 : i32
      %dma_wait3A_947 = tpu.memref_slice %arg3[%squeeze3A_709, %dma_wait3A_946] : memref<38400x85xf32, #tpu.memory_space<hbm>> -> memref<1x85xf32, #tpu.memory_space<hbm>>
      %dma_wait3A_948 = tpu.memref_squeeze %dma_wait3A_947 : memref<1x85xf32, #tpu.memory_space<hbm>> -> memref<85xf32, #tpu.memory_space<hbm>>
      tpu.wait_dma2 semaphore(%arg13 : memref<!tpu.dma_semaphore, #tpu.memory_space<semaphore_mem>>) src(%dma_wait3A_948 : memref<85xf32, #tpu.memory_space<hbm>>) dst(%dma_wait3A_945 : memref<85xf32, #tpu.memory_space<vmem>>)
      %dma_wait3A_949 = arith.constant 7 : i32
      %dma_wait3A_950 = arith.constant 0 : i32
      %dma_wait3A_951 = tpu.memref_slice %arg11[%dma_wait3A_949, %dma_wait3A_950] : memref<16x128xf32, #tpu.memory_space<vmem>> -> memref<1x85xf32, #tpu.memory_space<vmem>>
      %dma_wait3A_952 = tpu.memref_squeeze %dma_wait3A_951 : memref<1x85xf32, #tpu.memory_space<vmem>> -> memref<85xf32, #tpu.memory_space<vmem>>
      %dma_wait3A_953 = arith.constant 0 : i32
      %dma_wait3A_954 = tpu.memref_slice %arg3[%squeeze3A_724, %dma_wait3A_953] : memref<38400x85xf32, #tpu.memory_space<hbm>> -> memref<1x85xf32, #tpu.memory_space<hbm>>
      %dma_wait3A_955 = tpu.memref_squeeze %dma_wait3A_954 : memref<1x85xf32, #tpu.memory_space<hbm>> -> memref<85xf32, #tpu.memory_space<hbm>>
      %dma_wait3A_956 = arith.constant 0 : i32
      %dma_wait3A_957 = tpu.memref_slice %arg11[%dma_wait3A_949, %dma_wait3A_956] : memref<16x128xf32, #tpu.memory_space<vmem>> -> memref<1x85xf32, #tpu.memory_space<vmem>>
      %dma_wait3A_958 = tpu.memref_squeeze %dma_wait3A_957 : memref<1x85xf32, #tpu.memory_space<vmem>> -> memref<85xf32, #tpu.memory_space<vmem>>
      %dma_wait3A_959 = arith.constant 0 : i32
      %dma_wait3A_960 = tpu.memref_slice %arg3[%squeeze3A_724, %dma_wait3A_959] : memref<38400x85xf32, #tpu.memory_space<hbm>> -> memref<1x85xf32, #tpu.memory_space<hbm>>
      %dma_wait3A_961 = tpu.memref_squeeze %dma_wait3A_960 : memref<1x85xf32, #tpu.memory_space<hbm>> -> memref<85xf32, #tpu.memory_space<hbm>>
      tpu.wait_dma2 semaphore(%arg13 : memref<!tpu.dma_semaphore, #tpu.memory_space<semaphore_mem>>) src(%dma_wait3A_961 : memref<85xf32, #tpu.memory_space<hbm>>) dst(%dma_wait3A_958 : memref<85xf32, #tpu.memory_space<vmem>>)
      %dma_wait3A_962 = arith.constant 8 : i32
      %dma_wait3A_963 = arith.constant 0 : i32
      %dma_wait3A_964 = tpu.memref_slice %arg11[%dma_wait3A_962, %dma_wait3A_963] : memref<16x128xf32, #tpu.memory_space<vmem>> -> memref<1x85xf32, #tpu.memory_space<vmem>>
      %dma_wait3A_965 = tpu.memref_squeeze %dma_wait3A_964 : memref<1x85xf32, #tpu.memory_space<vmem>> -> memref<85xf32, #tpu.memory_space<vmem>>
      %dma_wait3A_966 = arith.constant 0 : i32
      %dma_wait3A_967 = tpu.memref_slice %arg3[%squeeze3A_739, %dma_wait3A_966] : memref<38400x85xf32, #tpu.memory_space<hbm>> -> memref<1x85xf32, #tpu.memory_space<hbm>>
      %dma_wait3A_968 = tpu.memref_squeeze %dma_wait3A_967 : memref<1x85xf32, #tpu.memory_space<hbm>> -> memref<85xf32, #tpu.memory_space<hbm>>
      %dma_wait3A_969 = arith.constant 0 : i32
      %dma_wait3A_970 = tpu.memref_slice %arg11[%dma_wait3A_962, %dma_wait3A_969] : memref<16x128xf32, #tpu.memory_space<vmem>> -> memref<1x85xf32, #tpu.memory_space<vmem>>
      %dma_wait3A_971 = tpu.memref_squeeze %dma_wait3A_970 : memref<1x85xf32, #tpu.memory_space<vmem>> -> memref<85xf32, #tpu.memory_space<vmem>>
      %dma_wait3A_972 = arith.constant 0 : i32
      %dma_wait3A_973 = tpu.memref_slice %arg3[%squeeze3A_739, %dma_wait3A_972] : memref<38400x85xf32, #tpu.memory_space<hbm>> -> memref<1x85xf32, #tpu.memory_space<hbm>>
      %dma_wait3A_974 = tpu.memref_squeeze %dma_wait3A_973 : memref<1x85xf32, #tpu.memory_space<hbm>> -> memref<85xf32, #tpu.memory_space<hbm>>
      tpu.wait_dma2 semaphore(%arg13 : memref<!tpu.dma_semaphore, #tpu.memory_space<semaphore_mem>>) src(%dma_wait3A_974 : memref<85xf32, #tpu.memory_space<hbm>>) dst(%dma_wait3A_971 : memref<85xf32, #tpu.memory_space<vmem>>)
      %dma_wait3A_975 = arith.constant 9 : i32
      %dma_wait3A_976 = arith.constant 0 : i32
      %dma_wait3A_977 = tpu.memref_slice %arg11[%dma_wait3A_975, %dma_wait3A_976] : memref<16x128xf32, #tpu.memory_space<vmem>> -> memref<1x85xf32, #tpu.memory_space<vmem>>
      %dma_wait3A_978 = tpu.memref_squeeze %dma_wait3A_977 : memref<1x85xf32, #tpu.memory_space<vmem>> -> memref<85xf32, #tpu.memory_space<vmem>>
      %dma_wait3A_979 = arith.constant 0 : i32
      %dma_wait3A_980 = tpu.memref_slice %arg3[%squeeze3A_754, %dma_wait3A_979] : memref<38400x85xf32, #tpu.memory_space<hbm>> -> memref<1x85xf32, #tpu.memory_space<hbm>>
      %dma_wait3A_981 = tpu.memref_squeeze %dma_wait3A_980 : memref<1x85xf32, #tpu.memory_space<hbm>> -> memref<85xf32, #tpu.memory_space<hbm>>
      %dma_wait3A_982 = arith.constant 0 : i32
      %dma_wait3A_983 = tpu.memref_slice %arg11[%dma_wait3A_975, %dma_wait3A_982] : memref<16x128xf32, #tpu.memory_space<vmem>> -> memref<1x85xf32, #tpu.memory_space<vmem>>
      %dma_wait3A_984 = tpu.memref_squeeze %dma_wait3A_983 : memref<1x85xf32, #tpu.memory_space<vmem>> -> memref<85xf32, #tpu.memory_space<vmem>>
      %dma_wait3A_985 = arith.constant 0 : i32
      %dma_wait3A_986 = tpu.memref_slice %arg3[%squeeze3A_754, %dma_wait3A_985] : memref<38400x85xf32, #tpu.memory_space<hbm>> -> memref<1x85xf32, #tpu.memory_space<hbm>>
      %dma_wait3A_987 = tpu.memref_squeeze %dma_wait3A_986 : memref<1x85xf32, #tpu.memory_space<hbm>> -> memref<85xf32, #tpu.memory_space<hbm>>
      tpu.wait_dma2 semaphore(%arg13 : memref<!tpu.dma_semaphore, #tpu.memory_space<semaphore_mem>>) src(%dma_wait3A_987 : memref<85xf32, #tpu.memory_space<hbm>>) dst(%dma_wait3A_984 : memref<85xf32, #tpu.memory_space<vmem>>)
      %dma_wait3A_988 = arith.constant 10 : i32
      %dma_wait3A_989 = arith.constant 0 : i32
      %dma_wait3A_990 = tpu.memref_slice %arg11[%dma_wait3A_988, %dma_wait3A_989] : memref<16x128xf32, #tpu.memory_space<vmem>> -> memref<1x85xf32, #tpu.memory_space<vmem>>
      %dma_wait3A_991 = tpu.memref_squeeze %dma_wait3A_990 : memref<1x85xf32, #tpu.memory_space<vmem>> -> memref<85xf32, #tpu.memory_space<vmem>>
      %dma_wait3A_992 = arith.constant 0 : i32
      %dma_wait3A_993 = tpu.memref_slice %arg3[%squeeze3A_769, %dma_wait3A_992] : memref<38400x85xf32, #tpu.memory_space<hbm>> -> memref<1x85xf32, #tpu.memory_space<hbm>>
      %dma_wait3A_994 = tpu.memref_squeeze %dma_wait3A_993 : memref<1x85xf32, #tpu.memory_space<hbm>> -> memref<85xf32, #tpu.memory_space<hbm>>
      %dma_wait3A_995 = arith.constant 0 : i32
      %dma_wait3A_996 = tpu.memref_slice %arg11[%dma_wait3A_988, %dma_wait3A_995] : memref<16x128xf32, #tpu.memory_space<vmem>> -> memref<1x85xf32, #tpu.memory_space<vmem>>
      %dma_wait3A_997 = tpu.memref_squeeze %dma_wait3A_996 : memref<1x85xf32, #tpu.memory_space<vmem>> -> memref<85xf32, #tpu.memory_space<vmem>>
      %dma_wait3A_998 = arith.constant 0 : i32
      %dma_wait3A_999 = tpu.memref_slice %arg3[%squeeze3A_769, %dma_wait3A_998] : memref<38400x85xf32, #tpu.memory_space<hbm>> -> memref<1x85xf32, #tpu.memory_space<hbm>>
      %dma_wait3A_1000 = tpu.memref_squeeze %dma_wait3A_999 : memref<1x85xf32, #tpu.memory_space<hbm>> -> memref<85xf32, #tpu.memory_space<hbm>>
      tpu.wait_dma2 semaphore(%arg13 : memref<!tpu.dma_semaphore, #tpu.memory_space<semaphore_mem>>) src(%dma_wait3A_1000 : memref<85xf32, #tpu.memory_space<hbm>>) dst(%dma_wait3A_997 : memref<85xf32, #tpu.memory_space<vmem>>)
      %dma_wait3A_1001 = arith.constant 11 : i32
      %dma_wait3A_1002 = arith.constant 0 : i32
      %dma_wait3A_1003 = tpu.memref_slice %arg11[%dma_wait3A_1001, %dma_wait3A_1002] : memref<16x128xf32, #tpu.memory_space<vmem>> -> memref<1x85xf32, #tpu.memory_space<vmem>>
      %dma_wait3A_1004 = tpu.memref_squeeze %dma_wait3A_1003 : memref<1x85xf32, #tpu.memory_space<vmem>> -> memref<85xf32, #tpu.memory_space<vmem>>
      %dma_wait3A_1005 = arith.constant 0 : i32
      %dma_wait3A_1006 = tpu.memref_slice %arg3[%squeeze3A_784, %dma_wait3A_1005] : memref<38400x85xf32, #tpu.memory_space<hbm>> -> memref<1x85xf32, #tpu.memory_space<hbm>>
      %dma_wait3A_1007 = tpu.memref_squeeze %dma_wait3A_1006 : memref<1x85xf32, #tpu.memory_space<hbm>> -> memref<85xf32, #tpu.memory_space<hbm>>
      %dma_wait3A_1008 = arith.constant 0 : i32
      %dma_wait3A_1009 = tpu.memref_slice %arg11[%dma_wait3A_1001, %dma_wait3A_1008] : memref<16x128xf32, #tpu.memory_space<vmem>> -> memref<1x85xf32, #tpu.memory_space<vmem>>
      %dma_wait3A_1010 = tpu.memref_squeeze %dma_wait3A_1009 : memref<1x85xf32, #tpu.memory_space<vmem>> -> memref<85xf32, #tpu.memory_space<vmem>>
      %dma_wait3A_1011 = arith.constant 0 : i32
      %dma_wait3A_1012 = tpu.memref_slice %arg3[%squeeze3A_784, %dma_wait3A_1011] : memref<38400x85xf32, #tpu.memory_space<hbm>> -> memref<1x85xf32, #tpu.memory_space<hbm>>
      %dma_wait3A_1013 = tpu.memref_squeeze %dma_wait3A_1012 : memref<1x85xf32, #tpu.memory_space<hbm>> -> memref<85xf32, #tpu.memory_space<hbm>>
      tpu.wait_dma2 semaphore(%arg13 : memref<!tpu.dma_semaphore, #tpu.memory_space<semaphore_mem>>) src(%dma_wait3A_1013 : memref<85xf32, #tpu.memory_space<hbm>>) dst(%dma_wait3A_1010 : memref<85xf32, #tpu.memory_space<vmem>>)
      %dma_wait3A_1014 = arith.constant 12 : i32
      %dma_wait3A_1015 = arith.constant 0 : i32
      %dma_wait3A_1016 = tpu.memref_slice %arg11[%dma_wait3A_1014, %dma_wait3A_1015] : memref<16x128xf32, #tpu.memory_space<vmem>> -> memref<1x85xf32, #tpu.memory_space<vmem>>
      %dma_wait3A_1017 = tpu.memref_squeeze %dma_wait3A_1016 : memref<1x85xf32, #tpu.memory_space<vmem>> -> memref<85xf32, #tpu.memory_space<vmem>>
      %dma_wait3A_1018 = arith.constant 0 : i32
      %dma_wait3A_1019 = tpu.memref_slice %arg3[%squeeze3A_799, %dma_wait3A_1018] : memref<38400x85xf32, #tpu.memory_space<hbm>> -> memref<1x85xf32, #tpu.memory_space<hbm>>
      %dma_wait3A_1020 = tpu.memref_squeeze %dma_wait3A_1019 : memref<1x85xf32, #tpu.memory_space<hbm>> -> memref<85xf32, #tpu.memory_space<hbm>>
      %dma_wait3A_1021 = arith.constant 0 : i32
      %dma_wait3A_1022 = tpu.memref_slice %arg11[%dma_wait3A_1014, %dma_wait3A_1021] : memref<16x128xf32, #tpu.memory_space<vmem>> -> memref<1x85xf32, #tpu.memory_space<vmem>>
      %dma_wait3A_1023 = tpu.memref_squeeze %dma_wait3A_1022 : memref<1x85xf32, #tpu.memory_space<vmem>> -> memref<85xf32, #tpu.memory_space<vmem>>
      %dma_wait3A_1024 = arith.constant 0 : i32
      %dma_wait3A_1025 = tpu.memref_slice %arg3[%squeeze3A_799, %dma_wait3A_1024] : memref<38400x85xf32, #tpu.memory_space<hbm>> -> memref<1x85xf32, #tpu.memory_space<hbm>>
      %dma_wait3A_1026 = tpu.memref_squeeze %dma_wait3A_1025 : memref<1x85xf32, #tpu.memory_space<hbm>> -> memref<85xf32, #tpu.memory_space<hbm>>
      tpu.wait_dma2 semaphore(%arg13 : memref<!tpu.dma_semaphore, #tpu.memory_space<semaphore_mem>>) src(%dma_wait3A_1026 : memref<85xf32, #tpu.memory_space<hbm>>) dst(%dma_wait3A_1023 : memref<85xf32, #tpu.memory_space<vmem>>)
      %dma_wait3A_1027 = arith.constant 13 : i32
      %dma_wait3A_1028 = arith.constant 0 : i32
      %dma_wait3A_1029 = tpu.memref_slice %arg11[%dma_wait3A_1027, %dma_wait3A_1028] : memref<16x128xf32, #tpu.memory_space<vmem>> -> memref<1x85xf32, #tpu.memory_space<vmem>>
      %dma_wait3A_1030 = tpu.memref_squeeze %dma_wait3A_1029 : memref<1x85xf32, #tpu.memory_space<vmem>> -> memref<85xf32, #tpu.memory_space<vmem>>
      %dma_wait3A_1031 = arith.constant 0 : i32
      %dma_wait3A_1032 = tpu.memref_slice %arg3[%squeeze3A_814, %dma_wait3A_1031] : memref<38400x85xf32, #tpu.memory_space<hbm>> -> memref<1x85xf32, #tpu.memory_space<hbm>>
      %dma_wait3A_1033 = tpu.memref_squeeze %dma_wait3A_1032 : memref<1x85xf32, #tpu.memory_space<hbm>> -> memref<85xf32, #tpu.memory_space<hbm>>
      %dma_wait3A_1034 = arith.constant 0 : i32
      %dma_wait3A_1035 = tpu.memref_slice %arg11[%dma_wait3A_1027, %dma_wait3A_1034] : memref<16x128xf32, #tpu.memory_space<vmem>> -> memref<1x85xf32, #tpu.memory_space<vmem>>
      %dma_wait3A_1036 = tpu.memref_squeeze %dma_wait3A_1035 : memref<1x85xf32, #tpu.memory_space<vmem>> -> memref<85xf32, #tpu.memory_space<vmem>>
      %dma_wait3A_1037 = arith.constant 0 : i32
      %dma_wait3A_1038 = tpu.memref_slice %arg3[%squeeze3A_814, %dma_wait3A_1037] : memref<38400x85xf32, #tpu.memory_space<hbm>> -> memref<1x85xf32, #tpu.memory_space<hbm>>
      %dma_wait3A_1039 = tpu.memref_squeeze %dma_wait3A_1038 : memref<1x85xf32, #tpu.memory_space<hbm>> -> memref<85xf32, #tpu.memory_space<hbm>>
      tpu.wait_dma2 semaphore(%arg13 : memref<!tpu.dma_semaphore, #tpu.memory_space<semaphore_mem>>) src(%dma_wait3A_1039 : memref<85xf32, #tpu.memory_space<hbm>>) dst(%dma_wait3A_1036 : memref<85xf32, #tpu.memory_space<vmem>>)
      %dma_wait3A_1040 = arith.constant 14 : i32
      %dma_wait3A_1041 = arith.constant 0 : i32
      %dma_wait3A_1042 = tpu.memref_slice %arg11[%dma_wait3A_1040, %dma_wait3A_1041] : memref<16x128xf32, #tpu.memory_space<vmem>> -> memref<1x85xf32, #tpu.memory_space<vmem>>
      %dma_wait3A_1043 = tpu.memref_squeeze %dma_wait3A_1042 : memref<1x85xf32, #tpu.memory_space<vmem>> -> memref<85xf32, #tpu.memory_space<vmem>>
      %dma_wait3A_1044 = arith.constant 0 : i32
      %dma_wait3A_1045 = tpu.memref_slice %arg3[%squeeze3A_829, %dma_wait3A_1044] : memref<38400x85xf32, #tpu.memory_space<hbm>> -> memref<1x85xf32, #tpu.memory_space<hbm>>
      %dma_wait3A_1046 = tpu.memref_squeeze %dma_wait3A_1045 : memref<1x85xf32, #tpu.memory_space<hbm>> -> memref<85xf32, #tpu.memory_space<hbm>>
      %dma_wait3A_1047 = arith.constant 0 : i32
      %dma_wait3A_1048 = tpu.memref_slice %arg11[%dma_wait3A_1040, %dma_wait3A_1047] : memref<16x128xf32, #tpu.memory_space<vmem>> -> memref<1x85xf32, #tpu.memory_space<vmem>>
      %dma_wait3A_1049 = tpu.memref_squeeze %dma_wait3A_1048 : memref<1x85xf32, #tpu.memory_space<vmem>> -> memref<85xf32, #tpu.memory_space<vmem>>
      %dma_wait3A_1050 = arith.constant 0 : i32
      %dma_wait3A_1051 = tpu.memref_slice %arg3[%squeeze3A_829, %dma_wait3A_1050] : memref<38400x85xf32, #tpu.memory_space<hbm>> -> memref<1x85xf32, #tpu.memory_space<hbm>>
      %dma_wait3A_1052 = tpu.memref_squeeze %dma_wait3A_1051 : memref<1x85xf32, #tpu.memory_space<hbm>> -> memref<85xf32, #tpu.memory_space<hbm>>
      tpu.wait_dma2 semaphore(%arg13 : memref<!tpu.dma_semaphore, #tpu.memory_space<semaphore_mem>>) src(%dma_wait3A_1052 : memref<85xf32, #tpu.memory_space<hbm>>) dst(%dma_wait3A_1049 : memref<85xf32, #tpu.memory_space<vmem>>)
      %dma_wait3A_1053 = arith.constant 15 : i32
      %dma_wait3A_1054 = arith.constant 0 : i32
      %dma_wait3A_1055 = tpu.memref_slice %arg11[%dma_wait3A_1053, %dma_wait3A_1054] : memref<16x128xf32, #tpu.memory_space<vmem>> -> memref<1x85xf32, #tpu.memory_space<vmem>>
      %dma_wait3A_1056 = tpu.memref_squeeze %dma_wait3A_1055 : memref<1x85xf32, #tpu.memory_space<vmem>> -> memref<85xf32, #tpu.memory_space<vmem>>
      %dma_wait3A_1057 = arith.constant 0 : i32
      %dma_wait3A_1058 = tpu.memref_slice %arg3[%squeeze3A_844, %dma_wait3A_1057] : memref<38400x85xf32, #tpu.memory_space<hbm>> -> memref<1x85xf32, #tpu.memory_space<hbm>>
      %dma_wait3A_1059 = tpu.memref_squeeze %dma_wait3A_1058 : memref<1x85xf32, #tpu.memory_space<hbm>> -> memref<85xf32, #tpu.memory_space<hbm>>
      %dma_wait3A_1060 = arith.constant 0 : i32
      %dma_wait3A_1061 = tpu.memref_slice %arg11[%dma_wait3A_1053, %dma_wait3A_1060] : memref<16x128xf32, #tpu.memory_space<vmem>> -> memref<1x85xf32, #tpu.memory_space<vmem>>
      %dma_wait3A_1062 = tpu.memref_squeeze %dma_wait3A_1061 : memref<1x85xf32, #tpu.memory_space<vmem>> -> memref<85xf32, #tpu.memory_space<vmem>>
      %dma_wait3A_1063 = arith.constant 0 : i32
      %dma_wait3A_1064 = tpu.memref_slice %arg3[%squeeze3A_844, %dma_wait3A_1063] : memref<38400x85xf32, #tpu.memory_space<hbm>> -> memref<1x85xf32, #tpu.memory_space<hbm>>
      %dma_wait3A_1065 = tpu.memref_squeeze %dma_wait3A_1064 : memref<1x85xf32, #tpu.memory_space<hbm>> -> memref<85xf32, #tpu.memory_space<hbm>>
      tpu.wait_dma2 semaphore(%arg13 : memref<!tpu.dma_semaphore, #tpu.memory_space<semaphore_mem>>) src(%dma_wait3A_1065 : memref<85xf32, #tpu.memory_space<hbm>>) dst(%dma_wait3A_1062 : memref<85xf32, #tpu.memory_space<vmem>>)
      %mul3A_1066 = arith.constant 16 : i32
      %mul3A_1067 = arith.muli %add3A, %mul3A_1066 : i32
      %add3A_1068 = arith.constant 480 : i32
      %add3A_1069 = arith.addi %add3A_1068, %mul3A_1067 : i32
      "tpu.region"() ({
        %run_scoped3A_1624 = tpu.sem_alloc : memref<!tpu.dma_semaphore, #tpu.memory_space<semaphore_mem>>
        %dma_start3A_1625 = arith.constant 0 : i32
        %dma_start3A_1626 = tpu.memref_slice %arg7[%add3A_1069, %dma_start3A_1625] : memref<1440x128xf32, #tpu.memory_space<hbm>> -> memref<16x128xf32, #tpu.memory_space<hbm>>
        %dma_start3A_1627 = arith.constant 0 : i32
        %dma_start3A_1628 = tpu.memref_slice %arg7[%add3A_1069, %dma_start3A_1627] : memref<1440x128xf32, #tpu.memory_space<hbm>> -> memref<16x128xf32, #tpu.memory_space<hbm>>
        tpu.enqueue_dma source(%arg11 : memref<16x128xf32, #tpu.memory_space<vmem>>) target(%dma_start3A_1628 : memref<16x128xf32, #tpu.memory_space<hbm>>) target_semaphore(%run_scoped3A_1624 : memref<!tpu.dma_semaphore, #tpu.memory_space<semaphore_mem>>)
        %dma_wait3A_1629 = arith.constant 0 : i32
        %dma_wait3A_1630 = tpu.memref_slice %arg7[%add3A_1069, %dma_wait3A_1629] : memref<1440x128xf32, #tpu.memory_space<hbm>> -> memref<16x128xf32, #tpu.memory_space<hbm>>
        %dma_wait3A_1631 = arith.constant 0 : i32
        %dma_wait3A_1632 = tpu.memref_slice %arg7[%add3A_1069, %dma_wait3A_1631] : memref<1440x128xf32, #tpu.memory_space<hbm>> -> memref<16x128xf32, #tpu.memory_space<hbm>>
        tpu.wait_dma2 semaphore(%run_scoped3A_1624 : memref<!tpu.dma_semaphore, #tpu.memory_space<semaphore_mem>>) src(%arg11 : memref<16x128xf32, #tpu.memory_space<vmem>>) dst(%dma_wait3A_1632 : memref<16x128xf32, #tpu.memory_space<hbm>>)
        tpu.yield
      }) : () -> ()
      %convert_element_type3A_1070 = arith.sitofp %add3A_617 : vector<16xi32> to vector<16xf32>
      %swap3A_1071 = arith.constant 0 : index
      %swap3A_1072 = tpu.vector_load %arg12[%swap3A_1071] {strides = array<i32>} : memref<128xf32, #tpu.memory_space<vmem>>, vector<16xf32>,
      tpu.vector_store %arg12[%swap3A_1071], %convert_element_type3A_1070 {strides = array<i32>} : memref<128xf32, #tpu.memory_space<vmem>>, vector<16xf32>,
      %swap3A_1073 = arith.constant 16 : index
      %swap3A_1074 = tpu.vector_load %arg12[%swap3A_1073] {strides = array<i32>} : memref<128xf32, #tpu.memory_space<vmem>>, vector<16xf32>,
      tpu.vector_store %arg12[%swap3A_1073], %select_n3A_605 {strides = array<i32>} : memref<128xf32, #tpu.memory_space<vmem>>, vector<16xf32>,
      %convert_element_type3A_1075 = arith.sitofp %convert_element_type3A_568 : vector<16xi32> to vector<16xf32>
      %sub3A_1076 = arith.subf %mul3A_558, %convert_element_type3A_1075 : vector<16xf32>
      %swap3A_1077 = arith.constant 32 : index
      %swap3A_1078 = tpu.vector_load %arg12[%swap3A_1077] {strides = array<i32>} : memref<128xf32, #tpu.memory_space<vmem>>, vector<16xf32>,
      tpu.vector_store %arg12[%swap3A_1077], %sub3A_1076 {strides = array<i32>} : memref<128xf32, #tpu.memory_space<vmem>>, vector<16xf32>,
      %convert_element_type3A_1079 = arith.sitofp %convert_element_type3A_569 : vector<16xi32> to vector<16xf32>
      %sub3A_1080 = arith.subf %mul3A_561, %convert_element_type3A_1079 : vector<16xf32>
      %swap3A_1081 = arith.constant 48 : index
      %swap3A_1082 = tpu.vector_load %arg12[%swap3A_1081] {strides = array<i32>} : memref<128xf32, #tpu.memory_space<vmem>>, vector<16xf32>,
      tpu.vector_store %arg12[%swap3A_1081], %sub3A_1080 {strides = array<i32>} : memref<128xf32, #tpu.memory_space<vmem>>, vector<16xf32>,
      %swap3A_1083 = arith.constant 64 : index
      %swap3A_1084 = tpu.vector_load %arg12[%swap3A_1083] {strides = array<i32>} : memref<128xf32, #tpu.memory_space<vmem>>, vector<16xf32>,
      tpu.vector_store %arg12[%swap3A_1083], %mul3A_564 {strides = array<i32>} : memref<128xf32, #tpu.memory_space<vmem>>, vector<16xf32>,
      %swap3A_1085 = arith.constant 80 : index
      %swap3A_1086 = tpu.vector_load %arg12[%swap3A_1085] {strides = array<i32>} : memref<128xf32, #tpu.memory_space<vmem>>, vector<16xf32>,
      tpu.vector_store %arg12[%swap3A_1085], %mul3A_567 {strides = array<i32>} : memref<128xf32, #tpu.memory_space<vmem>>, vector<16xf32>,
      %swap3A_1087 = arith.constant 96 : index
      %swap3A_1088 = tpu.vector_load %arg12[%swap3A_1087] {strides = array<i32>} : memref<128xf32, #tpu.memory_space<vmem>>, vector<16xf32>,
      tpu.vector_store %arg12[%swap3A_1087], %gather3A {strides = array<i32>} : memref<128xf32, #tpu.memory_space<vmem>>, vector<16xf32>,
      %run_scoped3A_1089 = arith.constant 1 : i32
      "tpu.region"() ({
        %run_scoped3A_1624 = tpu.sem_alloc : memref<!tpu.dma_semaphore, #tpu.memory_space<semaphore_mem>>
        %dma_start3A_1625 = arith.constant 0 : i32
        %dma_start3A_1626 = tpu.memref_slice %arg8[%run_scoped3A_1089, %add3A, %dma_start3A_1625] : memref<3x30x128xf32, #tpu.memory_space<hbm>> -> memref<1x1x128xf32, #tpu.memory_space<hbm>>
        %dma_start3A_1627 = tpu.memref_squeeze %dma_start3A_1626 : memref<1x1x128xf32, #tpu.memory_space<hbm>> -> memref<128xf32, #tpu.memory_space<hbm>>
        %dma_start3A_1628 = arith.constant 0 : i32
        %dma_start3A_1629 = tpu.memref_slice %arg8[%run_scoped3A_1089, %add3A, %dma_start3A_1628] : memref<3x30x128xf32, #tpu.memory_space<hbm>> -> memref<1x1x128xf32, #tpu.memory_space<hbm>>
        %dma_start3A_1630 = tpu.memref_squeeze %dma_start3A_1629 : memref<1x1x128xf32, #tpu.memory_space<hbm>> -> memref<128xf32, #tpu.memory_space<hbm>>
        tpu.enqueue_dma source(%arg12 : memref<128xf32, #tpu.memory_space<vmem>>) target(%dma_start3A_1630 : memref<128xf32, #tpu.memory_space<hbm>>) target_semaphore(%run_scoped3A_1624 : memref<!tpu.dma_semaphore, #tpu.memory_space<semaphore_mem>>)
        %dma_wait3A_1631 = arith.constant 0 : i32
        %dma_wait3A_1632 = tpu.memref_slice %arg8[%run_scoped3A_1089, %add3A, %dma_wait3A_1631] : memref<3x30x128xf32, #tpu.memory_space<hbm>> -> memref<1x1x128xf32, #tpu.memory_space<hbm>>
        %dma_wait3A_1633 = tpu.memref_squeeze %dma_wait3A_1632 : memref<1x1x128xf32, #tpu.memory_space<hbm>> -> memref<128xf32, #tpu.memory_space<hbm>>
        %dma_wait3A_1634 = arith.constant 0 : i32
        %dma_wait3A_1635 = tpu.memref_slice %arg8[%run_scoped3A_1089, %add3A, %dma_wait3A_1634] : memref<3x30x128xf32, #tpu.memory_space<hbm>> -> memref<1x1x128xf32, #tpu.memory_space<hbm>>
        %dma_wait3A_1636 = tpu.memref_squeeze %dma_wait3A_1635 : memref<1x1x128xf32, #tpu.memory_space<hbm>> -> memref<128xf32, #tpu.memory_space<hbm>>
        tpu.wait_dma2 semaphore(%run_scoped3A_1624 : memref<!tpu.dma_semaphore, #tpu.memory_space<semaphore_mem>>) src(%arg12 : memref<128xf32, #tpu.memory_space<vmem>>) dst(%dma_wait3A_1636 : memref<128xf32, #tpu.memory_space<hbm>>)
        tpu.yield
      }) : () -> ()
      %mul3A_1090 = arith.constant 2.000000e+01 : f32
      %mul3A_1091 = vector.broadcast %mul3A_1090 : f32 to vector<16xf32>
      %mul3A_1092 = arith.mulf %gather3A_19, %mul3A_1091 : vector<16xf32>
      %mul3A_1093 = arith.constant 2.000000e+01 : f32
      %mul3A_1094 = vector.broadcast %mul3A_1093 : f32 to vector<16xf32>
      %mul3A_1095 = arith.mulf %gather3A_23, %mul3A_1094 : vector<16xf32>
      %mul3A_1096 = arith.constant 2.000000e+01 : f32
      %mul3A_1097 = vector.broadcast %mul3A_1096 : f32 to vector<16xf32>
      %mul3A_1098 = arith.mulf %gather3A_27, %mul3A_1097 : vector<16xf32>
      %mul3A_1099 = arith.constant 2.000000e+01 : f32
      %mul3A_1100 = vector.broadcast %mul3A_1099 : f32 to vector<16xf32>
      %mul3A_1101 = arith.mulf %gather3A_31, %mul3A_1100 : vector<16xf32>
      %convert_element_type3A_1102 = arith.fptosi %mul3A_1092 : vector<16xf32> to vector<16xi32>
      %convert_element_type3A_1103 = arith.fptosi %mul3A_1095 : vector<16xf32> to vector<16xi32>
      %mul3A_1104 = arith.constant 2 : i32
      %mul3A_1105 = vector.broadcast %mul3A_1104 : i32 to vector<16xi32>
      %mul3A_1106 = arith.muli %div3A, %mul3A_1105 : vector<16xi32>
      %add3A_1107 = arith.constant 12 : i32
      %add3A_1108 = vector.broadcast %add3A_1107 : i32 to vector<16xi32>
      %add3A_1109 = arith.addi %add3A_1108, %mul3A_1106 : vector<16xi32>
      %gather3A_1110 = tpu.vector_load_idx %arg10[%add3A_1109] : memref<32xf32, #tpu.memory_space<vmem>>[vector<16xi32>], vector<16xf32>,
      %mul3A_1111 = arith.constant 2 : i32
      %mul3A_1112 = vector.broadcast %mul3A_1111 : i32 to vector<16xi32>
      %mul3A_1113 = arith.muli %div3A, %mul3A_1112 : vector<16xi32>
      %add3A_1114 = arith.constant 12 : i32
      %add3A_1115 = vector.broadcast %add3A_1114 : i32 to vector<16xi32>
      %add3A_1116 = arith.addi %add3A_1115, %mul3A_1113 : vector<16xi32>
      %add3A_1117 = arith.constant 1 : i32
      %add3A_1118 = vector.broadcast %add3A_1117 : i32 to vector<16xi32>
      %add3A_1119 = arith.addi %add3A_1116, %add3A_1118 : vector<16xi32>
      %gather3A_1120 = tpu.vector_load_idx %arg10[%add3A_1119] : memref<32xf32, #tpu.memory_space<vmem>>[vector<16xi32>], vector<16xf32>,
      %div3A_1121 = arith.divf %mul3A_1098, %gather3A_1110 : vector<16xf32>
      %div3A_1122 = arith.divf %mul3A_1101, %gather3A_1120 : vector<16xf32>
      %div3A_1123 = arith.constant 1.000000e+00 : f32
      %div3A_1124 = vector.broadcast %div3A_1123 : f32 to vector<16xf32>
      %div3A_1125 = arith.divf %div3A_1124, %div3A_1121 : vector<16xf32>
      %max3A_1126 = arith.maximumf %div3A_1121, %div3A_1125 : vector<16xf32>
      %div3A_1127 = arith.constant 1.000000e+00 : f32
      %div3A_1128 = vector.broadcast %div3A_1127 : f32 to vector<16xf32>
      %div3A_1129 = arith.divf %div3A_1128, %div3A_1122 : vector<16xf32>
      %max3A_1130 = arith.maximumf %div3A_1122, %div3A_1129 : vector<16xf32>
      %max3A_1131 = arith.maximumf %max3A_1126, %max3A_1130 : vector<16xf32>
      %lt3A_1132 = arith.constant 4.000000e+00 : f32
      %lt3A_1133 = vector.broadcast %lt3A_1132 : f32 to vector<16xf32>
      %lt3A_1134 = arith.cmpf olt, %max3A_1131, %lt3A_1133 : vector<16xf32>
      %jit3A_1135 = arith.constant 1.000000e+00 : f32
      %jit3A_1136 = arith.constant 0.000000e+00 : f32
      %broadcast_in_dim3A_1137 = vector.broadcast %jit3A_1135 : f32 to vector<16xf32>
      %broadcast_in_dim3A_1138 = vector.broadcast %jit3A_1136 : f32 to vector<16xf32>
      %select_n3A_1139 = arith.select %lt3A_1134, %broadcast_in_dim3A_1137, %broadcast_in_dim3A_1138 : vector<16xi1>, vector<16xf32>
      %mul3A_1140 = arith.constant 3 : i32
      %mul3A_1141 = vector.broadcast %mul3A_1140 : i32 to vector<16xi32>
      %mul3A_1142 = arith.muli %div3A_12, %mul3A_1141 : vector<16xi32>
      %add3A_1143 = arith.addi %mul3A_1142, %div3A : vector<16xi32>
      %mul3A_1144 = arith.constant 20 : i32
      %mul3A_1145 = vector.broadcast %mul3A_1144 : i32 to vector<16xi32>
      %mul3A_1146 = arith.muli %add3A_1143, %mul3A_1145 : vector<16xi32>
      %add3A_1147 = arith.addi %mul3A_1146, %convert_element_type3A_1103 : vector<16xi32>
      %mul3A_1148 = arith.constant 20 : i32
      %mul3A_1149 = vector.broadcast %mul3A_1148 : i32 to vector<16xi32>
      %mul3A_1150 = arith.muli %add3A_1147, %mul3A_1149 : vector<16xi32>
      %add3A_1151 = arith.addi %mul3A_1150, %convert_element_type3A_1102 : vector<16xi32>
      %slice3A_1152 = vector.extract_strided_slice %add3A_1151 {offsets = [0], sizes = [1], strides = [1]} : vector<16xi32> to vector<1xi32>
      %squeeze3A_1153 = vector.extract %slice3A_1152[0] : i32 from vector<1xi32>
      %dma_start3A_1154 = arith.constant 0 : i32
      %dma_start3A_1155 = arith.constant 0 : i32
      %dma_start3A_1156 = tpu.memref_slice %arg11[%dma_start3A_1154, %dma_start3A_1155] : memref<16x128xf32, #tpu.memory_space<vmem>> -> memref<1x85xf32, #tpu.memory_space<vmem>>
      %dma_start3A_1157 = tpu.memref_squeeze %dma_start3A_1156 : memref<1x85xf32, #tpu.memory_space<vmem>> -> memref<85xf32, #tpu.memory_space<vmem>>
      %dma_start3A_1158 = arith.constant 0 : i32
      %dma_start3A_1159 = tpu.memref_slice %arg4[%squeeze3A_1153, %dma_start3A_1158] : memref<9600x85xf32, #tpu.memory_space<hbm>> -> memref<1x85xf32, #tpu.memory_space<hbm>>
      %dma_start3A_1160 = tpu.memref_squeeze %dma_start3A_1159 : memref<1x85xf32, #tpu.memory_space<hbm>> -> memref<85xf32, #tpu.memory_space<hbm>>
      %dma_start3A_1161 = arith.constant 0 : i32
      %dma_start3A_1162 = tpu.memref_slice %arg11[%dma_start3A_1154, %dma_start3A_1161] : memref<16x128xf32, #tpu.memory_space<vmem>> -> memref<1x85xf32, #tpu.memory_space<vmem>>
      %dma_start3A_1163 = tpu.memref_squeeze %dma_start3A_1162 : memref<1x85xf32, #tpu.memory_space<vmem>> -> memref<85xf32, #tpu.memory_space<vmem>>
      %dma_start3A_1164 = arith.constant 0 : i32
      %dma_start3A_1165 = tpu.memref_slice %arg4[%squeeze3A_1153, %dma_start3A_1164] : memref<9600x85xf32, #tpu.memory_space<hbm>> -> memref<1x85xf32, #tpu.memory_space<hbm>>
      %dma_start3A_1166 = tpu.memref_squeeze %dma_start3A_1165 : memref<1x85xf32, #tpu.memory_space<hbm>> -> memref<85xf32, #tpu.memory_space<hbm>>
      tpu.enqueue_dma source(%dma_start3A_1166 : memref<85xf32, #tpu.memory_space<hbm>>) target(%dma_start3A_1163 : memref<85xf32, #tpu.memory_space<vmem>>) target_semaphore(%arg13 : memref<!tpu.dma_semaphore, #tpu.memory_space<semaphore_mem>>)
      %slice3A_1167 = vector.extract_strided_slice %add3A_1151 {offsets = [1], sizes = [1], strides = [1]} : vector<16xi32> to vector<1xi32>
      %squeeze3A_1168 = vector.extract %slice3A_1167[0] : i32 from vector<1xi32>
      %dma_start3A_1169 = arith.constant 1 : i32
      %dma_start3A_1170 = arith.constant 0 : i32
      %dma_start3A_1171 = tpu.memref_slice %arg11[%dma_start3A_1169, %dma_start3A_1170] : memref<16x128xf32, #tpu.memory_space<vmem>> -> memref<1x85xf32, #tpu.memory_space<vmem>>
      %dma_start3A_1172 = tpu.memref_squeeze %dma_start3A_1171 : memref<1x85xf32, #tpu.memory_space<vmem>> -> memref<85xf32, #tpu.memory_space<vmem>>
      %dma_start3A_1173 = arith.constant 0 : i32
      %dma_start3A_1174 = tpu.memref_slice %arg4[%squeeze3A_1168, %dma_start3A_1173] : memref<9600x85xf32, #tpu.memory_space<hbm>> -> memref<1x85xf32, #tpu.memory_space<hbm>>
      %dma_start3A_1175 = tpu.memref_squeeze %dma_start3A_1174 : memref<1x85xf32, #tpu.memory_space<hbm>> -> memref<85xf32, #tpu.memory_space<hbm>>
      %dma_start3A_1176 = arith.constant 0 : i32
      %dma_start3A_1177 = tpu.memref_slice %arg11[%dma_start3A_1169, %dma_start3A_1176] : memref<16x128xf32, #tpu.memory_space<vmem>> -> memref<1x85xf32, #tpu.memory_space<vmem>>
      %dma_start3A_1178 = tpu.memref_squeeze %dma_start3A_1177 : memref<1x85xf32, #tpu.memory_space<vmem>> -> memref<85xf32, #tpu.memory_space<vmem>>
      %dma_start3A_1179 = arith.constant 0 : i32
      %dma_start3A_1180 = tpu.memref_slice %arg4[%squeeze3A_1168, %dma_start3A_1179] : memref<9600x85xf32, #tpu.memory_space<hbm>> -> memref<1x85xf32, #tpu.memory_space<hbm>>
      %dma_start3A_1181 = tpu.memref_squeeze %dma_start3A_1180 : memref<1x85xf32, #tpu.memory_space<hbm>> -> memref<85xf32, #tpu.memory_space<hbm>>
      tpu.enqueue_dma source(%dma_start3A_1181 : memref<85xf32, #tpu.memory_space<hbm>>) target(%dma_start3A_1178 : memref<85xf32, #tpu.memory_space<vmem>>) target_semaphore(%arg13 : memref<!tpu.dma_semaphore, #tpu.memory_space<semaphore_mem>>)
      %slice3A_1182 = vector.extract_strided_slice %add3A_1151 {offsets = [2], sizes = [1], strides = [1]} : vector<16xi32> to vector<1xi32>
      %squeeze3A_1183 = vector.extract %slice3A_1182[0] : i32 from vector<1xi32>
      %dma_start3A_1184 = arith.constant 2 : i32
      %dma_start3A_1185 = arith.constant 0 : i32
      %dma_start3A_1186 = tpu.memref_slice %arg11[%dma_start3A_1184, %dma_start3A_1185] : memref<16x128xf32, #tpu.memory_space<vmem>> -> memref<1x85xf32, #tpu.memory_space<vmem>>
      %dma_start3A_1187 = tpu.memref_squeeze %dma_start3A_1186 : memref<1x85xf32, #tpu.memory_space<vmem>> -> memref<85xf32, #tpu.memory_space<vmem>>
      %dma_start3A_1188 = arith.constant 0 : i32
      %dma_start3A_1189 = tpu.memref_slice %arg4[%squeeze3A_1183, %dma_start3A_1188] : memref<9600x85xf32, #tpu.memory_space<hbm>> -> memref<1x85xf32, #tpu.memory_space<hbm>>
      %dma_start3A_1190 = tpu.memref_squeeze %dma_start3A_1189 : memref<1x85xf32, #tpu.memory_space<hbm>> -> memref<85xf32, #tpu.memory_space<hbm>>
      %dma_start3A_1191 = arith.constant 0 : i32
      %dma_start3A_1192 = tpu.memref_slice %arg11[%dma_start3A_1184, %dma_start3A_1191] : memref<16x128xf32, #tpu.memory_space<vmem>> -> memref<1x85xf32, #tpu.memory_space<vmem>>
      %dma_start3A_1193 = tpu.memref_squeeze %dma_start3A_1192 : memref<1x85xf32, #tpu.memory_space<vmem>> -> memref<85xf32, #tpu.memory_space<vmem>>
      %dma_start3A_1194 = arith.constant 0 : i32
      %dma_start3A_1195 = tpu.memref_slice %arg4[%squeeze3A_1183, %dma_start3A_1194] : memref<9600x85xf32, #tpu.memory_space<hbm>> -> memref<1x85xf32, #tpu.memory_space<hbm>>
      %dma_start3A_1196 = tpu.memref_squeeze %dma_start3A_1195 : memref<1x85xf32, #tpu.memory_space<hbm>> -> memref<85xf32, #tpu.memory_space<hbm>>
      tpu.enqueue_dma source(%dma_start3A_1196 : memref<85xf32, #tpu.memory_space<hbm>>) target(%dma_start3A_1193 : memref<85xf32, #tpu.memory_space<vmem>>) target_semaphore(%arg13 : memref<!tpu.dma_semaphore, #tpu.memory_space<semaphore_mem>>)
      %slice3A_1197 = vector.extract_strided_slice %add3A_1151 {offsets = [3], sizes = [1], strides = [1]} : vector<16xi32> to vector<1xi32>
      %squeeze3A_1198 = vector.extract %slice3A_1197[0] : i32 from vector<1xi32>
      %dma_start3A_1199 = arith.constant 3 : i32
      %dma_start3A_1200 = arith.constant 0 : i32
      %dma_start3A_1201 = tpu.memref_slice %arg11[%dma_start3A_1199, %dma_start3A_1200] : memref<16x128xf32, #tpu.memory_space<vmem>> -> memref<1x85xf32, #tpu.memory_space<vmem>>
      %dma_start3A_1202 = tpu.memref_squeeze %dma_start3A_1201 : memref<1x85xf32, #tpu.memory_space<vmem>> -> memref<85xf32, #tpu.memory_space<vmem>>
      %dma_start3A_1203 = arith.constant 0 : i32
      %dma_start3A_1204 = tpu.memref_slice %arg4[%squeeze3A_1198, %dma_start3A_1203] : memref<9600x85xf32, #tpu.memory_space<hbm>> -> memref<1x85xf32, #tpu.memory_space<hbm>>
      %dma_start3A_1205 = tpu.memref_squeeze %dma_start3A_1204 : memref<1x85xf32, #tpu.memory_space<hbm>> -> memref<85xf32, #tpu.memory_space<hbm>>
      %dma_start3A_1206 = arith.constant 0 : i32
      %dma_start3A_1207 = tpu.memref_slice %arg11[%dma_start3A_1199, %dma_start3A_1206] : memref<16x128xf32, #tpu.memory_space<vmem>> -> memref<1x85xf32, #tpu.memory_space<vmem>>
      %dma_start3A_1208 = tpu.memref_squeeze %dma_start3A_1207 : memref<1x85xf32, #tpu.memory_space<vmem>> -> memref<85xf32, #tpu.memory_space<vmem>>
      %dma_start3A_1209 = arith.constant 0 : i32
      %dma_start3A_1210 = tpu.memref_slice %arg4[%squeeze3A_1198, %dma_start3A_1209] : memref<9600x85xf32, #tpu.memory_space<hbm>> -> memref<1x85xf32, #tpu.memory_space<hbm>>
      %dma_start3A_1211 = tpu.memref_squeeze %dma_start3A_1210 : memref<1x85xf32, #tpu.memory_space<hbm>> -> memref<85xf32, #tpu.memory_space<hbm>>
      tpu.enqueue_dma source(%dma_start3A_1211 : memref<85xf32, #tpu.memory_space<hbm>>) target(%dma_start3A_1208 : memref<85xf32, #tpu.memory_space<vmem>>) target_semaphore(%arg13 : memref<!tpu.dma_semaphore, #tpu.memory_space<semaphore_mem>>)
      %slice3A_1212 = vector.extract_strided_slice %add3A_1151 {offsets = [4], sizes = [1], strides = [1]} : vector<16xi32> to vector<1xi32>
      %squeeze3A_1213 = vector.extract %slice3A_1212[0] : i32 from vector<1xi32>
      %dma_start3A_1214 = arith.constant 4 : i32
      %dma_start3A_1215 = arith.constant 0 : i32
      %dma_start3A_1216 = tpu.memref_slice %arg11[%dma_start3A_1214, %dma_start3A_1215] : memref<16x128xf32, #tpu.memory_space<vmem>> -> memref<1x85xf32, #tpu.memory_space<vmem>>
      %dma_start3A_1217 = tpu.memref_squeeze %dma_start3A_1216 : memref<1x85xf32, #tpu.memory_space<vmem>> -> memref<85xf32, #tpu.memory_space<vmem>>
      %dma_start3A_1218 = arith.constant 0 : i32
      %dma_start3A_1219 = tpu.memref_slice %arg4[%squeeze3A_1213, %dma_start3A_1218] : memref<9600x85xf32, #tpu.memory_space<hbm>> -> memref<1x85xf32, #tpu.memory_space<hbm>>
      %dma_start3A_1220 = tpu.memref_squeeze %dma_start3A_1219 : memref<1x85xf32, #tpu.memory_space<hbm>> -> memref<85xf32, #tpu.memory_space<hbm>>
      %dma_start3A_1221 = arith.constant 0 : i32
      %dma_start3A_1222 = tpu.memref_slice %arg11[%dma_start3A_1214, %dma_start3A_1221] : memref<16x128xf32, #tpu.memory_space<vmem>> -> memref<1x85xf32, #tpu.memory_space<vmem>>
      %dma_start3A_1223 = tpu.memref_squeeze %dma_start3A_1222 : memref<1x85xf32, #tpu.memory_space<vmem>> -> memref<85xf32, #tpu.memory_space<vmem>>
      %dma_start3A_1224 = arith.constant 0 : i32
      %dma_start3A_1225 = tpu.memref_slice %arg4[%squeeze3A_1213, %dma_start3A_1224] : memref<9600x85xf32, #tpu.memory_space<hbm>> -> memref<1x85xf32, #tpu.memory_space<hbm>>
      %dma_start3A_1226 = tpu.memref_squeeze %dma_start3A_1225 : memref<1x85xf32, #tpu.memory_space<hbm>> -> memref<85xf32, #tpu.memory_space<hbm>>
      tpu.enqueue_dma source(%dma_start3A_1226 : memref<85xf32, #tpu.memory_space<hbm>>) target(%dma_start3A_1223 : memref<85xf32, #tpu.memory_space<vmem>>) target_semaphore(%arg13 : memref<!tpu.dma_semaphore, #tpu.memory_space<semaphore_mem>>)
      %slice3A_1227 = vector.extract_strided_slice %add3A_1151 {offsets = [5], sizes = [1], strides = [1]} : vector<16xi32> to vector<1xi32>
      %squeeze3A_1228 = vector.extract %slice3A_1227[0] : i32 from vector<1xi32>
      %dma_start3A_1229 = arith.constant 5 : i32
      %dma_start3A_1230 = arith.constant 0 : i32
      %dma_start3A_1231 = tpu.memref_slice %arg11[%dma_start3A_1229, %dma_start3A_1230] : memref<16x128xf32, #tpu.memory_space<vmem>> -> memref<1x85xf32, #tpu.memory_space<vmem>>
      %dma_start3A_1232 = tpu.memref_squeeze %dma_start3A_1231 : memref<1x85xf32, #tpu.memory_space<vmem>> -> memref<85xf32, #tpu.memory_space<vmem>>
      %dma_start3A_1233 = arith.constant 0 : i32
      %dma_start3A_1234 = tpu.memref_slice %arg4[%squeeze3A_1228, %dma_start3A_1233] : memref<9600x85xf32, #tpu.memory_space<hbm>> -> memref<1x85xf32, #tpu.memory_space<hbm>>
      %dma_start3A_1235 = tpu.memref_squeeze %dma_start3A_1234 : memref<1x85xf32, #tpu.memory_space<hbm>> -> memref<85xf32, #tpu.memory_space<hbm>>
      %dma_start3A_1236 = arith.constant 0 : i32
      %dma_start3A_1237 = tpu.memref_slice %arg11[%dma_start3A_1229, %dma_start3A_1236] : memref<16x128xf32, #tpu.memory_space<vmem>> -> memref<1x85xf32, #tpu.memory_space<vmem>>
      %dma_start3A_1238 = tpu.memref_squeeze %dma_start3A_1237 : memref<1x85xf32, #tpu.memory_space<vmem>> -> memref<85xf32, #tpu.memory_space<vmem>>
      %dma_start3A_1239 = arith.constant 0 : i32
      %dma_start3A_1240 = tpu.memref_slice %arg4[%squeeze3A_1228, %dma_start3A_1239] : memref<9600x85xf32, #tpu.memory_space<hbm>> -> memref<1x85xf32, #tpu.memory_space<hbm>>
      %dma_start3A_1241 = tpu.memref_squeeze %dma_start3A_1240 : memref<1x85xf32, #tpu.memory_space<hbm>> -> memref<85xf32, #tpu.memory_space<hbm>>
      tpu.enqueue_dma source(%dma_start3A_1241 : memref<85xf32, #tpu.memory_space<hbm>>) target(%dma_start3A_1238 : memref<85xf32, #tpu.memory_space<vmem>>) target_semaphore(%arg13 : memref<!tpu.dma_semaphore, #tpu.memory_space<semaphore_mem>>)
      %slice3A_1242 = vector.extract_strided_slice %add3A_1151 {offsets = [6], sizes = [1], strides = [1]} : vector<16xi32> to vector<1xi32>
      %squeeze3A_1243 = vector.extract %slice3A_1242[0] : i32 from vector<1xi32>
      %dma_start3A_1244 = arith.constant 6 : i32
      %dma_start3A_1245 = arith.constant 0 : i32
      %dma_start3A_1246 = tpu.memref_slice %arg11[%dma_start3A_1244, %dma_start3A_1245] : memref<16x128xf32, #tpu.memory_space<vmem>> -> memref<1x85xf32, #tpu.memory_space<vmem>>
      %dma_start3A_1247 = tpu.memref_squeeze %dma_start3A_1246 : memref<1x85xf32, #tpu.memory_space<vmem>> -> memref<85xf32, #tpu.memory_space<vmem>>
      %dma_start3A_1248 = arith.constant 0 : i32
      %dma_start3A_1249 = tpu.memref_slice %arg4[%squeeze3A_1243, %dma_start3A_1248] : memref<9600x85xf32, #tpu.memory_space<hbm>> -> memref<1x85xf32, #tpu.memory_space<hbm>>
      %dma_start3A_1250 = tpu.memref_squeeze %dma_start3A_1249 : memref<1x85xf32, #tpu.memory_space<hbm>> -> memref<85xf32, #tpu.memory_space<hbm>>
      %dma_start3A_1251 = arith.constant 0 : i32
      %dma_start3A_1252 = tpu.memref_slice %arg11[%dma_start3A_1244, %dma_start3A_1251] : memref<16x128xf32, #tpu.memory_space<vmem>> -> memref<1x85xf32, #tpu.memory_space<vmem>>
      %dma_start3A_1253 = tpu.memref_squeeze %dma_start3A_1252 : memref<1x85xf32, #tpu.memory_space<vmem>> -> memref<85xf32, #tpu.memory_space<vmem>>
      %dma_start3A_1254 = arith.constant 0 : i32
      %dma_start3A_1255 = tpu.memref_slice %arg4[%squeeze3A_1243, %dma_start3A_1254] : memref<9600x85xf32, #tpu.memory_space<hbm>> -> memref<1x85xf32, #tpu.memory_space<hbm>>
      %dma_start3A_1256 = tpu.memref_squeeze %dma_start3A_1255 : memref<1x85xf32, #tpu.memory_space<hbm>> -> memref<85xf32, #tpu.memory_space<hbm>>
      tpu.enqueue_dma source(%dma_start3A_1256 : memref<85xf32, #tpu.memory_space<hbm>>) target(%dma_start3A_1253 : memref<85xf32, #tpu.memory_space<vmem>>) target_semaphore(%arg13 : memref<!tpu.dma_semaphore, #tpu.memory_space<semaphore_mem>>)
      %slice3A_1257 = vector.extract_strided_slice %add3A_1151 {offsets = [7], sizes = [1], strides = [1]} : vector<16xi32> to vector<1xi32>
      %squeeze3A_1258 = vector.extract %slice3A_1257[0] : i32 from vector<1xi32>
      %dma_start3A_1259 = arith.constant 7 : i32
      %dma_start3A_1260 = arith.constant 0 : i32
      %dma_start3A_1261 = tpu.memref_slice %arg11[%dma_start3A_1259, %dma_start3A_1260] : memref<16x128xf32, #tpu.memory_space<vmem>> -> memref<1x85xf32, #tpu.memory_space<vmem>>
      %dma_start3A_1262 = tpu.memref_squeeze %dma_start3A_1261 : memref<1x85xf32, #tpu.memory_space<vmem>> -> memref<85xf32, #tpu.memory_space<vmem>>
      %dma_start3A_1263 = arith.constant 0 : i32
      %dma_start3A_1264 = tpu.memref_slice %arg4[%squeeze3A_1258, %dma_start3A_1263] : memref<9600x85xf32, #tpu.memory_space<hbm>> -> memref<1x85xf32, #tpu.memory_space<hbm>>
      %dma_start3A_1265 = tpu.memref_squeeze %dma_start3A_1264 : memref<1x85xf32, #tpu.memory_space<hbm>> -> memref<85xf32, #tpu.memory_space<hbm>>
      %dma_start3A_1266 = arith.constant 0 : i32
      %dma_start3A_1267 = tpu.memref_slice %arg11[%dma_start3A_1259, %dma_start3A_1266] : memref<16x128xf32, #tpu.memory_space<vmem>> -> memref<1x85xf32, #tpu.memory_space<vmem>>
      %dma_start3A_1268 = tpu.memref_squeeze %dma_start3A_1267 : memref<1x85xf32, #tpu.memory_space<vmem>> -> memref<85xf32, #tpu.memory_space<vmem>>
      %dma_start3A_1269 = arith.constant 0 : i32
      %dma_start3A_1270 = tpu.memref_slice %arg4[%squeeze3A_1258, %dma_start3A_1269] : memref<9600x85xf32, #tpu.memory_space<hbm>> -> memref<1x85xf32, #tpu.memory_space<hbm>>
      %dma_start3A_1271 = tpu.memref_squeeze %dma_start3A_1270 : memref<1x85xf32, #tpu.memory_space<hbm>> -> memref<85xf32, #tpu.memory_space<hbm>>
      tpu.enqueue_dma source(%dma_start3A_1271 : memref<85xf32, #tpu.memory_space<hbm>>) target(%dma_start3A_1268 : memref<85xf32, #tpu.memory_space<vmem>>) target_semaphore(%arg13 : memref<!tpu.dma_semaphore, #tpu.memory_space<semaphore_mem>>)
      %slice3A_1272 = vector.extract_strided_slice %add3A_1151 {offsets = [8], sizes = [1], strides = [1]} : vector<16xi32> to vector<1xi32>
      %squeeze3A_1273 = vector.extract %slice3A_1272[0] : i32 from vector<1xi32>
      %dma_start3A_1274 = arith.constant 8 : i32
      %dma_start3A_1275 = arith.constant 0 : i32
      %dma_start3A_1276 = tpu.memref_slice %arg11[%dma_start3A_1274, %dma_start3A_1275] : memref<16x128xf32, #tpu.memory_space<vmem>> -> memref<1x85xf32, #tpu.memory_space<vmem>>
      %dma_start3A_1277 = tpu.memref_squeeze %dma_start3A_1276 : memref<1x85xf32, #tpu.memory_space<vmem>> -> memref<85xf32, #tpu.memory_space<vmem>>
      %dma_start3A_1278 = arith.constant 0 : i32
      %dma_start3A_1279 = tpu.memref_slice %arg4[%squeeze3A_1273, %dma_start3A_1278] : memref<9600x85xf32, #tpu.memory_space<hbm>> -> memref<1x85xf32, #tpu.memory_space<hbm>>
      %dma_start3A_1280 = tpu.memref_squeeze %dma_start3A_1279 : memref<1x85xf32, #tpu.memory_space<hbm>> -> memref<85xf32, #tpu.memory_space<hbm>>
      %dma_start3A_1281 = arith.constant 0 : i32
      %dma_start3A_1282 = tpu.memref_slice %arg11[%dma_start3A_1274, %dma_start3A_1281] : memref<16x128xf32, #tpu.memory_space<vmem>> -> memref<1x85xf32, #tpu.memory_space<vmem>>
      %dma_start3A_1283 = tpu.memref_squeeze %dma_start3A_1282 : memref<1x85xf32, #tpu.memory_space<vmem>> -> memref<85xf32, #tpu.memory_space<vmem>>
      %dma_start3A_1284 = arith.constant 0 : i32
      %dma_start3A_1285 = tpu.memref_slice %arg4[%squeeze3A_1273, %dma_start3A_1284] : memref<9600x85xf32, #tpu.memory_space<hbm>> -> memref<1x85xf32, #tpu.memory_space<hbm>>
      %dma_start3A_1286 = tpu.memref_squeeze %dma_start3A_1285 : memref<1x85xf32, #tpu.memory_space<hbm>> -> memref<85xf32, #tpu.memory_space<hbm>>
      tpu.enqueue_dma source(%dma_start3A_1286 : memref<85xf32, #tpu.memory_space<hbm>>) target(%dma_start3A_1283 : memref<85xf32, #tpu.memory_space<vmem>>) target_semaphore(%arg13 : memref<!tpu.dma_semaphore, #tpu.memory_space<semaphore_mem>>)
      %slice3A_1287 = vector.extract_strided_slice %add3A_1151 {offsets = [9], sizes = [1], strides = [1]} : vector<16xi32> to vector<1xi32>
      %squeeze3A_1288 = vector.extract %slice3A_1287[0] : i32 from vector<1xi32>
      %dma_start3A_1289 = arith.constant 9 : i32
      %dma_start3A_1290 = arith.constant 0 : i32
      %dma_start3A_1291 = tpu.memref_slice %arg11[%dma_start3A_1289, %dma_start3A_1290] : memref<16x128xf32, #tpu.memory_space<vmem>> -> memref<1x85xf32, #tpu.memory_space<vmem>>
      %dma_start3A_1292 = tpu.memref_squeeze %dma_start3A_1291 : memref<1x85xf32, #tpu.memory_space<vmem>> -> memref<85xf32, #tpu.memory_space<vmem>>
      %dma_start3A_1293 = arith.constant 0 : i32
      %dma_start3A_1294 = tpu.memref_slice %arg4[%squeeze3A_1288, %dma_start3A_1293] : memref<9600x85xf32, #tpu.memory_space<hbm>> -> memref<1x85xf32, #tpu.memory_space<hbm>>
      %dma_start3A_1295 = tpu.memref_squeeze %dma_start3A_1294 : memref<1x85xf32, #tpu.memory_space<hbm>> -> memref<85xf32, #tpu.memory_space<hbm>>
      %dma_start3A_1296 = arith.constant 0 : i32
      %dma_start3A_1297 = tpu.memref_slice %arg11[%dma_start3A_1289, %dma_start3A_1296] : memref<16x128xf32, #tpu.memory_space<vmem>> -> memref<1x85xf32, #tpu.memory_space<vmem>>
      %dma_start3A_1298 = tpu.memref_squeeze %dma_start3A_1297 : memref<1x85xf32, #tpu.memory_space<vmem>> -> memref<85xf32, #tpu.memory_space<vmem>>
      %dma_start3A_1299 = arith.constant 0 : i32
      %dma_start3A_1300 = tpu.memref_slice %arg4[%squeeze3A_1288, %dma_start3A_1299] : memref<9600x85xf32, #tpu.memory_space<hbm>> -> memref<1x85xf32, #tpu.memory_space<hbm>>
      %dma_start3A_1301 = tpu.memref_squeeze %dma_start3A_1300 : memref<1x85xf32, #tpu.memory_space<hbm>> -> memref<85xf32, #tpu.memory_space<hbm>>
      tpu.enqueue_dma source(%dma_start3A_1301 : memref<85xf32, #tpu.memory_space<hbm>>) target(%dma_start3A_1298 : memref<85xf32, #tpu.memory_space<vmem>>) target_semaphore(%arg13 : memref<!tpu.dma_semaphore, #tpu.memory_space<semaphore_mem>>)
      %slice3A_1302 = vector.extract_strided_slice %add3A_1151 {offsets = [10], sizes = [1], strides = [1]} : vector<16xi32> to vector<1xi32>
      %squeeze3A_1303 = vector.extract %slice3A_1302[0] : i32 from vector<1xi32>
      %dma_start3A_1304 = arith.constant 10 : i32
      %dma_start3A_1305 = arith.constant 0 : i32
      %dma_start3A_1306 = tpu.memref_slice %arg11[%dma_start3A_1304, %dma_start3A_1305] : memref<16x128xf32, #tpu.memory_space<vmem>> -> memref<1x85xf32, #tpu.memory_space<vmem>>
      %dma_start3A_1307 = tpu.memref_squeeze %dma_start3A_1306 : memref<1x85xf32, #tpu.memory_space<vmem>> -> memref<85xf32, #tpu.memory_space<vmem>>
      %dma_start3A_1308 = arith.constant 0 : i32
      %dma_start3A_1309 = tpu.memref_slice %arg4[%squeeze3A_1303, %dma_start3A_1308] : memref<9600x85xf32, #tpu.memory_space<hbm>> -> memref<1x85xf32, #tpu.memory_space<hbm>>
      %dma_start3A_1310 = tpu.memref_squeeze %dma_start3A_1309 : memref<1x85xf32, #tpu.memory_space<hbm>> -> memref<85xf32, #tpu.memory_space<hbm>>
      %dma_start3A_1311 = arith.constant 0 : i32
      %dma_start3A_1312 = tpu.memref_slice %arg11[%dma_start3A_1304, %dma_start3A_1311] : memref<16x128xf32, #tpu.memory_space<vmem>> -> memref<1x85xf32, #tpu.memory_space<vmem>>
      %dma_start3A_1313 = tpu.memref_squeeze %dma_start3A_1312 : memref<1x85xf32, #tpu.memory_space<vmem>> -> memref<85xf32, #tpu.memory_space<vmem>>
      %dma_start3A_1314 = arith.constant 0 : i32
      %dma_start3A_1315 = tpu.memref_slice %arg4[%squeeze3A_1303, %dma_start3A_1314] : memref<9600x85xf32, #tpu.memory_space<hbm>> -> memref<1x85xf32, #tpu.memory_space<hbm>>
      %dma_start3A_1316 = tpu.memref_squeeze %dma_start3A_1315 : memref<1x85xf32, #tpu.memory_space<hbm>> -> memref<85xf32, #tpu.memory_space<hbm>>
      tpu.enqueue_dma source(%dma_start3A_1316 : memref<85xf32, #tpu.memory_space<hbm>>) target(%dma_start3A_1313 : memref<85xf32, #tpu.memory_space<vmem>>) target_semaphore(%arg13 : memref<!tpu.dma_semaphore, #tpu.memory_space<semaphore_mem>>)
      %slice3A_1317 = vector.extract_strided_slice %add3A_1151 {offsets = [11], sizes = [1], strides = [1]} : vector<16xi32> to vector<1xi32>
      %squeeze3A_1318 = vector.extract %slice3A_1317[0] : i32 from vector<1xi32>
      %dma_start3A_1319 = arith.constant 11 : i32
      %dma_start3A_1320 = arith.constant 0 : i32
      %dma_start3A_1321 = tpu.memref_slice %arg11[%dma_start3A_1319, %dma_start3A_1320] : memref<16x128xf32, #tpu.memory_space<vmem>> -> memref<1x85xf32, #tpu.memory_space<vmem>>
      %dma_start3A_1322 = tpu.memref_squeeze %dma_start3A_1321 : memref<1x85xf32, #tpu.memory_space<vmem>> -> memref<85xf32, #tpu.memory_space<vmem>>
      %dma_start3A_1323 = arith.constant 0 : i32
      %dma_start3A_1324 = tpu.memref_slice %arg4[%squeeze3A_1318, %dma_start3A_1323] : memref<9600x85xf32, #tpu.memory_space<hbm>> -> memref<1x85xf32, #tpu.memory_space<hbm>>
      %dma_start3A_1325 = tpu.memref_squeeze %dma_start3A_1324 : memref<1x85xf32, #tpu.memory_space<hbm>> -> memref<85xf32, #tpu.memory_space<hbm>>
      %dma_start3A_1326 = arith.constant 0 : i32
      %dma_start3A_1327 = tpu.memref_slice %arg11[%dma_start3A_1319, %dma_start3A_1326] : memref<16x128xf32, #tpu.memory_space<vmem>> -> memref<1x85xf32, #tpu.memory_space<vmem>>
      %dma_start3A_1328 = tpu.memref_squeeze %dma_start3A_1327 : memref<1x85xf32, #tpu.memory_space<vmem>> -> memref<85xf32, #tpu.memory_space<vmem>>
      %dma_start3A_1329 = arith.constant 0 : i32
      %dma_start3A_1330 = tpu.memref_slice %arg4[%squeeze3A_1318, %dma_start3A_1329] : memref<9600x85xf32, #tpu.memory_space<hbm>> -> memref<1x85xf32, #tpu.memory_space<hbm>>
      %dma_start3A_1331 = tpu.memref_squeeze %dma_start3A_1330 : memref<1x85xf32, #tpu.memory_space<hbm>> -> memref<85xf32, #tpu.memory_space<hbm>>
      tpu.enqueue_dma source(%dma_start3A_1331 : memref<85xf32, #tpu.memory_space<hbm>>) target(%dma_start3A_1328 : memref<85xf32, #tpu.memory_space<vmem>>) target_semaphore(%arg13 : memref<!tpu.dma_semaphore, #tpu.memory_space<semaphore_mem>>)
      %slice3A_1332 = vector.extract_strided_slice %add3A_1151 {offsets = [12], sizes = [1], strides = [1]} : vector<16xi32> to vector<1xi32>
      %squeeze3A_1333 = vector.extract %slice3A_1332[0] : i32 from vector<1xi32>
      %dma_start3A_1334 = arith.constant 12 : i32
      %dma_start3A_1335 = arith.constant 0 : i32
      %dma_start3A_1336 = tpu.memref_slice %arg11[%dma_start3A_1334, %dma_start3A_1335] : memref<16x128xf32, #tpu.memory_space<vmem>> -> memref<1x85xf32, #tpu.memory_space<vmem>>
      %dma_start3A_1337 = tpu.memref_squeeze %dma_start3A_1336 : memref<1x85xf32, #tpu.memory_space<vmem>> -> memref<85xf32, #tpu.memory_space<vmem>>
      %dma_start3A_1338 = arith.constant 0 : i32
      %dma_start3A_1339 = tpu.memref_slice %arg4[%squeeze3A_1333, %dma_start3A_1338] : memref<9600x85xf32, #tpu.memory_space<hbm>> -> memref<1x85xf32, #tpu.memory_space<hbm>>
      %dma_start3A_1340 = tpu.memref_squeeze %dma_start3A_1339 : memref<1x85xf32, #tpu.memory_space<hbm>> -> memref<85xf32, #tpu.memory_space<hbm>>
      %dma_start3A_1341 = arith.constant 0 : i32
      %dma_start3A_1342 = tpu.memref_slice %arg11[%dma_start3A_1334, %dma_start3A_1341] : memref<16x128xf32, #tpu.memory_space<vmem>> -> memref<1x85xf32, #tpu.memory_space<vmem>>
      %dma_start3A_1343 = tpu.memref_squeeze %dma_start3A_1342 : memref<1x85xf32, #tpu.memory_space<vmem>> -> memref<85xf32, #tpu.memory_space<vmem>>
      %dma_start3A_1344 = arith.constant 0 : i32
      %dma_start3A_1345 = tpu.memref_slice %arg4[%squeeze3A_1333, %dma_start3A_1344] : memref<9600x85xf32, #tpu.memory_space<hbm>> -> memref<1x85xf32, #tpu.memory_space<hbm>>
      %dma_start3A_1346 = tpu.memref_squeeze %dma_start3A_1345 : memref<1x85xf32, #tpu.memory_space<hbm>> -> memref<85xf32, #tpu.memory_space<hbm>>
      tpu.enqueue_dma source(%dma_start3A_1346 : memref<85xf32, #tpu.memory_space<hbm>>) target(%dma_start3A_1343 : memref<85xf32, #tpu.memory_space<vmem>>) target_semaphore(%arg13 : memref<!tpu.dma_semaphore, #tpu.memory_space<semaphore_mem>>)
      %slice3A_1347 = vector.extract_strided_slice %add3A_1151 {offsets = [13], sizes = [1], strides = [1]} : vector<16xi32> to vector<1xi32>
      %squeeze3A_1348 = vector.extract %slice3A_1347[0] : i32 from vector<1xi32>
      %dma_start3A_1349 = arith.constant 13 : i32
      %dma_start3A_1350 = arith.constant 0 : i32
      %dma_start3A_1351 = tpu.memref_slice %arg11[%dma_start3A_1349, %dma_start3A_1350] : memref<16x128xf32, #tpu.memory_space<vmem>> -> memref<1x85xf32, #tpu.memory_space<vmem>>
      %dma_start3A_1352 = tpu.memref_squeeze %dma_start3A_1351 : memref<1x85xf32, #tpu.memory_space<vmem>> -> memref<85xf32, #tpu.memory_space<vmem>>
      %dma_start3A_1353 = arith.constant 0 : i32
      %dma_start3A_1354 = tpu.memref_slice %arg4[%squeeze3A_1348, %dma_start3A_1353] : memref<9600x85xf32, #tpu.memory_space<hbm>> -> memref<1x85xf32, #tpu.memory_space<hbm>>
      %dma_start3A_1355 = tpu.memref_squeeze %dma_start3A_1354 : memref<1x85xf32, #tpu.memory_space<hbm>> -> memref<85xf32, #tpu.memory_space<hbm>>
      %dma_start3A_1356 = arith.constant 0 : i32
      %dma_start3A_1357 = tpu.memref_slice %arg11[%dma_start3A_1349, %dma_start3A_1356] : memref<16x128xf32, #tpu.memory_space<vmem>> -> memref<1x85xf32, #tpu.memory_space<vmem>>
      %dma_start3A_1358 = tpu.memref_squeeze %dma_start3A_1357 : memref<1x85xf32, #tpu.memory_space<vmem>> -> memref<85xf32, #tpu.memory_space<vmem>>
      %dma_start3A_1359 = arith.constant 0 : i32
      %dma_start3A_1360 = tpu.memref_slice %arg4[%squeeze3A_1348, %dma_start3A_1359] : memref<9600x85xf32, #tpu.memory_space<hbm>> -> memref<1x85xf32, #tpu.memory_space<hbm>>
      %dma_start3A_1361 = tpu.memref_squeeze %dma_start3A_1360 : memref<1x85xf32, #tpu.memory_space<hbm>> -> memref<85xf32, #tpu.memory_space<hbm>>
      tpu.enqueue_dma source(%dma_start3A_1361 : memref<85xf32, #tpu.memory_space<hbm>>) target(%dma_start3A_1358 : memref<85xf32, #tpu.memory_space<vmem>>) target_semaphore(%arg13 : memref<!tpu.dma_semaphore, #tpu.memory_space<semaphore_mem>>)
      %slice3A_1362 = vector.extract_strided_slice %add3A_1151 {offsets = [14], sizes = [1], strides = [1]} : vector<16xi32> to vector<1xi32>
      %squeeze3A_1363 = vector.extract %slice3A_1362[0] : i32 from vector<1xi32>
      %dma_start3A_1364 = arith.constant 14 : i32
      %dma_start3A_1365 = arith.constant 0 : i32
      %dma_start3A_1366 = tpu.memref_slice %arg11[%dma_start3A_1364, %dma_start3A_1365] : memref<16x128xf32, #tpu.memory_space<vmem>> -> memref<1x85xf32, #tpu.memory_space<vmem>>
      %dma_start3A_1367 = tpu.memref_squeeze %dma_start3A_1366 : memref<1x85xf32, #tpu.memory_space<vmem>> -> memref<85xf32, #tpu.memory_space<vmem>>
      %dma_start3A_1368 = arith.constant 0 : i32
      %dma_start3A_1369 = tpu.memref_slice %arg4[%squeeze3A_1363, %dma_start3A_1368] : memref<9600x85xf32, #tpu.memory_space<hbm>> -> memref<1x85xf32, #tpu.memory_space<hbm>>
      %dma_start3A_1370 = tpu.memref_squeeze %dma_start3A_1369 : memref<1x85xf32, #tpu.memory_space<hbm>> -> memref<85xf32, #tpu.memory_space<hbm>>
      %dma_start3A_1371 = arith.constant 0 : i32
      %dma_start3A_1372 = tpu.memref_slice %arg11[%dma_start3A_1364, %dma_start3A_1371] : memref<16x128xf32, #tpu.memory_space<vmem>> -> memref<1x85xf32, #tpu.memory_space<vmem>>
      %dma_start3A_1373 = tpu.memref_squeeze %dma_start3A_1372 : memref<1x85xf32, #tpu.memory_space<vmem>> -> memref<85xf32, #tpu.memory_space<vmem>>
      %dma_start3A_1374 = arith.constant 0 : i32
      %dma_start3A_1375 = tpu.memref_slice %arg4[%squeeze3A_1363, %dma_start3A_1374] : memref<9600x85xf32, #tpu.memory_space<hbm>> -> memref<1x85xf32, #tpu.memory_space<hbm>>
      %dma_start3A_1376 = tpu.memref_squeeze %dma_start3A_1375 : memref<1x85xf32, #tpu.memory_space<hbm>> -> memref<85xf32, #tpu.memory_space<hbm>>
      tpu.enqueue_dma source(%dma_start3A_1376 : memref<85xf32, #tpu.memory_space<hbm>>) target(%dma_start3A_1373 : memref<85xf32, #tpu.memory_space<vmem>>) target_semaphore(%arg13 : memref<!tpu.dma_semaphore, #tpu.memory_space<semaphore_mem>>)
      %slice3A_1377 = vector.extract_strided_slice %add3A_1151 {offsets = [15], sizes = [1], strides = [1]} : vector<16xi32> to vector<1xi32>
      %squeeze3A_1378 = vector.extract %slice3A_1377[0] : i32 from vector<1xi32>
      %dma_start3A_1379 = arith.constant 15 : i32
      %dma_start3A_1380 = arith.constant 0 : i32
      %dma_start3A_1381 = tpu.memref_slice %arg11[%dma_start3A_1379, %dma_start3A_1380] : memref<16x128xf32, #tpu.memory_space<vmem>> -> memref<1x85xf32, #tpu.memory_space<vmem>>
      %dma_start3A_1382 = tpu.memref_squeeze %dma_start3A_1381 : memref<1x85xf32, #tpu.memory_space<vmem>> -> memref<85xf32, #tpu.memory_space<vmem>>
      %dma_start3A_1383 = arith.constant 0 : i32
      %dma_start3A_1384 = tpu.memref_slice %arg4[%squeeze3A_1378, %dma_start3A_1383] : memref<9600x85xf32, #tpu.memory_space<hbm>> -> memref<1x85xf32, #tpu.memory_space<hbm>>
      %dma_start3A_1385 = tpu.memref_squeeze %dma_start3A_1384 : memref<1x85xf32, #tpu.memory_space<hbm>> -> memref<85xf32, #tpu.memory_space<hbm>>
      %dma_start3A_1386 = arith.constant 0 : i32
      %dma_start3A_1387 = tpu.memref_slice %arg11[%dma_start3A_1379, %dma_start3A_1386] : memref<16x128xf32, #tpu.memory_space<vmem>> -> memref<1x85xf32, #tpu.memory_space<vmem>>
      %dma_start3A_1388 = tpu.memref_squeeze %dma_start3A_1387 : memref<1x85xf32, #tpu.memory_space<vmem>> -> memref<85xf32, #tpu.memory_space<vmem>>
      %dma_start3A_1389 = arith.constant 0 : i32
      %dma_start3A_1390 = tpu.memref_slice %arg4[%squeeze3A_1378, %dma_start3A_1389] : memref<9600x85xf32, #tpu.memory_space<hbm>> -> memref<1x85xf32, #tpu.memory_space<hbm>>
      %dma_start3A_1391 = tpu.memref_squeeze %dma_start3A_1390 : memref<1x85xf32, #tpu.memory_space<hbm>> -> memref<85xf32, #tpu.memory_space<hbm>>
      tpu.enqueue_dma source(%dma_start3A_1391 : memref<85xf32, #tpu.memory_space<hbm>>) target(%dma_start3A_1388 : memref<85xf32, #tpu.memory_space<vmem>>) target_semaphore(%arg13 : memref<!tpu.dma_semaphore, #tpu.memory_space<semaphore_mem>>)
      %dma_wait3A_1392 = arith.constant 0 : i32
      %dma_wait3A_1393 = arith.constant 0 : i32
      %dma_wait3A_1394 = tpu.memref_slice %arg11[%dma_wait3A_1392, %dma_wait3A_1393] : memref<16x128xf32, #tpu.memory_space<vmem>> -> memref<1x85xf32, #tpu.memory_space<vmem>>
      %dma_wait3A_1395 = tpu.memref_squeeze %dma_wait3A_1394 : memref<1x85xf32, #tpu.memory_space<vmem>> -> memref<85xf32, #tpu.memory_space<vmem>>
      %dma_wait3A_1396 = arith.constant 0 : i32
      %dma_wait3A_1397 = tpu.memref_slice %arg4[%squeeze3A_1153, %dma_wait3A_1396] : memref<9600x85xf32, #tpu.memory_space<hbm>> -> memref<1x85xf32, #tpu.memory_space<hbm>>
      %dma_wait3A_1398 = tpu.memref_squeeze %dma_wait3A_1397 : memref<1x85xf32, #tpu.memory_space<hbm>> -> memref<85xf32, #tpu.memory_space<hbm>>
      %dma_wait3A_1399 = arith.constant 0 : i32
      %dma_wait3A_1400 = tpu.memref_slice %arg11[%dma_wait3A_1392, %dma_wait3A_1399] : memref<16x128xf32, #tpu.memory_space<vmem>> -> memref<1x85xf32, #tpu.memory_space<vmem>>
      %dma_wait3A_1401 = tpu.memref_squeeze %dma_wait3A_1400 : memref<1x85xf32, #tpu.memory_space<vmem>> -> memref<85xf32, #tpu.memory_space<vmem>>
      %dma_wait3A_1402 = arith.constant 0 : i32
      %dma_wait3A_1403 = tpu.memref_slice %arg4[%squeeze3A_1153, %dma_wait3A_1402] : memref<9600x85xf32, #tpu.memory_space<hbm>> -> memref<1x85xf32, #tpu.memory_space<hbm>>
      %dma_wait3A_1404 = tpu.memref_squeeze %dma_wait3A_1403 : memref<1x85xf32, #tpu.memory_space<hbm>> -> memref<85xf32, #tpu.memory_space<hbm>>
      tpu.wait_dma2 semaphore(%arg13 : memref<!tpu.dma_semaphore, #tpu.memory_space<semaphore_mem>>) src(%dma_wait3A_1404 : memref<85xf32, #tpu.memory_space<hbm>>) dst(%dma_wait3A_1401 : memref<85xf32, #tpu.memory_space<vmem>>)
      %dma_wait3A_1405 = arith.constant 1 : i32
      %dma_wait3A_1406 = arith.constant 0 : i32
      %dma_wait3A_1407 = tpu.memref_slice %arg11[%dma_wait3A_1405, %dma_wait3A_1406] : memref<16x128xf32, #tpu.memory_space<vmem>> -> memref<1x85xf32, #tpu.memory_space<vmem>>
      %dma_wait3A_1408 = tpu.memref_squeeze %dma_wait3A_1407 : memref<1x85xf32, #tpu.memory_space<vmem>> -> memref<85xf32, #tpu.memory_space<vmem>>
      %dma_wait3A_1409 = arith.constant 0 : i32
      %dma_wait3A_1410 = tpu.memref_slice %arg4[%squeeze3A_1168, %dma_wait3A_1409] : memref<9600x85xf32, #tpu.memory_space<hbm>> -> memref<1x85xf32, #tpu.memory_space<hbm>>
      %dma_wait3A_1411 = tpu.memref_squeeze %dma_wait3A_1410 : memref<1x85xf32, #tpu.memory_space<hbm>> -> memref<85xf32, #tpu.memory_space<hbm>>
      %dma_wait3A_1412 = arith.constant 0 : i32
      %dma_wait3A_1413 = tpu.memref_slice %arg11[%dma_wait3A_1405, %dma_wait3A_1412] : memref<16x128xf32, #tpu.memory_space<vmem>> -> memref<1x85xf32, #tpu.memory_space<vmem>>
      %dma_wait3A_1414 = tpu.memref_squeeze %dma_wait3A_1413 : memref<1x85xf32, #tpu.memory_space<vmem>> -> memref<85xf32, #tpu.memory_space<vmem>>
      %dma_wait3A_1415 = arith.constant 0 : i32
      %dma_wait3A_1416 = tpu.memref_slice %arg4[%squeeze3A_1168, %dma_wait3A_1415] : memref<9600x85xf32, #tpu.memory_space<hbm>> -> memref<1x85xf32, #tpu.memory_space<hbm>>
      %dma_wait3A_1417 = tpu.memref_squeeze %dma_wait3A_1416 : memref<1x85xf32, #tpu.memory_space<hbm>> -> memref<85xf32, #tpu.memory_space<hbm>>
      tpu.wait_dma2 semaphore(%arg13 : memref<!tpu.dma_semaphore, #tpu.memory_space<semaphore_mem>>) src(%dma_wait3A_1417 : memref<85xf32, #tpu.memory_space<hbm>>) dst(%dma_wait3A_1414 : memref<85xf32, #tpu.memory_space<vmem>>)
      %dma_wait3A_1418 = arith.constant 2 : i32
      %dma_wait3A_1419 = arith.constant 0 : i32
      %dma_wait3A_1420 = tpu.memref_slice %arg11[%dma_wait3A_1418, %dma_wait3A_1419] : memref<16x128xf32, #tpu.memory_space<vmem>> -> memref<1x85xf32, #tpu.memory_space<vmem>>
      %dma_wait3A_1421 = tpu.memref_squeeze %dma_wait3A_1420 : memref<1x85xf32, #tpu.memory_space<vmem>> -> memref<85xf32, #tpu.memory_space<vmem>>
      %dma_wait3A_1422 = arith.constant 0 : i32
      %dma_wait3A_1423 = tpu.memref_slice %arg4[%squeeze3A_1183, %dma_wait3A_1422] : memref<9600x85xf32, #tpu.memory_space<hbm>> -> memref<1x85xf32, #tpu.memory_space<hbm>>
      %dma_wait3A_1424 = tpu.memref_squeeze %dma_wait3A_1423 : memref<1x85xf32, #tpu.memory_space<hbm>> -> memref<85xf32, #tpu.memory_space<hbm>>
      %dma_wait3A_1425 = arith.constant 0 : i32
      %dma_wait3A_1426 = tpu.memref_slice %arg11[%dma_wait3A_1418, %dma_wait3A_1425] : memref<16x128xf32, #tpu.memory_space<vmem>> -> memref<1x85xf32, #tpu.memory_space<vmem>>
      %dma_wait3A_1427 = tpu.memref_squeeze %dma_wait3A_1426 : memref<1x85xf32, #tpu.memory_space<vmem>> -> memref<85xf32, #tpu.memory_space<vmem>>
      %dma_wait3A_1428 = arith.constant 0 : i32
      %dma_wait3A_1429 = tpu.memref_slice %arg4[%squeeze3A_1183, %dma_wait3A_1428] : memref<9600x85xf32, #tpu.memory_space<hbm>> -> memref<1x85xf32, #tpu.memory_space<hbm>>
      %dma_wait3A_1430 = tpu.memref_squeeze %dma_wait3A_1429 : memref<1x85xf32, #tpu.memory_space<hbm>> -> memref<85xf32, #tpu.memory_space<hbm>>
      tpu.wait_dma2 semaphore(%arg13 : memref<!tpu.dma_semaphore, #tpu.memory_space<semaphore_mem>>) src(%dma_wait3A_1430 : memref<85xf32, #tpu.memory_space<hbm>>) dst(%dma_wait3A_1427 : memref<85xf32, #tpu.memory_space<vmem>>)
      %dma_wait3A_1431 = arith.constant 3 : i32
      %dma_wait3A_1432 = arith.constant 0 : i32
      %dma_wait3A_1433 = tpu.memref_slice %arg11[%dma_wait3A_1431, %dma_wait3A_1432] : memref<16x128xf32, #tpu.memory_space<vmem>> -> memref<1x85xf32, #tpu.memory_space<vmem>>
      %dma_wait3A_1434 = tpu.memref_squeeze %dma_wait3A_1433 : memref<1x85xf32, #tpu.memory_space<vmem>> -> memref<85xf32, #tpu.memory_space<vmem>>
      %dma_wait3A_1435 = arith.constant 0 : i32
      %dma_wait3A_1436 = tpu.memref_slice %arg4[%squeeze3A_1198, %dma_wait3A_1435] : memref<9600x85xf32, #tpu.memory_space<hbm>> -> memref<1x85xf32, #tpu.memory_space<hbm>>
      %dma_wait3A_1437 = tpu.memref_squeeze %dma_wait3A_1436 : memref<1x85xf32, #tpu.memory_space<hbm>> -> memref<85xf32, #tpu.memory_space<hbm>>
      %dma_wait3A_1438 = arith.constant 0 : i32
      %dma_wait3A_1439 = tpu.memref_slice %arg11[%dma_wait3A_1431, %dma_wait3A_1438] : memref<16x128xf32, #tpu.memory_space<vmem>> -> memref<1x85xf32, #tpu.memory_space<vmem>>
      %dma_wait3A_1440 = tpu.memref_squeeze %dma_wait3A_1439 : memref<1x85xf32, #tpu.memory_space<vmem>> -> memref<85xf32, #tpu.memory_space<vmem>>
      %dma_wait3A_1441 = arith.constant 0 : i32
      %dma_wait3A_1442 = tpu.memref_slice %arg4[%squeeze3A_1198, %dma_wait3A_1441] : memref<9600x85xf32, #tpu.memory_space<hbm>> -> memref<1x85xf32, #tpu.memory_space<hbm>>
      %dma_wait3A_1443 = tpu.memref_squeeze %dma_wait3A_1442 : memref<1x85xf32, #tpu.memory_space<hbm>> -> memref<85xf32, #tpu.memory_space<hbm>>
      tpu.wait_dma2 semaphore(%arg13 : memref<!tpu.dma_semaphore, #tpu.memory_space<semaphore_mem>>) src(%dma_wait3A_1443 : memref<85xf32, #tpu.memory_space<hbm>>) dst(%dma_wait3A_1440 : memref<85xf32, #tpu.memory_space<vmem>>)
      %dma_wait3A_1444 = arith.constant 4 : i32
      %dma_wait3A_1445 = arith.constant 0 : i32
      %dma_wait3A_1446 = tpu.memref_slice %arg11[%dma_wait3A_1444, %dma_wait3A_1445] : memref<16x128xf32, #tpu.memory_space<vmem>> -> memref<1x85xf32, #tpu.memory_space<vmem>>
      %dma_wait3A_1447 = tpu.memref_squeeze %dma_wait3A_1446 : memref<1x85xf32, #tpu.memory_space<vmem>> -> memref<85xf32, #tpu.memory_space<vmem>>
      %dma_wait3A_1448 = arith.constant 0 : i32
      %dma_wait3A_1449 = tpu.memref_slice %arg4[%squeeze3A_1213, %dma_wait3A_1448] : memref<9600x85xf32, #tpu.memory_space<hbm>> -> memref<1x85xf32, #tpu.memory_space<hbm>>
      %dma_wait3A_1450 = tpu.memref_squeeze %dma_wait3A_1449 : memref<1x85xf32, #tpu.memory_space<hbm>> -> memref<85xf32, #tpu.memory_space<hbm>>
      %dma_wait3A_1451 = arith.constant 0 : i32
      %dma_wait3A_1452 = tpu.memref_slice %arg11[%dma_wait3A_1444, %dma_wait3A_1451] : memref<16x128xf32, #tpu.memory_space<vmem>> -> memref<1x85xf32, #tpu.memory_space<vmem>>
      %dma_wait3A_1453 = tpu.memref_squeeze %dma_wait3A_1452 : memref<1x85xf32, #tpu.memory_space<vmem>> -> memref<85xf32, #tpu.memory_space<vmem>>
      %dma_wait3A_1454 = arith.constant 0 : i32
      %dma_wait3A_1455 = tpu.memref_slice %arg4[%squeeze3A_1213, %dma_wait3A_1454] : memref<9600x85xf32, #tpu.memory_space<hbm>> -> memref<1x85xf32, #tpu.memory_space<hbm>>
      %dma_wait3A_1456 = tpu.memref_squeeze %dma_wait3A_1455 : memref<1x85xf32, #tpu.memory_space<hbm>> -> memref<85xf32, #tpu.memory_space<hbm>>
      tpu.wait_dma2 semaphore(%arg13 : memref<!tpu.dma_semaphore, #tpu.memory_space<semaphore_mem>>) src(%dma_wait3A_1456 : memref<85xf32, #tpu.memory_space<hbm>>) dst(%dma_wait3A_1453 : memref<85xf32, #tpu.memory_space<vmem>>)
      %dma_wait3A_1457 = arith.constant 5 : i32
      %dma_wait3A_1458 = arith.constant 0 : i32
      %dma_wait3A_1459 = tpu.memref_slice %arg11[%dma_wait3A_1457, %dma_wait3A_1458] : memref<16x128xf32, #tpu.memory_space<vmem>> -> memref<1x85xf32, #tpu.memory_space<vmem>>
      %dma_wait3A_1460 = tpu.memref_squeeze %dma_wait3A_1459 : memref<1x85xf32, #tpu.memory_space<vmem>> -> memref<85xf32, #tpu.memory_space<vmem>>
      %dma_wait3A_1461 = arith.constant 0 : i32
      %dma_wait3A_1462 = tpu.memref_slice %arg4[%squeeze3A_1228, %dma_wait3A_1461] : memref<9600x85xf32, #tpu.memory_space<hbm>> -> memref<1x85xf32, #tpu.memory_space<hbm>>
      %dma_wait3A_1463 = tpu.memref_squeeze %dma_wait3A_1462 : memref<1x85xf32, #tpu.memory_space<hbm>> -> memref<85xf32, #tpu.memory_space<hbm>>
      %dma_wait3A_1464 = arith.constant 0 : i32
      %dma_wait3A_1465 = tpu.memref_slice %arg11[%dma_wait3A_1457, %dma_wait3A_1464] : memref<16x128xf32, #tpu.memory_space<vmem>> -> memref<1x85xf32, #tpu.memory_space<vmem>>
      %dma_wait3A_1466 = tpu.memref_squeeze %dma_wait3A_1465 : memref<1x85xf32, #tpu.memory_space<vmem>> -> memref<85xf32, #tpu.memory_space<vmem>>
      %dma_wait3A_1467 = arith.constant 0 : i32
      %dma_wait3A_1468 = tpu.memref_slice %arg4[%squeeze3A_1228, %dma_wait3A_1467] : memref<9600x85xf32, #tpu.memory_space<hbm>> -> memref<1x85xf32, #tpu.memory_space<hbm>>
      %dma_wait3A_1469 = tpu.memref_squeeze %dma_wait3A_1468 : memref<1x85xf32, #tpu.memory_space<hbm>> -> memref<85xf32, #tpu.memory_space<hbm>>
      tpu.wait_dma2 semaphore(%arg13 : memref<!tpu.dma_semaphore, #tpu.memory_space<semaphore_mem>>) src(%dma_wait3A_1469 : memref<85xf32, #tpu.memory_space<hbm>>) dst(%dma_wait3A_1466 : memref<85xf32, #tpu.memory_space<vmem>>)
      %dma_wait3A_1470 = arith.constant 6 : i32
      %dma_wait3A_1471 = arith.constant 0 : i32
      %dma_wait3A_1472 = tpu.memref_slice %arg11[%dma_wait3A_1470, %dma_wait3A_1471] : memref<16x128xf32, #tpu.memory_space<vmem>> -> memref<1x85xf32, #tpu.memory_space<vmem>>
      %dma_wait3A_1473 = tpu.memref_squeeze %dma_wait3A_1472 : memref<1x85xf32, #tpu.memory_space<vmem>> -> memref<85xf32, #tpu.memory_space<vmem>>
      %dma_wait3A_1474 = arith.constant 0 : i32
      %dma_wait3A_1475 = tpu.memref_slice %arg4[%squeeze3A_1243, %dma_wait3A_1474] : memref<9600x85xf32, #tpu.memory_space<hbm>> -> memref<1x85xf32, #tpu.memory_space<hbm>>
      %dma_wait3A_1476 = tpu.memref_squeeze %dma_wait3A_1475 : memref<1x85xf32, #tpu.memory_space<hbm>> -> memref<85xf32, #tpu.memory_space<hbm>>
      %dma_wait3A_1477 = arith.constant 0 : i32
      %dma_wait3A_1478 = tpu.memref_slice %arg11[%dma_wait3A_1470, %dma_wait3A_1477] : memref<16x128xf32, #tpu.memory_space<vmem>> -> memref<1x85xf32, #tpu.memory_space<vmem>>
      %dma_wait3A_1479 = tpu.memref_squeeze %dma_wait3A_1478 : memref<1x85xf32, #tpu.memory_space<vmem>> -> memref<85xf32, #tpu.memory_space<vmem>>
      %dma_wait3A_1480 = arith.constant 0 : i32
      %dma_wait3A_1481 = tpu.memref_slice %arg4[%squeeze3A_1243, %dma_wait3A_1480] : memref<9600x85xf32, #tpu.memory_space<hbm>> -> memref<1x85xf32, #tpu.memory_space<hbm>>
      %dma_wait3A_1482 = tpu.memref_squeeze %dma_wait3A_1481 : memref<1x85xf32, #tpu.memory_space<hbm>> -> memref<85xf32, #tpu.memory_space<hbm>>
      tpu.wait_dma2 semaphore(%arg13 : memref<!tpu.dma_semaphore, #tpu.memory_space<semaphore_mem>>) src(%dma_wait3A_1482 : memref<85xf32, #tpu.memory_space<hbm>>) dst(%dma_wait3A_1479 : memref<85xf32, #tpu.memory_space<vmem>>)
      %dma_wait3A_1483 = arith.constant 7 : i32
      %dma_wait3A_1484 = arith.constant 0 : i32
      %dma_wait3A_1485 = tpu.memref_slice %arg11[%dma_wait3A_1483, %dma_wait3A_1484] : memref<16x128xf32, #tpu.memory_space<vmem>> -> memref<1x85xf32, #tpu.memory_space<vmem>>
      %dma_wait3A_1486 = tpu.memref_squeeze %dma_wait3A_1485 : memref<1x85xf32, #tpu.memory_space<vmem>> -> memref<85xf32, #tpu.memory_space<vmem>>
      %dma_wait3A_1487 = arith.constant 0 : i32
      %dma_wait3A_1488 = tpu.memref_slice %arg4[%squeeze3A_1258, %dma_wait3A_1487] : memref<9600x85xf32, #tpu.memory_space<hbm>> -> memref<1x85xf32, #tpu.memory_space<hbm>>
      %dma_wait3A_1489 = tpu.memref_squeeze %dma_wait3A_1488 : memref<1x85xf32, #tpu.memory_space<hbm>> -> memref<85xf32, #tpu.memory_space<hbm>>
      %dma_wait3A_1490 = arith.constant 0 : i32
      %dma_wait3A_1491 = tpu.memref_slice %arg11[%dma_wait3A_1483, %dma_wait3A_1490] : memref<16x128xf32, #tpu.memory_space<vmem>> -> memref<1x85xf32, #tpu.memory_space<vmem>>
      %dma_wait3A_1492 = tpu.memref_squeeze %dma_wait3A_1491 : memref<1x85xf32, #tpu.memory_space<vmem>> -> memref<85xf32, #tpu.memory_space<vmem>>
      %dma_wait3A_1493 = arith.constant 0 : i32
      %dma_wait3A_1494 = tpu.memref_slice %arg4[%squeeze3A_1258, %dma_wait3A_1493] : memref<9600x85xf32, #tpu.memory_space<hbm>> -> memref<1x85xf32, #tpu.memory_space<hbm>>
      %dma_wait3A_1495 = tpu.memref_squeeze %dma_wait3A_1494 : memref<1x85xf32, #tpu.memory_space<hbm>> -> memref<85xf32, #tpu.memory_space<hbm>>
      tpu.wait_dma2 semaphore(%arg13 : memref<!tpu.dma_semaphore, #tpu.memory_space<semaphore_mem>>) src(%dma_wait3A_1495 : memref<85xf32, #tpu.memory_space<hbm>>) dst(%dma_wait3A_1492 : memref<85xf32, #tpu.memory_space<vmem>>)
      %dma_wait3A_1496 = arith.constant 8 : i32
      %dma_wait3A_1497 = arith.constant 0 : i32
      %dma_wait3A_1498 = tpu.memref_slice %arg11[%dma_wait3A_1496, %dma_wait3A_1497] : memref<16x128xf32, #tpu.memory_space<vmem>> -> memref<1x85xf32, #tpu.memory_space<vmem>>
      %dma_wait3A_1499 = tpu.memref_squeeze %dma_wait3A_1498 : memref<1x85xf32, #tpu.memory_space<vmem>> -> memref<85xf32, #tpu.memory_space<vmem>>
      %dma_wait3A_1500 = arith.constant 0 : i32
      %dma_wait3A_1501 = tpu.memref_slice %arg4[%squeeze3A_1273, %dma_wait3A_1500] : memref<9600x85xf32, #tpu.memory_space<hbm>> -> memref<1x85xf32, #tpu.memory_space<hbm>>
      %dma_wait3A_1502 = tpu.memref_squeeze %dma_wait3A_1501 : memref<1x85xf32, #tpu.memory_space<hbm>> -> memref<85xf32, #tpu.memory_space<hbm>>
      %dma_wait3A_1503 = arith.constant 0 : i32
      %dma_wait3A_1504 = tpu.memref_slice %arg11[%dma_wait3A_1496, %dma_wait3A_1503] : memref<16x128xf32, #tpu.memory_space<vmem>> -> memref<1x85xf32, #tpu.memory_space<vmem>>
      %dma_wait3A_1505 = tpu.memref_squeeze %dma_wait3A_1504 : memref<1x85xf32, #tpu.memory_space<vmem>> -> memref<85xf32, #tpu.memory_space<vmem>>
      %dma_wait3A_1506 = arith.constant 0 : i32
      %dma_wait3A_1507 = tpu.memref_slice %arg4[%squeeze3A_1273, %dma_wait3A_1506] : memref<9600x85xf32, #tpu.memory_space<hbm>> -> memref<1x85xf32, #tpu.memory_space<hbm>>
      %dma_wait3A_1508 = tpu.memref_squeeze %dma_wait3A_1507 : memref<1x85xf32, #tpu.memory_space<hbm>> -> memref<85xf32, #tpu.memory_space<hbm>>
      tpu.wait_dma2 semaphore(%arg13 : memref<!tpu.dma_semaphore, #tpu.memory_space<semaphore_mem>>) src(%dma_wait3A_1508 : memref<85xf32, #tpu.memory_space<hbm>>) dst(%dma_wait3A_1505 : memref<85xf32, #tpu.memory_space<vmem>>)
      %dma_wait3A_1509 = arith.constant 9 : i32
      %dma_wait3A_1510 = arith.constant 0 : i32
      %dma_wait3A_1511 = tpu.memref_slice %arg11[%dma_wait3A_1509, %dma_wait3A_1510] : memref<16x128xf32, #tpu.memory_space<vmem>> -> memref<1x85xf32, #tpu.memory_space<vmem>>
      %dma_wait3A_1512 = tpu.memref_squeeze %dma_wait3A_1511 : memref<1x85xf32, #tpu.memory_space<vmem>> -> memref<85xf32, #tpu.memory_space<vmem>>
      %dma_wait3A_1513 = arith.constant 0 : i32
      %dma_wait3A_1514 = tpu.memref_slice %arg4[%squeeze3A_1288, %dma_wait3A_1513] : memref<9600x85xf32, #tpu.memory_space<hbm>> -> memref<1x85xf32, #tpu.memory_space<hbm>>
      %dma_wait3A_1515 = tpu.memref_squeeze %dma_wait3A_1514 : memref<1x85xf32, #tpu.memory_space<hbm>> -> memref<85xf32, #tpu.memory_space<hbm>>
      %dma_wait3A_1516 = arith.constant 0 : i32
      %dma_wait3A_1517 = tpu.memref_slice %arg11[%dma_wait3A_1509, %dma_wait3A_1516] : memref<16x128xf32, #tpu.memory_space<vmem>> -> memref<1x85xf32, #tpu.memory_space<vmem>>
      %dma_wait3A_1518 = tpu.memref_squeeze %dma_wait3A_1517 : memref<1x85xf32, #tpu.memory_space<vmem>> -> memref<85xf32, #tpu.memory_space<vmem>>
      %dma_wait3A_1519 = arith.constant 0 : i32
      %dma_wait3A_1520 = tpu.memref_slice %arg4[%squeeze3A_1288, %dma_wait3A_1519] : memref<9600x85xf32, #tpu.memory_space<hbm>> -> memref<1x85xf32, #tpu.memory_space<hbm>>
      %dma_wait3A_1521 = tpu.memref_squeeze %dma_wait3A_1520 : memref<1x85xf32, #tpu.memory_space<hbm>> -> memref<85xf32, #tpu.memory_space<hbm>>
      tpu.wait_dma2 semaphore(%arg13 : memref<!tpu.dma_semaphore, #tpu.memory_space<semaphore_mem>>) src(%dma_wait3A_1521 : memref<85xf32, #tpu.memory_space<hbm>>) dst(%dma_wait3A_1518 : memref<85xf32, #tpu.memory_space<vmem>>)
      %dma_wait3A_1522 = arith.constant 10 : i32
      %dma_wait3A_1523 = arith.constant 0 : i32
      %dma_wait3A_1524 = tpu.memref_slice %arg11[%dma_wait3A_1522, %dma_wait3A_1523] : memref<16x128xf32, #tpu.memory_space<vmem>> -> memref<1x85xf32, #tpu.memory_space<vmem>>
      %dma_wait3A_1525 = tpu.memref_squeeze %dma_wait3A_1524 : memref<1x85xf32, #tpu.memory_space<vmem>> -> memref<85xf32, #tpu.memory_space<vmem>>
      %dma_wait3A_1526 = arith.constant 0 : i32
      %dma_wait3A_1527 = tpu.memref_slice %arg4[%squeeze3A_1303, %dma_wait3A_1526] : memref<9600x85xf32, #tpu.memory_space<hbm>> -> memref<1x85xf32, #tpu.memory_space<hbm>>
      %dma_wait3A_1528 = tpu.memref_squeeze %dma_wait3A_1527 : memref<1x85xf32, #tpu.memory_space<hbm>> -> memref<85xf32, #tpu.memory_space<hbm>>
      %dma_wait3A_1529 = arith.constant 0 : i32
      %dma_wait3A_1530 = tpu.memref_slice %arg11[%dma_wait3A_1522, %dma_wait3A_1529] : memref<16x128xf32, #tpu.memory_space<vmem>> -> memref<1x85xf32, #tpu.memory_space<vmem>>
      %dma_wait3A_1531 = tpu.memref_squeeze %dma_wait3A_1530 : memref<1x85xf32, #tpu.memory_space<vmem>> -> memref<85xf32, #tpu.memory_space<vmem>>
      %dma_wait3A_1532 = arith.constant 0 : i32
      %dma_wait3A_1533 = tpu.memref_slice %arg4[%squeeze3A_1303, %dma_wait3A_1532] : memref<9600x85xf32, #tpu.memory_space<hbm>> -> memref<1x85xf32, #tpu.memory_space<hbm>>
      %dma_wait3A_1534 = tpu.memref_squeeze %dma_wait3A_1533 : memref<1x85xf32, #tpu.memory_space<hbm>> -> memref<85xf32, #tpu.memory_space<hbm>>
      tpu.wait_dma2 semaphore(%arg13 : memref<!tpu.dma_semaphore, #tpu.memory_space<semaphore_mem>>) src(%dma_wait3A_1534 : memref<85xf32, #tpu.memory_space<hbm>>) dst(%dma_wait3A_1531 : memref<85xf32, #tpu.memory_space<vmem>>)
      %dma_wait3A_1535 = arith.constant 11 : i32
      %dma_wait3A_1536 = arith.constant 0 : i32
      %dma_wait3A_1537 = tpu.memref_slice %arg11[%dma_wait3A_1535, %dma_wait3A_1536] : memref<16x128xf32, #tpu.memory_space<vmem>> -> memref<1x85xf32, #tpu.memory_space<vmem>>
      %dma_wait3A_1538 = tpu.memref_squeeze %dma_wait3A_1537 : memref<1x85xf32, #tpu.memory_space<vmem>> -> memref<85xf32, #tpu.memory_space<vmem>>
      %dma_wait3A_1539 = arith.constant 0 : i32
      %dma_wait3A_1540 = tpu.memref_slice %arg4[%squeeze3A_1318, %dma_wait3A_1539] : memref<9600x85xf32, #tpu.memory_space<hbm>> -> memref<1x85xf32, #tpu.memory_space<hbm>>
      %dma_wait3A_1541 = tpu.memref_squeeze %dma_wait3A_1540 : memref<1x85xf32, #tpu.memory_space<hbm>> -> memref<85xf32, #tpu.memory_space<hbm>>
      %dma_wait3A_1542 = arith.constant 0 : i32
      %dma_wait3A_1543 = tpu.memref_slice %arg11[%dma_wait3A_1535, %dma_wait3A_1542] : memref<16x128xf32, #tpu.memory_space<vmem>> -> memref<1x85xf32, #tpu.memory_space<vmem>>
      %dma_wait3A_1544 = tpu.memref_squeeze %dma_wait3A_1543 : memref<1x85xf32, #tpu.memory_space<vmem>> -> memref<85xf32, #tpu.memory_space<vmem>>
      %dma_wait3A_1545 = arith.constant 0 : i32
      %dma_wait3A_1546 = tpu.memref_slice %arg4[%squeeze3A_1318, %dma_wait3A_1545] : memref<9600x85xf32, #tpu.memory_space<hbm>> -> memref<1x85xf32, #tpu.memory_space<hbm>>
      %dma_wait3A_1547 = tpu.memref_squeeze %dma_wait3A_1546 : memref<1x85xf32, #tpu.memory_space<hbm>> -> memref<85xf32, #tpu.memory_space<hbm>>
      tpu.wait_dma2 semaphore(%arg13 : memref<!tpu.dma_semaphore, #tpu.memory_space<semaphore_mem>>) src(%dma_wait3A_1547 : memref<85xf32, #tpu.memory_space<hbm>>) dst(%dma_wait3A_1544 : memref<85xf32, #tpu.memory_space<vmem>>)
      %dma_wait3A_1548 = arith.constant 12 : i32
      %dma_wait3A_1549 = arith.constant 0 : i32
      %dma_wait3A_1550 = tpu.memref_slice %arg11[%dma_wait3A_1548, %dma_wait3A_1549] : memref<16x128xf32, #tpu.memory_space<vmem>> -> memref<1x85xf32, #tpu.memory_space<vmem>>
      %dma_wait3A_1551 = tpu.memref_squeeze %dma_wait3A_1550 : memref<1x85xf32, #tpu.memory_space<vmem>> -> memref<85xf32, #tpu.memory_space<vmem>>
      %dma_wait3A_1552 = arith.constant 0 : i32
      %dma_wait3A_1553 = tpu.memref_slice %arg4[%squeeze3A_1333, %dma_wait3A_1552] : memref<9600x85xf32, #tpu.memory_space<hbm>> -> memref<1x85xf32, #tpu.memory_space<hbm>>
      %dma_wait3A_1554 = tpu.memref_squeeze %dma_wait3A_1553 : memref<1x85xf32, #tpu.memory_space<hbm>> -> memref<85xf32, #tpu.memory_space<hbm>>
      %dma_wait3A_1555 = arith.constant 0 : i32
      %dma_wait3A_1556 = tpu.memref_slice %arg11[%dma_wait3A_1548, %dma_wait3A_1555] : memref<16x128xf32, #tpu.memory_space<vmem>> -> memref<1x85xf32, #tpu.memory_space<vmem>>
      %dma_wait3A_1557 = tpu.memref_squeeze %dma_wait3A_1556 : memref<1x85xf32, #tpu.memory_space<vmem>> -> memref<85xf32, #tpu.memory_space<vmem>>
      %dma_wait3A_1558 = arith.constant 0 : i32
      %dma_wait3A_1559 = tpu.memref_slice %arg4[%squeeze3A_1333, %dma_wait3A_1558] : memref<9600x85xf32, #tpu.memory_space<hbm>> -> memref<1x85xf32, #tpu.memory_space<hbm>>
      %dma_wait3A_1560 = tpu.memref_squeeze %dma_wait3A_1559 : memref<1x85xf32, #tpu.memory_space<hbm>> -> memref<85xf32, #tpu.memory_space<hbm>>
      tpu.wait_dma2 semaphore(%arg13 : memref<!tpu.dma_semaphore, #tpu.memory_space<semaphore_mem>>) src(%dma_wait3A_1560 : memref<85xf32, #tpu.memory_space<hbm>>) dst(%dma_wait3A_1557 : memref<85xf32, #tpu.memory_space<vmem>>)
      %dma_wait3A_1561 = arith.constant 13 : i32
      %dma_wait3A_1562 = arith.constant 0 : i32
      %dma_wait3A_1563 = tpu.memref_slice %arg11[%dma_wait3A_1561, %dma_wait3A_1562] : memref<16x128xf32, #tpu.memory_space<vmem>> -> memref<1x85xf32, #tpu.memory_space<vmem>>
      %dma_wait3A_1564 = tpu.memref_squeeze %dma_wait3A_1563 : memref<1x85xf32, #tpu.memory_space<vmem>> -> memref<85xf32, #tpu.memory_space<vmem>>
      %dma_wait3A_1565 = arith.constant 0 : i32
      %dma_wait3A_1566 = tpu.memref_slice %arg4[%squeeze3A_1348, %dma_wait3A_1565] : memref<9600x85xf32, #tpu.memory_space<hbm>> -> memref<1x85xf32, #tpu.memory_space<hbm>>
      %dma_wait3A_1567 = tpu.memref_squeeze %dma_wait3A_1566 : memref<1x85xf32, #tpu.memory_space<hbm>> -> memref<85xf32, #tpu.memory_space<hbm>>
      %dma_wait3A_1568 = arith.constant 0 : i32
      %dma_wait3A_1569 = tpu.memref_slice %arg11[%dma_wait3A_1561, %dma_wait3A_1568] : memref<16x128xf32, #tpu.memory_space<vmem>> -> memref<1x85xf32, #tpu.memory_space<vmem>>
      %dma_wait3A_1570 = tpu.memref_squeeze %dma_wait3A_1569 : memref<1x85xf32, #tpu.memory_space<vmem>> -> memref<85xf32, #tpu.memory_space<vmem>>
      %dma_wait3A_1571 = arith.constant 0 : i32
      %dma_wait3A_1572 = tpu.memref_slice %arg4[%squeeze3A_1348, %dma_wait3A_1571] : memref<9600x85xf32, #tpu.memory_space<hbm>> -> memref<1x85xf32, #tpu.memory_space<hbm>>
      %dma_wait3A_1573 = tpu.memref_squeeze %dma_wait3A_1572 : memref<1x85xf32, #tpu.memory_space<hbm>> -> memref<85xf32, #tpu.memory_space<hbm>>
      tpu.wait_dma2 semaphore(%arg13 : memref<!tpu.dma_semaphore, #tpu.memory_space<semaphore_mem>>) src(%dma_wait3A_1573 : memref<85xf32, #tpu.memory_space<hbm>>) dst(%dma_wait3A_1570 : memref<85xf32, #tpu.memory_space<vmem>>)
      %dma_wait3A_1574 = arith.constant 14 : i32
      %dma_wait3A_1575 = arith.constant 0 : i32
      %dma_wait3A_1576 = tpu.memref_slice %arg11[%dma_wait3A_1574, %dma_wait3A_1575] : memref<16x128xf32, #tpu.memory_space<vmem>> -> memref<1x85xf32, #tpu.memory_space<vmem>>
      %dma_wait3A_1577 = tpu.memref_squeeze %dma_wait3A_1576 : memref<1x85xf32, #tpu.memory_space<vmem>> -> memref<85xf32, #tpu.memory_space<vmem>>
      %dma_wait3A_1578 = arith.constant 0 : i32
      %dma_wait3A_1579 = tpu.memref_slice %arg4[%squeeze3A_1363, %dma_wait3A_1578] : memref<9600x85xf32, #tpu.memory_space<hbm>> -> memref<1x85xf32, #tpu.memory_space<hbm>>
      %dma_wait3A_1580 = tpu.memref_squeeze %dma_wait3A_1579 : memref<1x85xf32, #tpu.memory_space<hbm>> -> memref<85xf32, #tpu.memory_space<hbm>>
      %dma_wait3A_1581 = arith.constant 0 : i32
      %dma_wait3A_1582 = tpu.memref_slice %arg11[%dma_wait3A_1574, %dma_wait3A_1581] : memref<16x128xf32, #tpu.memory_space<vmem>> -> memref<1x85xf32, #tpu.memory_space<vmem>>
      %dma_wait3A_1583 = tpu.memref_squeeze %dma_wait3A_1582 : memref<1x85xf32, #tpu.memory_space<vmem>> -> memref<85xf32, #tpu.memory_space<vmem>>
      %dma_wait3A_1584 = arith.constant 0 : i32
      %dma_wait3A_1585 = tpu.memref_slice %arg4[%squeeze3A_1363, %dma_wait3A_1584] : memref<9600x85xf32, #tpu.memory_space<hbm>> -> memref<1x85xf32, #tpu.memory_space<hbm>>
      %dma_wait3A_1586 = tpu.memref_squeeze %dma_wait3A_1585 : memref<1x85xf32, #tpu.memory_space<hbm>> -> memref<85xf32, #tpu.memory_space<hbm>>
      tpu.wait_dma2 semaphore(%arg13 : memref<!tpu.dma_semaphore, #tpu.memory_space<semaphore_mem>>) src(%dma_wait3A_1586 : memref<85xf32, #tpu.memory_space<hbm>>) dst(%dma_wait3A_1583 : memref<85xf32, #tpu.memory_space<vmem>>)
      %dma_wait3A_1587 = arith.constant 15 : i32
      %dma_wait3A_1588 = arith.constant 0 : i32
      %dma_wait3A_1589 = tpu.memref_slice %arg11[%dma_wait3A_1587, %dma_wait3A_1588] : memref<16x128xf32, #tpu.memory_space<vmem>> -> memref<1x85xf32, #tpu.memory_space<vmem>>
      %dma_wait3A_1590 = tpu.memref_squeeze %dma_wait3A_1589 : memref<1x85xf32, #tpu.memory_space<vmem>> -> memref<85xf32, #tpu.memory_space<vmem>>
      %dma_wait3A_1591 = arith.constant 0 : i32
      %dma_wait3A_1592 = tpu.memref_slice %arg4[%squeeze3A_1378, %dma_wait3A_1591] : memref<9600x85xf32, #tpu.memory_space<hbm>> -> memref<1x85xf32, #tpu.memory_space<hbm>>
      %dma_wait3A_1593 = tpu.memref_squeeze %dma_wait3A_1592 : memref<1x85xf32, #tpu.memory_space<hbm>> -> memref<85xf32, #tpu.memory_space<hbm>>
      %dma_wait3A_1594 = arith.constant 0 : i32
      %dma_wait3A_1595 = tpu.memref_slice %arg11[%dma_wait3A_1587, %dma_wait3A_1594] : memref<16x128xf32, #tpu.memory_space<vmem>> -> memref<1x85xf32, #tpu.memory_space<vmem>>
      %dma_wait3A_1596 = tpu.memref_squeeze %dma_wait3A_1595 : memref<1x85xf32, #tpu.memory_space<vmem>> -> memref<85xf32, #tpu.memory_space<vmem>>
      %dma_wait3A_1597 = arith.constant 0 : i32
      %dma_wait3A_1598 = tpu.memref_slice %arg4[%squeeze3A_1378, %dma_wait3A_1597] : memref<9600x85xf32, #tpu.memory_space<hbm>> -> memref<1x85xf32, #tpu.memory_space<hbm>>
      %dma_wait3A_1599 = tpu.memref_squeeze %dma_wait3A_1598 : memref<1x85xf32, #tpu.memory_space<hbm>> -> memref<85xf32, #tpu.memory_space<hbm>>
      tpu.wait_dma2 semaphore(%arg13 : memref<!tpu.dma_semaphore, #tpu.memory_space<semaphore_mem>>) src(%dma_wait3A_1599 : memref<85xf32, #tpu.memory_space<hbm>>) dst(%dma_wait3A_1596 : memref<85xf32, #tpu.memory_space<vmem>>)
      %mul3A_1600 = arith.constant 16 : i32
      %mul3A_1601 = arith.muli %add3A, %mul3A_1600 : i32
      %add3A_1602 = arith.constant 960 : i32
      %add3A_1603 = arith.addi %add3A_1602, %mul3A_1601 : i32
      "tpu.region"() ({
        %run_scoped3A_1624 = tpu.sem_alloc : memref<!tpu.dma_semaphore, #tpu.memory_space<semaphore_mem>>
        %dma_start3A_1625 = arith.constant 0 : i32
        %dma_start3A_1626 = tpu.memref_slice %arg7[%add3A_1603, %dma_start3A_1625] : memref<1440x128xf32, #tpu.memory_space<hbm>> -> memref<16x128xf32, #tpu.memory_space<hbm>>
        %dma_start3A_1627 = arith.constant 0 : i32
        %dma_start3A_1628 = tpu.memref_slice %arg7[%add3A_1603, %dma_start3A_1627] : memref<1440x128xf32, #tpu.memory_space<hbm>> -> memref<16x128xf32, #tpu.memory_space<hbm>>
        tpu.enqueue_dma source(%arg11 : memref<16x128xf32, #tpu.memory_space<vmem>>) target(%dma_start3A_1628 : memref<16x128xf32, #tpu.memory_space<hbm>>) target_semaphore(%run_scoped3A_1624 : memref<!tpu.dma_semaphore, #tpu.memory_space<semaphore_mem>>)
        %dma_wait3A_1629 = arith.constant 0 : i32
        %dma_wait3A_1630 = tpu.memref_slice %arg7[%add3A_1603, %dma_wait3A_1629] : memref<1440x128xf32, #tpu.memory_space<hbm>> -> memref<16x128xf32, #tpu.memory_space<hbm>>
        %dma_wait3A_1631 = arith.constant 0 : i32
        %dma_wait3A_1632 = tpu.memref_slice %arg7[%add3A_1603, %dma_wait3A_1631] : memref<1440x128xf32, #tpu.memory_space<hbm>> -> memref<16x128xf32, #tpu.memory_space<hbm>>
        tpu.wait_dma2 semaphore(%run_scoped3A_1624 : memref<!tpu.dma_semaphore, #tpu.memory_space<semaphore_mem>>) src(%arg11 : memref<16x128xf32, #tpu.memory_space<vmem>>) dst(%dma_wait3A_1632 : memref<16x128xf32, #tpu.memory_space<hbm>>)
        tpu.yield
      }) : () -> ()
      %convert_element_type3A_1604 = arith.sitofp %add3A_1151 : vector<16xi32> to vector<16xf32>
      %swap3A_1605 = arith.constant 0 : index
      %swap3A_1606 = tpu.vector_load %arg12[%swap3A_1605] {strides = array<i32>} : memref<128xf32, #tpu.memory_space<vmem>>, vector<16xf32>,
      tpu.vector_store %arg12[%swap3A_1605], %convert_element_type3A_1604 {strides = array<i32>} : memref<128xf32, #tpu.memory_space<vmem>>, vector<16xf32>,
      %swap3A_1607 = arith.constant 16 : index
      %swap3A_1608 = tpu.vector_load %arg12[%swap3A_1607] {strides = array<i32>} : memref<128xf32, #tpu.memory_space<vmem>>, vector<16xf32>,
      tpu.vector_store %arg12[%swap3A_1607], %select_n3A_1139 {strides = array<i32>} : memref<128xf32, #tpu.memory_space<vmem>>, vector<16xf32>,
      %convert_element_type3A_1609 = arith.sitofp %convert_element_type3A_1102 : vector<16xi32> to vector<16xf32>
      %sub3A_1610 = arith.subf %mul3A_1092, %convert_element_type3A_1609 : vector<16xf32>
      %swap3A_1611 = arith.constant 32 : index
      %swap3A_1612 = tpu.vector_load %arg12[%swap3A_1611] {strides = array<i32>} : memref<128xf32, #tpu.memory_space<vmem>>, vector<16xf32>,
      tpu.vector_store %arg12[%swap3A_1611], %sub3A_1610 {strides = array<i32>} : memref<128xf32, #tpu.memory_space<vmem>>, vector<16xf32>,
      %convert_element_type3A_1613 = arith.sitofp %convert_element_type3A_1103 : vector<16xi32> to vector<16xf32>
      %sub3A_1614 = arith.subf %mul3A_1095, %convert_element_type3A_1613 : vector<16xf32>
      %swap3A_1615 = arith.constant 48 : index
      %swap3A_1616 = tpu.vector_load %arg12[%swap3A_1615] {strides = array<i32>} : memref<128xf32, #tpu.memory_space<vmem>>, vector<16xf32>,
      tpu.vector_store %arg12[%swap3A_1615], %sub3A_1614 {strides = array<i32>} : memref<128xf32, #tpu.memory_space<vmem>>, vector<16xf32>,
      %swap3A_1617 = arith.constant 64 : index
      %swap3A_1618 = tpu.vector_load %arg12[%swap3A_1617] {strides = array<i32>} : memref<128xf32, #tpu.memory_space<vmem>>, vector<16xf32>,
      tpu.vector_store %arg12[%swap3A_1617], %mul3A_1098 {strides = array<i32>} : memref<128xf32, #tpu.memory_space<vmem>>, vector<16xf32>,
      %swap3A_1619 = arith.constant 80 : index
      %swap3A_1620 = tpu.vector_load %arg12[%swap3A_1619] {strides = array<i32>} : memref<128xf32, #tpu.memory_space<vmem>>, vector<16xf32>,
      tpu.vector_store %arg12[%swap3A_1619], %mul3A_1101 {strides = array<i32>} : memref<128xf32, #tpu.memory_space<vmem>>, vector<16xf32>,
      %swap3A_1621 = arith.constant 96 : index
      %swap3A_1622 = tpu.vector_load %arg12[%swap3A_1621] {strides = array<i32>} : memref<128xf32, #tpu.memory_space<vmem>>, vector<16xf32>,
      tpu.vector_store %arg12[%swap3A_1621], %gather3A {strides = array<i32>} : memref<128xf32, #tpu.memory_space<vmem>>, vector<16xf32>,
      %run_scoped3A_1623 = arith.constant 2 : i32
      "tpu.region"() ({
        %run_scoped3A_1624 = tpu.sem_alloc : memref<!tpu.dma_semaphore, #tpu.memory_space<semaphore_mem>>
        %dma_start3A_1625 = arith.constant 0 : i32
        %dma_start3A_1626 = tpu.memref_slice %arg8[%run_scoped3A_1623, %add3A, %dma_start3A_1625] : memref<3x30x128xf32, #tpu.memory_space<hbm>> -> memref<1x1x128xf32, #tpu.memory_space<hbm>>
        %dma_start3A_1627 = tpu.memref_squeeze %dma_start3A_1626 : memref<1x1x128xf32, #tpu.memory_space<hbm>> -> memref<128xf32, #tpu.memory_space<hbm>>
        %dma_start3A_1628 = arith.constant 0 : i32
        %dma_start3A_1629 = tpu.memref_slice %arg8[%run_scoped3A_1623, %add3A, %dma_start3A_1628] : memref<3x30x128xf32, #tpu.memory_space<hbm>> -> memref<1x1x128xf32, #tpu.memory_space<hbm>>
        %dma_start3A_1630 = tpu.memref_squeeze %dma_start3A_1629 : memref<1x1x128xf32, #tpu.memory_space<hbm>> -> memref<128xf32, #tpu.memory_space<hbm>>
        tpu.enqueue_dma source(%arg12 : memref<128xf32, #tpu.memory_space<vmem>>) target(%dma_start3A_1630 : memref<128xf32, #tpu.memory_space<hbm>>) target_semaphore(%run_scoped3A_1624 : memref<!tpu.dma_semaphore, #tpu.memory_space<semaphore_mem>>)
        %dma_wait3A_1631 = arith.constant 0 : i32
        %dma_wait3A_1632 = tpu.memref_slice %arg8[%run_scoped3A_1623, %add3A, %dma_wait3A_1631] : memref<3x30x128xf32, #tpu.memory_space<hbm>> -> memref<1x1x128xf32, #tpu.memory_space<hbm>>
        %dma_wait3A_1633 = tpu.memref_squeeze %dma_wait3A_1632 : memref<1x1x128xf32, #tpu.memory_space<hbm>> -> memref<128xf32, #tpu.memory_space<hbm>>
        %dma_wait3A_1634 = arith.constant 0 : i32
        %dma_wait3A_1635 = tpu.memref_slice %arg8[%run_scoped3A_1623, %add3A, %dma_wait3A_1634] : memref<3x30x128xf32, #tpu.memory_space<hbm>> -> memref<1x1x128xf32, #tpu.memory_space<hbm>>
        %dma_wait3A_1636 = tpu.memref_squeeze %dma_wait3A_1635 : memref<1x1x128xf32, #tpu.memory_space<hbm>> -> memref<128xf32, #tpu.memory_space<hbm>>
        tpu.wait_dma2 semaphore(%run_scoped3A_1624 : memref<!tpu.dma_semaphore, #tpu.memory_space<semaphore_mem>>) src(%arg12 : memref<128xf32, #tpu.memory_space<vmem>>) dst(%dma_wait3A_1636 : memref<128xf32, #tpu.memory_space<hbm>>)
        tpu.yield
      }) : () -> ()
    } else {
    }
    return
  }
}

module attributes {stable_mosaic.version = 14 : i64} {
  func.func @_dense_body(%arg0: i32, %arg1: memref<4800x85xf32, #tpu.memory_space<vmem>>, %arg2: memref<1x1xf32, #tpu.memory_space<vmem>>, %arg3: memref<1xf32, #tpu.memory_space<smem>>) attributes {dimension_semantics = [#tpu.dimension_semantics<arbitrary>], iteration_bounds = array<i64: 2>, scalar_prefetch = 0 : i64, scratch_operands = 1 : i64, tpu.core_type = #tpu.core_type<tc>, window_params = [{transform_indices = @transform_0, window_bounds = array<i64: 4800, 85>}, {pipeline_mode = #tpu.pipeline_mode<synchronous>, transform_indices = @transform_1, window_bounds = array<i64: 1, 1>}]} {
    %eq3A = arith.constant 0 : i32
    %eq3A_0 = arith.cmpi eq, %arg0, %eq3A : i32
    %convert_element_type3A = arith.extui %eq3A_0 : i1 to i32
    %cond3A = arith.constant 0 : i32
    %cond3A_1 = arith.cmpi ne, %convert_element_type3A, %cond3A : i32
    scf.if %cond3A_1 {
      %swap3A_27 = arith.constant 0.000000e+00 : f32
      %swap3A_28 = arith.constant 0 : index
      %swap3A_29 = memref.load %arg3[%swap3A_28] : memref<1xf32, #tpu.memory_space<smem>>
      memref.store %swap3A_27, %arg3[%swap3A_28] : memref<1xf32, #tpu.memory_space<smem>>
    } else {
    }
    %get3A = arith.constant 0 : index
    %get3A_2 = arith.constant 0 : index
    %get3A_3 = vector.load %arg1[%get3A, %get3A_2] : memref<4800x85xf32, #tpu.memory_space<vmem>>, vector<4800x85xf32>
    %max3A = arith.constant 0.000000e+00 : f32
    %max3A_4 = vector.broadcast %max3A : f32 to vector<4800x85xf32>
    %max3A_5 = arith.maximumf %get3A_3, %max3A_4 : vector<4800x85xf32>
    %abs3A = math.absf %get3A_3 : vector<4800x85xf32>
    %neg3A = arith.constant 0.000000e+00 : f32
    %neg3A_6 = vector.broadcast %neg3A : f32 to vector<4800x85xf32>
    %neg3A_7 = arith.subf %neg3A_6, %abs3A : vector<4800x85xf32>
    %exp3A = math.exp %neg3A_7 : vector<4800x85xf32>
    %add3A = arith.constant 1.000000e+00 : f32
    %add3A_8 = vector.broadcast %add3A : f32 to vector<4800x85xf32>
    %add3A_9 = arith.addf %add3A_8, %exp3A : vector<4800x85xf32>
    %log3A = math.log %add3A_9 : vector<4800x85xf32>
    %add3A_10 = arith.addf %max3A_5, %log3A : vector<4800x85xf32>
    %iota3A = tpu.iota {dimensions = array<i32: 1>} : vector<4800x85xi32>
    %get3A_11 = arith.constant 0 : index
    %get3A_12 = memref.load %arg3[%get3A_11] : memref<1xf32, #tpu.memory_space<smem>>
    %eq3A_13 = arith.constant 4 : i32
    %eq3A_14 = vector.broadcast %eq3A_13 : i32 to vector<4800x85xi32>
    %eq3A_15 = arith.cmpi eq, %iota3A, %eq3A_14 : vector<4800x85xi32>
    %jit3A = arith.constant 0.000000e+00 : f32
    %broadcast_in_dim3A = vector.broadcast %jit3A : f32 to vector<4800x85xf32>
    %select_n3A = arith.select %eq3A_15, %add3A_10, %broadcast_in_dim3A : vector<4800x85xi1>, vector<4800x85xf32>
    %reduce_sum3A = vector.shape_cast %select_n3A : vector<4800x85xf32> to vector<1x4800x85xf32>
    %reduce_sum3A_16 = arith.constant dense<0.000000e+00> : vector<1xf32>
    %reduce_sum3A_17 = vector.multi_reduction <add>, %reduce_sum3A, %reduce_sum3A_16 [1, 2] : vector<1x4800x85xf32> to vector<1xf32>
    %reduce_sum3A_18 = vector.shape_cast %reduce_sum3A_17 : vector<1xf32> to vector<1x1x1xf32>
    %reduce_sum3A_19 = vector.extract %reduce_sum3A_18[0, 0, 0] : f32 from vector<1x1x1xf32>
    %add3A_20 = arith.addf %get3A_12, %reduce_sum3A_19 : f32
    %swap3A = arith.constant 0 : index
    %swap3A_21 = memref.load %arg3[%swap3A] : memref<1xf32, #tpu.memory_space<smem>>
    memref.store %add3A_20, %arg3[%swap3A] : memref<1xf32, #tpu.memory_space<smem>>
    %eq3A_22 = arith.constant 1 : i32
    %eq3A_23 = arith.cmpi eq, %arg0, %eq3A_22 : i32
    %convert_element_type3A_24 = arith.extui %eq3A_23 : i1 to i32
    %cond3A_25 = arith.constant 0 : i32
    %cond3A_26 = arith.cmpi ne, %convert_element_type3A_24, %cond3A_25 : i32
    scf.if %cond3A_26 {
      %get3A_27 = arith.constant 0 : index
      %get3A_28 = memref.load %arg3[%get3A_27] : memref<1xf32, #tpu.memory_space<smem>>
      %reshape3A = vector.broadcast %get3A_28 : f32 to vector<1x1xf32>
      %swap3A_29 = arith.constant 0 : index
      %swap3A_30 = arith.constant 0 : index
      %swap3A_31 = vector.load %arg2[%swap3A_29, %swap3A_30] : memref<1x1xf32, #tpu.memory_space<vmem>>, vector<1x1xf32>
      tpu.vector_store %arg2[%swap3A_29, %swap3A_30], %reshape3A {strides = array<i32>} : memref<1x1xf32, #tpu.memory_space<vmem>>, vector<1x1xf32>,
    } else {
    }
    return
  }
  func.func @transform_0(%arg0: i32) -> (i32, i32) {
    %c0_i32 = arith.constant 0 : i32
    %c0_i32_0 = arith.constant 0 : i32
    return %arg0, %c0_i32 : i32, i32
  }
  func.func @transform_1(%arg0: i32) -> (i32, i32) {
    %c0_i32 = arith.constant 0 : i32
    %c0_i32_0 = arith.constant 0 : i32
    %c0_i32_1 = arith.constant 0 : i32
    return %c0_i32, %c0_i32_0 : i32, i32
  }
}

module attributes {stable_mosaic.version = 14 : i64} {
  func.func @_dense_body(%arg0: i32, %arg1: memref<4800x85xf32, #tpu.memory_space<vmem>>, %arg2: memref<1x1xf32, #tpu.memory_space<vmem>>, %arg3: memref<1xf32, #tpu.memory_space<smem>>) attributes {dimension_semantics = [#tpu.dimension_semantics<arbitrary>], iteration_bounds = array<i64: 8>, scalar_prefetch = 0 : i64, scratch_operands = 1 : i64, tpu.core_type = #tpu.core_type<tc>, window_params = [{transform_indices = @transform_0, window_bounds = array<i64: 4800, 85>}, {pipeline_mode = #tpu.pipeline_mode<synchronous>, transform_indices = @transform_1, window_bounds = array<i64: 1, 1>}]} {
    %eq3A = arith.constant 0 : i32
    %eq3A_0 = arith.cmpi eq, %arg0, %eq3A : i32
    %convert_element_type3A = arith.extui %eq3A_0 : i1 to i32
    %cond3A = arith.constant 0 : i32
    %cond3A_1 = arith.cmpi ne, %convert_element_type3A, %cond3A : i32
    scf.if %cond3A_1 {
      %swap3A_27 = arith.constant 0.000000e+00 : f32
      %swap3A_28 = arith.constant 0 : index
      %swap3A_29 = memref.load %arg3[%swap3A_28] : memref<1xf32, #tpu.memory_space<smem>>
      memref.store %swap3A_27, %arg3[%swap3A_28] : memref<1xf32, #tpu.memory_space<smem>>
    } else {
    }
    %get3A = arith.constant 0 : index
    %get3A_2 = arith.constant 0 : index
    %get3A_3 = vector.load %arg1[%get3A, %get3A_2] : memref<4800x85xf32, #tpu.memory_space<vmem>>, vector<4800x85xf32>
    %max3A = arith.constant 0.000000e+00 : f32
    %max3A_4 = vector.broadcast %max3A : f32 to vector<4800x85xf32>
    %max3A_5 = arith.maximumf %get3A_3, %max3A_4 : vector<4800x85xf32>
    %abs3A = math.absf %get3A_3 : vector<4800x85xf32>
    %neg3A = arith.constant 0.000000e+00 : f32
    %neg3A_6 = vector.broadcast %neg3A : f32 to vector<4800x85xf32>
    %neg3A_7 = arith.subf %neg3A_6, %abs3A : vector<4800x85xf32>
    %exp3A = math.exp %neg3A_7 : vector<4800x85xf32>
    %add3A = arith.constant 1.000000e+00 : f32
    %add3A_8 = vector.broadcast %add3A : f32 to vector<4800x85xf32>
    %add3A_9 = arith.addf %add3A_8, %exp3A : vector<4800x85xf32>
    %log3A = math.log %add3A_9 : vector<4800x85xf32>
    %add3A_10 = arith.addf %max3A_5, %log3A : vector<4800x85xf32>
    %iota3A = tpu.iota {dimensions = array<i32: 1>} : vector<4800x85xi32>
    %get3A_11 = arith.constant 0 : index
    %get3A_12 = memref.load %arg3[%get3A_11] : memref<1xf32, #tpu.memory_space<smem>>
    %eq3A_13 = arith.constant 4 : i32
    %eq3A_14 = vector.broadcast %eq3A_13 : i32 to vector<4800x85xi32>
    %eq3A_15 = arith.cmpi eq, %iota3A, %eq3A_14 : vector<4800x85xi32>
    %jit3A = arith.constant 0.000000e+00 : f32
    %broadcast_in_dim3A = vector.broadcast %jit3A : f32 to vector<4800x85xf32>
    %select_n3A = arith.select %eq3A_15, %add3A_10, %broadcast_in_dim3A : vector<4800x85xi1>, vector<4800x85xf32>
    %reduce_sum3A = vector.shape_cast %select_n3A : vector<4800x85xf32> to vector<1x4800x85xf32>
    %reduce_sum3A_16 = arith.constant dense<0.000000e+00> : vector<1xf32>
    %reduce_sum3A_17 = vector.multi_reduction <add>, %reduce_sum3A, %reduce_sum3A_16 [1, 2] : vector<1x4800x85xf32> to vector<1xf32>
    %reduce_sum3A_18 = vector.shape_cast %reduce_sum3A_17 : vector<1xf32> to vector<1x1x1xf32>
    %reduce_sum3A_19 = vector.extract %reduce_sum3A_18[0, 0, 0] : f32 from vector<1x1x1xf32>
    %add3A_20 = arith.addf %get3A_12, %reduce_sum3A_19 : f32
    %swap3A = arith.constant 0 : index
    %swap3A_21 = memref.load %arg3[%swap3A] : memref<1xf32, #tpu.memory_space<smem>>
    memref.store %add3A_20, %arg3[%swap3A] : memref<1xf32, #tpu.memory_space<smem>>
    %eq3A_22 = arith.constant 7 : i32
    %eq3A_23 = arith.cmpi eq, %arg0, %eq3A_22 : i32
    %convert_element_type3A_24 = arith.extui %eq3A_23 : i1 to i32
    %cond3A_25 = arith.constant 0 : i32
    %cond3A_26 = arith.cmpi ne, %convert_element_type3A_24, %cond3A_25 : i32
    scf.if %cond3A_26 {
      %get3A_27 = arith.constant 0 : index
      %get3A_28 = memref.load %arg3[%get3A_27] : memref<1xf32, #tpu.memory_space<smem>>
      %reshape3A = vector.broadcast %get3A_28 : f32 to vector<1x1xf32>
      %swap3A_29 = arith.constant 0 : index
      %swap3A_30 = arith.constant 0 : index
      %swap3A_31 = vector.load %arg2[%swap3A_29, %swap3A_30] : memref<1x1xf32, #tpu.memory_space<vmem>>, vector<1x1xf32>
      tpu.vector_store %arg2[%swap3A_29, %swap3A_30], %reshape3A {strides = array<i32>} : memref<1x1xf32, #tpu.memory_space<vmem>>, vector<1x1xf32>,
    } else {
    }
    return
  }
  func.func @transform_0(%arg0: i32) -> (i32, i32) {
    %c0_i32 = arith.constant 0 : i32
    %c0_i32_0 = arith.constant 0 : i32
    return %arg0, %c0_i32 : i32, i32
  }
  func.func @transform_1(%arg0: i32) -> (i32, i32) {
    %c0_i32 = arith.constant 0 : i32
    %c0_i32_0 = arith.constant 0 : i32
    %c0_i32_1 = arith.constant 0 : i32
    return %c0_i32, %c0_i32_0 : i32, i32
  }
}

module attributes {stable_mosaic.version = 14 : i64} {
  func.func @_dense_body(%arg0: i32, %arg1: memref<4800x85xf32, #tpu.memory_space<vmem>>, %arg2: memref<1x1xf32, #tpu.memory_space<vmem>>, %arg3: memref<1xf32, #tpu.memory_space<smem>>) attributes {dimension_semantics = [#tpu.dimension_semantics<arbitrary>], iteration_bounds = array<i64: 32>, scalar_prefetch = 0 : i64, scratch_operands = 1 : i64, tpu.core_type = #tpu.core_type<tc>, window_params = [{transform_indices = @transform_0, window_bounds = array<i64: 4800, 85>}, {pipeline_mode = #tpu.pipeline_mode<synchronous>, transform_indices = @transform_1, window_bounds = array<i64: 1, 1>}]} {
    %eq3A = arith.constant 0 : i32
    %eq3A_0 = arith.cmpi eq, %arg0, %eq3A : i32
    %convert_element_type3A = arith.extui %eq3A_0 : i1 to i32
    %cond3A = arith.constant 0 : i32
    %cond3A_1 = arith.cmpi ne, %convert_element_type3A, %cond3A : i32
    scf.if %cond3A_1 {
      %swap3A_27 = arith.constant 0.000000e+00 : f32
      %swap3A_28 = arith.constant 0 : index
      %swap3A_29 = memref.load %arg3[%swap3A_28] : memref<1xf32, #tpu.memory_space<smem>>
      memref.store %swap3A_27, %arg3[%swap3A_28] : memref<1xf32, #tpu.memory_space<smem>>
    } else {
    }
    %get3A = arith.constant 0 : index
    %get3A_2 = arith.constant 0 : index
    %get3A_3 = vector.load %arg1[%get3A, %get3A_2] : memref<4800x85xf32, #tpu.memory_space<vmem>>, vector<4800x85xf32>
    %max3A = arith.constant 0.000000e+00 : f32
    %max3A_4 = vector.broadcast %max3A : f32 to vector<4800x85xf32>
    %max3A_5 = arith.maximumf %get3A_3, %max3A_4 : vector<4800x85xf32>
    %abs3A = math.absf %get3A_3 : vector<4800x85xf32>
    %neg3A = arith.constant 0.000000e+00 : f32
    %neg3A_6 = vector.broadcast %neg3A : f32 to vector<4800x85xf32>
    %neg3A_7 = arith.subf %neg3A_6, %abs3A : vector<4800x85xf32>
    %exp3A = math.exp %neg3A_7 : vector<4800x85xf32>
    %add3A = arith.constant 1.000000e+00 : f32
    %add3A_8 = vector.broadcast %add3A : f32 to vector<4800x85xf32>
    %add3A_9 = arith.addf %add3A_8, %exp3A : vector<4800x85xf32>
    %log3A = math.log %add3A_9 : vector<4800x85xf32>
    %add3A_10 = arith.addf %max3A_5, %log3A : vector<4800x85xf32>
    %iota3A = tpu.iota {dimensions = array<i32: 1>} : vector<4800x85xi32>
    %get3A_11 = arith.constant 0 : index
    %get3A_12 = memref.load %arg3[%get3A_11] : memref<1xf32, #tpu.memory_space<smem>>
    %eq3A_13 = arith.constant 4 : i32
    %eq3A_14 = vector.broadcast %eq3A_13 : i32 to vector<4800x85xi32>
    %eq3A_15 = arith.cmpi eq, %iota3A, %eq3A_14 : vector<4800x85xi32>
    %jit3A = arith.constant 0.000000e+00 : f32
    %broadcast_in_dim3A = vector.broadcast %jit3A : f32 to vector<4800x85xf32>
    %select_n3A = arith.select %eq3A_15, %add3A_10, %broadcast_in_dim3A : vector<4800x85xi1>, vector<4800x85xf32>
    %reduce_sum3A = vector.shape_cast %select_n3A : vector<4800x85xf32> to vector<1x4800x85xf32>
    %reduce_sum3A_16 = arith.constant dense<0.000000e+00> : vector<1xf32>
    %reduce_sum3A_17 = vector.multi_reduction <add>, %reduce_sum3A, %reduce_sum3A_16 [1, 2] : vector<1x4800x85xf32> to vector<1xf32>
    %reduce_sum3A_18 = vector.shape_cast %reduce_sum3A_17 : vector<1xf32> to vector<1x1x1xf32>
    %reduce_sum3A_19 = vector.extract %reduce_sum3A_18[0, 0, 0] : f32 from vector<1x1x1xf32>
    %add3A_20 = arith.addf %get3A_12, %reduce_sum3A_19 : f32
    %swap3A = arith.constant 0 : index
    %swap3A_21 = memref.load %arg3[%swap3A] : memref<1xf32, #tpu.memory_space<smem>>
    memref.store %add3A_20, %arg3[%swap3A] : memref<1xf32, #tpu.memory_space<smem>>
    %eq3A_22 = arith.constant 31 : i32
    %eq3A_23 = arith.cmpi eq, %arg0, %eq3A_22 : i32
    %convert_element_type3A_24 = arith.extui %eq3A_23 : i1 to i32
    %cond3A_25 = arith.constant 0 : i32
    %cond3A_26 = arith.cmpi ne, %convert_element_type3A_24, %cond3A_25 : i32
    scf.if %cond3A_26 {
      %get3A_27 = arith.constant 0 : index
      %get3A_28 = memref.load %arg3[%get3A_27] : memref<1xf32, #tpu.memory_space<smem>>
      %reshape3A = vector.broadcast %get3A_28 : f32 to vector<1x1xf32>
      %swap3A_29 = arith.constant 0 : index
      %swap3A_30 = arith.constant 0 : index
      %swap3A_31 = vector.load %arg2[%swap3A_29, %swap3A_30] : memref<1x1xf32, #tpu.memory_space<vmem>>, vector<1x1xf32>
      tpu.vector_store %arg2[%swap3A_29, %swap3A_30], %reshape3A {strides = array<i32>} : memref<1x1xf32, #tpu.memory_space<vmem>>, vector<1x1xf32>,
    } else {
    }
    return
  }
  func.func @transform_0(%arg0: i32) -> (i32, i32) {
    %c0_i32 = arith.constant 0 : i32
    %c0_i32_0 = arith.constant 0 : i32
    return %arg0, %c0_i32 : i32, i32
  }
  func.func @transform_1(%arg0: i32) -> (i32, i32) {
    %c0_i32 = arith.constant 0 : i32
    %c0_i32_0 = arith.constant 0 : i32
    %c0_i32_1 = arith.constant 0 : i32
    return %c0_i32, %c0_i32_0 : i32, i32
  }
}

module attributes {stable_mosaic.version = 14 : i64} {
  func.func @_sparse_body(%arg0: i32, %arg1: memref<1440x128xf32, #tpu.memory_space<vmem>>, %arg2: memref<1440x1xf32, #tpu.memory_space<vmem>>, %arg3: memref<1x1440xf32, #tpu.memory_space<vmem>>, %arg4: memref<1440x1xf32, #tpu.memory_space<vmem>>, %arg5: memref<1x1440xf32, #tpu.memory_space<vmem>>, %arg6: memref<1440x1xf32, #tpu.memory_space<vmem>>, %arg7: memref<1440x1xf32, #tpu.memory_space<vmem>>, %arg8: memref<1440x1xf32, #tpu.memory_space<vmem>>, %arg9: memref<1440x1xf32, #tpu.memory_space<vmem>>, %arg10: memref<1440x1xf32, #tpu.memory_space<vmem>>, %arg11: memref<1x1xf32, #tpu.memory_space<vmem>>, %arg12: memref<1x1xf32, #tpu.memory_space<vmem>>, %arg13: memref<1x1xf32, #tpu.memory_space<vmem>>, %arg14: memref<1x1xf32, #tpu.memory_space<vmem>>) attributes {dimension_semantics = [#tpu.dimension_semantics<arbitrary>], iteration_bounds = array<i64: 1>, scalar_prefetch = 0 : i64, scratch_operands = 0 : i64, tpu.core_type = #tpu.core_type<tc>, window_params = [{pipeline_mode = #tpu.pipeline_mode<synchronous>, transform_indices = @transform_0, window_bounds = array<i64: 1440, 128>}, {pipeline_mode = #tpu.pipeline_mode<synchronous>, transform_indices = @transform_1, window_bounds = array<i64: 1440, 1>}, {pipeline_mode = #tpu.pipeline_mode<synchronous>, transform_indices = @transform_2, window_bounds = array<i64: 1, 1440>}, {pipeline_mode = #tpu.pipeline_mode<synchronous>, transform_indices = @transform_3, window_bounds = array<i64: 1440, 1>}, {pipeline_mode = #tpu.pipeline_mode<synchronous>, transform_indices = @transform_4, window_bounds = array<i64: 1, 1440>}, {pipeline_mode = #tpu.pipeline_mode<synchronous>, transform_indices = @transform_5, window_bounds = array<i64: 1440, 1>}, {pipeline_mode = #tpu.pipeline_mode<synchronous>, transform_indices = @transform_6, window_bounds = array<i64: 1440, 1>}, {pipeline_mode = #tpu.pipeline_mode<synchronous>, transform_indices = @transform_7, window_bounds = array<i64: 1440, 1>}, {pipeline_mode = #tpu.pipeline_mode<synchronous>, transform_indices = @transform_8, window_bounds = array<i64: 1440, 1>}, {pipeline_mode = #tpu.pipeline_mode<synchronous>, transform_indices = @transform_9, window_bounds = array<i64: 1440, 1>}, {pipeline_mode = #tpu.pipeline_mode<synchronous>, transform_indices = @transform_10, window_bounds = array<i64: 1, 1>}, {pipeline_mode = #tpu.pipeline_mode<synchronous>, transform_indices = @transform_11, window_bounds = array<i64: 1, 1>}, {pipeline_mode = #tpu.pipeline_mode<synchronous>, transform_indices = @transform_12, window_bounds = array<i64: 1, 1>}, {pipeline_mode = #tpu.pipeline_mode<synchronous>, transform_indices = @transform_13, window_bounds = array<i64: 1, 1>}]} {
    %get3A = arith.constant 0 : index
    %get3A_0 = arith.constant 0 : index
    %get3A_1 = vector.load %arg1[%get3A, %get3A_0] : memref<1440x128xf32, #tpu.memory_space<vmem>>, vector<1440x128xf32>
    %get3A_2 = arith.constant 0 : index
    %get3A_3 = arith.constant 0 : index
    %get3A_4 = vector.load %arg4[%get3A_2, %get3A_3] : memref<1440x1xf32, #tpu.memory_space<vmem>>, vector<1440x1xf32>
    %slice3A = vector.extract_strided_slice %get3A_1 {offsets = [0, 0], sizes = [1440, 1], strides = [1, 1]} : vector<1440x128xf32> to vector<1440x1xf32>
    %neg3A = arith.constant 0.000000e+00 : f32
    %neg3A_5 = vector.broadcast %neg3A : f32 to vector<1440x1xf32>
    %neg3A_6 = arith.subf %neg3A_5, %slice3A : vector<1440x1xf32>
    %exp3A = math.exp %neg3A_6 : vector<1440x1xf32>
    %add3A = arith.constant 1.000000e+00 : f32
    %add3A_7 = vector.broadcast %add3A : f32 to vector<1440x1xf32>
    %add3A_8 = arith.addf %add3A_7, %exp3A : vector<1440x1xf32>
    %div3A = arith.constant 1.000000e+00 : f32
    %div3A_9 = vector.broadcast %div3A : f32 to vector<1440x1xf32>
    %div3A_10 = arith.divf %div3A_9, %add3A_8 : vector<1440x1xf32>
    %slice3A_11 = vector.extract_strided_slice %get3A_1 {offsets = [0, 1], sizes = [1440, 1], strides = [1, 1]} : vector<1440x128xf32> to vector<1440x1xf32>
    %neg3A_12 = arith.constant 0.000000e+00 : f32
    %neg3A_13 = vector.broadcast %neg3A_12 : f32 to vector<1440x1xf32>
    %neg3A_14 = arith.subf %neg3A_13, %slice3A_11 : vector<1440x1xf32>
    %exp3A_15 = math.exp %neg3A_14 : vector<1440x1xf32>
    %add3A_16 = arith.constant 1.000000e+00 : f32
    %add3A_17 = vector.broadcast %add3A_16 : f32 to vector<1440x1xf32>
    %add3A_18 = arith.addf %add3A_17, %exp3A_15 : vector<1440x1xf32>
    %div3A_19 = arith.constant 1.000000e+00 : f32
    %div3A_20 = vector.broadcast %div3A_19 : f32 to vector<1440x1xf32>
    %div3A_21 = arith.divf %div3A_20, %add3A_18 : vector<1440x1xf32>
    %slice3A_22 = vector.extract_strided_slice %get3A_1 {offsets = [0, 2], sizes = [1440, 1], strides = [1, 1]} : vector<1440x128xf32> to vector<1440x1xf32>
    %neg3A_23 = arith.constant 0.000000e+00 : f32
    %neg3A_24 = vector.broadcast %neg3A_23 : f32 to vector<1440x1xf32>
    %neg3A_25 = arith.subf %neg3A_24, %slice3A_22 : vector<1440x1xf32>
    %exp3A_26 = math.exp %neg3A_25 : vector<1440x1xf32>
    %add3A_27 = arith.constant 1.000000e+00 : f32
    %add3A_28 = vector.broadcast %add3A_27 : f32 to vector<1440x1xf32>
    %add3A_29 = arith.addf %add3A_28, %exp3A_26 : vector<1440x1xf32>
    %div3A_30 = arith.constant 1.000000e+00 : f32
    %div3A_31 = vector.broadcast %div3A_30 : f32 to vector<1440x1xf32>
    %div3A_32 = arith.divf %div3A_31, %add3A_29 : vector<1440x1xf32>
    %slice3A_33 = vector.extract_strided_slice %get3A_1 {offsets = [0, 3], sizes = [1440, 1], strides = [1, 1]} : vector<1440x128xf32> to vector<1440x1xf32>
    %neg3A_34 = arith.constant 0.000000e+00 : f32
    %neg3A_35 = vector.broadcast %neg3A_34 : f32 to vector<1440x1xf32>
    %neg3A_36 = arith.subf %neg3A_35, %slice3A_33 : vector<1440x1xf32>
    %exp3A_37 = math.exp %neg3A_36 : vector<1440x1xf32>
    %add3A_38 = arith.constant 1.000000e+00 : f32
    %add3A_39 = vector.broadcast %add3A_38 : f32 to vector<1440x1xf32>
    %add3A_40 = arith.addf %add3A_39, %exp3A_37 : vector<1440x1xf32>
    %div3A_41 = arith.constant 1.000000e+00 : f32
    %div3A_42 = vector.broadcast %div3A_41 : f32 to vector<1440x1xf32>
    %div3A_43 = arith.divf %div3A_42, %add3A_40 : vector<1440x1xf32>
    %slice3A_44 = vector.extract_strided_slice %get3A_1 {offsets = [0, 4], sizes = [1440, 1], strides = [1, 1]} : vector<1440x128xf32> to vector<1440x1xf32>
    %get3A_45 = arith.constant 0 : index
    %get3A_46 = arith.constant 0 : index
    %get3A_47 = vector.load %arg6[%get3A_45, %get3A_46] : memref<1440x1xf32, #tpu.memory_space<vmem>>, vector<1440x1xf32>
    %get3A_48 = arith.constant 0 : index
    %get3A_49 = arith.constant 0 : index
    %get3A_50 = vector.load %arg7[%get3A_48, %get3A_49] : memref<1440x1xf32, #tpu.memory_space<vmem>>, vector<1440x1xf32>
    %get3A_51 = arith.constant 0 : index
    %get3A_52 = arith.constant 0 : index
    %get3A_53 = vector.load %arg8[%get3A_51, %get3A_52] : memref<1440x1xf32, #tpu.memory_space<vmem>>, vector<1440x1xf32>
    %get3A_54 = arith.constant 0 : index
    %get3A_55 = arith.constant 0 : index
    %get3A_56 = vector.load %arg9[%get3A_54, %get3A_55] : memref<1440x1xf32, #tpu.memory_space<vmem>>, vector<1440x1xf32>
    %mul3A = arith.constant 5.000000e-01 : f32
    %mul3A_57 = vector.broadcast %mul3A : f32 to vector<1440x1xf32>
    %mul3A_58 = arith.mulf %div3A_32, %mul3A_57 : vector<1440x1xf32>
    %sub3A = arith.subf %div3A_10, %mul3A_58 : vector<1440x1xf32>
    %mul3A_59 = arith.constant 5.000000e-01 : f32
    %mul3A_60 = vector.broadcast %mul3A_59 : f32 to vector<1440x1xf32>
    %mul3A_61 = arith.mulf %div3A_43, %mul3A_60 : vector<1440x1xf32>
    %sub3A_62 = arith.subf %div3A_21, %mul3A_61 : vector<1440x1xf32>
    %mul3A_63 = arith.constant 5.000000e-01 : f32
    %mul3A_64 = vector.broadcast %mul3A_63 : f32 to vector<1440x1xf32>
    %mul3A_65 = arith.mulf %div3A_32, %mul3A_64 : vector<1440x1xf32>
    %add3A_66 = arith.addf %div3A_10, %mul3A_65 : vector<1440x1xf32>
    %mul3A_67 = arith.constant 5.000000e-01 : f32
    %mul3A_68 = vector.broadcast %mul3A_67 : f32 to vector<1440x1xf32>
    %mul3A_69 = arith.mulf %div3A_43, %mul3A_68 : vector<1440x1xf32>
    %add3A_70 = arith.addf %div3A_21, %mul3A_69 : vector<1440x1xf32>
    %mul3A_71 = arith.constant 5.000000e-01 : f32
    %mul3A_72 = vector.broadcast %mul3A_71 : f32 to vector<1440x1xf32>
    %mul3A_73 = arith.mulf %get3A_53, %mul3A_72 : vector<1440x1xf32>
    %sub3A_74 = arith.subf %get3A_47, %mul3A_73 : vector<1440x1xf32>
    %mul3A_75 = arith.constant 5.000000e-01 : f32
    %mul3A_76 = vector.broadcast %mul3A_75 : f32 to vector<1440x1xf32>
    %mul3A_77 = arith.mulf %get3A_56, %mul3A_76 : vector<1440x1xf32>
    %sub3A_78 = arith.subf %get3A_50, %mul3A_77 : vector<1440x1xf32>
    %mul3A_79 = arith.constant 5.000000e-01 : f32
    %mul3A_80 = vector.broadcast %mul3A_79 : f32 to vector<1440x1xf32>
    %mul3A_81 = arith.mulf %get3A_53, %mul3A_80 : vector<1440x1xf32>
    %add3A_82 = arith.addf %get3A_47, %mul3A_81 : vector<1440x1xf32>
    %mul3A_83 = arith.constant 5.000000e-01 : f32
    %mul3A_84 = vector.broadcast %mul3A_83 : f32 to vector<1440x1xf32>
    %mul3A_85 = arith.mulf %get3A_56, %mul3A_84 : vector<1440x1xf32>
    %add3A_86 = arith.addf %get3A_50, %mul3A_85 : vector<1440x1xf32>
    %min3A = arith.minimumf %add3A_66, %add3A_82 : vector<1440x1xf32>
    %max3A = arith.maximumf %sub3A, %sub3A_74 : vector<1440x1xf32>
    %sub3A_87 = arith.subf %min3A, %max3A : vector<1440x1xf32>
    %max3A_88 = arith.constant 0.000000e+00 : f32
    %max3A_89 = vector.broadcast %max3A_88 : f32 to vector<1440x1xf32>
    %max3A_90 = arith.maximumf %sub3A_87, %max3A_89 : vector<1440x1xf32>
    %min3A_91 = arith.minimumf %add3A_70, %add3A_86 : vector<1440x1xf32>
    %max3A_92 = arith.maximumf %sub3A_62, %sub3A_78 : vector<1440x1xf32>
    %sub3A_93 = arith.subf %min3A_91, %max3A_92 : vector<1440x1xf32>
    %max3A_94 = arith.constant 0.000000e+00 : f32
    %max3A_95 = vector.broadcast %max3A_94 : f32 to vector<1440x1xf32>
    %max3A_96 = arith.maximumf %sub3A_93, %max3A_95 : vector<1440x1xf32>
    %mul3A_97 = arith.mulf %max3A_90, %max3A_96 : vector<1440x1xf32>
    %sub3A_98 = arith.subf %add3A_66, %sub3A : vector<1440x1xf32>
    %sub3A_99 = arith.subf %add3A_70, %sub3A_62 : vector<1440x1xf32>
    %mul3A_100 = arith.mulf %sub3A_98, %sub3A_99 : vector<1440x1xf32>
    %sub3A_101 = arith.subf %add3A_82, %sub3A_74 : vector<1440x1xf32>
    %sub3A_102 = arith.subf %add3A_86, %sub3A_78 : vector<1440x1xf32>
    %mul3A_103 = arith.mulf %sub3A_101, %sub3A_102 : vector<1440x1xf32>
    %add3A_104 = arith.addf %mul3A_100, %mul3A_103 : vector<1440x1xf32>
    %sub3A_105 = arith.subf %add3A_104, %mul3A_97 : vector<1440x1xf32>
    %max3A_106 = arith.maximumf %add3A_66, %add3A_82 : vector<1440x1xf32>
    %min3A_107 = arith.minimumf %sub3A, %sub3A_74 : vector<1440x1xf32>
    %sub3A_108 = arith.subf %max3A_106, %min3A_107 : vector<1440x1xf32>
    %max3A_109 = arith.maximumf %add3A_70, %add3A_86 : vector<1440x1xf32>
    %min3A_110 = arith.minimumf %sub3A_62, %sub3A_78 : vector<1440x1xf32>
    %sub3A_111 = arith.subf %max3A_109, %min3A_110 : vector<1440x1xf32>
    %mul3A_112 = arith.mulf %sub3A_108, %sub3A_111 : vector<1440x1xf32>
    %div3A_113 = arith.divf %mul3A_97, %sub3A_105 : vector<1440x1xf32>
    %sub3A_114 = arith.subf %mul3A_112, %sub3A_105 : vector<1440x1xf32>
    %div3A_115 = arith.divf %sub3A_114, %mul3A_112 : vector<1440x1xf32>
    %sub3A_116 = arith.subf %div3A_113, %div3A_115 : vector<1440x1xf32>
    %slice3A_117 = vector.extract_strided_slice %get3A_1 {offsets = [0, 5], sizes = [1440, 80], strides = [1, 1]} : vector<1440x128xf32> to vector<1440x80xf32>
    %get3A_118 = arith.constant 0 : index
    %get3A_119 = arith.constant 0 : index
    %get3A_120 = vector.load %arg10[%get3A_118, %get3A_119] : memref<1440x1xf32, #tpu.memory_space<vmem>>, vector<1440x1xf32>
    %convert_element_type3A = arith.fptosi %get3A_120 : vector<1440x1xf32> to vector<1440x1xi32>
    %iota3A = tpu.iota {dimensions = array<i32: 1>} : vector<1440x80xi32>
    %eq3A = vector.broadcast %convert_element_type3A : vector<1440x1xi32> to vector<1440x80xi32>
    %eq3A_121 = arith.cmpi eq, %iota3A, %eq3A : vector<1440x80xi32>
    %jit3A = arith.constant 1.000000e+00 : f32
    %jit3A_122 = arith.constant 0.000000e+00 : f32
    %broadcast_in_dim3A = vector.broadcast %jit3A : f32 to vector<1440x80xf32>
    %broadcast_in_dim3A_123 = vector.broadcast %jit3A_122 : f32 to vector<1440x80xf32>
    %select_n3A = arith.select %eq3A_121, %broadcast_in_dim3A, %broadcast_in_dim3A_123 : vector<1440x80xi1>, vector<1440x80xf32>
    %max3A_124 = arith.constant 0.000000e+00 : f32
    %max3A_125 = vector.broadcast %max3A_124 : f32 to vector<1440x80xf32>
    %max3A_126 = arith.maximumf %slice3A_117, %max3A_125 : vector<1440x80xf32>
    %mul3A_127 = arith.mulf %slice3A_117, %select_n3A : vector<1440x80xf32>
    %sub3A_128 = arith.subf %max3A_126, %mul3A_127 : vector<1440x80xf32>
    %abs3A = math.absf %slice3A_117 : vector<1440x80xf32>
    %neg3A_129 = arith.constant 0.000000e+00 : f32
    %neg3A_130 = vector.broadcast %neg3A_129 : f32 to vector<1440x80xf32>
    %neg3A_131 = arith.subf %neg3A_130, %abs3A : vector<1440x80xf32>
    %exp3A_132 = math.exp %neg3A_131 : vector<1440x80xf32>
    %add3A_133 = arith.constant 1.000000e+00 : f32
    %add3A_134 = vector.broadcast %add3A_133 : f32 to vector<1440x80xf32>
    %add3A_135 = arith.addf %add3A_134, %exp3A_132 : vector<1440x80xf32>
    %log3A = math.log %add3A_135 : vector<1440x80xf32>
    %add3A_136 = arith.addf %sub3A_128, %log3A : vector<1440x80xf32>
    %reduce_sum3A = arith.constant dense<0.000000e+00> : vector<1440xf32>
    %reduce_sum3A_137 = vector.multi_reduction <add>, %add3A_136, %reduce_sum3A [1] : vector<1440x80xf32> to vector<1440xf32>
    %broadcast_in_dim3A_138 = vector.shape_cast %reduce_sum3A_137 : vector<1440xf32> to vector<1440x1xf32>
    %get3A_139 = arith.constant 0 : index
    %get3A_140 = arith.constant 0 : index
    %get3A_141 = vector.load %arg3[%get3A_139, %get3A_140] : memref<1x1440xf32, #tpu.memory_space<vmem>>, vector<1x1440xf32>
    %get3A_142 = arith.constant 0 : index
    %get3A_143 = arith.constant 0 : index
    %get3A_144 = vector.load %arg5[%get3A_142, %get3A_143] : memref<1x1440xf32, #tpu.memory_space<vmem>>, vector<1x1440xf32>
    %get3A_145 = arith.constant 0 : index
    %get3A_146 = arith.constant 0 : index
    %get3A_147 = vector.load %arg2[%get3A_145, %get3A_146] : memref<1440x1xf32, #tpu.memory_space<vmem>>, vector<1440x1xf32>
    %get3A_148 = arith.constant 0 : index
    %get3A_149 = arith.constant 0 : index
    %get3A_150 = vector.load %arg11[%get3A_148, %get3A_149] : memref<1x1xf32, #tpu.memory_space<vmem>>, vector<1x1xf32>
    %get3A_151 = vector.extract %get3A_150[0, 0] : f32 from vector<1x1xf32>
    %get3A_152 = arith.constant 0 : index
    %get3A_153 = arith.constant 0 : index
    %get3A_154 = vector.load %arg12[%get3A_152, %get3A_153] : memref<1x1xf32, #tpu.memory_space<vmem>>, vector<1x1xf32>
    %get3A_155 = vector.extract %get3A_154[0, 0] : f32 from vector<1x1xf32>
    %get3A_156 = arith.constant 0 : index
    %get3A_157 = arith.constant 0 : index
    %get3A_158 = vector.load %arg13[%get3A_156, %get3A_157] : memref<1x1xf32, #tpu.memory_space<vmem>>, vector<1x1xf32>
    %get3A_159 = vector.extract %get3A_158[0, 0] : f32 from vector<1x1xf32>
    %iota3A_160 = tpu.iota {dimensions = array<i32: 0>} : vector<480x480xi32>
    %iota3A_161 = tpu.iota {dimensions = array<i32: 1>} : vector<480x480xi32>
    %lt3A = arith.cmpi slt, %iota3A_160, %iota3A_161 : vector<480x480xi32>
    %slice3A_162 = vector.extract_strided_slice %get3A_4 {offsets = [0, 0], sizes = [480, 1], strides = [1, 1]} : vector<1440x1xf32> to vector<480x1xf32>
    %slice3A_163 = vector.extract_strided_slice %sub3A_116 {offsets = [0, 0], sizes = [480, 1], strides = [1, 1]} : vector<1440x1xf32> to vector<480x1xf32>
    %reduce_sum3A_164 = vector.shape_cast %slice3A_162 : vector<480x1xf32> to vector<1x480x1xf32>
    %reduce_sum3A_165 = arith.constant dense<0.000000e+00> : vector<1xf32>
    %reduce_sum3A_166 = vector.multi_reduction <add>, %reduce_sum3A_164, %reduce_sum3A_165 [1, 2] : vector<1x480x1xf32> to vector<1xf32>
    %reduce_sum3A_167 = vector.shape_cast %reduce_sum3A_166 : vector<1xf32> to vector<1x1x1xf32>
    %reduce_sum3A_168 = vector.extract %reduce_sum3A_167[0, 0, 0] : f32 from vector<1x1x1xf32>
    %max3A_169 = arith.constant 1.000000e+00 : f32
    %max3A_170 = arith.maximumf %reduce_sum3A_168, %max3A_169 : f32
    %gt3A = arith.constant 0.000000e+00 : f32
    %gt3A_171 = arith.cmpf ogt, %reduce_sum3A_168, %gt3A : f32
    %sub3A_172 = arith.constant 1.000000e+00 : f32
    %sub3A_173 = vector.broadcast %sub3A_172 : f32 to vector<480x1xf32>
    %sub3A_174 = arith.subf %sub3A_173, %slice3A_163 : vector<480x1xf32>
    %mul3A_175 = arith.mulf %slice3A_162, %sub3A_174 : vector<480x1xf32>
    %reduce_sum3A_176 = vector.shape_cast %mul3A_175 : vector<480x1xf32> to vector<1x480x1xf32>
    %reduce_sum3A_177 = arith.constant dense<0.000000e+00> : vector<1xf32>
    %reduce_sum3A_178 = vector.multi_reduction <add>, %reduce_sum3A_176, %reduce_sum3A_177 [1, 2] : vector<1x480x1xf32> to vector<1xf32>
    %reduce_sum3A_179 = vector.shape_cast %reduce_sum3A_178 : vector<1xf32> to vector<1x1x1xf32>
    %reduce_sum3A_180 = vector.extract %reduce_sum3A_179[0, 0, 0] : f32 from vector<1x1x1xf32>
    %div3A_181 = arith.divf %reduce_sum3A_180, %max3A_170 : f32
    %jit3A_182 = arith.constant 0.000000e+00 : f32
    %select_n3A_183 = arith.select %gt3A_171, %div3A_181, %jit3A_182 : f32
    %add3A_184 = arith.constant 0.000000e+00 : f32
    %add3A_185 = arith.addf %add3A_184, %select_n3A_183 : f32
    %slice3A_186 = vector.extract_strided_slice %broadcast_in_dim3A_138 {offsets = [0, 0], sizes = [480, 1], strides = [1, 1]} : vector<1440x1xf32> to vector<480x1xf32>
    %mul3A_187 = arith.mulf %slice3A_162, %slice3A_186 : vector<480x1xf32>
    %reduce_sum3A_188 = vector.shape_cast %mul3A_187 : vector<480x1xf32> to vector<1x480x1xf32>
    %reduce_sum3A_189 = arith.constant dense<0.000000e+00> : vector<1xf32>
    %reduce_sum3A_190 = vector.multi_reduction <add>, %reduce_sum3A_188, %reduce_sum3A_189 [1, 2] : vector<1x480x1xf32> to vector<1xf32>
    %reduce_sum3A_191 = vector.shape_cast %reduce_sum3A_190 : vector<1xf32> to vector<1x1x1xf32>
    %reduce_sum3A_192 = vector.extract %reduce_sum3A_191[0, 0, 0] : f32 from vector<1x1x1xf32>
    %mul3A_193 = arith.constant 8.000000e+01 : f32
    %mul3A_194 = arith.mulf %max3A_170, %mul3A_193 : f32
    %div3A_195 = arith.divf %reduce_sum3A_192, %mul3A_194 : f32
    %jit3A_196 = arith.constant 0.000000e+00 : f32
    %select_n3A_197 = arith.select %gt3A_171, %div3A_195, %jit3A_196 : f32
    %add3A_198 = arith.constant 0.000000e+00 : f32
    %add3A_199 = arith.addf %add3A_198, %select_n3A_197 : f32
    %slice3A_200 = vector.extract_strided_slice %get3A_147 {offsets = [0, 0], sizes = [480, 1], strides = [1, 1]} : vector<1440x1xf32> to vector<480x1xf32>
    %slice3A_201 = vector.extract_strided_slice %get3A_141 {offsets = [0, 0], sizes = [1, 480], strides = [1, 1]} : vector<1x1440xf32> to vector<1x480xf32>
    %eq3A_202 = vector.broadcast %slice3A_200 : vector<480x1xf32> to vector<480x480xf32>
    %eq3A_203 = vector.broadcast %slice3A_201 : vector<1x480xf32> to vector<480x480xf32>
    %eq3A_204 = arith.cmpf oeq, %eq3A_202, %eq3A_203 : vector<480x480xf32>
    %and3A = arith.andi %eq3A_204, %lt3A : vector<480x480xi1>
    %slice3A_205 = vector.extract_strided_slice %get3A_144 {offsets = [0, 0], sizes = [1, 480], strides = [1, 1]} : vector<1x1440xf32> to vector<1x480xf32>
    %gt3A_206 = arith.constant 0.000000e+00 : f32
    %gt3A_207 = vector.broadcast %gt3A_206 : f32 to vector<1x480xf32>
    %gt3A_208 = arith.cmpf ogt, %slice3A_205, %gt3A_207 : vector<1x480xf32>
    %and3A_209 = vector.broadcast %gt3A_208 : vector<1x480xi1> to vector<480x480xi1>
    %and3A_210 = arith.andi %and3A, %and3A_209 : vector<480x480xi1>
    %reduce_or3A = arith.constant 1.000000e+00 : f32
    %reduce_or3A_211 = arith.constant 0.000000e+00 : f32
    %reduce_or3A_212 = vector.broadcast %reduce_or3A : f32 to vector<480x480xf32>
    %reduce_or3A_213 = vector.broadcast %reduce_or3A_211 : f32 to vector<480x480xf32>
    %reduce_or3A_214 = arith.select %and3A_210, %reduce_or3A_212, %reduce_or3A_213 : vector<480x480xi1>, vector<480x480xf32>
    %reduce_or3A_215 = arith.constant dense<0xFF800000> : vector<480xf32>
    %reduce_or3A_216 = vector.multi_reduction <maximumf>, %reduce_or3A_214, %reduce_or3A_215 [1] : vector<480x480xf32> to vector<480xf32>
    %reduce_or3A_217 = arith.constant 0.000000e+00 : f32
    %reduce_or3A_218 = vector.broadcast %reduce_or3A_217 : f32 to vector<480xf32>
    %reduce_or3A_219 = arith.cmpf ogt, %reduce_or3A_216, %reduce_or3A_218 : vector<480xf32>
    %broadcast_in_dim3A_220 = vector.shape_cast %reduce_or3A_219 : vector<480xi1> to vector<480x1xi1>
    %gt3A_221 = arith.constant 0.000000e+00 : f32
    %gt3A_222 = vector.broadcast %gt3A_221 : f32 to vector<480x1xf32>
    %gt3A_223 = arith.cmpf ogt, %slice3A_162, %gt3A_222 : vector<480x1xf32>
    %not3A = arith.constant dense<true> : vector<480x1xi1>
    %not3A_224 = arith.xori %broadcast_in_dim3A_220, %not3A : vector<480x1xi1>
    %and3A_225 = arith.andi %gt3A_223, %not3A_224 : vector<480x1xi1>
    %jit3A_226 = arith.constant 1.000000e+00 : f32
    %jit3A_227 = arith.constant 0.000000e+00 : f32
    %broadcast_in_dim3A_228 = vector.broadcast %jit3A_226 : f32 to vector<480x1xf32>
    %broadcast_in_dim3A_229 = vector.broadcast %jit3A_227 : f32 to vector<480x1xf32>
    %select_n3A_230 = arith.select %and3A_225, %broadcast_in_dim3A_228, %broadcast_in_dim3A_229 : vector<480x1xi1>, vector<480x1xf32>
    %slice3A_231 = vector.extract_strided_slice %slice3A_44 {offsets = [0, 0], sizes = [480, 1], strides = [1, 1]} : vector<1440x1xf32> to vector<480x1xf32>
    %mul3A_232 = arith.mulf %select_n3A_230, %slice3A_231 : vector<480x1xf32>
    %max3A_233 = arith.constant 0.000000e+00 : f32
    %max3A_234 = vector.broadcast %max3A_233 : f32 to vector<480x1xf32>
    %max3A_235 = arith.maximumf %slice3A_163, %max3A_234 : vector<480x1xf32>
    %mul3A_236 = arith.mulf %mul3A_232, %max3A_235 : vector<480x1xf32>
    %reduce_sum3A_237 = vector.shape_cast %mul3A_236 : vector<480x1xf32> to vector<1x480x1xf32>
    %reduce_sum3A_238 = arith.constant dense<0.000000e+00> : vector<1xf32>
    %reduce_sum3A_239 = vector.multi_reduction <add>, %reduce_sum3A_237, %reduce_sum3A_238 [1, 2] : vector<1x480x1xf32> to vector<1xf32>
    %reduce_sum3A_240 = vector.shape_cast %reduce_sum3A_239 : vector<1xf32> to vector<1x1x1xf32>
    %reduce_sum3A_241 = vector.extract %reduce_sum3A_240[0, 0, 0] : f32 from vector<1x1x1xf32>
    %sub3A_242 = arith.subf %get3A_151, %reduce_sum3A_241 : f32
    %div3A_243 = arith.constant 1.536000e+05 : f32
    %div3A_244 = arith.divf %sub3A_242, %div3A_243 : f32
    %mul3A_245 = arith.constant 4.000000e+00 : f32
    %mul3A_246 = arith.mulf %div3A_244, %mul3A_245 : f32
    %add3A_247 = arith.constant 0.000000e+00 : f32
    %add3A_248 = arith.addf %add3A_247, %mul3A_246 : f32
    %slice3A_249 = vector.extract_strided_slice %get3A_4 {offsets = [480, 0], sizes = [480, 1], strides = [1, 1]} : vector<1440x1xf32> to vector<480x1xf32>
    %slice3A_250 = vector.extract_strided_slice %sub3A_116 {offsets = [480, 0], sizes = [480, 1], strides = [1, 1]} : vector<1440x1xf32> to vector<480x1xf32>
    %reduce_sum3A_251 = vector.shape_cast %slice3A_249 : vector<480x1xf32> to vector<1x480x1xf32>
    %reduce_sum3A_252 = arith.constant dense<0.000000e+00> : vector<1xf32>
    %reduce_sum3A_253 = vector.multi_reduction <add>, %reduce_sum3A_251, %reduce_sum3A_252 [1, 2] : vector<1x480x1xf32> to vector<1xf32>
    %reduce_sum3A_254 = vector.shape_cast %reduce_sum3A_253 : vector<1xf32> to vector<1x1x1xf32>
    %reduce_sum3A_255 = vector.extract %reduce_sum3A_254[0, 0, 0] : f32 from vector<1x1x1xf32>
    %max3A_256 = arith.constant 1.000000e+00 : f32
    %max3A_257 = arith.maximumf %reduce_sum3A_255, %max3A_256 : f32
    %gt3A_258 = arith.constant 0.000000e+00 : f32
    %gt3A_259 = arith.cmpf ogt, %reduce_sum3A_255, %gt3A_258 : f32
    %sub3A_260 = arith.constant 1.000000e+00 : f32
    %sub3A_261 = vector.broadcast %sub3A_260 : f32 to vector<480x1xf32>
    %sub3A_262 = arith.subf %sub3A_261, %slice3A_250 : vector<480x1xf32>
    %mul3A_263 = arith.mulf %slice3A_249, %sub3A_262 : vector<480x1xf32>
    %reduce_sum3A_264 = vector.shape_cast %mul3A_263 : vector<480x1xf32> to vector<1x480x1xf32>
    %reduce_sum3A_265 = arith.constant dense<0.000000e+00> : vector<1xf32>
    %reduce_sum3A_266 = vector.multi_reduction <add>, %reduce_sum3A_264, %reduce_sum3A_265 [1, 2] : vector<1x480x1xf32> to vector<1xf32>
    %reduce_sum3A_267 = vector.shape_cast %reduce_sum3A_266 : vector<1xf32> to vector<1x1x1xf32>
    %reduce_sum3A_268 = vector.extract %reduce_sum3A_267[0, 0, 0] : f32 from vector<1x1x1xf32>
    %div3A_269 = arith.divf %reduce_sum3A_268, %max3A_257 : f32
    %jit3A_270 = arith.constant 0.000000e+00 : f32
    %select_n3A_271 = arith.select %gt3A_259, %div3A_269, %jit3A_270 : f32
    %add3A_272 = arith.addf %add3A_185, %select_n3A_271 : f32
    %slice3A_273 = vector.extract_strided_slice %broadcast_in_dim3A_138 {offsets = [480, 0], sizes = [480, 1], strides = [1, 1]} : vector<1440x1xf32> to vector<480x1xf32>
    %mul3A_274 = arith.mulf %slice3A_249, %slice3A_273 : vector<480x1xf32>
    %reduce_sum3A_275 = vector.shape_cast %mul3A_274 : vector<480x1xf32> to vector<1x480x1xf32>
    %reduce_sum3A_276 = arith.constant dense<0.000000e+00> : vector<1xf32>
    %reduce_sum3A_277 = vector.multi_reduction <add>, %reduce_sum3A_275, %reduce_sum3A_276 [1, 2] : vector<1x480x1xf32> to vector<1xf32>
    %reduce_sum3A_278 = vector.shape_cast %reduce_sum3A_277 : vector<1xf32> to vector<1x1x1xf32>
    %reduce_sum3A_279 = vector.extract %reduce_sum3A_278[0, 0, 0] : f32 from vector<1x1x1xf32>
    %mul3A_280 = arith.constant 8.000000e+01 : f32
    %mul3A_281 = arith.mulf %max3A_257, %mul3A_280 : f32
    %div3A_282 = arith.divf %reduce_sum3A_279, %mul3A_281 : f32
    %jit3A_283 = arith.constant 0.000000e+00 : f32
    %select_n3A_284 = arith.select %gt3A_259, %div3A_282, %jit3A_283 : f32
    %add3A_285 = arith.addf %add3A_199, %select_n3A_284 : f32
    %slice3A_286 = vector.extract_strided_slice %get3A_147 {offsets = [480, 0], sizes = [480, 1], strides = [1, 1]} : vector<1440x1xf32> to vector<480x1xf32>
    %slice3A_287 = vector.extract_strided_slice %get3A_141 {offsets = [0, 480], sizes = [1, 480], strides = [1, 1]} : vector<1x1440xf32> to vector<1x480xf32>
    %eq3A_288 = vector.broadcast %slice3A_286 : vector<480x1xf32> to vector<480x480xf32>
    %eq3A_289 = vector.broadcast %slice3A_287 : vector<1x480xf32> to vector<480x480xf32>
    %eq3A_290 = arith.cmpf oeq, %eq3A_288, %eq3A_289 : vector<480x480xf32>
    %and3A_291 = arith.andi %eq3A_290, %lt3A : vector<480x480xi1>
    %slice3A_292 = vector.extract_strided_slice %get3A_144 {offsets = [0, 480], sizes = [1, 480], strides = [1, 1]} : vector<1x1440xf32> to vector<1x480xf32>
    %gt3A_293 = arith.constant 0.000000e+00 : f32
    %gt3A_294 = vector.broadcast %gt3A_293 : f32 to vector<1x480xf32>
    %gt3A_295 = arith.cmpf ogt, %slice3A_292, %gt3A_294 : vector<1x480xf32>
    %and3A_296 = vector.broadcast %gt3A_295 : vector<1x480xi1> to vector<480x480xi1>
    %and3A_297 = arith.andi %and3A_291, %and3A_296 : vector<480x480xi1>
    %reduce_or3A_298 = arith.constant 1.000000e+00 : f32
    %reduce_or3A_299 = arith.constant 0.000000e+00 : f32
    %reduce_or3A_300 = vector.broadcast %reduce_or3A_298 : f32 to vector<480x480xf32>
    %reduce_or3A_301 = vector.broadcast %reduce_or3A_299 : f32 to vector<480x480xf32>
    %reduce_or3A_302 = arith.select %and3A_297, %reduce_or3A_300, %reduce_or3A_301 : vector<480x480xi1>, vector<480x480xf32>
    %reduce_or3A_303 = arith.constant dense<0xFF800000> : vector<480xf32>
    %reduce_or3A_304 = vector.multi_reduction <maximumf>, %reduce_or3A_302, %reduce_or3A_303 [1] : vector<480x480xf32> to vector<480xf32>
    %reduce_or3A_305 = arith.constant 0.000000e+00 : f32
    %reduce_or3A_306 = vector.broadcast %reduce_or3A_305 : f32 to vector<480xf32>
    %reduce_or3A_307 = arith.cmpf ogt, %reduce_or3A_304, %reduce_or3A_306 : vector<480xf32>
    %broadcast_in_dim3A_308 = vector.shape_cast %reduce_or3A_307 : vector<480xi1> to vector<480x1xi1>
    %gt3A_309 = arith.constant 0.000000e+00 : f32
    %gt3A_310 = vector.broadcast %gt3A_309 : f32 to vector<480x1xf32>
    %gt3A_311 = arith.cmpf ogt, %slice3A_249, %gt3A_310 : vector<480x1xf32>
    %not3A_312 = arith.constant dense<true> : vector<480x1xi1>
    %not3A_313 = arith.xori %broadcast_in_dim3A_308, %not3A_312 : vector<480x1xi1>
    %and3A_314 = arith.andi %gt3A_311, %not3A_313 : vector<480x1xi1>
    %jit3A_315 = arith.constant 1.000000e+00 : f32
    %jit3A_316 = arith.constant 0.000000e+00 : f32
    %broadcast_in_dim3A_317 = vector.broadcast %jit3A_315 : f32 to vector<480x1xf32>
    %broadcast_in_dim3A_318 = vector.broadcast %jit3A_316 : f32 to vector<480x1xf32>
    %select_n3A_319 = arith.select %and3A_314, %broadcast_in_dim3A_317, %broadcast_in_dim3A_318 : vector<480x1xi1>, vector<480x1xf32>
    %slice3A_320 = vector.extract_strided_slice %slice3A_44 {offsets = [480, 0], sizes = [480, 1], strides = [1, 1]} : vector<1440x1xf32> to vector<480x1xf32>
    %mul3A_321 = arith.mulf %select_n3A_319, %slice3A_320 : vector<480x1xf32>
    %max3A_322 = arith.constant 0.000000e+00 : f32
    %max3A_323 = vector.broadcast %max3A_322 : f32 to vector<480x1xf32>
    %max3A_324 = arith.maximumf %slice3A_250, %max3A_323 : vector<480x1xf32>
    %mul3A_325 = arith.mulf %mul3A_321, %max3A_324 : vector<480x1xf32>
    %reduce_sum3A_326 = vector.shape_cast %mul3A_325 : vector<480x1xf32> to vector<1x480x1xf32>
    %reduce_sum3A_327 = arith.constant dense<0.000000e+00> : vector<1xf32>
    %reduce_sum3A_328 = vector.multi_reduction <add>, %reduce_sum3A_326, %reduce_sum3A_327 [1, 2] : vector<1x480x1xf32> to vector<1xf32>
    %reduce_sum3A_329 = vector.shape_cast %reduce_sum3A_328 : vector<1xf32> to vector<1x1x1xf32>
    %reduce_sum3A_330 = vector.extract %reduce_sum3A_329[0, 0, 0] : f32 from vector<1x1x1xf32>
    %sub3A_331 = arith.subf %get3A_155, %reduce_sum3A_330 : f32
    %div3A_332 = arith.constant 3.840000e+04 : f32
    %div3A_333 = arith.divf %sub3A_331, %div3A_332 : f32
    %mul3A_334 = arith.constant 1.000000e+00 : f32
    %mul3A_335 = arith.mulf %div3A_333, %mul3A_334 : f32
    %add3A_336 = arith.addf %add3A_248, %mul3A_335 : f32
    %slice3A_337 = vector.extract_strided_slice %get3A_4 {offsets = [960, 0], sizes = [480, 1], strides = [1, 1]} : vector<1440x1xf32> to vector<480x1xf32>
    %slice3A_338 = vector.extract_strided_slice %sub3A_116 {offsets = [960, 0], sizes = [480, 1], strides = [1, 1]} : vector<1440x1xf32> to vector<480x1xf32>
    %reduce_sum3A_339 = vector.shape_cast %slice3A_337 : vector<480x1xf32> to vector<1x480x1xf32>
    %reduce_sum3A_340 = arith.constant dense<0.000000e+00> : vector<1xf32>
    %reduce_sum3A_341 = vector.multi_reduction <add>, %reduce_sum3A_339, %reduce_sum3A_340 [1, 2] : vector<1x480x1xf32> to vector<1xf32>
    %reduce_sum3A_342 = vector.shape_cast %reduce_sum3A_341 : vector<1xf32> to vector<1x1x1xf32>
    %reduce_sum3A_343 = vector.extract %reduce_sum3A_342[0, 0, 0] : f32 from vector<1x1x1xf32>
    %max3A_344 = arith.constant 1.000000e+00 : f32
    %max3A_345 = arith.maximumf %reduce_sum3A_343, %max3A_344 : f32
    %gt3A_346 = arith.constant 0.000000e+00 : f32
    %gt3A_347 = arith.cmpf ogt, %reduce_sum3A_343, %gt3A_346 : f32
    %sub3A_348 = arith.constant 1.000000e+00 : f32
    %sub3A_349 = vector.broadcast %sub3A_348 : f32 to vector<480x1xf32>
    %sub3A_350 = arith.subf %sub3A_349, %slice3A_338 : vector<480x1xf32>
    %mul3A_351 = arith.mulf %slice3A_337, %sub3A_350 : vector<480x1xf32>
    %reduce_sum3A_352 = vector.shape_cast %mul3A_351 : vector<480x1xf32> to vector<1x480x1xf32>
    %reduce_sum3A_353 = arith.constant dense<0.000000e+00> : vector<1xf32>
    %reduce_sum3A_354 = vector.multi_reduction <add>, %reduce_sum3A_352, %reduce_sum3A_353 [1, 2] : vector<1x480x1xf32> to vector<1xf32>
    %reduce_sum3A_355 = vector.shape_cast %reduce_sum3A_354 : vector<1xf32> to vector<1x1x1xf32>
    %reduce_sum3A_356 = vector.extract %reduce_sum3A_355[0, 0, 0] : f32 from vector<1x1x1xf32>
    %div3A_357 = arith.divf %reduce_sum3A_356, %max3A_345 : f32
    %jit3A_358 = arith.constant 0.000000e+00 : f32
    %select_n3A_359 = arith.select %gt3A_347, %div3A_357, %jit3A_358 : f32
    %add3A_360 = arith.addf %add3A_272, %select_n3A_359 : f32
    %slice3A_361 = vector.extract_strided_slice %broadcast_in_dim3A_138 {offsets = [960, 0], sizes = [480, 1], strides = [1, 1]} : vector<1440x1xf32> to vector<480x1xf32>
    %mul3A_362 = arith.mulf %slice3A_337, %slice3A_361 : vector<480x1xf32>
    %reduce_sum3A_363 = vector.shape_cast %mul3A_362 : vector<480x1xf32> to vector<1x480x1xf32>
    %reduce_sum3A_364 = arith.constant dense<0.000000e+00> : vector<1xf32>
    %reduce_sum3A_365 = vector.multi_reduction <add>, %reduce_sum3A_363, %reduce_sum3A_364 [1, 2] : vector<1x480x1xf32> to vector<1xf32>
    %reduce_sum3A_366 = vector.shape_cast %reduce_sum3A_365 : vector<1xf32> to vector<1x1x1xf32>
    %reduce_sum3A_367 = vector.extract %reduce_sum3A_366[0, 0, 0] : f32 from vector<1x1x1xf32>
    %mul3A_368 = arith.constant 8.000000e+01 : f32
    %mul3A_369 = arith.mulf %max3A_345, %mul3A_368 : f32
    %div3A_370 = arith.divf %reduce_sum3A_367, %mul3A_369 : f32
    %jit3A_371 = arith.constant 0.000000e+00 : f32
    %select_n3A_372 = arith.select %gt3A_347, %div3A_370, %jit3A_371 : f32
    %add3A_373 = arith.addf %add3A_285, %select_n3A_372 : f32
    %slice3A_374 = vector.extract_strided_slice %get3A_147 {offsets = [960, 0], sizes = [480, 1], strides = [1, 1]} : vector<1440x1xf32> to vector<480x1xf32>
    %slice3A_375 = vector.extract_strided_slice %get3A_141 {offsets = [0, 960], sizes = [1, 480], strides = [1, 1]} : vector<1x1440xf32> to vector<1x480xf32>
    %eq3A_376 = vector.broadcast %slice3A_374 : vector<480x1xf32> to vector<480x480xf32>
    %eq3A_377 = vector.broadcast %slice3A_375 : vector<1x480xf32> to vector<480x480xf32>
    %eq3A_378 = arith.cmpf oeq, %eq3A_376, %eq3A_377 : vector<480x480xf32>
    %and3A_379 = arith.andi %eq3A_378, %lt3A : vector<480x480xi1>
    %slice3A_380 = vector.extract_strided_slice %get3A_144 {offsets = [0, 960], sizes = [1, 480], strides = [1, 1]} : vector<1x1440xf32> to vector<1x480xf32>
    %gt3A_381 = arith.constant 0.000000e+00 : f32
    %gt3A_382 = vector.broadcast %gt3A_381 : f32 to vector<1x480xf32>
    %gt3A_383 = arith.cmpf ogt, %slice3A_380, %gt3A_382 : vector<1x480xf32>
    %and3A_384 = vector.broadcast %gt3A_383 : vector<1x480xi1> to vector<480x480xi1>
    %and3A_385 = arith.andi %and3A_379, %and3A_384 : vector<480x480xi1>
    %reduce_or3A_386 = arith.constant 1.000000e+00 : f32
    %reduce_or3A_387 = arith.constant 0.000000e+00 : f32
    %reduce_or3A_388 = vector.broadcast %reduce_or3A_386 : f32 to vector<480x480xf32>
    %reduce_or3A_389 = vector.broadcast %reduce_or3A_387 : f32 to vector<480x480xf32>
    %reduce_or3A_390 = arith.select %and3A_385, %reduce_or3A_388, %reduce_or3A_389 : vector<480x480xi1>, vector<480x480xf32>
    %reduce_or3A_391 = arith.constant dense<0xFF800000> : vector<480xf32>
    %reduce_or3A_392 = vector.multi_reduction <maximumf>, %reduce_or3A_390, %reduce_or3A_391 [1] : vector<480x480xf32> to vector<480xf32>
    %reduce_or3A_393 = arith.constant 0.000000e+00 : f32
    %reduce_or3A_394 = vector.broadcast %reduce_or3A_393 : f32 to vector<480xf32>
    %reduce_or3A_395 = arith.cmpf ogt, %reduce_or3A_392, %reduce_or3A_394 : vector<480xf32>
    %broadcast_in_dim3A_396 = vector.shape_cast %reduce_or3A_395 : vector<480xi1> to vector<480x1xi1>
    %gt3A_397 = arith.constant 0.000000e+00 : f32
    %gt3A_398 = vector.broadcast %gt3A_397 : f32 to vector<480x1xf32>
    %gt3A_399 = arith.cmpf ogt, %slice3A_337, %gt3A_398 : vector<480x1xf32>
    %not3A_400 = arith.constant dense<true> : vector<480x1xi1>
    %not3A_401 = arith.xori %broadcast_in_dim3A_396, %not3A_400 : vector<480x1xi1>
    %and3A_402 = arith.andi %gt3A_399, %not3A_401 : vector<480x1xi1>
    %jit3A_403 = arith.constant 1.000000e+00 : f32
    %jit3A_404 = arith.constant 0.000000e+00 : f32
    %broadcast_in_dim3A_405 = vector.broadcast %jit3A_403 : f32 to vector<480x1xf32>
    %broadcast_in_dim3A_406 = vector.broadcast %jit3A_404 : f32 to vector<480x1xf32>
    %select_n3A_407 = arith.select %and3A_402, %broadcast_in_dim3A_405, %broadcast_in_dim3A_406 : vector<480x1xi1>, vector<480x1xf32>
    %slice3A_408 = vector.extract_strided_slice %slice3A_44 {offsets = [960, 0], sizes = [480, 1], strides = [1, 1]} : vector<1440x1xf32> to vector<480x1xf32>
    %mul3A_409 = arith.mulf %select_n3A_407, %slice3A_408 : vector<480x1xf32>
    %max3A_410 = arith.constant 0.000000e+00 : f32
    %max3A_411 = vector.broadcast %max3A_410 : f32 to vector<480x1xf32>
    %max3A_412 = arith.maximumf %slice3A_338, %max3A_411 : vector<480x1xf32>
    %mul3A_413 = arith.mulf %mul3A_409, %max3A_412 : vector<480x1xf32>
    %reduce_sum3A_414 = vector.shape_cast %mul3A_413 : vector<480x1xf32> to vector<1x480x1xf32>
    %reduce_sum3A_415 = arith.constant dense<0.000000e+00> : vector<1xf32>
    %reduce_sum3A_416 = vector.multi_reduction <add>, %reduce_sum3A_414, %reduce_sum3A_415 [1, 2] : vector<1x480x1xf32> to vector<1xf32>
    %reduce_sum3A_417 = vector.shape_cast %reduce_sum3A_416 : vector<1xf32> to vector<1x1x1xf32>
    %reduce_sum3A_418 = vector.extract %reduce_sum3A_417[0, 0, 0] : f32 from vector<1x1x1xf32>
    %sub3A_419 = arith.subf %get3A_159, %reduce_sum3A_418 : f32
    %div3A_420 = arith.constant 9.600000e+03 : f32
    %div3A_421 = arith.divf %sub3A_419, %div3A_420 : f32
    %mul3A_422 = arith.constant 4.000000e-01 : f32
    %mul3A_423 = arith.mulf %div3A_421, %mul3A_422 : f32
    %add3A_424 = arith.addf %add3A_336, %mul3A_423 : f32
    %mul3A_425 = arith.constant 5.000000e-02 : f32
    %mul3A_426 = arith.mulf %mul3A_425, %add3A_360 : f32
    %mul3A_427 = arith.constant 1.000000e+00 : f32
    %mul3A_428 = arith.mulf %mul3A_427, %add3A_424 : f32
    %add3A_429 = arith.addf %mul3A_426, %mul3A_428 : f32
    %mul3A_430 = arith.constant 5.000000e-01 : f32
    %mul3A_431 = arith.mulf %mul3A_430, %add3A_373 : f32
    %add3A_432 = arith.addf %add3A_429, %mul3A_431 : f32
    %reshape3A = vector.broadcast %add3A_432 : f32 to vector<1x1xf32>
    %swap3A = arith.constant 0 : index
    %swap3A_433 = arith.constant 0 : index
    %swap3A_434 = vector.load %arg14[%swap3A, %swap3A_433] : memref<1x1xf32, #tpu.memory_space<vmem>>, vector<1x1xf32>
    tpu.vector_store %arg14[%swap3A, %swap3A_433], %reshape3A {strides = array<i32>} : memref<1x1xf32, #tpu.memory_space<vmem>>, vector<1x1xf32>,
    return
  }
  func.func @transform_0(%arg0: i32) -> (i32, i32) {
    %c0_i32 = arith.constant 0 : i32
    %c0_i32_0 = arith.constant 0 : i32
    %c0_i32_1 = arith.constant 0 : i32
    return %c0_i32, %c0_i32_0 : i32, i32
  }
  func.func @transform_1(%arg0: i32) -> (i32, i32) {
    %c0_i32 = arith.constant 0 : i32
    %c0_i32_0 = arith.constant 0 : i32
    %c0_i32_1 = arith.constant 0 : i32
    return %c0_i32, %c0_i32_0 : i32, i32
  }
  func.func @transform_2(%arg0: i32) -> (i32, i32) {
    %c0_i32 = arith.constant 0 : i32
    %c0_i32_0 = arith.constant 0 : i32
    %c0_i32_1 = arith.constant 0 : i32
    return %c0_i32, %c0_i32_0 : i32, i32
  }
  func.func @transform_3(%arg0: i32) -> (i32, i32) {
    %c0_i32 = arith.constant 0 : i32
    %c0_i32_0 = arith.constant 0 : i32
    %c0_i32_1 = arith.constant 0 : i32
    return %c0_i32, %c0_i32_0 : i32, i32
  }
  func.func @transform_4(%arg0: i32) -> (i32, i32) {
    %c0_i32 = arith.constant 0 : i32
    %c0_i32_0 = arith.constant 0 : i32
    %c0_i32_1 = arith.constant 0 : i32
    return %c0_i32, %c0_i32_0 : i32, i32
  }
  func.func @transform_5(%arg0: i32) -> (i32, i32) {
    %c0_i32 = arith.constant 0 : i32
    %c0_i32_0 = arith.constant 0 : i32
    %c0_i32_1 = arith.constant 0 : i32
    return %c0_i32, %c0_i32_0 : i32, i32
  }
  func.func @transform_6(%arg0: i32) -> (i32, i32) {
    %c0_i32 = arith.constant 0 : i32
    %c0_i32_0 = arith.constant 0 : i32
    %c0_i32_1 = arith.constant 0 : i32
    return %c0_i32, %c0_i32_0 : i32, i32
  }
  func.func @transform_7(%arg0: i32) -> (i32, i32) {
    %c0_i32 = arith.constant 0 : i32
    %c0_i32_0 = arith.constant 0 : i32
    %c0_i32_1 = arith.constant 0 : i32
    return %c0_i32, %c0_i32_0 : i32, i32
  }
  func.func @transform_8(%arg0: i32) -> (i32, i32) {
    %c0_i32 = arith.constant 0 : i32
    %c0_i32_0 = arith.constant 0 : i32
    %c0_i32_1 = arith.constant 0 : i32
    return %c0_i32, %c0_i32_0 : i32, i32
  }
  func.func @transform_9(%arg0: i32) -> (i32, i32) {
    %c0_i32 = arith.constant 0 : i32
    %c0_i32_0 = arith.constant 0 : i32
    %c0_i32_1 = arith.constant 0 : i32
    return %c0_i32, %c0_i32_0 : i32, i32
  }
  func.func @transform_10(%arg0: i32) -> (i32, i32) {
    %c0_i32 = arith.constant 0 : i32
    %c0_i32_0 = arith.constant 0 : i32
    %c0_i32_1 = arith.constant 0 : i32
    return %c0_i32, %c0_i32_0 : i32, i32
  }
  func.func @transform_11(%arg0: i32) -> (i32, i32) {
    %c0_i32 = arith.constant 0 : i32
    %c0_i32_0 = arith.constant 0 : i32
    %c0_i32_1 = arith.constant 0 : i32
    return %c0_i32, %c0_i32_0 : i32, i32
  }
  func.func @transform_12(%arg0: i32) -> (i32, i32) {
    %c0_i32 = arith.constant 0 : i32
    %c0_i32_0 = arith.constant 0 : i32
    %c0_i32_1 = arith.constant 0 : i32
    return %c0_i32, %c0_i32_0 : i32, i32
  }
  func.func @transform_13(%arg0: i32) -> (i32, i32) {
    %c0_i32 = arith.constant 0 : i32
    %c0_i32_0 = arith.constant 0 : i32
    %c0_i32_1 = arith.constant 0 : i32
    return %c0_i32, %c0_i32_0 : i32, i32
  }
}

</mosaic_0001>

<sc_bundles>
// kernel: kernel.7.cloned.1.call-start
scs
__scs_entry_jumppad:
0x0: {  	(pc) =	sbr.rel $0x88, $3  }
0x1: {  	(tag) =	ssettag $0x0;
	lr =	simm.s32 $0x1  }
0x2: {  	[smem:$0x3F9D] =	sst lr;
	_ =	strace $0xD0000000  }
0x3: {  	_ = 	snop  }
0x4: {  	_ = 	snop  }
0x5: {  	_ = 	snop  }
0x6: {  	_ = 	snop  }
0x7: {  	_ = 	snop  }
__scs_overlays_trampoline_lowered:
0x8: {  	[smem:$0x3FAC] =	sst s0  }
0x9: {  	[smem:$0x3FAD] =	sst s1  }
0xa: {  	[smem:$0x3FAE] =	sst s2  }
0xb: {  	[smem:$0x3FAF] =	sst s3  }
0xc: {  	[smem:$0x3FB0] =	sst s4  }
0xd: {  	[smem:$0x3FB1] =	sst s5  }
0xe: {  	[smem:$0x3FB2] =	sst s6  }
0xf: {  	[smem:$0x3FB3] =	sst s7  }
0x10: {  	[smem:$0x3FB4] =	sst s8  }
0x11: {  	[smem:$0x3FB5] =	sst s9;
	s0 =	simm.s32 @!p0 $0x0  }
0x12: {  	s1 =	sld [smem:$0x3F9B];
	s0 =	simm.s32 @p0 $0x1  }
0x13: {  	[smem:$0x3FB6] =	sst s0;
	s0 =	simm.s32 @!p1 $0x0  }
0x14: {  	s2 =	sld [smem:$0x3F9A];
	s0 =	simm.s32 @p1 $0x1  }
0x15: {  	[smem:$0x3FB7] =	sst s0;
	s0 =	simm.s32 @!p2 $0x0  }
0x16: {  	s3 =	sld [smem:$0x3FDB];
	s0 =	simm.s32 @p2 $0x1  }
0x17: {  	s4 =	simm.s32 $0x1BF5;
	[smem:$0x3FB9] =	sst s0  }
0x18: {  	s0 =	sld [smem:$0x3F9C];
	_ =	swait.ge [sflag:s4], $0x0  }
0x19: {  	s7 =	sld [smem:$0x3F9D]  }
0x1a: {  	s8 =	sadd.s32 $0xFFFFE003, lr  }
0x1b: {  	s9 =	sadd.s32 $0xFFFFFEF7, lr;
	s5 =	simm.s32 $0xFFFFFFFF;
	p2 =	slt.u32 s8, $0xFFFFF086  }
0x1c: {  	p1 =	slt.u32 s9, $0xF7A;
	s5 =	simm.s32 @!p2 $0x0  }
0x1d: {  	s5 =	simm.s32 @p1 $0x1;
	p0 =	seq.s32 s7, s2  }
0x1e: {  	s7 =	smul.u32 @!p0 $0xF7A, s2;
	p2 =	seq.s32 @!p0 s5, $0x0  }
0x1f: {  	s9 =	smul.u32 $0xF7A, s1;
	s8 =	simm.s32 @!p0 $0x1BF5;
	p2 =	por !p2, p0  }
0x20: {  	[sflag:s8] =	ssyncset.s32 @!p0 $0xFFFFF086;
	s6 =	sadd.s32 @!p0 s3, s7;
	s7 =	simm.s32 @!p0 $0x108  }
0x21: {  	s3 =	sadd.s32 s3, s9;
	s6 =	sadd.s32 @!p0 $0x88, s6;
	s7 =	simm.s32 @p2 $0x1082  }
0x22: {  	[simem:s7], [sflag:s8] =	dma.local @!p0 [hbm:s6], $0xF7A  }
0x23: {  	s9 =	sor.u32 $0xD0000000, s2;
	s6 =	simm.s32 $0x108;
	_ =	swait.ge @!p0 [sflag:s8], $0x0  }
0x24: {  	s3 =	sadd.s32 $0x88, s3;
	s6 =	simm.s32 @!p1 $0x1082;
	[sflag:s4] =	ssyncset.s32 $0xFFFFF086  }
0x25: {  	[simem:s6], [sflag:s4] =	dma.local [hbm:s3], $0xF7A  }
0x26: {  	[smem:$0x3F9D] =	sst s1;
	(tag) =	ssettag s2;
	_ =	strace s9  }
0x27: {  	s1 =	sld [smem:$0x3FAD]  }
0x28: {  	s2 =	sld [smem:$0x3FAE]  }
0x29: {  	s4 =	sld [smem:$0x3FB0]  }
0x2a: {  	p0 =	seq.s32 s5, $0x0;
	s5 =	sld [smem:$0x3FB1]  }
0x2b: {  	s6 =	sld [smem:$0x3FB2]  }
0x2c: {  	s7 =	sld [smem:$0x3FB3]  }
0x2d: {  	s3 =	simm.s32 $0x108;
	s8 =	sld [smem:$0x3FB4]  }
0x2e: {  	s3 =	simm.s32 @!p0 $0x1082;
	s9 =	sld [smem:$0x3FB5]  }
0x2f: {  	lr =	sadd.s32 s0, s3;
	s0 =	sld [smem:$0x3FAC]  }
0x30: {  	s3 =	sld [smem:$0x3FAF]  }
0x31: {  	[smem:$0x3FB8] =	sst s10  }
0x32: {  	s10 =	sld [smem:$0x3FB6];
	_ =	sdelay $0x3  }
0x33: {  	p0 =	seq.s32 s10, $0x1;
	s10 =	sld [smem:$0x3FB8];
	_ =	sdelay $0x3  }
0x34: {  	[smem:$0x3FB8] =	sst s10  }
0x35: {  	s10 =	sld [smem:$0x3FB7];
	_ =	sdelay $0x3  }
0x36: {  	p1 =	seq.s32 s10, $0x1;
	s10 =	sld [smem:$0x3FB8];
	_ =	sdelay $0x3  }
0x37: {  	[smem:$0x3FB8] =	sst s10  }
0x38: {  	s10 =	sld [smem:$0x3FB9]  }
0x39: {  	_ = 	snop;
	(pc) =	sbr.ind lr, $3  }
0x3a: {  	_ = 	snop  }
0x3b: {  	_ = 	snop  }
0x3c: {  	p2 =	seq.s32 s10, $0x1;
	s10 =	sld [smem:$0x3FB8]  }
0x3d: {  	_ =	shalt  }
0x3e: {  	_ =	shalt  }
0x3f: {  	_ =	shalt  }
0x40: {  	_ =	shalt  }
0x41: {  	_ =	shalt  }
0x42: {  	_ =	shalt  }
0x43: {  	_ =	shalt  }
0x44: {  	_ =	shalt  }
0x45: {  	_ =	shalt  }
0x46: {  	_ =	shalt  }
0x47: {  	_ =	shalt  }
0x48: {  	_ =	shalt  }
0x49: {  	_ =	shalt  }
0x4a: {  	_ =	shalt  }
0x4b: {  	_ =	shalt  }
0x4c: {  	_ =	shalt  }
0x4d: {  	_ =	shalt  }
0x4e: {  	_ =	shalt  }
0x4f: {  	_ =	shalt  }
0x50: {  	_ =	shalt  }
0x51: {  	_ =	shalt  }
0x52: {  	_ =	shalt  }
0x53: {  	_ =	shalt  }
0x54: {  	_ =	shalt  }
0x55: {  	_ =	shalt  }
0x56: {  	_ =	shalt  }
0x57: {  	_ =	shalt  }
0x58: {  	_ =	shalt  }
0x59: {  	_ =	shalt  }
0x5a: {  	_ =	shalt  }
0x5b: {  	_ =	shalt  }
0x5c: {  	_ =	shalt  }
0x5d: {  	_ =	shalt  }
0x5e: {  	_ =	shalt  }
0x5f: {  	_ =	shalt  }
0x60: {  	_ =	shalt  }
0x61: {  	_ =	shalt  }
0x62: {  	_ =	shalt  }
0x63: {  	_ =	shalt  }
0x64: {  	_ =	shalt  }
0x65: {  	_ =	shalt  }
0x66: {  	_ =	shalt  }
0x67: {  	_ =	shalt  }
0x68: {  	_ =	shalt  }
0x69: {  	_ =	shalt  }
0x6a: {  	_ =	shalt  }
0x6b: {  	_ =	shalt  }
0x6c: {  	_ =	shalt  }
0x6d: {  	_ =	shalt  }
0x6e: {  	_ =	shalt  }
0x6f: {  	_ =	shalt  }
0x70: {  	_ =	shalt  }
0x71: {  	_ =	shalt  }
0x72: {  	_ =	shalt  }
0x73: {  	_ =	shalt  }
0x74: {  	_ =	shalt  }
0x75: {  	_ =	shalt  }
0x76: {  	_ =	shalt  }
0x77: {  	_ =	shalt  }
0x78: {  	_ =	shalt  }
0x79: {  	_ =	shalt  }
0x7a: {  	_ =	shalt  }
0x7b: {  	_ =	shalt  }
0x7c: {  	_ =	shalt  }
0x7d: {  	_ =	shalt  }
0x7e: {  	_ =	shalt  }
0x7f: {  	_ =	shalt  }
0x80: {  	_ =	shalt  }
0x81: {  	_ =	shalt  }
0x82: {  	_ =	shalt  }
0x83: {  	_ =	shalt  }
0x84: {  	_ =	shalt  }
0x85: {  	_ =	shalt  }
0x86: {  	_ =	shalt  }
0x87: {  	_ =	shalt  }
.Lfunc_end0:
.L_simem_size_0:
called_computation_lowered:
.L_overlay_start_0:
0x88: {  	s2 =	sld [smem:$0x3FD9]  }
0x89: {  	s3 =	sld [smem:$0x3FFE];
	_ =	sdelay $0x1  }
0x8a: {  	s1 =	srdreg.scid  }
0x8b: {  	s0 =	sand.u32 $0x1, s1  }
0x8c: {  	s17 =	sshll.u32 s0, $0xA;
	s2 =	sadd.s32 s3, s2  }
0x8d: {  	s2 =	sadd.s32 s2, s17  }
0x8e: {  	[smem:$0x3FC4] =	sst s2  }
0x8f: {  	_ = 	snop  }
0x90: {  	s2 =	sld [smem:$0x3FC9]  }
0x91: {  	s18 =	sld [smem:$0x3FC8]  }
0x92: {  	s4 =	sld [smem:$0x3FD0];
	(tm) =	ssettm $0x1  }
0x93: {  	s5 =	sld [smem:$0x3FFB];
	_ =	sdelay $0x3  }
0x94: {  	_ =	strace s5  }
0x95: {  	s5 =	sld [smem:$0x3FFC];
	_ =	sdelay $0x3  }
0x96: {  	_ =	strace s5  }
0x97: {  	s5 =	sld [smem:$0x3FFD];
	_ =	sdelay $0x3  }
0x98: {  	_ =	strace s5  }
0x99: {  	_ =	strace $0x8FFFFFFF  }
0x9a: {  	s19 =	sld [smem:$0x3FDB];
	_ =	sdelay $0x1  }
0x9b: {  	s6 =	simm.s32 $_scs_section_size  }
0x9c: {  	s7 =	simm.s32 $_size__tile_overlayer_lowered;
	s8 =	simm.s32 $_tile_overlayer_lowered  }
0x9d: {  	s22 =	simm.s32 $0x1BFF;
	s21 =	sshll.u32 s8, $0x1;
	s5 =	sadd.s32 s6, s19  }
0x9e: {  	s9 =	simm.s32 $0x0;
	s20 =	sshll.u32 s7, $0x1;
	s7 =	sadd.s32 s21, s5  }
0x9f: {  	[timem:s9], [sflag:s22] =	dma.local [hbm:s7], s20  }
0xa0: {  	_ =	swait.ge [sflag:s22], s20  }
0xa1: {  	s6 =	ssub.s32 $0x0, s20;
	[sflag:s22] =	ssyncset.done $0x0  }
0xa2: {  	[sflag:s22] =	ssyncadd.s32 s6;
	_ =	sdelay $0x1  }
0xa3: {  	s23 =	simm.s32 $0x1B8B  }
0xa4: {  	_ =	swait.ge [sflag:s23], $0x1  }
0xa5: {  	[sflag:s23] =	ssyncset.done $0x0  }
0xa6: {  	s25 =	simm.s32 $0x1B8E;
	s24 =	sld [smem:$0x3FFE];
	[sflag:s23] =	ssyncadd.s32 $0xFFFFFFFF  }
0xa7: {  	s26 =	simm.s32 $execute0_lowered;
	[smem:$0x3FD2] =	sst s25  }
0xa8: {  	s7 =	sshll.u32 s26, $0x1;
	_ =	strace $0x80000046;
	[dreg:$0x1] =	wrdreg $0xFFFFFFFF  }
0xa9: {  	s28 =	simm.s32 $_size_execute0_lowered;
	s5 =	sadd.s32 s5, s7;
	[dreg:$0x0] =	wrdreg $0x0  }
0xaa: {  	s7 =	sshll.u32 s28, $0x1;
	[dreg:$0x2] =	wrdreg s5  }
0xab: {  	[dreg:$0x3] =	wrdreg s7  }
0xac: {  	[dreg:$0x4] =	wrdreg $0xC0  }
0xad: {  	_ =	task [dreg:s9], $0x5FFFF  }
0xae: {  	[dreg:$0x1] =	wrdreg $0xFFFFFFFF  }
0xaf: {  	[dreg:$0x0] =	wrdreg $0x60  }
0xb0: {  	[dreg:$0x2] =	wrdreg s2  }
0xb1: {  	[dreg:$0x3] =	wrdreg s18  }
0xb2: {  	[dreg:$0x4] =	wrdreg s24  }
0xb3: {  	[dreg:$0x5] =	wrdreg s4  }
0xb4: {  	[dreg:$0x6] =	wrdreg $0x9  }
0xb5: {  	_ =	task.clear_ibuf [dreg:s9], $0x7FFFF;
	_ =	strace $0x90000046  }
0xb6: {  	s29 =	simm.s32 $0x9;
	_ =	strace $0x80000048  }
0xb7: {  	_ =	swait.ge [sflag:s29], $0x1  }
0xb8: {  	[sflag:s29] =	ssyncadd.s32 $0xFFFFFFFF  }
0xb9: {  	_ =	strace $0x90000048  }
0xba: {  	_ =	sfence  }
0xbb: {  	s30 =	sld [smem:$0x0];
	_ =	sdelay $0x2  }
0xbc: {  	s31 =	sshll.u32 s1, $0xD;
	s1 =	sshrl.u32 s1, $0x2  }
0xbd: {  	s3 =	sand.u32 $0x4000, s31;
	s1 =	sadd.s32 s1, s30  }
0xbe: {  	s0 =	sor.u32 s3, s0;
	s1 =	sshll.u32 s1, $0x11  }
0xbf: {  	s0 =	sor.u32 s1, s0  }
0xc0: {  	s0 =	sadd.s32 $0x8F2B, s0  }
0xc1: {  	[sflag:s0] =	ssyncadd.remote.s32 $0x1  }
0xc2: {  	_ =	sfence.sel $0xFFFF  }
0xc3: {  	[dreg:$0x0] =	wrdreg $0xFFFFFFFF;
	(pc) =	sbr.abs _section_cstart, $3  }
0xc4: {  	[dreg:$0x1] =	wrdreg $0xFFFFFFFF  }
0xc5: {  	_ =	task.clear_ibuf [dreg:s9], $0x2FFFF;
	_ =	strace $0x9FFFFFFF  }
0xc6: {  	(tm) =	ssettm $0x7FFFFFFF  }
0xc7: {  	_ =	shalt  }
tec
execute0_lowered:
.L_overlay_start_1:
0x0: {  	(tag) =	ssettag $0x1  }
0x1: {  	s1 =	rddreg [dreg:$0x0];
	s3 =	stileid.u32  }
0x2: {  	s2 =	rddreg [dreg:$0x1];
	p0 =	seq.s32 s3, $0xF  }
.Ltmp0:
0x3: {  	s5 =	rddreg [dreg:$0x2];
	(pc) =	sbr.rel @p0 .LBB2_3-.Ltmp0, $4  }
0x4: {  	s0 =	rddreg [dreg:$0x3]  }
0x5: {  	s4 =	simm.s32 $0x0;
	[dreg:$0x6] =	wrdreg s0  }
0x6: {  	[smem:$0x7FF] =	sst s4  }
0x7: {  	s0 =	rddreg [dreg:$0x4];
	_ =	strace $0x80000047  }
0x8: {  	s6 =	srdreg.scid  }
0x9: {  	s7 =	sshll.u32 s3, $0x1;
	s6 =	sand.u32 $0x1, s6  }
0xa: {  	s7 =	sor.u32 s6, s7  }
0xb: {  	v0 =	vlaneseq.u32;
	s9 =	sadd.s32 $0x2A00, s5;
	s8 =	sshll.u32 s7, $0x4  }
0xc: {  	s11 =	simm.s32 $0x480;
	s12 =	simm.s32 $0x500;
	s13 =	simm.s32 $0x580;
	v0 =	vor.u32 s8, v0  }
0xd: {  	s14 =	simm.s32 $0x600;
	s15 =	simm.s32 $0x680;
	s16 =	simm.s32 $0x700;
	v1 =	vmulhi.u32 $0x66666667, v0  }
0xe: {  	s17 =	simm.s32 $0x780;
	s18 =	simm.s32 $0x800;
	s19 =	simm.s32 $0x880  }
0xf: {  	s20 =	simm.s32 $0x900;
	s21 =	simm.s32 $0x980;
	s22 =	simm.s32 $0xA00;
	v1 =	vshrl.u32 v1, $0x6  }
0x10: {  	s23 =	simm.s32 $0xA80;
	s28 =	simm.s32 $0xC00;
	s7 =	sshll.u32 s7, $0x8;
	v1 =	vmul.u32 $0xA0, v1  }
0x11: {  	[dreg:$0x5] =	wrdreg s9;
	s9 =	simm.s32 $0x80;
	s7 =	sadd.s32 s7, s5;
	v2 =	vmov s8  }
0x12: {  	s6 =	ssub.s32 $0x2, s6;
	s24 =	sadd.s32 s8, s5;
	s10 =	sadd.s32 $0x28A00, s7;
	v6 =	vmulhi.u32 $0x199999A, v2;
	v0 =	vsub.s32 v0, v1  }
0x13: {  	s30 =	sshrl.u32 s6, $0x1;
	s25 =	sadd.s32 $0x28400, s24;
	[dreg:$0x7] =	wrdreg s10;
	v1 =	vand.u32 $0xFF, v0  }
0x14: {  	v14 =	vimm.f32 $0.0e+00;
	s6 =	ssub.s32 s6, s30;
	s26 =	sadd.s32 $0x2A800, s7;
	[dreg:$0x8] =	wrdreg s25;
	v5 =	vshll.u32 v6, $0x1;
	v1 =	vmulhi.u32 $0xCCCCCCD, v1  }
0x15: {  	s5 =	sadd.s32 $0x2C00, s5;
	s29 =	sadd.s32 $0x28600, s24;
	[dreg:$0x9] =	wrdreg s26;
	v8 =	vadd.s32 $0x6, v5;
	v9 =	vadd.s32 $0x7, v5;
	v0 =	vmul.u32 $0x5, v0  }
0x16: {  	s8 =	simm.s32 $0x380;
	s7 =	sadd.s32 $0x2C600, s7;
	[dreg:$0xa] =	wrdreg s29;
	v11 =	vadd.s32 $0xC, v5;
	v12 =	vadd.s32 $0xD, v5;
	v7 =	vmul.u32 $0x3, v1  }
0x17: {  	s31 =	sadd.s32 $0x28800, s24;
	s6 =	smax.u32 s6, $0x1;
	[dreg:$0xb] =	wrdreg s7;
	v2 =	vadd.s32 $0x2, v0;
	v3 =	vadd.s32 $0x3, v0;
	v4 =	vadd.s32 $0x4, v0  }
0x18: {  	s24 =	simm.s32 $0xB00;
	[dreg:$0xc] =	wrdreg s31;
	s7 =	simm.s32 $0x2;
	v1 =	vadd.s32 $0x1, v0;
	v13 =	vadd.s32 v7, v6;
	v6 =	vor.u32 $0x1, v5  }
0x19: {  	s10 =	simm.s32 $0x400;
	s25 =	simm.s32 $0xB80;
	s26 =	simm.s32 $0x1;
	v7 =	vmul.u32 $0x50, v13;
	v10 =	vmul.u32 $0x28, v13;
	v13 =	vmul.u32 $0x14, v13  }
.LBB2_2:
0x1a: {  	s29 =	rddreg [dreg:$0x5]  }
0x1b: {  	[tilespmem:s4], [sflag:$0x2] =	stream.linear.gather [hbm4b:s29+s4], $0x380, $0x38;
	[tilespmem:$0xC80] =	vst v63  }
0x1c: {  	_ =	swait.ge [sflag:s7], $0x380  }
0x1d: {  	[sflag:s7] =	ssyncset.done $0x0  }
0x1e: {  	s31 =	rddreg [dreg:$0x6];
	[sflag:s7] =	ssyncadd.s32 $0xFFFFFC80  }
0x1f: {  	[tilespmem:s8], [sflag:$0x2] =	stream.linear.gather [hbm4b:s31+s4], $0x80, $0x38;
	[tilespmem:$0xC80] =	vst v63  }
0x20: {  	_ =	swait.ge [sflag:s7], $0x80  }
0x21: {  	[sflag:s7] =	ssyncset.done $0x0  }
0x22: {  	[sflag:s7] =	ssyncadd.s32 $0xFFFFFF80  }
0x23: {  	v19 =	vld.idx.msk [tilespmem:v2+s4+$0x0], $0xffff;
	_ =	sdelay $0x2  }
0x24: {  	v18 =	vld.idx.msk [tilespmem:v1+s4+$0x0], $0xffff;
	_ =	sdelay $0x1  }
0x25: {  	v21 =	vmul.f32 $8.000000000e+01, v19;
	_ =	sdelay $0x1  }
0x26: {  	v15 =	vtrunc.f32 v21  }
0x27: {  	v22 =	vmul.f32 $8.000000000e+01, v18;
	v20 =	vcvt.f32.s32 v15;
	_ =	sdelay $0x1  }
0x28: {  	v15 =	vtrunc.f32 v22;
	v16 =	vadd.s32 v20, v7  }
0x29: {  	v23 =	vcvt.f32.s32 v15;
	v15 =	vmul.u32 $0x50, v16;
	_ =	sdelay $0x1  }
0x2a: {  	v24 =	vadd.s32 v23, v15  }
0x2b: {  	v25 =	vshll.u32 v24, $0x4  }
0x2c: {  	(v2sf) =	vpush v25, $0x0;
	_ =	sdelay $0x3  }
0x2d: {  	(v2sf) =	vpush v25, $0x1;
	_ =	sdelay $0x4  }
0x2e: {  	(v2sf) =	vpush v25, $0x2;
	_ =	sdelay $0x4  }
0x2f: {  	v17 =	vld.idx.msk [tilespmem:v3+s4+$0x0], $0xffff  }
0x30: {  	v33 =	vld.idx.msk [tilespmem:v4+s4+$0x0], $0xffff;
	s30 =	spop (v2sf)  }
0x31: {  	v26 =	vld.idx.msk [tilespmem:v5+s8+$0x0], $0xffff;
	(v2sf) =	vpush v25, $0x3;
	s29 =	sand.u32 $0x1FFFFFF0, s30  }
0x32: {  	v27 =	vld.idx.msk [tilespmem:v6+s8+$0x0], $0xffff;
	s29 =	sadd.s32 s1, s29  }
0x33: {  	v15 =	vld.idx.msk [tilespmem:v0+s4+$0x0], $0xffff;
	[tilespmem:s10], [sflag:$0x1] =	stream.strided.gather [hbm4b:s29+s9], $0x0, s10, s9, $0x38  }
0x34: {  	s31 =	spop (v2sf)  }
0x35: {  	(v2sf) =	vpush v25, $0x4;
	[tilespmem:s10], [sflag:$0x1] =	stream.linear.gather [hbm4b:s29+s4], $0x55, $0x38;
	[tilespmem:$0xC80] =	vst v63  }
0x36: {  	s29 =	sand.u32 $0x1FFFFFF0, s31  }
0x37: {  	s29 =	sadd.s32 s1, s29  }
0x38: {  	[tilespmem:s11], [sflag:$0x1] =	stream.strided.gather [hbm4b:s29+s9], $0x0, s10, s9, $0x38;
	[tilespmem:$0xC80] =	vst v63  }
0x39: {  	s30 =	spop (v2sf)  }
0x3a: {  	(v2sf) =	vpush v25, $0x5;
	[tilespmem:s11], [sflag:$0x1] =	stream.linear.gather [hbm4b:s29+s4], $0x55, $0x38;
	[tilespmem:$0xC80] =	vst v63  }
0x3b: {  	s29 =	sand.u32 $0x1FFFFFF0, s30  }
0x3c: {  	s29 =	sadd.s32 s1, s29  }
0x3d: {  	[tilespmem:s12], [sflag:$0x1] =	stream.strided.gather [hbm4b:s29+s9], $0x0, s10, s9, $0x38;
	[tilespmem:$0xC80] =	vst v63  }
0x3e: {  	_ = 	snop  }
0x3f: {  	[tilespmem:s12], [sflag:$0x1] =	stream.linear.gather [hbm4b:s29+s4], $0x55, $0x38;
	[tilespmem:$0xC80] =	vst v63  }
0x40: {  	s31 =	spop (v2sf)  }
0x41: {  	(v2sf) =	vpush v25, $0x6;
	s29 =	sand.u32 $0x1FFFFFF0, s31  }
0x42: {  	s29 =	sadd.s32 s1, s29  }
0x43: {  	[tilespmem:s13], [sflag:$0x1] =	stream.strided.gather [hbm4b:s29+s9], $0x0, s10, s9, $0x38;
	[tilespmem:$0xC80] =	vst v63  }
0x44: {  	s30 =	spop (v2sf)  }
0x45: {  	(v2sf) =	vpush v25, $0x7;
	[tilespmem:s13], [sflag:$0x1] =	stream.linear.gather [hbm4b:s29+s4], $0x55, $0x38;
	[tilespmem:$0xC80] =	vst v63  }
0x46: {  	s29 =	sand.u32 $0x1FFFFFF0, s30  }
0x47: {  	s29 =	sadd.s32 s1, s29  }
0x48: {  	[tilespmem:s14], [sflag:$0x1] =	stream.strided.gather [hbm4b:s29+s9], $0x0, s10, s9, $0x38;
	[tilespmem:$0xC80] =	vst v63  }
0x49: {  	s31 =	spop (v2sf)  }
0x4a: {  	(v2sf) =	vpush v25, $0x8;
	[tilespmem:s14], [sflag:$0x1] =	stream.linear.gather [hbm4b:s29+s4], $0x55, $0x38;
	[tilespmem:$0xC80] =	vst v63  }
0x4b: {  	s29 =	sand.u32 $0x1FFFFFF0, s31  }
0x4c: {  	s29 =	sadd.s32 s1, s29  }
0x4d: {  	[tilespmem:s15], [sflag:$0x1] =	stream.strided.gather [hbm4b:s29+s9], $0x0, s10, s9, $0x38;
	[tilespmem:$0xC80] =	vst v63  }
0x4e: {  	_ = 	snop  }
0x4f: {  	[tilespmem:s15], [sflag:$0x1] =	stream.linear.gather [hbm4b:s29+s4], $0x55, $0x38;
	[tilespmem:$0xC80] =	vst v63  }
0x50: {  	s30 =	spop (v2sf)  }
0x51: {  	(v2sf) =	vpush v25, $0x9;
	s29 =	sand.u32 $0x1FFFFFF0, s30  }
0x52: {  	s29 =	sadd.s32 s1, s29  }
0x53: {  	[tilespmem:s16], [sflag:$0x1] =	stream.strided.gather [hbm4b:s29+s9], $0x0, s10, s9, $0x38;
	[tilespmem:$0xC80] =	vst v63  }
0x54: {  	s31 =	spop (v2sf)  }
0x55: {  	(v2sf) =	vpush v25, $0xA;
	[tilespmem:s16], [sflag:$0x1] =	stream.linear.gather [hbm4b:s29+s4], $0x55, $0x38;
	[tilespmem:$0xC80] =	vst v63  }
0x56: {  	s29 =	sand.u32 $0x1FFFFFF0, s31  }
0x57: {  	s29 =	sadd.s32 s1, s29  }
0x58: {  	[tilespmem:s17], [sflag:$0x1] =	stream.strided.gather [hbm4b:s29+s9], $0x0, s10, s9, $0x38;
	[tilespmem:$0xC80] =	vst v63  }
0x59: {  	s30 =	spop (v2sf)  }
0x5a: {  	(v2sf) =	vpush v25, $0xB;
	[tilespmem:s17], [sflag:$0x1] =	stream.linear.gather [hbm4b:s29+s4], $0x55, $0x38;
	[tilespmem:$0xC80] =	vst v63  }
0x5b: {  	s29 =	sand.u32 $0x1FFFFFF0, s30  }
0x5c: {  	s29 =	sadd.s32 s1, s29  }
0x5d: {  	[tilespmem:s18], [sflag:$0x1] =	stream.strided.gather [hbm4b:s29+s9], $0x0, s10, s9, $0x38;
	[tilespmem:$0xC80] =	vst v63  }
0x5e: {  	_ = 	snop  }
0x5f: {  	[tilespmem:s18], [sflag:$0x1] =	stream.linear.gather [hbm4b:s29+s4], $0x55, $0x38;
	[tilespmem:$0xC80] =	vst v63  }
0x60: {  	s31 =	spop (v2sf)  }
0x61: {  	(v2sf) =	vpush v25, $0xC;
	s29 =	sand.u32 $0x1FFFFFF0, s31  }
0x62: {  	s29 =	sadd.s32 s1, s29  }
0x63: {  	[tilespmem:s19], [sflag:$0x1] =	stream.strided.gather [hbm4b:s29+s9], $0x0, s10, s9, $0x38;
	[tilespmem:$0xC80] =	vst v63  }
0x64: {  	s30 =	spop (v2sf)  }
0x65: {  	(v2sf) =	vpush v25, $0xD;
	[tilespmem:s19], [sflag:$0x1] =	stream.linear.gather [hbm4b:s29+s4], $0x55, $0x38;
	[tilespmem:$0xC80] =	vst v63  }
0x66: {  	s29 =	sand.u32 $0x1FFFFFF0, s30  }
0x67: {  	s29 =	sadd.s32 s1, s29  }
0x68: {  	[tilespmem:s20], [sflag:$0x1] =	stream.strided.gather [hbm4b:s29+s9], $0x0, s10, s9, $0x38;
	[tilespmem:$0xC80] =	vst v63  }
0x69: {  	s31 =	spop (v2sf)  }
0x6a: {  	(v2sf) =	vpush v25, $0xE;
	[tilespmem:s20], [sflag:$0x1] =	stream.linear.gather [hbm4b:s29+s4], $0x55, $0x38;
	[tilespmem:$0xC80] =	vst v63  }
0x6b: {  	s29 =	sand.u32 $0x1FFFFFF0, s31  }
0x6c: {  	s29 =	sadd.s32 s1, s29  }
0x6d: {  	[tilespmem:s21], [sflag:$0x1] =	stream.strided.gather [hbm4b:s29+s9], $0x0, s10, s9, $0x38;
	[tilespmem:$0xC80] =	vst v63  }
0x6e: {  	_ = 	snop  }
0x6f: {  	(erf) = vrcp.f32 v26;
	[tilespmem:s21], [sflag:$0x1] =	stream.linear.gather [hbm4b:s29+s4], $0x55, $0x38;
	[tilespmem:$0xC80] =	vst v63  }
0x70: {  	(erf) = vrcp.f32 v27;
	s30 =	spop (v2sf)  }
0x71: {  	(v2sf) =	vpush v25, $0xF;
	s29 =	sand.u32 $0x1FFFFFF0, s30  }
0x72: {  	s29 =	sadd.s32 s1, s29  }
0x73: {  	[tilespmem:s22], [sflag:$0x1] =	stream.strided.gather [hbm4b:s29+s9], $0x0, s10, s9, $0x38;
	[tilespmem:$0xC80] =	vst v63  }
0x74: {  	s31 =	spop (v2sf)  }
0x75: {  	[tilespmem:s22], [sflag:$0x1] =	stream.linear.gather [hbm4b:s29+s4], $0x55, $0x38;
	[tilespmem:$0xC80] =	vst v63  }
0x76: {  	s29 =	sand.u32 $0x1FFFFFF0, s31  }
0x77: {  	v34 =	vmul.f32 $8.000000000e+01, v17;
	s29 =	sadd.s32 s1, s29  }
0x78: {  	v35 =	vmul.f32 $8.000000000e+01, v33;
	v36 =	vpop (erf);
	[tilespmem:s23], [sflag:$0x1] =	stream.strided.gather [hbm4b:s29+s9], $0x0, s10, s9, $0x38;
	[tilespmem:$0xC80] =	vst v63  }
0x79: {  	v27 =	vmul.f32 v36, v34;
	v28 =	vpop (erf);
	s30 =	spop (v2sf)  }
0x7a: {  	v28 =	vmul.f32 v28, v35;
	[tilespmem:s23], [sflag:$0x1] =	stream.linear.gather [hbm4b:s29+s4], $0x55, $0x38;
	[tilespmem:$0xC80] =	vst v63  }
0x7b: {  	(erf) = vrcp.f32 v27;
	s29 =	sand.u32 $0x1FFFFFF0, s30  }
0x7c: {  	(erf) = vrcp.f32 v28;
	s29 =	sadd.s32 s1, s29  }
0x7d: {  	[tilespmem:s24], [sflag:$0x1] =	stream.strided.gather [hbm4b:s29+s9], $0x0, s10, s9, $0x38;
	[tilespmem:$0xC80] =	vst v63  }
0x7e: {  	_ = 	snop  }
0x7f: {  	[tilespmem:s24], [sflag:$0x1] =	stream.linear.gather [hbm4b:s29+s4], $0x55, $0x38;
	[tilespmem:$0xC80] =	vst v63  }
0x80: {  	s31 =	spop (v2sf)  }
0x81: {  	s29 =	sand.u32 $0x1FFFFFF0, s31  }
0x82: {  	s29 =	sadd.s32 s1, s29  }
0x83: {  	[tilespmem:s25], [sflag:$0x1] =	stream.strided.gather [hbm4b:s29+s9], $0x0, s10, s9, $0x38;
	[tilespmem:$0xC80] =	vst v63  }
0x84: {  	v29 =	vpop (erf)  }
0x85: {  	v30 =	vpop (erf);
	[tilespmem:s25], [sflag:$0x1] =	stream.linear.gather [hbm4b:s29+s4], $0x55, $0x38;
	[tilespmem:$0xC80] =	vst v63  }
0x86: {  	_ =	swait.ge [sflag:s26], $0x55  }
0x87: {  	[sflag:s26] =	ssyncset.done $0x0  }
0x88: {  	[sflag:s26] =	ssyncadd.s32 $0xFFFFFFAB  }
0x89: {  	_ =	swait.ge [sflag:s26], $0x55  }
0x8a: {  	[sflag:s26] =	ssyncset.done $0x0  }
0x8b: {  	[sflag:s26] =	ssyncadd.s32 $0xFFFFFFAB  }
0x8c: {  	_ =	swait.ge [sflag:s26], $0x55  }
0x8d: {  	[sflag:s26] =	ssyncset.done $0x0  }
0x8e: {  	[sflag:s26] =	ssyncadd.s32 $0xFFFFFFAB  }
0x8f: {  	_ =	swait.ge [sflag:s26], $0x55  }
0x90: {  	[sflag:s26] =	ssyncset.done $0x0  }
0x91: {  	[sflag:s26] =	ssyncadd.s32 $0xFFFFFFAB  }
0x92: {  	_ =	swait.ge [sflag:s26], $0x55  }
0x93: {  	[sflag:s26] =	ssyncset.done $0x0  }
0x94: {  	[sflag:s26] =	ssyncadd.s32 $0xFFFFFFAB  }
0x95: {  	_ =	swait.ge [sflag:s26], $0x55  }
0x96: {  	[sflag:s26] =	ssyncset.done $0x0  }
0x97: {  	[sflag:s26] =	ssyncadd.s32 $0xFFFFFFAB  }
0x98: {  	_ =	swait.ge [sflag:s26], $0x55  }
0x99: {  	[sflag:s26] =	ssyncset.done $0x0  }
0x9a: {  	[sflag:s26] =	ssyncadd.s32 $0xFFFFFFAB  }
0x9b: {  	_ =	swait.ge [sflag:s26], $0x55  }
0x9c: {  	[sflag:s26] =	ssyncset.done $0x0  }
0x9d: {  	[sflag:s26] =	ssyncadd.s32 $0xFFFFFFAB  }
0x9e: {  	_ =	swait.ge [sflag:s26], $0x55  }
0x9f: {  	[sflag:s26] =	ssyncset.done $0x0  }
0xa0: {  	[sflag:s26] =	ssyncadd.s32 $0xFFFFFFAB  }
0xa1: {  	_ =	swait.ge [sflag:s26], $0x55  }
0xa2: {  	[sflag:s26] =	ssyncset.done $0x0  }
0xa3: {  	[sflag:s26] =	ssyncadd.s32 $0xFFFFFFAB  }
0xa4: {  	_ =	swait.ge [sflag:s26], $0x55  }
0xa5: {  	[sflag:s26] =	ssyncset.done $0x0  }
0xa6: {  	[sflag:s26] =	ssyncadd.s32 $0xFFFFFFAB  }
0xa7: {  	_ =	swait.ge [sflag:s26], $0x55  }
0xa8: {  	[sflag:s26] =	ssyncset.done $0x0  }
0xa9: {  	[sflag:s26] =	ssyncadd.s32 $0xFFFFFFAB  }
0xaa: {  	_ =	swait.ge [sflag:s26], $0x55  }
0xab: {  	[sflag:s26] =	ssyncset.done $0x0  }
0xac: {  	[sflag:s26] =	ssyncadd.s32 $0xFFFFFFAB  }
0xad: {  	_ =	swait.ge [sflag:s26], $0x55  }
0xae: {  	[sflag:s26] =	ssyncset.done $0x0  }
0xaf: {  	[sflag:s26] =	ssyncadd.s32 $0xFFFFFFAB  }
0xb0: {  	_ =	swait.ge [sflag:s26], $0x55  }
0xb1: {  	[sflag:s26] =	ssyncset.done $0x0  }
0xb2: {  	[sflag:s26] =	ssyncadd.s32 $0xFFFFFFAB  }
0xb3: {  	_ =	swait.ge [sflag:s26], $0x55  }
0xb4: {  	[sflag:s26] =	ssyncset.done $0x0  }
0xb5: {  	s30 =	rddreg [dreg:$0x7];
	[sflag:s26] =	ssyncadd.s32 $0xFFFFFFAB  }
0xb6: {  	[hbm4b:s30+s4] =	stream.linear.scatter [tilespmem:s10], [sflag:$0x2], $0x800, $0x38;
	[tilespmem:$0xC80] =	vst v63  }
0xb7: {  	v27 =	vmax.f32 v27, v29;
	v28 =	vmax.f32 v28, v30;
	_ =	swait.ge [sflag:s7], $0x800  }
0xb8: {  	v23 =	vcvt.s32.f32 v23;
	v24 =	vcvt.s32.f32 v24;
	v27 =	vmax.f32 v27, v28;
	[sflag:s7] =	ssyncset.done $0x0  }
0xb9: {  	v38 =	vmul.f32 $4.000000000e+01, v19;
	v37 =	vcvt.s32.f32 v20;
	vm0 =	vlt.f32 v27, $4.000000000e+00;
	[sflag:s7] =	ssyncadd.s32 $0xFFFFF800  }
0xba: {  	v22 =	vsub.f32 v22, v23;
	v39 =	vsel vm0, $0x3F800000, v14;
	[tilespmem:$0xC00] =	vst v24  }
0xbb: {  	v41 =	vtrunc.f32 v38;
	v40 =	vsub.f32 v21, v37;
	[tilespmem:$0xC10] =	vst v39  }
0xbc: {  	v42 =	vmul.f32 $4.000000000e+01, v18;
	v43 =	vcvt.f32.s32 v41;
	[tilespmem:$0xC20] =	vst v22  }
0xbd: {  	[tilespmem:$0xC30] =	vst v40  }
0xbe: {  	v44 =	vtrunc.f32 v42;
	[tilespmem:$0xC40] =	vst v34;
	v24 =	vadd.s32 v43, v10  }
0xbf: {  	v23 =	vcvt.f32.s32 v44;
	[tilespmem:$0xC50] =	vst v35;
	v24 =	vmul.u32 $0x28, v24  }
0xc0: {  	s31 =	rddreg [dreg:$0x8];
	[tilespmem:$0xC60] =	vst v15  }
0xc1: {  	[hbm4b:s31+s4] =	stream.linear.scatter [tilespmem:s28], [sflag:$0x2], $0x80, $0x38;
	v24 =	vadd.s32 v23, v24;
	[tilespmem:$0xC80] =	vst v63  }
0xc2: {  	_ =	swait.ge [sflag:s7], $0x80;
	v45 =	vshll.u32 v24, $0x4  }
0xc3: {  	(v2sf) =	vpush v45, $0x0;
	_ =	sdelay $0x3  }
0xc4: {  	(v2sf) =	vpush v45, $0x1;
	_ =	sdelay $0x4  }
0xc5: {  	(v2sf) =	vpush v45, $0x2;
	_ =	sdelay $0x5  }
0xc6: {  	[sflag:s7] =	ssyncset.done $0x0;
	s30 =	spop (v2sf)  }
0xc7: {  	[sflag:s7] =	ssyncadd.s32 $0xFFFFFF80;
	(v2sf) =	vpush v45, $0x3;
	s29 =	sand.u32 $0x1FFFFFF0, s30  }
0xc8: {  	v46 =	vld.idx.msk [tilespmem:v8+s8+$0x0], $0xffff;
	s29 =	sadd.s32 s2, s29  }
0xc9: {  	v47 =	vld.idx.msk [tilespmem:v9+s8+$0x0], $0xffff;
	[tilespmem:s10], [sflag:$0x1] =	stream.strided.gather [hbm4b:s29+s9], $0x0, s10, s9, $0x38  }
0xca: {  	s31 =	spop (v2sf)  }
0xcb: {  	(v2sf) =	vpush v45, $0x4;
	[tilespmem:s10], [sflag:$0x1] =	stream.linear.gather [hbm4b:s29+s4], $0x55, $0x38;
	[tilespmem:$0xC80] =	vst v63  }
0xcc: {  	s29 =	sand.u32 $0x1FFFFFF0, s31  }
0xcd: {  	s29 =	sadd.s32 s2, s29  }
0xce: {  	[tilespmem:s11], [sflag:$0x1] =	stream.strided.gather [hbm4b:s29+s9], $0x0, s10, s9, $0x38;
	[tilespmem:$0xC80] =	vst v63  }
0xcf: {  	s30 =	spop (v2sf)  }
0xd0: {  	(v2sf) =	vpush v45, $0x5;
	[tilespmem:s11], [sflag:$0x1] =	stream.linear.gather [hbm4b:s29+s4], $0x55, $0x38;
	[tilespmem:$0xC80] =	vst v63  }
0xd1: {  	s29 =	sand.u32 $0x1FFFFFF0, s30  }
0xd2: {  	s29 =	sadd.s32 s2, s29  }
0xd3: {  	[tilespmem:s12], [sflag:$0x1] =	stream.strided.gather [hbm4b:s29+s9], $0x0, s10, s9, $0x38;
	[tilespmem:$0xC80] =	vst v63  }
0xd4: {  	_ = 	snop  }
0xd5: {  	[tilespmem:s12], [sflag:$0x1] =	stream.linear.gather [hbm4b:s29+s4], $0x55, $0x38;
	[tilespmem:$0xC80] =	vst v63  }
0xd6: {  	s31 =	spop (v2sf)  }
0xd7: {  	(v2sf) =	vpush v45, $0x6;
	s29 =	sand.u32 $0x1FFFFFF0, s31  }
0xd8: {  	s29 =	sadd.s32 s2, s29  }
0xd9: {  	[tilespmem:s13], [sflag:$0x1] =	stream.strided.gather [hbm4b:s29+s9], $0x0, s10, s9, $0x38;
	[tilespmem:$0xC80] =	vst v63  }
0xda: {  	s30 =	spop (v2sf)  }
0xdb: {  	(v2sf) =	vpush v45, $0x7;
	[tilespmem:s13], [sflag:$0x1] =	stream.linear.gather [hbm4b:s29+s4], $0x55, $0x38;
	[tilespmem:$0xC80] =	vst v63  }
0xdc: {  	s29 =	sand.u32 $0x1FFFFFF0, s30  }
0xdd: {  	s29 =	sadd.s32 s2, s29  }
0xde: {  	[tilespmem:s14], [sflag:$0x1] =	stream.strided.gather [hbm4b:s29+s9], $0x0, s10, s9, $0x38;
	[tilespmem:$0xC80] =	vst v63  }
0xdf: {  	s31 =	spop (v2sf)  }
0xe0: {  	(v2sf) =	vpush v45, $0x8;
	[tilespmem:s14], [sflag:$0x1] =	stream.linear.gather [hbm4b:s29+s4], $0x55, $0x38;
	[tilespmem:$0xC80] =	vst v63  }
0xe1: {  	s29 =	sand.u32 $0x1FFFFFF0, s31  }
0xe2: {  	s29 =	sadd.s32 s2, s29  }
0xe3: {  	[tilespmem:s15], [sflag:$0x1] =	stream.strided.gather [hbm4b:s29+s9], $0x0, s10, s9, $0x38;
	[tilespmem:$0xC80] =	vst v63  }
0xe4: {  	_ = 	snop  }
0xe5: {  	[tilespmem:s15], [sflag:$0x1] =	stream.linear.gather [hbm4b:s29+s4], $0x55, $0x38;
	[tilespmem:$0xC80] =	vst v63  }
0xe6: {  	s30 =	spop (v2sf)  }
0xe7: {  	(v2sf) =	vpush v45, $0x9;
	s29 =	sand.u32 $0x1FFFFFF0, s30  }
0xe8: {  	s29 =	sadd.s32 s2, s29  }
0xe9: {  	[tilespmem:s16], [sflag:$0x1] =	stream.strided.gather [hbm4b:s29+s9], $0x0, s10, s9, $0x38;
	[tilespmem:$0xC80] =	vst v63  }
0xea: {  	s31 =	spop (v2sf)  }
0xeb: {  	(v2sf) =	vpush v45, $0xA;
	[tilespmem:s16], [sflag:$0x1] =	stream.linear.gather [hbm4b:s29+s4], $0x55, $0x38;
	[tilespmem:$0xC80] =	vst v63  }
0xec: {  	s29 =	sand.u32 $0x1FFFFFF0, s31  }
0xed: {  	s29 =	sadd.s32 s2, s29  }
0xee: {  	[tilespmem:s17], [sflag:$0x1] =	stream.strided.gather [hbm4b:s29+s9], $0x0, s10, s9, $0x38;
	[tilespmem:$0xC80] =	vst v63  }
0xef: {  	s30 =	spop (v2sf)  }
0xf0: {  	(v2sf) =	vpush v45, $0xB;
	[tilespmem:s17], [sflag:$0x1] =	stream.linear.gather [hbm4b:s29+s4], $0x55, $0x38;
	[tilespmem:$0xC80] =	vst v63  }
0xf1: {  	s29 =	sand.u32 $0x1FFFFFF0, s30  }
0xf2: {  	s29 =	sadd.s32 s2, s29  }
0xf3: {  	[tilespmem:s18], [sflag:$0x1] =	stream.strided.gather [hbm4b:s29+s9], $0x0, s10, s9, $0x38;
	[tilespmem:$0xC80] =	vst v63  }
0xf4: {  	_ = 	snop  }
0xf5: {  	[tilespmem:s18], [sflag:$0x1] =	stream.linear.gather [hbm4b:s29+s4], $0x55, $0x38;
	[tilespmem:$0xC80] =	vst v63  }
0xf6: {  	s31 =	spop (v2sf)  }
0xf7: {  	(v2sf) =	vpush v45, $0xC;
	s29 =	sand.u32 $0x1FFFFFF0, s31  }
0xf8: {  	s29 =	sadd.s32 s2, s29  }
0xf9: {  	[tilespmem:s19], [sflag:$0x1] =	stream.strided.gather [hbm4b:s29+s9], $0x0, s10, s9, $0x38;
	[tilespmem:$0xC80] =	vst v63  }
0xfa: {  	s30 =	spop (v2sf)  }
0xfb: {  	(v2sf) =	vpush v45, $0xD;
	[tilespmem:s19], [sflag:$0x1] =	stream.linear.gather [hbm4b:s29+s4], $0x55, $0x38;
	[tilespmem:$0xC80] =	vst v63  }
0xfc: {  	s29 =	sand.u32 $0x1FFFFFF0, s30  }
0xfd: {  	s29 =	sadd.s32 s2, s29  }
0xfe: {  	[tilespmem:s20], [sflag:$0x1] =	stream.strided.gather [hbm4b:s29+s9], $0x0, s10, s9, $0x38;
	[tilespmem:$0xC80] =	vst v63  }
0xff: {  	s31 =	spop (v2sf)  }
0x100: {  	(v2sf) =	vpush v45, $0xE;
	[tilespmem:s20], [sflag:$0x1] =	stream.linear.gather [hbm4b:s29+s4], $0x55, $0x38;
	[tilespmem:$0xC80] =	vst v63  }
0x101: {  	s29 =	sand.u32 $0x1FFFFFF0, s31  }
0x102: {  	s29 =	sadd.s32 s2, s29  }
0x103: {  	[tilespmem:s21], [sflag:$0x1] =	stream.strided.gather [hbm4b:s29+s9], $0x0, s10, s9, $0x38;
	[tilespmem:$0xC80] =	vst v63  }
0x104: {  	_ = 	snop  }
0x105: {  	(erf) = vrcp.f32 v46;
	[tilespmem:s21], [sflag:$0x1] =	stream.linear.gather [hbm4b:s29+s4], $0x55, $0x38;
	[tilespmem:$0xC80] =	vst v63  }
0x106: {  	(erf) = vrcp.f32 v47;
	s30 =	spop (v2sf)  }
0x107: {  	(v2sf) =	vpush v45, $0xF;
	s29 =	sand.u32 $0x1FFFFFF0, s30  }
0x108: {  	s29 =	sadd.s32 s2, s29  }
0x109: {  	[tilespmem:s22], [sflag:$0x1] =	stream.strided.gather [hbm4b:s29+s9], $0x0, s10, s9, $0x38;
	[tilespmem:$0xC80] =	vst v63  }
0x10a: {  	s31 =	spop (v2sf)  }
0x10b: {  	[tilespmem:s22], [sflag:$0x1] =	stream.linear.gather [hbm4b:s29+s4], $0x55, $0x38;
	[tilespmem:$0xC80] =	vst v63  }
0x10c: {  	s29 =	sand.u32 $0x1FFFFFF0, s31  }
0x10d: {  	v48 =	vmul.f32 $4.000000000e+01, v17;
	s29 =	sadd.s32 s2, s29  }
0x10e: {  	v49 =	vmul.f32 $4.000000000e+01, v33;
	v50 =	vpop (erf);
	[tilespmem:s23], [sflag:$0x1] =	stream.strided.gather [hbm4b:s29+s9], $0x0, s10, s9, $0x38;
	[tilespmem:$0xC80] =	vst v63  }
0x10f: {  	v27 =	vmul.f32 v50, v48;
	v51 =	vpop (erf);
	s30 =	spop (v2sf)  }
0x110: {  	v28 =	vmul.f32 v51, v49;
	[tilespmem:s23], [sflag:$0x1] =	stream.linear.gather [hbm4b:s29+s4], $0x55, $0x38;
	[tilespmem:$0xC80] =	vst v63  }
0x111: {  	(erf) = vrcp.f32 v27;
	s29 =	sand.u32 $0x1FFFFFF0, s30  }
0x112: {  	(erf) = vrcp.f32 v28;
	s29 =	sadd.s32 s2, s29  }
0x113: {  	[tilespmem:s24], [sflag:$0x1] =	stream.strided.gather [hbm4b:s29+s9], $0x0, s10, s9, $0x38;
	[tilespmem:$0xC80] =	vst v63  }
0x114: {  	_ = 	snop  }
0x115: {  	[tilespmem:s24], [sflag:$0x1] =	stream.linear.gather [hbm4b:s29+s4], $0x55, $0x38;
	[tilespmem:$0xC80] =	vst v63  }
0x116: {  	s31 =	spop (v2sf)  }
0x117: {  	s29 =	sand.u32 $0x1FFFFFF0, s31  }
0x118: {  	s29 =	sadd.s32 s2, s29  }
0x119: {  	[tilespmem:s25], [sflag:$0x1] =	stream.strided.gather [hbm4b:s29+s9], $0x0, s10, s9, $0x38;
	[tilespmem:$0xC80] =	vst v63  }
0x11a: {  	v52 =	vpop (erf)  }
0x11b: {  	v53 =	vpop (erf);
	[tilespmem:s25], [sflag:$0x1] =	stream.linear.gather [hbm4b:s29+s4], $0x55, $0x38;
	[tilespmem:$0xC80] =	vst v63  }
0x11c: {  	_ =	swait.ge [sflag:s26], $0x55  }
0x11d: {  	[sflag:s26] =	ssyncset.done $0x0  }
0x11e: {  	[sflag:s26] =	ssyncadd.s32 $0xFFFFFFAB  }
0x11f: {  	_ =	swait.ge [sflag:s26], $0x55  }
0x120: {  	[sflag:s26] =	ssyncset.done $0x0  }
0x121: {  	[sflag:s26] =	ssyncadd.s32 $0xFFFFFFAB  }
0x122: {  	_ =	swait.ge [sflag:s26], $0x55  }
0x123: {  	[sflag:s26] =	ssyncset.done $0x0  }
0x124: {  	[sflag:s26] =	ssyncadd.s32 $0xFFFFFFAB  }
0x125: {  	_ =	swait.ge [sflag:s26], $0x55  }
0x126: {  	[sflag:s26] =	ssyncset.done $0x0  }
0x127: {  	[sflag:s26] =	ssyncadd.s32 $0xFFFFFFAB  }
0x128: {  	_ =	swait.ge [sflag:s26], $0x55  }
0x129: {  	[sflag:s26] =	ssyncset.done $0x0  }
0x12a: {  	[sflag:s26] =	ssyncadd.s32 $0xFFFFFFAB  }
0x12b: {  	_ =	swait.ge [sflag:s26], $0x55  }
0x12c: {  	[sflag:s26] =	ssyncset.done $0x0  }
0x12d: {  	[sflag:s26] =	ssyncadd.s32 $0xFFFFFFAB  }
0x12e: {  	_ =	swait.ge [sflag:s26], $0x55  }
0x12f: {  	[sflag:s26] =	ssyncset.done $0x0  }
0x130: {  	[sflag:s26] =	ssyncadd.s32 $0xFFFFFFAB  }
0x131: {  	_ =	swait.ge [sflag:s26], $0x55  }
0x132: {  	[sflag:s26] =	ssyncset.done $0x0  }
0x133: {  	[sflag:s26] =	ssyncadd.s32 $0xFFFFFFAB  }
0x134: {  	_ =	swait.ge [sflag:s26], $0x55  }
0x135: {  	[sflag:s26] =	ssyncset.done $0x0  }
0x136: {  	[sflag:s26] =	ssyncadd.s32 $0xFFFFFFAB  }
0x137: {  	_ =	swait.ge [sflag:s26], $0x55  }
0x138: {  	[sflag:s26] =	ssyncset.done $0x0  }
0x139: {  	[sflag:s26] =	ssyncadd.s32 $0xFFFFFFAB  }
0x13a: {  	_ =	swait.ge [sflag:s26], $0x55  }
0x13b: {  	[sflag:s26] =	ssyncset.done $0x0  }
0x13c: {  	[sflag:s26] =	ssyncadd.s32 $0xFFFFFFAB  }
0x13d: {  	_ =	swait.ge [sflag:s26], $0x55  }
0x13e: {  	[sflag:s26] =	ssyncset.done $0x0  }
0x13f: {  	[sflag:s26] =	ssyncadd.s32 $0xFFFFFFAB  }
0x140: {  	_ =	swait.ge [sflag:s26], $0x55  }
0x141: {  	[sflag:s26] =	ssyncset.done $0x0  }
0x142: {  	[sflag:s26] =	ssyncadd.s32 $0xFFFFFFAB  }
0x143: {  	_ =	swait.ge [sflag:s26], $0x55  }
0x144: {  	[sflag:s26] =	ssyncset.done $0x0  }
0x145: {  	[sflag:s26] =	ssyncadd.s32 $0xFFFFFFAB  }
0x146: {  	_ =	swait.ge [sflag:s26], $0x55  }
0x147: {  	[sflag:s26] =	ssyncset.done $0x0  }
0x148: {  	[sflag:s26] =	ssyncadd.s32 $0xFFFFFFAB  }
0x149: {  	_ =	swait.ge [sflag:s26], $0x55  }
0x14a: {  	[sflag:s26] =	ssyncset.done $0x0  }
0x14b: {  	s30 =	rddreg [dreg:$0x9];
	[sflag:s26] =	ssyncadd.s32 $0xFFFFFFAB  }
0x14c: {  	[hbm4b:s30+s4] =	stream.linear.scatter [tilespmem:s10], [sflag:$0x2], $0x800, $0x38;
	[tilespmem:$0xC80] =	vst v63  }
0x14d: {  	v27 =	vmax.f32 v27, v52;
	v28 =	vmax.f32 v28, v53;
	_ =	swait.ge [sflag:s7], $0x800  }
0x14e: {  	v23 =	vcvt.s32.f32 v23;
	v24 =	vcvt.s32.f32 v24;
	v27 =	vmax.f32 v27, v28;
	[sflag:s7] =	ssyncset.done $0x0  }
0x14f: {  	v19 =	vmul.f32 $2.000000000e+01, v19;
	v22 =	vcvt.s32.f32 v43;
	vm14 =	vlt.f32 v27, $4.000000000e+00;
	[sflag:s7] =	ssyncadd.s32 $0xFFFFF800  }
0x150: {  	v21 =	vsub.f32 v42, v23;
	v27 =	vsel vm14, $0x3F800000, v14;
	[tilespmem:$0xC00] =	vst v24  }
0x151: {  	v54 =	vtrunc.f32 v19;
	v22 =	vsub.f32 v38, v22;
	[tilespmem:$0xC10] =	vst v27  }
0x152: {  	v18 =	vmul.f32 $2.000000000e+01, v18;
	v20 =	vcvt.f32.s32 v54;
	[tilespmem:$0xC20] =	vst v21  }
0x153: {  	[tilespmem:$0xC30] =	vst v22  }
0x154: {  	v55 =	vtrunc.f32 v18;
	v56 =	vadd.s32 v20, v13;
	[tilespmem:$0xC40] =	vst v48  }
0x155: {  	[tilespmem:$0xC50] =	vst v49;
	v21 =	vcvt.f32.s32 v55;
	v22 =	vmul.u32 $0x14, v56  }
0x156: {  	s31 =	rddreg [dreg:$0xa];
	[tilespmem:$0xC60] =	vst v15  }
0x157: {  	[hbm4b:s31+s4] =	stream.linear.scatter [tilespmem:s28], [sflag:$0x2], $0x80, $0x38;
	v22 =	vadd.s32 v21, v22;
	[tilespmem:$0xC80] =	vst v63  }
0x158: {  	_ =	swait.ge [sflag:s7], $0x80;
	v57 =	vshll.u32 v22, $0x4  }
0x159: {  	(v2sf) =	vpush v57, $0x0;
	_ =	sdelay $0x3  }
0x15a: {  	(v2sf) =	vpush v57, $0x1;
	_ =	sdelay $0x4  }
0x15b: {  	(v2sf) =	vpush v57, $0x2;
	_ =	sdelay $0x5  }
0x15c: {  	[sflag:s7] =	ssyncset.done $0x0;
	s30 =	spop (v2sf)  }
0x15d: {  	[sflag:s7] =	ssyncadd.s32 $0xFFFFFF80;
	(v2sf) =	vpush v57, $0x3;
	s29 =	sand.u32 $0x1FFFFFF0, s30  }
0x15e: {  	v58 =	vld.idx.msk [tilespmem:v11+s8+$0x0], $0xffff;
	s29 =	sadd.s32 s5, s29  }
0x15f: {  	v59 =	vld.idx.msk [tilespmem:v12+s8+$0x0], $0xffff;
	[tilespmem:s10], [sflag:$0x1] =	stream.strided.gather [hbm4b:s29+s9], $0x0, s10, s9, $0x38  }
0x160: {  	s31 =	spop (v2sf)  }
0x161: {  	(v2sf) =	vpush v57, $0x4;
	[tilespmem:s10], [sflag:$0x1] =	stream.linear.gather [hbm4b:s29+s4], $0x55, $0x38;
	[tilespmem:$0xC80] =	vst v63  }
0x162: {  	s29 =	sand.u32 $0x1FFFFFF0, s31  }
0x163: {  	s29 =	sadd.s32 s5, s29  }
0x164: {  	[tilespmem:s11], [sflag:$0x1] =	stream.strided.gather [hbm4b:s29+s9], $0x0, s10, s9, $0x38;
	[tilespmem:$0xC80] =	vst v63  }
0x165: {  	s30 =	spop (v2sf)  }
0x166: {  	(v2sf) =	vpush v57, $0x5;
	[tilespmem:s11], [sflag:$0x1] =	stream.linear.gather [hbm4b:s29+s4], $0x55, $0x38;
	[tilespmem:$0xC80] =	vst v63  }
0x167: {  	s29 =	sand.u32 $0x1FFFFFF0, s30  }
0x168: {  	s29 =	sadd.s32 s5, s29  }
0x169: {  	[tilespmem:s12], [sflag:$0x1] =	stream.strided.gather [hbm4b:s29+s9], $0x0, s10, s9, $0x38;
	[tilespmem:$0xC80] =	vst v63  }
0x16a: {  	_ = 	snop  }
0x16b: {  	[tilespmem:s12], [sflag:$0x1] =	stream.linear.gather [hbm4b:s29+s4], $0x55, $0x38;
	[tilespmem:$0xC80] =	vst v63  }
0x16c: {  	s31 =	spop (v2sf)  }
0x16d: {  	(v2sf) =	vpush v57, $0x6;
	s29 =	sand.u32 $0x1FFFFFF0, s31  }
0x16e: {  	s29 =	sadd.s32 s5, s29  }
0x16f: {  	[tilespmem:s13], [sflag:$0x1] =	stream.strided.gather [hbm4b:s29+s9], $0x0, s10, s9, $0x38;
	[tilespmem:$0xC80] =	vst v63  }
0x170: {  	s30 =	spop (v2sf)  }
0x171: {  	(v2sf) =	vpush v57, $0x7;
	[tilespmem:s13], [sflag:$0x1] =	stream.linear.gather [hbm4b:s29+s4], $0x55, $0x38;
	[tilespmem:$0xC80] =	vst v63  }
0x172: {  	s29 =	sand.u32 $0x1FFFFFF0, s30  }
0x173: {  	s29 =	sadd.s32 s5, s29  }
0x174: {  	[tilespmem:s14], [sflag:$0x1] =	stream.strided.gather [hbm4b:s29+s9], $0x0, s10, s9, $0x38;
	[tilespmem:$0xC80] =	vst v63  }
0x175: {  	s31 =	spop (v2sf)  }
0x176: {  	(v2sf) =	vpush v57, $0x8;
	[tilespmem:s14], [sflag:$0x1] =	stream.linear.gather [hbm4b:s29+s4], $0x55, $0x38;
	[tilespmem:$0xC80] =	vst v63  }
0x177: {  	s29 =	sand.u32 $0x1FFFFFF0, s31  }
0x178: {  	s29 =	sadd.s32 s5, s29  }
0x179: {  	[tilespmem:s15], [sflag:$0x1] =	stream.strided.gather [hbm4b:s29+s9], $0x0, s10, s9, $0x38;
	[tilespmem:$0xC80] =	vst v63  }
0x17a: {  	_ = 	snop  }
0x17b: {  	[tilespmem:s15], [sflag:$0x1] =	stream.linear.gather [hbm4b:s29+s4], $0x55, $0x38;
	[tilespmem:$0xC80] =	vst v63  }
0x17c: {  	s30 =	spop (v2sf)  }
0x17d: {  	(v2sf) =	vpush v57, $0x9;
	s29 =	sand.u32 $0x1FFFFFF0, s30  }
0x17e: {  	s29 =	sadd.s32 s5, s29  }
0x17f: {  	[tilespmem:s16], [sflag:$0x1] =	stream.strided.gather [hbm4b:s29+s9], $0x0, s10, s9, $0x38;
	[tilespmem:$0xC80] =	vst v63  }
0x180: {  	s31 =	spop (v2sf)  }
0x181: {  	(v2sf) =	vpush v57, $0xA;
	[tilespmem:s16], [sflag:$0x1] =	stream.linear.gather [hbm4b:s29+s4], $0x55, $0x38;
	[tilespmem:$0xC80] =	vst v63  }
0x182: {  	s29 =	sand.u32 $0x1FFFFFF0, s31  }
0x183: {  	s29 =	sadd.s32 s5, s29  }
0x184: {  	[tilespmem:s17], [sflag:$0x1] =	stream.strided.gather [hbm4b:s29+s9], $0x0, s10, s9, $0x38;
	[tilespmem:$0xC80] =	vst v63  }
0x185: {  	s30 =	spop (v2sf)  }
0x186: {  	(v2sf) =	vpush v57, $0xB;
	[tilespmem:s17], [sflag:$0x1] =	stream.linear.gather [hbm4b:s29+s4], $0x55, $0x38;
	[tilespmem:$0xC80] =	vst v63  }
0x187: {  	s29 =	sand.u32 $0x1FFFFFF0, s30  }
0x188: {  	s29 =	sadd.s32 s5, s29  }
0x189: {  	[tilespmem:s18], [sflag:$0x1] =	stream.strided.gather [hbm4b:s29+s9], $0x0, s10, s9, $0x38;
	[tilespmem:$0xC80] =	vst v63  }
0x18a: {  	_ = 	snop  }
0x18b: {  	[tilespmem:s18], [sflag:$0x1] =	stream.linear.gather [hbm4b:s29+s4], $0x55, $0x38;
	[tilespmem:$0xC80] =	vst v63  }
0x18c: {  	s31 =	spop (v2sf)  }
0x18d: {  	(v2sf) =	vpush v57, $0xC;
	s29 =	sand.u32 $0x1FFFFFF0, s31  }
0x18e: {  	s29 =	sadd.s32 s5, s29  }
0x18f: {  	[tilespmem:s19], [sflag:$0x1] =	stream.strided.gather [hbm4b:s29+s9], $0x0, s10, s9, $0x38;
	[tilespmem:$0xC80] =	vst v63  }
0x190: {  	s30 =	spop (v2sf)  }
0x191: {  	(v2sf) =	vpush v57, $0xD;
	[tilespmem:s19], [sflag:$0x1] =	stream.linear.gather [hbm4b:s29+s4], $0x55, $0x38;
	[tilespmem:$0xC80] =	vst v63  }
0x192: {  	s29 =	sand.u32 $0x1FFFFFF0, s30  }
0x193: {  	s29 =	sadd.s32 s5, s29  }
0x194: {  	[tilespmem:s20], [sflag:$0x1] =	stream.strided.gather [hbm4b:s29+s9], $0x0, s10, s9, $0x38;
	[tilespmem:$0xC80] =	vst v63  }
0x195: {  	s31 =	spop (v2sf)  }
0x196: {  	(v2sf) =	vpush v57, $0xE;
	[tilespmem:s20], [sflag:$0x1] =	stream.linear.gather [hbm4b:s29+s4], $0x55, $0x38;
	[tilespmem:$0xC80] =	vst v63  }
0x197: {  	s29 =	sand.u32 $0x1FFFFFF0, s31  }
0x198: {  	s29 =	sadd.s32 s5, s29  }
0x199: {  	[tilespmem:s21], [sflag:$0x1] =	stream.strided.gather [hbm4b:s29+s9], $0x0, s10, s9, $0x38;
	[tilespmem:$0xC80] =	vst v63  }
0x19a: {  	_ = 	snop  }
0x19b: {  	(erf) = vrcp.f32 v58;
	[tilespmem:s21], [sflag:$0x1] =	stream.linear.gather [hbm4b:s29+s4], $0x55, $0x38;
	[tilespmem:$0xC80] =	vst v63  }
0x19c: {  	(erf) = vrcp.f32 v59;
	s30 =	spop (v2sf)  }
0x19d: {  	(v2sf) =	vpush v57, $0xF;
	s29 =	sand.u32 $0x1FFFFFF0, s30  }
0x19e: {  	s29 =	sadd.s32 s5, s29  }
0x19f: {  	[tilespmem:s22], [sflag:$0x1] =	stream.strided.gather [hbm4b:s29+s9], $0x0, s10, s9, $0x38;
	[tilespmem:$0xC80] =	vst v63  }
0x1a0: {  	s31 =	spop (v2sf)  }
0x1a1: {  	[tilespmem:s22], [sflag:$0x1] =	stream.linear.gather [hbm4b:s29+s4], $0x55, $0x38;
	[tilespmem:$0xC80] =	vst v63  }
0x1a2: {  	s29 =	sand.u32 $0x1FFFFFF0, s31  }
0x1a3: {  	v17 =	vmul.f32 $2.000000000e+01, v17;
	s29 =	sadd.s32 s5, s29  }
0x1a4: {  	v16 =	vmul.f32 $2.000000000e+01, v33;
	v60 =	vpop (erf);
	[tilespmem:s23], [sflag:$0x1] =	stream.strided.gather [hbm4b:s29+s9], $0x0, s10, s9, $0x38;
	[tilespmem:$0xC80] =	vst v63  }
0x1a5: {  	v23 =	vmul.f32 v60, v17;
	v61 =	vpop (erf);
	s30 =	spop (v2sf)  }
0x1a6: {  	v24 =	vmul.f32 v61, v16;
	[tilespmem:s23], [sflag:$0x1] =	stream.linear.gather [hbm4b:s29+s4], $0x55, $0x38;
	[tilespmem:$0xC80] =	vst v63  }
0x1a7: {  	(erf) = vrcp.f32 v23;
	s29 =	sand.u32 $0x1FFFFFF0, s30  }
0x1a8: {  	(erf) = vrcp.f32 v24;
	s29 =	sadd.s32 s5, s29  }
0x1a9: {  	[tilespmem:s24], [sflag:$0x1] =	stream.strided.gather [hbm4b:s29+s9], $0x0, s10, s9, $0x38;
	[tilespmem:$0xC80] =	vst v63  }
0x1aa: {  	_ = 	snop  }
0x1ab: {  	[tilespmem:s24], [sflag:$0x1] =	stream.linear.gather [hbm4b:s29+s4], $0x55, $0x38;
	[tilespmem:$0xC80] =	vst v63  }
0x1ac: {  	s31 =	spop (v2sf)  }
0x1ad: {  	s29 =	sand.u32 $0x1FFFFFF0, s31  }
0x1ae: {  	s29 =	sadd.s32 s5, s29  }
0x1af: {  	[tilespmem:s25], [sflag:$0x1] =	stream.strided.gather [hbm4b:s29+s9], $0x0, s10, s9, $0x38;
	[tilespmem:$0xC80] =	vst v63  }
0x1b0: {  	v62 =	vpop (erf)  }
0x1b1: {  	v63 =	vpop (erf);
	[tilespmem:s25], [sflag:$0x1] =	stream.linear.gather [hbm4b:s29+s4], $0x55, $0x38;
	[tilespmem:$0xC80] =	vst v63  }
0x1b2: {  	_ =	swait.ge [sflag:s26], $0x55  }
0x1b3: {  	[sflag:s26] =	ssyncset.done $0x0  }
0x1b4: {  	[sflag:s26] =	ssyncadd.s32 $0xFFFFFFAB  }
0x1b5: {  	_ =	swait.ge [sflag:s26], $0x55  }
0x1b6: {  	[sflag:s26] =	ssyncset.done $0x0  }
0x1b7: {  	[sflag:s26] =	ssyncadd.s32 $0xFFFFFFAB  }
0x1b8: {  	_ =	swait.ge [sflag:s26], $0x55  }
0x1b9: {  	[sflag:s26] =	ssyncset.done $0x0  }
0x1ba: {  	[sflag:s26] =	ssyncadd.s32 $0xFFFFFFAB  }
0x1bb: {  	_ =	swait.ge [sflag:s26], $0x55  }
0x1bc: {  	[sflag:s26] =	ssyncset.done $0x0  }
0x1bd: {  	[sflag:s26] =	ssyncadd.s32 $0xFFFFFFAB  }
0x1be: {  	_ =	swait.ge [sflag:s26], $0x55  }
0x1bf: {  	[sflag:s26] =	ssyncset.done $0x0  }
0x1c0: {  	[sflag:s26] =	ssyncadd.s32 $0xFFFFFFAB  }
0x1c1: {  	_ =	swait.ge [sflag:s26], $0x55  }
0x1c2: {  	[sflag:s26] =	ssyncset.done $0x0  }
0x1c3: {  	[sflag:s26] =	ssyncadd.s32 $0xFFFFFFAB  }
0x1c4: {  	_ =	swait.ge [sflag:s26], $0x55  }
0x1c5: {  	[sflag:s26] =	ssyncset.done $0x0  }
0x1c6: {  	[sflag:s26] =	ssyncadd.s32 $0xFFFFFFAB  }
0x1c7: {  	_ =	swait.ge [sflag:s26], $0x55  }
0x1c8: {  	[sflag:s26] =	ssyncset.done $0x0  }
0x1c9: {  	[sflag:s26] =	ssyncadd.s32 $0xFFFFFFAB  }
0x1ca: {  	_ =	swait.ge [sflag:s26], $0x55  }
0x1cb: {  	[sflag:s26] =	ssyncset.done $0x0  }
0x1cc: {  	[sflag:s26] =	ssyncadd.s32 $0xFFFFFFAB  }
0x1cd: {  	_ =	swait.ge [sflag:s26], $0x55  }
0x1ce: {  	[sflag:s26] =	ssyncset.done $0x0  }
0x1cf: {  	[sflag:s26] =	ssyncadd.s32 $0xFFFFFFAB  }
0x1d0: {  	_ =	swait.ge [sflag:s26], $0x55  }
0x1d1: {  	[sflag:s26] =	ssyncset.done $0x0  }
0x1d2: {  	[sflag:s26] =	ssyncadd.s32 $0xFFFFFFAB  }
0x1d3: {  	_ =	swait.ge [sflag:s26], $0x55  }
0x1d4: {  	[sflag:s26] =	ssyncset.done $0x0  }
0x1d5: {  	[sflag:s26] =	ssyncadd.s32 $0xFFFFFFAB  }
0x1d6: {  	_ =	swait.ge [sflag:s26], $0x55  }
0x1d7: {  	[sflag:s26] =	ssyncset.done $0x0  }
0x1d8: {  	[sflag:s26] =	ssyncadd.s32 $0xFFFFFFAB  }
0x1d9: {  	_ =	swait.ge [sflag:s26], $0x55  }
0x1da: {  	[sflag:s26] =	ssyncset.done $0x0  }
0x1db: {  	[sflag:s26] =	ssyncadd.s32 $0xFFFFFFAB  }
0x1dc: {  	_ =	swait.ge [sflag:s26], $0x55  }
0x1dd: {  	[sflag:s26] =	ssyncset.done $0x0  }
0x1de: {  	[sflag:s26] =	ssyncadd.s32 $0xFFFFFFAB  }
0x1df: {  	_ =	swait.ge [sflag:s26], $0x55  }
0x1e0: {  	[sflag:s26] =	ssyncset.done $0x0  }
0x1e1: {  	s30 =	rddreg [dreg:$0xb];
	[sflag:s26] =	ssyncadd.s32 $0xFFFFFFAB  }
0x1e2: {  	[hbm4b:s30+s4] =	stream.linear.scatter [tilespmem:s10], [sflag:$0x2], $0x800, $0x38;
	[tilespmem:$0xC80] =	vst v63  }
0x1e3: {  	v23 =	vmax.f32 v23, v62;
	v24 =	vmax.f32 v24, v63;
	_ =	swait.ge [sflag:s7], $0x800  }
0x1e4: {  	v21 =	vcvt.s32.f32 v21;
	v22 =	vcvt.s32.f32 v22;
	v23 =	vmax.f32 v23, v24;
	[sflag:s7] =	ssyncset.done $0x0  }
0x1e5: {  	v20 =	vcvt.s32.f32 v20;
	vm15 =	vlt.f32 v23, $4.000000000e+00;
	[sflag:s7] =	ssyncadd.s32 $0xFFFFF800  }
0x1e6: {  	v18 =	vsub.f32 v18, v21;
	v23 =	vsel vm15, $0x3F800000, v14;
	[tilespmem:$0xC00] =	vst v22  }
0x1e7: {  	v19 =	vsub.f32 v19, v20;
	[tilespmem:$0xC10] =	vst v23  }
0x1e8: {  	[tilespmem:$0xC20] =	vst v18  }
0x1e9: {  	[tilespmem:$0xC30] =	vst v19  }
0x1ea: {  	[tilespmem:$0xC40] =	vst v17  }
0x1eb: {  	p0 =	sne.s32 s6, $0x1;
	[tilespmem:$0xC50] =	vst v16  }
.Ltmp1:
0x1ec: {  	s31 =	rddreg [dreg:$0xc];
	[tilespmem:$0xC60] =	vst v15;
	(pc) =	sbr.rel @p0 .LBB2_2-.Ltmp1, $4  }
0x1ed: {  	[hbm4b:s31+s4] =	stream.linear.scatter [tilespmem:s28], [sflag:$0x2], $0x80, $0x38;
	[tilespmem:$0xC80] =	vst v63  }
0x1ee: {  	_ =	swait.ge [sflag:s7], $0x80  }
0x1ef: {  	[sflag:s7] =	ssyncset.done $0x0  }
0x1f0: {  	s6 =	sadd.s32 $0xFFFFFFFF, s6;
	[sflag:s7] =	ssyncadd.s32 $0xFFFFFF80  }
.LBB2_3:
0x1f1: {  	_ =	sfence.sel $0x180000  }
0x1f2: {  	[bflag:$0x0] =	sbarrier.arrive $0xFFFF  }
0x1f3: {  	p0 =	sne.s32 s3, $0x0;
	_ =	strace $0x90000047  }
0x1f4: {  	s0 =	sadd.s32 @!p0 $0x100000, s0;
	[bflag:$0x2] =	sbarrier.arrive $0xFFFF  }
0x1f5: {  	[sflag:s0] =	ssyncadd.tile.s32 @!p0 $0x1;
	_ =	shalt  }
.Lfunc_end2:
_tile_overlayer_lowered:
.L_overlay_start_2:
0x1f6: {  	(tag) =	ssettag $0x2  }
0x1f7: {  	s0 =	rddreg [dreg:$0x0];
	s2 =	stileid.u32  }
0x1f8: {  	s1 =	rddreg [dreg:$0x1];
	p0 =	sne.s32 s2, $0x0  }
0x1f9: {  	s3 =	rddreg [dreg:$0x2];
	[bflag:$0x3] =	sbarrier.arrive $0xFFFF;
	s2 =	simm.s32 @!p0 $0x1C02  }
0x1fa: {  	[timem:s3], [sflag:s2] =	dma.local @!p0 [hbm:s0], s1  }
0x1fb: {  	s0 =	simm.s32 @!p0 $0x2  }
0x1fc: {  	_ =	swait.ge @!p0 [sflag:s0], s1  }
0x1fd: {  	s1 =	ssub.s32 @!p0 $0x0, s1;
	[sflag:s0] =	ssyncset.done @!p0 $0x0  }
0x1fe: {  	[sflag:s0] =	ssyncadd.s32 @!p0 s1  }
0x1ff: {  	[bflag:$0x3] =	sbarrier.arrive $0xFFFF  }
0x200: {  	_ =	shalt  }

</sc_bundles>
